<compile_context>
chip_gen: v7x
topology: tpu7x:2x2x1
jax: 0.10.2.dev20260603
libtpu: 0.0.44.dev20260713+nightly
codegen_flags: <defaults>
</compile_context>

<pallas_src>
import functools

import jax
import jax.numpy as jnp
from jax import lax
from jax.experimental import pallas as pl
from jax.experimental.pallas import tpu as pltpu
from jax.experimental.pallas import tpu_sc as plsc


def _build_table(pos_full, amino, struct, gamma, beta, seq_len):
    D = pos_full.shape[1]
    NA = amino.shape[0]
    NS = struct.shape[0]
    LB = 40

    def body(pos_ref, amino_ref, struct_ref, g_ref, b_ref, out_ref):
        a = amino_ref[...][None, :, None, :]
        s = struct_ref[...][None, None, :, :]
        p = pos_ref[...][:, None, None, :]
        x = a + s + p
        mean = jnp.mean(x, axis=-1, keepdims=True)
        var = jnp.mean((x - mean) ** 2, axis=-1, keepdims=True)
        y = (x - mean) * lax.rsqrt(var + 1e-5)
        y = y * g_ref[...][None, None, :] + b_ref[...][None, None, :]
        out_ref[...] = y

    return pl.pallas_call(
        body,
        grid=(seq_len // LB,),
        in_specs=[
            pl.BlockSpec((LB, D), lambda i: (i, 0)),
            pl.BlockSpec((NA, D), lambda i: (0, 0)),
            pl.BlockSpec((NS, D), lambda i: (0, 0)),
            pl.BlockSpec((1, D), lambda i: (0, 0)),
            pl.BlockSpec((1, D), lambda i: (0, 0)),
        ],
        out_specs=pl.BlockSpec((LB, NA, NS, D), lambda i: (i, 0, 0, 0)),
        out_shape=jax.ShapeDtypeStruct((seq_len, NA, NS, D), jnp.float32),
    )(pos_full, amino, struct, gamma.reshape(1, D), beta.reshape(1, D))


def _sc_lookup(a_idx, s_idx, table, seq_len, n_struct):
    info = plsc.get_sparse_core_info()
    nc, nsub, lanes = info.num_cores, info.num_subcores, info.num_lanes
    nw = nc * nsub
    T = a_idx.shape[0]
    D = table.shape[1]
    ncombo = table.shape[0] // seq_len
    per_w = T // nw
    CH = 128
    n_it = per_w // CH

    NB = 5
    assert n_it % NB == 0 and n_it // NB >= 2

    @functools.partial(
        pl.kernel,
        mesh=plsc.VectorSubcoreMesh(core_axis_name="c", subcore_axis_name="s"),
        out_type=jax.ShapeDtypeStruct((T, D), jnp.float32),
        scratch_types=[
            pltpu.VMEM((NB, CH), jnp.int32),
            pltpu.VMEM((NB, CH), jnp.int32),
            pltpu.VMEM((NB, CH), jnp.int32),
            pltpu.VMEM((NB, CH, D), jnp.float32),
            pltpu.SemaphoreType.DMA((NB,)),
            pltpu.SemaphoreType.DMA((NB,)),
            pltpu.SemaphoreType.DMA((NB,)),
        ],
    )
    def k(a_hbm, s_hbm, tbl_hbm, out_hbm, av, sv, fv, stage, isem, gsem, osem):
        sid = lax.axis_index("s")
        wid = sid * nc + lax.axis_index("c")
        w_base = wid * per_w

        def idx_start(i, b):
            base = pl.multiple_of(w_base + i * CH, 8)
            pltpu.async_copy(a_hbm.at[pl.ds(base, CH)], av.at[b], isem.at[b])
            pltpu.async_copy(s_hbm.at[pl.ds(base, CH)], sv.at[b], isem.at[b])

        def idx_wait(i, b):
            base = pl.multiple_of(w_base + i * CH, 8)
            pltpu.make_async_copy(a_hbm.at[pl.ds(base, CH)], av.at[b], isem.at[b]).wait()
            pltpu.make_async_copy(s_hbm.at[pl.ds(base, CH)], sv.at[b], isem.at[b]).wait()

        def compute_fidx(i, b):
            base = w_base + i * CH
            for g in range(CH // lanes):
                va = av[b, pl.ds(g * lanes, lanes)]
                vs = sv[b, pl.ds(g * lanes, lanes)]
                vt = lax.iota(jnp.int32, lanes) + (base + g * lanes)
                vl = lax.rem(vt, seq_len)
                fv[b, pl.ds(g * lanes, lanes)] = vl * ncombo + va * n_struct + vs

        def gather_start(b):
            pltpu.async_copy(tbl_hbm.at[fv.at[b]], stage.at[b], gsem.at[b])

        def gather_wait(b):
            pltpu.make_async_copy(tbl_hbm.at[fv.at[b]], stage.at[b], gsem.at[b]).wait()

        def out_start(i, b):
            base = pl.multiple_of(w_base + i * CH, 8)
            pltpu.async_copy(stage.at[b], out_hbm.at[pl.ds(base, CH)], osem.at[b])

        def out_wait(i, b):
            base = pl.multiple_of(w_base + i * CH, 8)
            pltpu.make_async_copy(stage.at[b], out_hbm.at[pl.ds(base, CH)], osem.at[b]).wait()

        for b in range(NB):
            idx_start(b, b)
        for b in range(NB):
            idx_wait(b, b)
            compute_fidx(b, b)
            gather_start(b)

        def body(kk, carry):
            i0 = kk * NB
            for b in range(NB):
                i = i0 + b
                idx_start(i + NB, b)
                gather_wait(b)
                out_start(i, b)
                idx_wait(i + NB, b)
                compute_fidx(i + NB, b)
                out_wait(i, b)
                gather_start(b)
            return carry

        lax.fori_loop(0, n_it // NB - 1, body, 0)

        for b in range(NB):
            gather_wait(b)
            out_start(n_it - NB + b, b)
        for b in range(NB):
            out_wait(n_it - NB + b, b)

    return k(a_idx, s_idx, table)


def kernel(amino_seq, struct_seq, amino_table, struct_table, pos_table, gamma, beta):
    B, L = amino_seq.shape
    NA, D = amino_table.shape
    NS = struct_table.shape[0]
    table = _build_table(pos_table, amino_table, struct_table, gamma, beta, L)
    table = table.reshape(L * NA * NS, D)
    flat = _sc_lookup(
        amino_seq.reshape(-1), struct_seq.reshape(-1), table, L, NS
    )
    return flat.reshape(B, L, D)

# --- scband reference (transcript-rebuilt; emitter-appended) ---
"""Pipeline reference for scband-embeddings-16690242913118 (READ-ONLY COPY).

The authoritative reference and input builder live on the scoring server;
editing this copy changes nothing except your own understanding.
"""

import jax, jax.numpy as jnp
import numpy as np

N_AMINO = 30
N_STRUCT = 8
GLOSSARY_LEN = 512
D_EMB = 128
BATCH = 1024
SEQ_LEN = 200


def setup_inputs(seed: int = 0) -> dict:
    key = jax.random.key(seed)
    k1, k2, k3, k4, k5 = jax.random.split(key, 5)
    amino_seq = jax.random.randint(k1, (BATCH, SEQ_LEN), 0, N_AMINO, dtype=jnp.int32)
    struct_seq = jax.random.randint(k2, (BATCH, SEQ_LEN), 0, N_STRUCT, dtype=jnp.int32)
    amino_table = jax.random.normal(k3, (N_AMINO, D_EMB), dtype=jnp.float32)
    struct_table = jax.random.normal(k4, (N_STRUCT, D_EMB), dtype=jnp.float32)
    pos_table = jax.random.normal(k5, (GLOSSARY_LEN, D_EMB), dtype=jnp.float32)
    gamma = jnp.ones((D_EMB,), dtype=jnp.float32)
    beta = jnp.zeros((D_EMB,), dtype=jnp.float32)
    return {
        "amino_seq": amino_seq,
        "struct_seq": struct_seq,
        "amino_table": amino_table,
        "struct_table": struct_table,
        "pos_table": pos_table,
        "gamma": gamma,
        "beta": beta,
    }


def _layer_norm(x, gamma, beta, eps=1e-5):
    mean = jnp.mean(x, axis=-1, keepdims=True)
    var = jnp.mean((x - mean) ** 2, axis=-1, keepdims=True)
    xhat = (x - mean) / jnp.sqrt(var + eps)
    return xhat * gamma + beta


def reference(amino_seq, struct_seq, amino_table, struct_table, pos_table, gamma, beta):
    # Embedding lookups (gather)
    amino_enc = jnp.take(amino_table, amino_seq, axis=0)   # [B, L, D]
    struct_enc = jnp.take(struct_table, struct_seq, axis=0)  # [B, L, D]
    seq_len = amino_seq.shape[1]
    pos = jnp.arange(seq_len, dtype=jnp.int32)
    pos = jnp.broadcast_to(pos[None, :], amino_seq.shape)
    pos_enc = jnp.take(pos_table, pos, axis=0)              # [B, L, D]
    enc = _layer_norm(amino_enc + struct_enc + pos_enc, gamma, beta)
    # dropout is identity in eval mode
    return enc

if __name__ == "__main__":
    import jax
    _d = setup_inputs()
    print(jax.jit(kernel)(*tuple(_d.values())))

</pallas_src>

<mosaic_0001>
#map = affine_map<(d0, d1) -> (0)>
#map1 = affine_map<(d0, d1) -> (0, 0)>
module attributes {stable_mosaic.version = 14 : i64} {
  func.func @k(%arg0: i32, %arg1: i32, %arg2: memref<204800xi32, #tpu.memory_space<hbm>>, %arg3: memref<204800xi32, #tpu.memory_space<hbm>>, %arg4: memref<48000x128xf32, #tpu.memory_space<hbm>>, %arg5: memref<204800x128xf32, #tpu.memory_space<hbm>>, %arg6: memref<5x128xi32, #tpu.memory_space<vmem>>, %arg7: memref<5x128xi32, #tpu.memory_space<vmem>>, %arg8: memref<5x128xi32, #tpu.memory_space<vmem>>, %arg9: memref<5x128x128xf32, #tpu.memory_space<vmem>>, %arg10: memref<5x!tpu.dma_semaphore, #tpu.memory_space<semaphore_mem>>, %arg11: memref<5x!tpu.dma_semaphore, #tpu.memory_space<semaphore_mem>>, %arg12: memref<5x!tpu.dma_semaphore, #tpu.memory_space<semaphore_mem>>) attributes {dimension_semantics = [#tpu.dimension_semantics<core_parallel>, #tpu.dimension_semantics<subcore_parallel>], iteration_bounds = array<i64: 2, 16>, scalar_prefetch = 0 : i64, scratch_operands = 7 : i64, tpu.core_type = #tpu.core_type<sc_vector_subcore>, window_params = [{transform_indices = #map}, {transform_indices = #map}, {transform_indices = #map1}, {transform_indices = #map1}]} {
    %mul3A = arith.constant 2 : i32
    %mul3A_0 = arith.muli %arg1, %mul3A : i32
    %add3A = arith.addi %mul3A_0, %arg0 : i32
    %mul3A_1 = arith.constant 6400 : i32
    %mul3A_2 = arith.muli %add3A, %mul3A_1 : i32
    %add3A_3 = arith.constant 0 : i32
    %add3A_4 = arith.addi %mul3A_2, %add3A_3 : i32
    %multiple_of3A = tpu.assume_multiple %add3A_4, 8 : i32
    %dma_start3A = arith.constant 0 : i32
    %dma_start3A_5 = arith.constant 0 : i32
    %dma_start3A_6 = arith.constant 0 : i32
    %dma_start3A_7 = tpu.memref_slice %arg6[%dma_start3A, %dma_start3A_6] : memref<5x128xi32, #tpu.memory_space<vmem>> -> memref<1x128xi32, #tpu.memory_space<vmem>>
    %dma_start3A_8 = tpu.memref_squeeze %dma_start3A_7 : memref<1x128xi32, #tpu.memory_space<vmem>> -> memref<128xi32, #tpu.memory_space<vmem>>
    %dma_start3A_9 = tpu.memref_slice %arg2[%multiple_of3A] : memref<204800xi32, #tpu.memory_space<hbm>> -> memref<128xi32, #tpu.memory_space<hbm>>
    %dma_start3A_10 = tpu.memref_slice %arg10[%dma_start3A_5] : memref<5x!tpu.dma_semaphore, #tpu.memory_space<semaphore_mem>> -> memref<1x!tpu.dma_semaphore, #tpu.memory_space<semaphore_mem>>
    %dma_start3A_11 = tpu.memref_squeeze %dma_start3A_10 : memref<1x!tpu.dma_semaphore, #tpu.memory_space<semaphore_mem>> -> memref<!tpu.dma_semaphore, #tpu.memory_space<semaphore_mem>>
    %dma_start3A_12 = arith.constant 0 : i32
    %dma_start3A_13 = tpu.memref_slice %arg6[%dma_start3A, %dma_start3A_12] : memref<5x128xi32, #tpu.memory_space<vmem>> -> memref<1x128xi32, #tpu.memory_space<vmem>>
    %dma_start3A_14 = tpu.memref_squeeze %dma_start3A_13 : memref<1x128xi32, #tpu.memory_space<vmem>> -> memref<128xi32, #tpu.memory_space<vmem>>
    %dma_start3A_15 = tpu.memref_slice %arg2[%multiple_of3A] : memref<204800xi32, #tpu.memory_space<hbm>> -> memref<128xi32, #tpu.memory_space<hbm>>
    tpu.enqueue_dma source(%dma_start3A_15 : memref<128xi32, #tpu.memory_space<hbm>>) target(%dma_start3A_14 : memref<128xi32, #tpu.memory_space<vmem>>) target_semaphore(%dma_start3A_11 : memref<!tpu.dma_semaphore, #tpu.memory_space<semaphore_mem>>)
    %dma_start3A_16 = arith.constant 0 : i32
    %dma_start3A_17 = arith.constant 0 : i32
    %dma_start3A_18 = arith.constant 0 : i32
    %dma_start3A_19 = tpu.memref_slice %arg7[%dma_start3A_16, %dma_start3A_18] : memref<5x128xi32, #tpu.memory_space<vmem>> -> memref<1x128xi32, #tpu.memory_space<vmem>>
    %dma_start3A_20 = tpu.memref_squeeze %dma_start3A_19 : memref<1x128xi32, #tpu.memory_space<vmem>> -> memref<128xi32, #tpu.memory_space<vmem>>
    %dma_start3A_21 = tpu.memref_slice %arg3[%multiple_of3A] : memref<204800xi32, #tpu.memory_space<hbm>> -> memref<128xi32, #tpu.memory_space<hbm>>
    %dma_start3A_22 = tpu.memref_slice %arg10[%dma_start3A_17] : memref<5x!tpu.dma_semaphore, #tpu.memory_space<semaphore_mem>> -> memref<1x!tpu.dma_semaphore, #tpu.memory_space<semaphore_mem>>
    %dma_start3A_23 = tpu.memref_squeeze %dma_start3A_22 : memref<1x!tpu.dma_semaphore, #tpu.memory_space<semaphore_mem>> -> memref<!tpu.dma_semaphore, #tpu.memory_space<semaphore_mem>>
    %dma_start3A_24 = arith.constant 0 : i32
    %dma_start3A_25 = tpu.memref_slice %arg7[%dma_start3A_16, %dma_start3A_24] : memref<5x128xi32, #tpu.memory_space<vmem>> -> memref<1x128xi32, #tpu.memory_space<vmem>>
    %dma_start3A_26 = tpu.memref_squeeze %dma_start3A_25 : memref<1x128xi32, #tpu.memory_space<vmem>> -> memref<128xi32, #tpu.memory_space<vmem>>
    %dma_start3A_27 = tpu.memref_slice %arg3[%multiple_of3A] : memref<204800xi32, #tpu.memory_space<hbm>> -> memref<128xi32, #tpu.memory_space<hbm>>
    tpu.enqueue_dma source(%dma_start3A_27 : memref<128xi32, #tpu.memory_space<hbm>>) target(%dma_start3A_26 : memref<128xi32, #tpu.memory_space<vmem>>) target_semaphore(%dma_start3A_23 : memref<!tpu.dma_semaphore, #tpu.memory_space<semaphore_mem>>)
    %add3A_28 = arith.constant 128 : i32
    %add3A_29 = arith.addi %mul3A_2, %add3A_28 : i32
    %multiple_of3A_30 = tpu.assume_multiple %add3A_29, 8 : i32
    %dma_start3A_31 = arith.constant 1 : i32
    %dma_start3A_32 = arith.constant 1 : i32
    %dma_start3A_33 = arith.constant 0 : i32
    %dma_start3A_34 = tpu.memref_slice %arg6[%dma_start3A_31, %dma_start3A_33] : memref<5x128xi32, #tpu.memory_space<vmem>> -> memref<1x128xi32, #tpu.memory_space<vmem>>
    %dma_start3A_35 = tpu.memref_squeeze %dma_start3A_34 : memref<1x128xi32, #tpu.memory_space<vmem>> -> memref<128xi32, #tpu.memory_space<vmem>>
    %dma_start3A_36 = tpu.memref_slice %arg2[%multiple_of3A_30] : memref<204800xi32, #tpu.memory_space<hbm>> -> memref<128xi32, #tpu.memory_space<hbm>>
    %dma_start3A_37 = tpu.memref_slice %arg10[%dma_start3A_32] : memref<5x!tpu.dma_semaphore, #tpu.memory_space<semaphore_mem>> -> memref<1x!tpu.dma_semaphore, #tpu.memory_space<semaphore_mem>>
    %dma_start3A_38 = tpu.memref_squeeze %dma_start3A_37 : memref<1x!tpu.dma_semaphore, #tpu.memory_space<semaphore_mem>> -> memref<!tpu.dma_semaphore, #tpu.memory_space<semaphore_mem>>
    %dma_start3A_39 = arith.constant 0 : i32
    %dma_start3A_40 = tpu.memref_slice %arg6[%dma_start3A_31, %dma_start3A_39] : memref<5x128xi32, #tpu.memory_space<vmem>> -> memref<1x128xi32, #tpu.memory_space<vmem>>
    %dma_start3A_41 = tpu.memref_squeeze %dma_start3A_40 : memref<1x128xi32, #tpu.memory_space<vmem>> -> memref<128xi32, #tpu.memory_space<vmem>>
    %dma_start3A_42 = tpu.memref_slice %arg2[%multiple_of3A_30] : memref<204800xi32, #tpu.memory_space<hbm>> -> memref<128xi32, #tpu.memory_space<hbm>>
    tpu.enqueue_dma source(%dma_start3A_42 : memref<128xi32, #tpu.memory_space<hbm>>) target(%dma_start3A_41 : memref<128xi32, #tpu.memory_space<vmem>>) target_semaphore(%dma_start3A_38 : memref<!tpu.dma_semaphore, #tpu.memory_space<semaphore_mem>>)
    %dma_start3A_43 = arith.constant 1 : i32
    %dma_start3A_44 = arith.constant 1 : i32
    %dma_start3A_45 = arith.constant 0 : i32
    %dma_start3A_46 = tpu.memref_slice %arg7[%dma_start3A_43, %dma_start3A_45] : memref<5x128xi32, #tpu.memory_space<vmem>> -> memref<1x128xi32, #tpu.memory_space<vmem>>
    %dma_start3A_47 = tpu.memref_squeeze %dma_start3A_46 : memref<1x128xi32, #tpu.memory_space<vmem>> -> memref<128xi32, #tpu.memory_space<vmem>>
    %dma_start3A_48 = tpu.memref_slice %arg3[%multiple_of3A_30] : memref<204800xi32, #tpu.memory_space<hbm>> -> memref<128xi32, #tpu.memory_space<hbm>>
    %dma_start3A_49 = tpu.memref_slice %arg10[%dma_start3A_44] : memref<5x!tpu.dma_semaphore, #tpu.memory_space<semaphore_mem>> -> memref<1x!tpu.dma_semaphore, #tpu.memory_space<semaphore_mem>>
    %dma_start3A_50 = tpu.memref_squeeze %dma_start3A_49 : memref<1x!tpu.dma_semaphore, #tpu.memory_space<semaphore_mem>> -> memref<!tpu.dma_semaphore, #tpu.memory_space<semaphore_mem>>
    %dma_start3A_51 = arith.constant 0 : i32
    %dma_start3A_52 = tpu.memref_slice %arg7[%dma_start3A_43, %dma_start3A_51] : memref<5x128xi32, #tpu.memory_space<vmem>> -> memref<1x128xi32, #tpu.memory_space<vmem>>
    %dma_start3A_53 = tpu.memref_squeeze %dma_start3A_52 : memref<1x128xi32, #tpu.memory_space<vmem>> -> memref<128xi32, #tpu.memory_space<vmem>>
    %dma_start3A_54 = tpu.memref_slice %arg3[%multiple_of3A_30] : memref<204800xi32, #tpu.memory_space<hbm>> -> memref<128xi32, #tpu.memory_space<hbm>>
    tpu.enqueue_dma source(%dma_start3A_54 : memref<128xi32, #tpu.memory_space<hbm>>) target(%dma_start3A_53 : memref<128xi32, #tpu.memory_space<vmem>>) target_semaphore(%dma_start3A_50 : memref<!tpu.dma_semaphore, #tpu.memory_space<semaphore_mem>>)
    %add3A_55 = arith.constant 256 : i32
    %add3A_56 = arith.addi %mul3A_2, %add3A_55 : i32
    %multiple_of3A_57 = tpu.assume_multiple %add3A_56, 8 : i32
    %dma_start3A_58 = arith.constant 2 : i32
    %dma_start3A_59 = arith.constant 2 : i32
    %dma_start3A_60 = arith.constant 0 : i32
    %dma_start3A_61 = tpu.memref_slice %arg6[%dma_start3A_58, %dma_start3A_60] : memref<5x128xi32, #tpu.memory_space<vmem>> -> memref<1x128xi32, #tpu.memory_space<vmem>>
    %dma_start3A_62 = tpu.memref_squeeze %dma_start3A_61 : memref<1x128xi32, #tpu.memory_space<vmem>> -> memref<128xi32, #tpu.memory_space<vmem>>
    %dma_start3A_63 = tpu.memref_slice %arg2[%multiple_of3A_57] : memref<204800xi32, #tpu.memory_space<hbm>> -> memref<128xi32, #tpu.memory_space<hbm>>
    %dma_start3A_64 = tpu.memref_slice %arg10[%dma_start3A_59] : memref<5x!tpu.dma_semaphore, #tpu.memory_space<semaphore_mem>> -> memref<1x!tpu.dma_semaphore, #tpu.memory_space<semaphore_mem>>
    %dma_start3A_65 = tpu.memref_squeeze %dma_start3A_64 : memref<1x!tpu.dma_semaphore, #tpu.memory_space<semaphore_mem>> -> memref<!tpu.dma_semaphore, #tpu.memory_space<semaphore_mem>>
    %dma_start3A_66 = arith.constant 0 : i32
    %dma_start3A_67 = tpu.memref_slice %arg6[%dma_start3A_58, %dma_start3A_66] : memref<5x128xi32, #tpu.memory_space<vmem>> -> memref<1x128xi32, #tpu.memory_space<vmem>>
    %dma_start3A_68 = tpu.memref_squeeze %dma_start3A_67 : memref<1x128xi32, #tpu.memory_space<vmem>> -> memref<128xi32, #tpu.memory_space<vmem>>
    %dma_start3A_69 = tpu.memref_slice %arg2[%multiple_of3A_57] : memref<204800xi32, #tpu.memory_space<hbm>> -> memref<128xi32, #tpu.memory_space<hbm>>
    tpu.enqueue_dma source(%dma_start3A_69 : memref<128xi32, #tpu.memory_space<hbm>>) target(%dma_start3A_68 : memref<128xi32, #tpu.memory_space<vmem>>) target_semaphore(%dma_start3A_65 : memref<!tpu.dma_semaphore, #tpu.memory_space<semaphore_mem>>)
    %dma_start3A_70 = arith.constant 2 : i32
    %dma_start3A_71 = arith.constant 2 : i32
    %dma_start3A_72 = arith.constant 0 : i32
    %dma_start3A_73 = tpu.memref_slice %arg7[%dma_start3A_70, %dma_start3A_72] : memref<5x128xi32, #tpu.memory_space<vmem>> -> memref<1x128xi32, #tpu.memory_space<vmem>>
    %dma_start3A_74 = tpu.memref_squeeze %dma_start3A_73 : memref<1x128xi32, #tpu.memory_space<vmem>> -> memref<128xi32, #tpu.memory_space<vmem>>
    %dma_start3A_75 = tpu.memref_slice %arg3[%multiple_of3A_57] : memref<204800xi32, #tpu.memory_space<hbm>> -> memref<128xi32, #tpu.memory_space<hbm>>
    %dma_start3A_76 = tpu.memref_slice %arg10[%dma_start3A_71] : memref<5x!tpu.dma_semaphore, #tpu.memory_space<semaphore_mem>> -> memref<1x!tpu.dma_semaphore, #tpu.memory_space<semaphore_mem>>
    %dma_start3A_77 = tpu.memref_squeeze %dma_start3A_76 : memref<1x!tpu.dma_semaphore, #tpu.memory_space<semaphore_mem>> -> memref<!tpu.dma_semaphore, #tpu.memory_space<semaphore_mem>>
    %dma_start3A_78 = arith.constant 0 : i32
    %dma_start3A_79 = tpu.memref_slice %arg7[%dma_start3A_70, %dma_start3A_78] : memref<5x128xi32, #tpu.memory_space<vmem>> -> memref<1x128xi32, #tpu.memory_space<vmem>>
    %dma_start3A_80 = tpu.memref_squeeze %dma_start3A_79 : memref<1x128xi32, #tpu.memory_space<vmem>> -> memref<128xi32, #tpu.memory_space<vmem>>
    %dma_start3A_81 = tpu.memref_slice %arg3[%multiple_of3A_57] : memref<204800xi32, #tpu.memory_space<hbm>> -> memref<128xi32, #tpu.memory_space<hbm>>
    tpu.enqueue_dma source(%dma_start3A_81 : memref<128xi32, #tpu.memory_space<hbm>>) target(%dma_start3A_80 : memref<128xi32, #tpu.memory_space<vmem>>) target_semaphore(%dma_start3A_77 : memref<!tpu.dma_semaphore, #tpu.memory_space<semaphore_mem>>)
    %add3A_82 = arith.constant 384 : i32
    %add3A_83 = arith.addi %mul3A_2, %add3A_82 : i32
    %multiple_of3A_84 = tpu.assume_multiple %add3A_83, 8 : i32
    %dma_start3A_85 = arith.constant 3 : i32
    %dma_start3A_86 = arith.constant 3 : i32
    %dma_start3A_87 = arith.constant 0 : i32
    %dma_start3A_88 = tpu.memref_slice %arg6[%dma_start3A_85, %dma_start3A_87] : memref<5x128xi32, #tpu.memory_space<vmem>> -> memref<1x128xi32, #tpu.memory_space<vmem>>
    %dma_start3A_89 = tpu.memref_squeeze %dma_start3A_88 : memref<1x128xi32, #tpu.memory_space<vmem>> -> memref<128xi32, #tpu.memory_space<vmem>>
    %dma_start3A_90 = tpu.memref_slice %arg2[%multiple_of3A_84] : memref<204800xi32, #tpu.memory_space<hbm>> -> memref<128xi32, #tpu.memory_space<hbm>>
    %dma_start3A_91 = tpu.memref_slice %arg10[%dma_start3A_86] : memref<5x!tpu.dma_semaphore, #tpu.memory_space<semaphore_mem>> -> memref<1x!tpu.dma_semaphore, #tpu.memory_space<semaphore_mem>>
    %dma_start3A_92 = tpu.memref_squeeze %dma_start3A_91 : memref<1x!tpu.dma_semaphore, #tpu.memory_space<semaphore_mem>> -> memref<!tpu.dma_semaphore, #tpu.memory_space<semaphore_mem>>
    %dma_start3A_93 = arith.constant 0 : i32
    %dma_start3A_94 = tpu.memref_slice %arg6[%dma_start3A_85, %dma_start3A_93] : memref<5x128xi32, #tpu.memory_space<vmem>> -> memref<1x128xi32, #tpu.memory_space<vmem>>
    %dma_start3A_95 = tpu.memref_squeeze %dma_start3A_94 : memref<1x128xi32, #tpu.memory_space<vmem>> -> memref<128xi32, #tpu.memory_space<vmem>>
    %dma_start3A_96 = tpu.memref_slice %arg2[%multiple_of3A_84] : memref<204800xi32, #tpu.memory_space<hbm>> -> memref<128xi32, #tpu.memory_space<hbm>>
    tpu.enqueue_dma source(%dma_start3A_96 : memref<128xi32, #tpu.memory_space<hbm>>) target(%dma_start3A_95 : memref<128xi32, #tpu.memory_space<vmem>>) target_semaphore(%dma_start3A_92 : memref<!tpu.dma_semaphore, #tpu.memory_space<semaphore_mem>>)
    %dma_start3A_97 = arith.constant 3 : i32
    %dma_start3A_98 = arith.constant 3 : i32
    %dma_start3A_99 = arith.constant 0 : i32
    %dma_start3A_100 = tpu.memref_slice %arg7[%dma_start3A_97, %dma_start3A_99] : memref<5x128xi32, #tpu.memory_space<vmem>> -> memref<1x128xi32, #tpu.memory_space<vmem>>
    %dma_start3A_101 = tpu.memref_squeeze %dma_start3A_100 : memref<1x128xi32, #tpu.memory_space<vmem>> -> memref<128xi32, #tpu.memory_space<vmem>>
    %dma_start3A_102 = tpu.memref_slice %arg3[%multiple_of3A_84] : memref<204800xi32, #tpu.memory_space<hbm>> -> memref<128xi32, #tpu.memory_space<hbm>>
    %dma_start3A_103 = tpu.memref_slice %arg10[%dma_start3A_98] : memref<5x!tpu.dma_semaphore, #tpu.memory_space<semaphore_mem>> -> memref<1x!tpu.dma_semaphore, #tpu.memory_space<semaphore_mem>>
    %dma_start3A_104 = tpu.memref_squeeze %dma_start3A_103 : memref<1x!tpu.dma_semaphore, #tpu.memory_space<semaphore_mem>> -> memref<!tpu.dma_semaphore, #tpu.memory_space<semaphore_mem>>
    %dma_start3A_105 = arith.constant 0 : i32
    %dma_start3A_106 = tpu.memref_slice %arg7[%dma_start3A_97, %dma_start3A_105] : memref<5x128xi32, #tpu.memory_space<vmem>> -> memref<1x128xi32, #tpu.memory_space<vmem>>
    %dma_start3A_107 = tpu.memref_squeeze %dma_start3A_106 : memref<1x128xi32, #tpu.memory_space<vmem>> -> memref<128xi32, #tpu.memory_space<vmem>>
    %dma_start3A_108 = tpu.memref_slice %arg3[%multiple_of3A_84] : memref<204800xi32, #tpu.memory_space<hbm>> -> memref<128xi32, #tpu.memory_space<hbm>>
    tpu.enqueue_dma source(%dma_start3A_108 : memref<128xi32, #tpu.memory_space<hbm>>) target(%dma_start3A_107 : memref<128xi32, #tpu.memory_space<vmem>>) target_semaphore(%dma_start3A_104 : memref<!tpu.dma_semaphore, #tpu.memory_space<semaphore_mem>>)
    %add3A_109 = arith.constant 512 : i32
    %add3A_110 = arith.addi %mul3A_2, %add3A_109 : i32
    %multiple_of3A_111 = tpu.assume_multiple %add3A_110, 8 : i32
    %dma_start3A_112 = arith.constant 4 : i32
    %dma_start3A_113 = arith.constant 4 : i32
    %dma_start3A_114 = arith.constant 0 : i32
    %dma_start3A_115 = tpu.memref_slice %arg6[%dma_start3A_112, %dma_start3A_114] : memref<5x128xi32, #tpu.memory_space<vmem>> -> memref<1x128xi32, #tpu.memory_space<vmem>>
    %dma_start3A_116 = tpu.memref_squeeze %dma_start3A_115 : memref<1x128xi32, #tpu.memory_space<vmem>> -> memref<128xi32, #tpu.memory_space<vmem>>
    %dma_start3A_117 = tpu.memref_slice %arg2[%multiple_of3A_111] : memref<204800xi32, #tpu.memory_space<hbm>> -> memref<128xi32, #tpu.memory_space<hbm>>
    %dma_start3A_118 = tpu.memref_slice %arg10[%dma_start3A_113] : memref<5x!tpu.dma_semaphore, #tpu.memory_space<semaphore_mem>> -> memref<1x!tpu.dma_semaphore, #tpu.memory_space<semaphore_mem>>
    %dma_start3A_119 = tpu.memref_squeeze %dma_start3A_118 : memref<1x!tpu.dma_semaphore, #tpu.memory_space<semaphore_mem>> -> memref<!tpu.dma_semaphore, #tpu.memory_space<semaphore_mem>>
    %dma_start3A_120 = arith.constant 0 : i32
    %dma_start3A_121 = tpu.memref_slice %arg6[%dma_start3A_112, %dma_start3A_120] : memref<5x128xi32, #tpu.memory_space<vmem>> -> memref<1x128xi32, #tpu.memory_space<vmem>>
    %dma_start3A_122 = tpu.memref_squeeze %dma_start3A_121 : memref<1x128xi32, #tpu.memory_space<vmem>> -> memref<128xi32, #tpu.memory_space<vmem>>
    %dma_start3A_123 = tpu.memref_slice %arg2[%multiple_of3A_111] : memref<204800xi32, #tpu.memory_space<hbm>> -> memref<128xi32, #tpu.memory_space<hbm>>
    tpu.enqueue_dma source(%dma_start3A_123 : memref<128xi32, #tpu.memory_space<hbm>>) target(%dma_start3A_122 : memref<128xi32, #tpu.memory_space<vmem>>) target_semaphore(%dma_start3A_119 : memref<!tpu.dma_semaphore, #tpu.memory_space<semaphore_mem>>)
    %dma_start3A_124 = arith.constant 4 : i32
    %dma_start3A_125 = arith.constant 4 : i32
    %dma_start3A_126 = arith.constant 0 : i32
    %dma_start3A_127 = tpu.memref_slice %arg7[%dma_start3A_124, %dma_start3A_126] : memref<5x128xi32, #tpu.memory_space<vmem>> -> memref<1x128xi32, #tpu.memory_space<vmem>>
    %dma_start3A_128 = tpu.memref_squeeze %dma_start3A_127 : memref<1x128xi32, #tpu.memory_space<vmem>> -> memref<128xi32, #tpu.memory_space<vmem>>
    %dma_start3A_129 = tpu.memref_slice %arg3[%multiple_of3A_111] : memref<204800xi32, #tpu.memory_space<hbm>> -> memref<128xi32, #tpu.memory_space<hbm>>
    %dma_start3A_130 = tpu.memref_slice %arg10[%dma_start3A_125] : memref<5x!tpu.dma_semaphore, #tpu.memory_space<semaphore_mem>> -> memref<1x!tpu.dma_semaphore, #tpu.memory_space<semaphore_mem>>
    %dma_start3A_131 = tpu.memref_squeeze %dma_start3A_130 : memref<1x!tpu.dma_semaphore, #tpu.memory_space<semaphore_mem>> -> memref<!tpu.dma_semaphore, #tpu.memory_space<semaphore_mem>>
    %dma_start3A_132 = arith.constant 0 : i32
    %dma_start3A_133 = tpu.memref_slice %arg7[%dma_start3A_124, %dma_start3A_132] : memref<5x128xi32, #tpu.memory_space<vmem>> -> memref<1x128xi32, #tpu.memory_space<vmem>>
    %dma_start3A_134 = tpu.memref_squeeze %dma_start3A_133 : memref<1x128xi32, #tpu.memory_space<vmem>> -> memref<128xi32, #tpu.memory_space<vmem>>
    %dma_start3A_135 = tpu.memref_slice %arg3[%multiple_of3A_111] : memref<204800xi32, #tpu.memory_space<hbm>> -> memref<128xi32, #tpu.memory_space<hbm>>
    tpu.enqueue_dma source(%dma_start3A_135 : memref<128xi32, #tpu.memory_space<hbm>>) target(%dma_start3A_134 : memref<128xi32, #tpu.memory_space<vmem>>) target_semaphore(%dma_start3A_131 : memref<!tpu.dma_semaphore, #tpu.memory_space<semaphore_mem>>)
    %add3A_136 = arith.constant 0 : i32
    %add3A_137 = arith.addi %mul3A_2, %add3A_136 : i32
    %multiple_of3A_138 = tpu.assume_multiple %add3A_137, 8 : i32
    %dma_wait3A = arith.constant 0 : i32
    %dma_wait3A_139 = arith.constant 0 : i32
    %dma_wait3A_140 = arith.constant 0 : i32
    %dma_wait3A_141 = tpu.memref_slice %arg6[%dma_wait3A, %dma_wait3A_140] : memref<5x128xi32, #tpu.memory_space<vmem>> -> memref<1x128xi32, #tpu.memory_space<vmem>>
    %dma_wait3A_142 = tpu.memref_squeeze %dma_wait3A_141 : memref<1x128xi32, #tpu.memory_space<vmem>> -> memref<128xi32, #tpu.memory_space<vmem>>
    %dma_wait3A_143 = tpu.memref_slice %arg2[%multiple_of3A_138] : memref<204800xi32, #tpu.memory_space<hbm>> -> memref<128xi32, #tpu.memory_space<hbm>>
    %dma_wait3A_144 = tpu.memref_slice %arg10[%dma_wait3A_139] : memref<5x!tpu.dma_semaphore, #tpu.memory_space<semaphore_mem>> -> memref<1x!tpu.dma_semaphore, #tpu.memory_space<semaphore_mem>>
    %dma_wait3A_145 = tpu.memref_squeeze %dma_wait3A_144 : memref<1x!tpu.dma_semaphore, #tpu.memory_space<semaphore_mem>> -> memref<!tpu.dma_semaphore, #tpu.memory_space<semaphore_mem>>
    %dma_wait3A_146 = arith.constant 0 : i32
    %dma_wait3A_147 = tpu.memref_slice %arg6[%dma_wait3A, %dma_wait3A_146] : memref<5x128xi32, #tpu.memory_space<vmem>> -> memref<1x128xi32, #tpu.memory_space<vmem>>
    %dma_wait3A_148 = tpu.memref_squeeze %dma_wait3A_147 : memref<1x128xi32, #tpu.memory_space<vmem>> -> memref<128xi32, #tpu.memory_space<vmem>>
    %dma_wait3A_149 = tpu.memref_slice %arg2[%multiple_of3A_138] : memref<204800xi32, #tpu.memory_space<hbm>> -> memref<128xi32, #tpu.memory_space<hbm>>
    tpu.wait_dma2 semaphore(%dma_wait3A_145 : memref<!tpu.dma_semaphore, #tpu.memory_space<semaphore_mem>>) src(%dma_wait3A_149 : memref<128xi32, #tpu.memory_space<hbm>>) dst(%dma_wait3A_148 : memref<128xi32, #tpu.memory_space<vmem>>)
    %dma_wait3A_150 = arith.constant 0 : i32
    %dma_wait3A_151 = arith.constant 0 : i32
    %dma_wait3A_152 = arith.constant 0 : i32
    %dma_wait3A_153 = tpu.memref_slice %arg7[%dma_wait3A_150, %dma_wait3A_152] : memref<5x128xi32, #tpu.memory_space<vmem>> -> memref<1x128xi32, #tpu.memory_space<vmem>>
    %dma_wait3A_154 = tpu.memref_squeeze %dma_wait3A_153 : memref<1x128xi32, #tpu.memory_space<vmem>> -> memref<128xi32, #tpu.memory_space<vmem>>
    %dma_wait3A_155 = tpu.memref_slice %arg3[%multiple_of3A_138] : memref<204800xi32, #tpu.memory_space<hbm>> -> memref<128xi32, #tpu.memory_space<hbm>>
    %dma_wait3A_156 = tpu.memref_slice %arg10[%dma_wait3A_151] : memref<5x!tpu.dma_semaphore, #tpu.memory_space<semaphore_mem>> -> memref<1x!tpu.dma_semaphore, #tpu.memory_space<semaphore_mem>>
    %dma_wait3A_157 = tpu.memref_squeeze %dma_wait3A_156 : memref<1x!tpu.dma_semaphore, #tpu.memory_space<semaphore_mem>> -> memref<!tpu.dma_semaphore, #tpu.memory_space<semaphore_mem>>
    %dma_wait3A_158 = arith.constant 0 : i32
    %dma_wait3A_159 = tpu.memref_slice %arg7[%dma_wait3A_150, %dma_wait3A_158] : memref<5x128xi32, #tpu.memory_space<vmem>> -> memref<1x128xi32, #tpu.memory_space<vmem>>
    %dma_wait3A_160 = tpu.memref_squeeze %dma_wait3A_159 : memref<1x128xi32, #tpu.memory_space<vmem>> -> memref<128xi32, #tpu.memory_space<vmem>>
    %dma_wait3A_161 = tpu.memref_slice %arg3[%multiple_of3A_138] : memref<204800xi32, #tpu.memory_space<hbm>> -> memref<128xi32, #tpu.memory_space<hbm>>
    tpu.wait_dma2 semaphore(%dma_wait3A_157 : memref<!tpu.dma_semaphore, #tpu.memory_space<semaphore_mem>>) src(%dma_wait3A_161 : memref<128xi32, #tpu.memory_space<hbm>>) dst(%dma_wait3A_160 : memref<128xi32, #tpu.memory_space<vmem>>)
    %add3A_162 = arith.constant 0 : i32
    %add3A_163 = arith.addi %mul3A_2, %add3A_162 : i32
    %get3A = arith.constant 0 : i32
    %get3A_164 = arith.index_cast %get3A : i32 to index
    %get3A_165 = arith.constant 0 : index
    %get3A_166 = tpu.vector_load %arg6[%get3A_164, %get3A_165] {strides = array<i32>} : memref<5x128xi32, #tpu.memory_space<vmem>>, vector<1x16xi32>,
    %get3A_167 = vector.shape_cast %get3A_166 : vector<1x16xi32> to vector<16xi32>
    %get3A_168 = arith.constant 0 : i32
    %get3A_169 = arith.index_cast %get3A_168 : i32 to index
    %get3A_170 = arith.constant 0 : index
    %get3A_171 = tpu.vector_load %arg7[%get3A_169, %get3A_170] {strides = array<i32>} : memref<5x128xi32, #tpu.memory_space<vmem>>, vector<1x16xi32>,
    %get3A_172 = vector.shape_cast %get3A_171 : vector<1x16xi32> to vector<16xi32>
    %iota3A = tpu.iota {dimensions = array<i32: 0>} : vector<16xi32>
    %add3A_173 = arith.constant 0 : i32
    %add3A_174 = arith.addi %add3A_163, %add3A_173 : i32
    %add3A_175 = vector.broadcast %add3A_174 : i32 to vector<16xi32>
    %add3A_176 = arith.addi %iota3A, %add3A_175 : vector<16xi32>
    %rem3A = arith.constant 200 : i32
    %rem3A_177 = vector.broadcast %rem3A : i32 to vector<16xi32>
    %rem3A_178 = arith.remsi %add3A_176, %rem3A_177 : vector<16xi32>
    %mul3A_179 = arith.constant 240 : i32
    %mul3A_180 = vector.broadcast %mul3A_179 : i32 to vector<16xi32>
    %mul3A_181 = arith.muli %rem3A_178, %mul3A_180 : vector<16xi32>
    %mul3A_182 = arith.constant 8 : i32
    %mul3A_183 = vector.broadcast %mul3A_182 : i32 to vector<16xi32>
    %mul3A_184 = arith.muli %get3A_167, %mul3A_183 : vector<16xi32>
    %add3A_185 = arith.addi %mul3A_181, %mul3A_184 : vector<16xi32>
    %add3A_186 = arith.addi %add3A_185, %get3A_172 : vector<16xi32>
    %swap3A = arith.constant 0 : i32
    %swap3A_187 = arith.index_cast %swap3A : i32 to index
    %swap3A_188 = arith.constant 0 : index
    %swap3A_189 = tpu.vector_load %arg8[%swap3A_187, %swap3A_188] {strides = array<i32>} : memref<5x128xi32, #tpu.memory_space<vmem>>, vector<1x16xi32>,
    %swap3A_190 = vector.shape_cast %swap3A_189 : vector<1x16xi32> to vector<16xi32>
    %swap3A_191 = vector.shape_cast %add3A_186 : vector<16xi32> to vector<1x16xi32>
    tpu.vector_store %arg8[%swap3A_187, %swap3A_188], %swap3A_191 {strides = array<i32>} : memref<5x128xi32, #tpu.memory_space<vmem>>, vector<1x16xi32>,
    %get3A_192 = arith.constant 0 : i32
    %get3A_193 = arith.index_cast %get3A_192 : i32 to index
    %get3A_194 = arith.constant 16 : index
    %get3A_195 = tpu.vector_load %arg6[%get3A_193, %get3A_194] {strides = array<i32>} : memref<5x128xi32, #tpu.memory_space<vmem>>, vector<1x16xi32>,
    %get3A_196 = vector.shape_cast %get3A_195 : vector<1x16xi32> to vector<16xi32>
    %get3A_197 = arith.constant 0 : i32
    %get3A_198 = arith.index_cast %get3A_197 : i32 to index
    %get3A_199 = arith.constant 16 : index
    %get3A_200 = tpu.vector_load %arg7[%get3A_198, %get3A_199] {strides = array<i32>} : memref<5x128xi32, #tpu.memory_space<vmem>>, vector<1x16xi32>,
    %get3A_201 = vector.shape_cast %get3A_200 : vector<1x16xi32> to vector<16xi32>
    %iota3A_202 = tpu.iota {dimensions = array<i32: 0>} : vector<16xi32>
    %add3A_203 = arith.constant 16 : i32
    %add3A_204 = arith.addi %add3A_163, %add3A_203 : i32
    %add3A_205 = vector.broadcast %add3A_204 : i32 to vector<16xi32>
    %add3A_206 = arith.addi %iota3A_202, %add3A_205 : vector<16xi32>
    %rem3A_207 = arith.constant 200 : i32
    %rem3A_208 = vector.broadcast %rem3A_207 : i32 to vector<16xi32>
    %rem3A_209 = arith.remsi %add3A_206, %rem3A_208 : vector<16xi32>
    %mul3A_210 = arith.constant 240 : i32
    %mul3A_211 = vector.broadcast %mul3A_210 : i32 to vector<16xi32>
    %mul3A_212 = arith.muli %rem3A_209, %mul3A_211 : vector<16xi32>
    %mul3A_213 = arith.constant 8 : i32
    %mul3A_214 = vector.broadcast %mul3A_213 : i32 to vector<16xi32>
    %mul3A_215 = arith.muli %get3A_196, %mul3A_214 : vector<16xi32>
    %add3A_216 = arith.addi %mul3A_212, %mul3A_215 : vector<16xi32>
    %add3A_217 = arith.addi %add3A_216, %get3A_201 : vector<16xi32>
    %swap3A_218 = arith.constant 0 : i32
    %swap3A_219 = arith.index_cast %swap3A_218 : i32 to index
    %swap3A_220 = arith.constant 16 : index
    %swap3A_221 = tpu.vector_load %arg8[%swap3A_219, %swap3A_220] {strides = array<i32>} : memref<5x128xi32, #tpu.memory_space<vmem>>, vector<1x16xi32>,
    %swap3A_222 = vector.shape_cast %swap3A_221 : vector<1x16xi32> to vector<16xi32>
    %swap3A_223 = vector.shape_cast %add3A_217 : vector<16xi32> to vector<1x16xi32>
    tpu.vector_store %arg8[%swap3A_219, %swap3A_220], %swap3A_223 {strides = array<i32>} : memref<5x128xi32, #tpu.memory_space<vmem>>, vector<1x16xi32>,
    %get3A_224 = arith.constant 0 : i32
    %get3A_225 = arith.index_cast %get3A_224 : i32 to index
    %get3A_226 = arith.constant 32 : index
    %get3A_227 = tpu.vector_load %arg6[%get3A_225, %get3A_226] {strides = array<i32>} : memref<5x128xi32, #tpu.memory_space<vmem>>, vector<1x16xi32>,
    %get3A_228 = vector.shape_cast %get3A_227 : vector<1x16xi32> to vector<16xi32>
    %get3A_229 = arith.constant 0 : i32
    %get3A_230 = arith.index_cast %get3A_229 : i32 to index
    %get3A_231 = arith.constant 32 : index
    %get3A_232 = tpu.vector_load %arg7[%get3A_230, %get3A_231] {strides = array<i32>} : memref<5x128xi32, #tpu.memory_space<vmem>>, vector<1x16xi32>,
    %get3A_233 = vector.shape_cast %get3A_232 : vector<1x16xi32> to vector<16xi32>
    %iota3A_234 = tpu.iota {dimensions = array<i32: 0>} : vector<16xi32>
    %add3A_235 = arith.constant 32 : i32
    %add3A_236 = arith.addi %add3A_163, %add3A_235 : i32
    %add3A_237 = vector.broadcast %add3A_236 : i32 to vector<16xi32>
    %add3A_238 = arith.addi %iota3A_234, %add3A_237 : vector<16xi32>
    %rem3A_239 = arith.constant 200 : i32
    %rem3A_240 = vector.broadcast %rem3A_239 : i32 to vector<16xi32>
    %rem3A_241 = arith.remsi %add3A_238, %rem3A_240 : vector<16xi32>
    %mul3A_242 = arith.constant 240 : i32
    %mul3A_243 = vector.broadcast %mul3A_242 : i32 to vector<16xi32>
    %mul3A_244 = arith.muli %rem3A_241, %mul3A_243 : vector<16xi32>
    %mul3A_245 = arith.constant 8 : i32
    %mul3A_246 = vector.broadcast %mul3A_245 : i32 to vector<16xi32>
    %mul3A_247 = arith.muli %get3A_228, %mul3A_246 : vector<16xi32>
    %add3A_248 = arith.addi %mul3A_244, %mul3A_247 : vector<16xi32>
    %add3A_249 = arith.addi %add3A_248, %get3A_233 : vector<16xi32>
    %swap3A_250 = arith.constant 0 : i32
    %swap3A_251 = arith.index_cast %swap3A_250 : i32 to index
    %swap3A_252 = arith.constant 32 : index
    %swap3A_253 = tpu.vector_load %arg8[%swap3A_251, %swap3A_252] {strides = array<i32>} : memref<5x128xi32, #tpu.memory_space<vmem>>, vector<1x16xi32>,
    %swap3A_254 = vector.shape_cast %swap3A_253 : vector<1x16xi32> to vector<16xi32>
    %swap3A_255 = vector.shape_cast %add3A_249 : vector<16xi32> to vector<1x16xi32>
    tpu.vector_store %arg8[%swap3A_251, %swap3A_252], %swap3A_255 {strides = array<i32>} : memref<5x128xi32, #tpu.memory_space<vmem>>, vector<1x16xi32>,
    %get3A_256 = arith.constant 0 : i32
    %get3A_257 = arith.index_cast %get3A_256 : i32 to index
    %get3A_258 = arith.constant 48 : index
    %get3A_259 = tpu.vector_load %arg6[%get3A_257, %get3A_258] {strides = array<i32>} : memref<5x128xi32, #tpu.memory_space<vmem>>, vector<1x16xi32>,
    %get3A_260 = vector.shape_cast %get3A_259 : vector<1x16xi32> to vector<16xi32>
    %get3A_261 = arith.constant 0 : i32
    %get3A_262 = arith.index_cast %get3A_261 : i32 to index
    %get3A_263 = arith.constant 48 : index
    %get3A_264 = tpu.vector_load %arg7[%get3A_262, %get3A_263] {strides = array<i32>} : memref<5x128xi32, #tpu.memory_space<vmem>>, vector<1x16xi32>,
    %get3A_265 = vector.shape_cast %get3A_264 : vector<1x16xi32> to vector<16xi32>
    %iota3A_266 = tpu.iota {dimensions = array<i32: 0>} : vector<16xi32>
    %add3A_267 = arith.constant 48 : i32
    %add3A_268 = arith.addi %add3A_163, %add3A_267 : i32
    %add3A_269 = vector.broadcast %add3A_268 : i32 to vector<16xi32>
    %add3A_270 = arith.addi %iota3A_266, %add3A_269 : vector<16xi32>
    %rem3A_271 = arith.constant 200 : i32
    %rem3A_272 = vector.broadcast %rem3A_271 : i32 to vector<16xi32>
    %rem3A_273 = arith.remsi %add3A_270, %rem3A_272 : vector<16xi32>
    %mul3A_274 = arith.constant 240 : i32
    %mul3A_275 = vector.broadcast %mul3A_274 : i32 to vector<16xi32>
    %mul3A_276 = arith.muli %rem3A_273, %mul3A_275 : vector<16xi32>
    %mul3A_277 = arith.constant 8 : i32
    %mul3A_278 = vector.broadcast %mul3A_277 : i32 to vector<16xi32>
    %mul3A_279 = arith.muli %get3A_260, %mul3A_278 : vector<16xi32>
    %add3A_280 = arith.addi %mul3A_276, %mul3A_279 : vector<16xi32>
    %add3A_281 = arith.addi %add3A_280, %get3A_265 : vector<16xi32>
    %swap3A_282 = arith.constant 0 : i32
    %swap3A_283 = arith.index_cast %swap3A_282 : i32 to index
    %swap3A_284 = arith.constant 48 : index
    %swap3A_285 = tpu.vector_load %arg8[%swap3A_283, %swap3A_284] {strides = array<i32>} : memref<5x128xi32, #tpu.memory_space<vmem>>, vector<1x16xi32>,
    %swap3A_286 = vector.shape_cast %swap3A_285 : vector<1x16xi32> to vector<16xi32>
    %swap3A_287 = vector.shape_cast %add3A_281 : vector<16xi32> to vector<1x16xi32>
    tpu.vector_store %arg8[%swap3A_283, %swap3A_284], %swap3A_287 {strides = array<i32>} : memref<5x128xi32, #tpu.memory_space<vmem>>, vector<1x16xi32>,
    %get3A_288 = arith.constant 0 : i32
    %get3A_289 = arith.index_cast %get3A_288 : i32 to index
    %get3A_290 = arith.constant 64 : index
    %get3A_291 = tpu.vector_load %arg6[%get3A_289, %get3A_290] {strides = array<i32>} : memref<5x128xi32, #tpu.memory_space<vmem>>, vector<1x16xi32>,
    %get3A_292 = vector.shape_cast %get3A_291 : vector<1x16xi32> to vector<16xi32>
    %get3A_293 = arith.constant 0 : i32
    %get3A_294 = arith.index_cast %get3A_293 : i32 to index
    %get3A_295 = arith.constant 64 : index
    %get3A_296 = tpu.vector_load %arg7[%get3A_294, %get3A_295] {strides = array<i32>} : memref<5x128xi32, #tpu.memory_space<vmem>>, vector<1x16xi32>,
    %get3A_297 = vector.shape_cast %get3A_296 : vector<1x16xi32> to vector<16xi32>
    %iota3A_298 = tpu.iota {dimensions = array<i32: 0>} : vector<16xi32>
    %add3A_299 = arith.constant 64 : i32
    %add3A_300 = arith.addi %add3A_163, %add3A_299 : i32
    %add3A_301 = vector.broadcast %add3A_300 : i32 to vector<16xi32>
    %add3A_302 = arith.addi %iota3A_298, %add3A_301 : vector<16xi32>
    %rem3A_303 = arith.constant 200 : i32
    %rem3A_304 = vector.broadcast %rem3A_303 : i32 to vector<16xi32>
    %rem3A_305 = arith.remsi %add3A_302, %rem3A_304 : vector<16xi32>
    %mul3A_306 = arith.constant 240 : i32
    %mul3A_307 = vector.broadcast %mul3A_306 : i32 to vector<16xi32>
    %mul3A_308 = arith.muli %rem3A_305, %mul3A_307 : vector<16xi32>
    %mul3A_309 = arith.constant 8 : i32
    %mul3A_310 = vector.broadcast %mul3A_309 : i32 to vector<16xi32>
    %mul3A_311 = arith.muli %get3A_292, %mul3A_310 : vector<16xi32>
    %add3A_312 = arith.addi %mul3A_308, %mul3A_311 : vector<16xi32>
    %add3A_313 = arith.addi %add3A_312, %get3A_297 : vector<16xi32>
    %swap3A_314 = arith.constant 0 : i32
    %swap3A_315 = arith.index_cast %swap3A_314 : i32 to index
    %swap3A_316 = arith.constant 64 : index
    %swap3A_317 = tpu.vector_load %arg8[%swap3A_315, %swap3A_316] {strides = array<i32>} : memref<5x128xi32, #tpu.memory_space<vmem>>, vector<1x16xi32>,
    %swap3A_318 = vector.shape_cast %swap3A_317 : vector<1x16xi32> to vector<16xi32>
    %swap3A_319 = vector.shape_cast %add3A_313 : vector<16xi32> to vector<1x16xi32>
    tpu.vector_store %arg8[%swap3A_315, %swap3A_316], %swap3A_319 {strides = array<i32>} : memref<5x128xi32, #tpu.memory_space<vmem>>, vector<1x16xi32>,
    %get3A_320 = arith.constant 0 : i32
    %get3A_321 = arith.index_cast %get3A_320 : i32 to index
    %get3A_322 = arith.constant 80 : index
    %get3A_323 = tpu.vector_load %arg6[%get3A_321, %get3A_322] {strides = array<i32>} : memref<5x128xi32, #tpu.memory_space<vmem>>, vector<1x16xi32>,
    %get3A_324 = vector.shape_cast %get3A_323 : vector<1x16xi32> to vector<16xi32>
    %get3A_325 = arith.constant 0 : i32
    %get3A_326 = arith.index_cast %get3A_325 : i32 to index
    %get3A_327 = arith.constant 80 : index
    %get3A_328 = tpu.vector_load %arg7[%get3A_326, %get3A_327] {strides = array<i32>} : memref<5x128xi32, #tpu.memory_space<vmem>>, vector<1x16xi32>,
    %get3A_329 = vector.shape_cast %get3A_328 : vector<1x16xi32> to vector<16xi32>
    %iota3A_330 = tpu.iota {dimensions = array<i32: 0>} : vector<16xi32>
    %add3A_331 = arith.constant 80 : i32
    %add3A_332 = arith.addi %add3A_163, %add3A_331 : i32
    %add3A_333 = vector.broadcast %add3A_332 : i32 to vector<16xi32>
    %add3A_334 = arith.addi %iota3A_330, %add3A_333 : vector<16xi32>
    %rem3A_335 = arith.constant 200 : i32
    %rem3A_336 = vector.broadcast %rem3A_335 : i32 to vector<16xi32>
    %rem3A_337 = arith.remsi %add3A_334, %rem3A_336 : vector<16xi32>
    %mul3A_338 = arith.constant 240 : i32
    %mul3A_339 = vector.broadcast %mul3A_338 : i32 to vector<16xi32>
    %mul3A_340 = arith.muli %rem3A_337, %mul3A_339 : vector<16xi32>
    %mul3A_341 = arith.constant 8 : i32
    %mul3A_342 = vector.broadcast %mul3A_341 : i32 to vector<16xi32>
    %mul3A_343 = arith.muli %get3A_324, %mul3A_342 : vector<16xi32>
    %add3A_344 = arith.addi %mul3A_340, %mul3A_343 : vector<16xi32>
    %add3A_345 = arith.addi %add3A_344, %get3A_329 : vector<16xi32>
    %swap3A_346 = arith.constant 0 : i32
    %swap3A_347 = arith.index_cast %swap3A_346 : i32 to index
    %swap3A_348 = arith.constant 80 : index
    %swap3A_349 = tpu.vector_load %arg8[%swap3A_347, %swap3A_348] {strides = array<i32>} : memref<5x128xi32, #tpu.memory_space<vmem>>, vector<1x16xi32>,
    %swap3A_350 = vector.shape_cast %swap3A_349 : vector<1x16xi32> to vector<16xi32>
    %swap3A_351 = vector.shape_cast %add3A_345 : vector<16xi32> to vector<1x16xi32>
    tpu.vector_store %arg8[%swap3A_347, %swap3A_348], %swap3A_351 {strides = array<i32>} : memref<5x128xi32, #tpu.memory_space<vmem>>, vector<1x16xi32>,
    %get3A_352 = arith.constant 0 : i32
    %get3A_353 = arith.index_cast %get3A_352 : i32 to index
    %get3A_354 = arith.constant 96 : index
    %get3A_355 = tpu.vector_load %arg6[%get3A_353, %get3A_354] {strides = array<i32>} : memref<5x128xi32, #tpu.memory_space<vmem>>, vector<1x16xi32>,
    %get3A_356 = vector.shape_cast %get3A_355 : vector<1x16xi32> to vector<16xi32>
    %get3A_357 = arith.constant 0 : i32
    %get3A_358 = arith.index_cast %get3A_357 : i32 to index
    %get3A_359 = arith.constant 96 : index
    %get3A_360 = tpu.vector_load %arg7[%get3A_358, %get3A_359] {strides = array<i32>} : memref<5x128xi32, #tpu.memory_space<vmem>>, vector<1x16xi32>,
    %get3A_361 = vector.shape_cast %get3A_360 : vector<1x16xi32> to vector<16xi32>
    %iota3A_362 = tpu.iota {dimensions = array<i32: 0>} : vector<16xi32>
    %add3A_363 = arith.constant 96 : i32
    %add3A_364 = arith.addi %add3A_163, %add3A_363 : i32
    %add3A_365 = vector.broadcast %add3A_364 : i32 to vector<16xi32>
    %add3A_366 = arith.addi %iota3A_362, %add3A_365 : vector<16xi32>
    %rem3A_367 = arith.constant 200 : i32
    %rem3A_368 = vector.broadcast %rem3A_367 : i32 to vector<16xi32>
    %rem3A_369 = arith.remsi %add3A_366, %rem3A_368 : vector<16xi32>
    %mul3A_370 = arith.constant 240 : i32
    %mul3A_371 = vector.broadcast %mul3A_370 : i32 to vector<16xi32>
    %mul3A_372 = arith.muli %rem3A_369, %mul3A_371 : vector<16xi32>
    %mul3A_373 = arith.constant 8 : i32
    %mul3A_374 = vector.broadcast %mul3A_373 : i32 to vector<16xi32>
    %mul3A_375 = arith.muli %get3A_356, %mul3A_374 : vector<16xi32>
    %add3A_376 = arith.addi %mul3A_372, %mul3A_375 : vector<16xi32>
    %add3A_377 = arith.addi %add3A_376, %get3A_361 : vector<16xi32>
    %swap3A_378 = arith.constant 0 : i32
    %swap3A_379 = arith.index_cast %swap3A_378 : i32 to index
    %swap3A_380 = arith.constant 96 : index
    %swap3A_381 = tpu.vector_load %arg8[%swap3A_379, %swap3A_380] {strides = array<i32>} : memref<5x128xi32, #tpu.memory_space<vmem>>, vector<1x16xi32>,
    %swap3A_382 = vector.shape_cast %swap3A_381 : vector<1x16xi32> to vector<16xi32>
    %swap3A_383 = vector.shape_cast %add3A_377 : vector<16xi32> to vector<1x16xi32>
    tpu.vector_store %arg8[%swap3A_379, %swap3A_380], %swap3A_383 {strides = array<i32>} : memref<5x128xi32, #tpu.memory_space<vmem>>, vector<1x16xi32>,
    %get3A_384 = arith.constant 0 : i32
    %get3A_385 = arith.index_cast %get3A_384 : i32 to index
    %get3A_386 = arith.constant 112 : index
    %get3A_387 = tpu.vector_load %arg6[%get3A_385, %get3A_386] {strides = array<i32>} : memref<5x128xi32, #tpu.memory_space<vmem>>, vector<1x16xi32>,
    %get3A_388 = vector.shape_cast %get3A_387 : vector<1x16xi32> to vector<16xi32>
    %get3A_389 = arith.constant 0 : i32
    %get3A_390 = arith.index_cast %get3A_389 : i32 to index
    %get3A_391 = arith.constant 112 : index
    %get3A_392 = tpu.vector_load %arg7[%get3A_390, %get3A_391] {strides = array<i32>} : memref<5x128xi32, #tpu.memory_space<vmem>>, vector<1x16xi32>,
    %get3A_393 = vector.shape_cast %get3A_392 : vector<1x16xi32> to vector<16xi32>
    %iota3A_394 = tpu.iota {dimensions = array<i32: 0>} : vector<16xi32>
    %add3A_395 = arith.constant 112 : i32
    %add3A_396 = arith.addi %add3A_163, %add3A_395 : i32
    %add3A_397 = vector.broadcast %add3A_396 : i32 to vector<16xi32>
    %add3A_398 = arith.addi %iota3A_394, %add3A_397 : vector<16xi32>
    %rem3A_399 = arith.constant 200 : i32
    %rem3A_400 = vector.broadcast %rem3A_399 : i32 to vector<16xi32>
    %rem3A_401 = arith.remsi %add3A_398, %rem3A_400 : vector<16xi32>
    %mul3A_402 = arith.constant 240 : i32
    %mul3A_403 = vector.broadcast %mul3A_402 : i32 to vector<16xi32>
    %mul3A_404 = arith.muli %rem3A_401, %mul3A_403 : vector<16xi32>
    %mul3A_405 = arith.constant 8 : i32
    %mul3A_406 = vector.broadcast %mul3A_405 : i32 to vector<16xi32>
    %mul3A_407 = arith.muli %get3A_388, %mul3A_406 : vector<16xi32>
    %add3A_408 = arith.addi %mul3A_404, %mul3A_407 : vector<16xi32>
    %add3A_409 = arith.addi %add3A_408, %get3A_393 : vector<16xi32>
    %swap3A_410 = arith.constant 0 : i32
    %swap3A_411 = arith.index_cast %swap3A_410 : i32 to index
    %swap3A_412 = arith.constant 112 : index
    %swap3A_413 = tpu.vector_load %arg8[%swap3A_411, %swap3A_412] {strides = array<i32>} : memref<5x128xi32, #tpu.memory_space<vmem>>, vector<1x16xi32>,
    %swap3A_414 = vector.shape_cast %swap3A_413 : vector<1x16xi32> to vector<16xi32>
    %swap3A_415 = vector.shape_cast %add3A_409 : vector<16xi32> to vector<1x16xi32>
    tpu.vector_store %arg8[%swap3A_411, %swap3A_412], %swap3A_415 {strides = array<i32>} : memref<5x128xi32, #tpu.memory_space<vmem>>, vector<1x16xi32>,
    %dma_start3A_416 = arith.constant 0 : i32
    %dma_start3A_417 = arith.constant 0 : i32
    %dma_start3A_418 = arith.constant 0 : i32
    %dma_start3A_419 = arith.constant 0 : i32
    %dma_start3A_420 = arith.constant 0 : i32
    %dma_start3A_421 = tpu.memref_slice %arg9[%dma_start3A_417, %dma_start3A_419, %dma_start3A_420] : memref<5x128x128xf32, #tpu.memory_space<vmem>> -> memref<1x128x128xf32, #tpu.memory_space<vmem>>
    %dma_start3A_422 = tpu.memref_squeeze %dma_start3A_421 : memref<1x128x128xf32, #tpu.memory_space<vmem>> -> memref<128x128xf32, #tpu.memory_space<vmem>>
    %dma_start3A_423 = arith.constant 0 : i32
    %dma_start3A_424 = tpu.memref_slice %arg8[%dma_start3A_416, %dma_start3A_423] : memref<5x128xi32, #tpu.memory_space<vmem>> -> memref<1x128xi32, #tpu.memory_space<vmem>>
    %dma_start3A_425 = tpu.memref_squeeze %dma_start3A_424 : memref<1x128xi32, #tpu.memory_space<vmem>> -> memref<128xi32, #tpu.memory_space<vmem>>
    %dma_start3A_426 = arith.constant 0 : i32
    %dma_start3A_427 = arith.constant 0 : i32
    %dma_start3A_428 = tpu.memref_slice %arg4[%dma_start3A_426, %dma_start3A_427] : memref<48000x128xf32, #tpu.memory_space<hbm>> -> memref<48000x128xf32, #tpu.memory_space<hbm>>
    %dma_start3A_429 = tpu.memref_slice %arg11[%dma_start3A_418] : memref<5x!tpu.dma_semaphore, #tpu.memory_space<semaphore_mem>> -> memref<1x!tpu.dma_semaphore, #tpu.memory_space<semaphore_mem>>
    %dma_start3A_430 = tpu.memref_squeeze %dma_start3A_429 : memref<1x!tpu.dma_semaphore, #tpu.memory_space<semaphore_mem>> -> memref<!tpu.dma_semaphore, #tpu.memory_space<semaphore_mem>>
    tpu.enqueue_indirect_dma source(%dma_start3A_428 : memref<48000x128xf32, #tpu.memory_space<hbm>>) target(%dma_start3A_422 : memref<128x128xf32, #tpu.memory_space<vmem>>) offsets(%dma_start3A_425 : memref<128xi32, #tpu.memory_space<vmem>>) semaphore(%dma_start3A_430 : memref<!tpu.dma_semaphore, #tpu.memory_space<semaphore_mem>>)
    %add3A_431 = arith.constant 128 : i32
    %add3A_432 = arith.addi %mul3A_2, %add3A_431 : i32
    %multiple_of3A_433 = tpu.assume_multiple %add3A_432, 8 : i32
    %dma_wait3A_434 = arith.constant 1 : i32
    %dma_wait3A_435 = arith.constant 1 : i32
    %dma_wait3A_436 = arith.constant 0 : i32
    %dma_wait3A_437 = tpu.memref_slice %arg6[%dma_wait3A_434, %dma_wait3A_436] : memref<5x128xi32, #tpu.memory_space<vmem>> -> memref<1x128xi32, #tpu.memory_space<vmem>>
    %dma_wait3A_438 = tpu.memref_squeeze %dma_wait3A_437 : memref<1x128xi32, #tpu.memory_space<vmem>> -> memref<128xi32, #tpu.memory_space<vmem>>
    %dma_wait3A_439 = tpu.memref_slice %arg2[%multiple_of3A_433] : memref<204800xi32, #tpu.memory_space<hbm>> -> memref<128xi32, #tpu.memory_space<hbm>>
    %dma_wait3A_440 = tpu.memref_slice %arg10[%dma_wait3A_435] : memref<5x!tpu.dma_semaphore, #tpu.memory_space<semaphore_mem>> -> memref<1x!tpu.dma_semaphore, #tpu.memory_space<semaphore_mem>>
    %dma_wait3A_441 = tpu.memref_squeeze %dma_wait3A_440 : memref<1x!tpu.dma_semaphore, #tpu.memory_space<semaphore_mem>> -> memref<!tpu.dma_semaphore, #tpu.memory_space<semaphore_mem>>
    %dma_wait3A_442 = arith.constant 0 : i32
    %dma_wait3A_443 = tpu.memref_slice %arg6[%dma_wait3A_434, %dma_wait3A_442] : memref<5x128xi32, #tpu.memory_space<vmem>> -> memref<1x128xi32, #tpu.memory_space<vmem>>
    %dma_wait3A_444 = tpu.memref_squeeze %dma_wait3A_443 : memref<1x128xi32, #tpu.memory_space<vmem>> -> memref<128xi32, #tpu.memory_space<vmem>>
    %dma_wait3A_445 = tpu.memref_slice %arg2[%multiple_of3A_433] : memref<204800xi32, #tpu.memory_space<hbm>> -> memref<128xi32, #tpu.memory_space<hbm>>
    tpu.wait_dma2 semaphore(%dma_wait3A_441 : memref<!tpu.dma_semaphore, #tpu.memory_space<semaphore_mem>>) src(%dma_wait3A_445 : memref<128xi32, #tpu.memory_space<hbm>>) dst(%dma_wait3A_444 : memref<128xi32, #tpu.memory_space<vmem>>)
    %dma_wait3A_446 = arith.constant 1 : i32
    %dma_wait3A_447 = arith.constant 1 : i32
    %dma_wait3A_448 = arith.constant 0 : i32
    %dma_wait3A_449 = tpu.memref_slice %arg7[%dma_wait3A_446, %dma_wait3A_448] : memref<5x128xi32, #tpu.memory_space<vmem>> -> memref<1x128xi32, #tpu.memory_space<vmem>>
    %dma_wait3A_450 = tpu.memref_squeeze %dma_wait3A_449 : memref<1x128xi32, #tpu.memory_space<vmem>> -> memref<128xi32, #tpu.memory_space<vmem>>
    %dma_wait3A_451 = tpu.memref_slice %arg3[%multiple_of3A_433] : memref<204800xi32, #tpu.memory_space<hbm>> -> memref<128xi32, #tpu.memory_space<hbm>>
    %dma_wait3A_452 = tpu.memref_slice %arg10[%dma_wait3A_447] : memref<5x!tpu.dma_semaphore, #tpu.memory_space<semaphore_mem>> -> memref<1x!tpu.dma_semaphore, #tpu.memory_space<semaphore_mem>>
    %dma_wait3A_453 = tpu.memref_squeeze %dma_wait3A_452 : memref<1x!tpu.dma_semaphore, #tpu.memory_space<semaphore_mem>> -> memref<!tpu.dma_semaphore, #tpu.memory_space<semaphore_mem>>
    %dma_wait3A_454 = arith.constant 0 : i32
    %dma_wait3A_455 = tpu.memref_slice %arg7[%dma_wait3A_446, %dma_wait3A_454] : memref<5x128xi32, #tpu.memory_space<vmem>> -> memref<1x128xi32, #tpu.memory_space<vmem>>
    %dma_wait3A_456 = tpu.memref_squeeze %dma_wait3A_455 : memref<1x128xi32, #tpu.memory_space<vmem>> -> memref<128xi32, #tpu.memory_space<vmem>>
    %dma_wait3A_457 = tpu.memref_slice %arg3[%multiple_of3A_433] : memref<204800xi32, #tpu.memory_space<hbm>> -> memref<128xi32, #tpu.memory_space<hbm>>
    tpu.wait_dma2 semaphore(%dma_wait3A_453 : memref<!tpu.dma_semaphore, #tpu.memory_space<semaphore_mem>>) src(%dma_wait3A_457 : memref<128xi32, #tpu.memory_space<hbm>>) dst(%dma_wait3A_456 : memref<128xi32, #tpu.memory_space<vmem>>)
    %add3A_458 = arith.constant 128 : i32
    %add3A_459 = arith.addi %mul3A_2, %add3A_458 : i32
    %get3A_460 = arith.constant 1 : i32
    %get3A_461 = arith.index_cast %get3A_460 : i32 to index
    %get3A_462 = arith.constant 0 : index
    %get3A_463 = tpu.vector_load %arg6[%get3A_461, %get3A_462] {strides = array<i32>} : memref<5x128xi32, #tpu.memory_space<vmem>>, vector<1x16xi32>,
    %get3A_464 = vector.shape_cast %get3A_463 : vector<1x16xi32> to vector<16xi32>
    %get3A_465 = arith.constant 1 : i32
    %get3A_466 = arith.index_cast %get3A_465 : i32 to index
    %get3A_467 = arith.constant 0 : index
    %get3A_468 = tpu.vector_load %arg7[%get3A_466, %get3A_467] {strides = array<i32>} : memref<5x128xi32, #tpu.memory_space<vmem>>, vector<1x16xi32>,
    %get3A_469 = vector.shape_cast %get3A_468 : vector<1x16xi32> to vector<16xi32>
    %iota3A_470 = tpu.iota {dimensions = array<i32: 0>} : vector<16xi32>
    %add3A_471 = arith.constant 0 : i32
    %add3A_472 = arith.addi %add3A_459, %add3A_471 : i32
    %add3A_473 = vector.broadcast %add3A_472 : i32 to vector<16xi32>
    %add3A_474 = arith.addi %iota3A_470, %add3A_473 : vector<16xi32>
    %rem3A_475 = arith.constant 200 : i32
    %rem3A_476 = vector.broadcast %rem3A_475 : i32 to vector<16xi32>
    %rem3A_477 = arith.remsi %add3A_474, %rem3A_476 : vector<16xi32>
    %mul3A_478 = arith.constant 240 : i32
    %mul3A_479 = vector.broadcast %mul3A_478 : i32 to vector<16xi32>
    %mul3A_480 = arith.muli %rem3A_477, %mul3A_479 : vector<16xi32>
    %mul3A_481 = arith.constant 8 : i32
    %mul3A_482 = vector.broadcast %mul3A_481 : i32 to vector<16xi32>
    %mul3A_483 = arith.muli %get3A_464, %mul3A_482 : vector<16xi32>
    %add3A_484 = arith.addi %mul3A_480, %mul3A_483 : vector<16xi32>
    %add3A_485 = arith.addi %add3A_484, %get3A_469 : vector<16xi32>
    %swap3A_486 = arith.constant 1 : i32
    %swap3A_487 = arith.index_cast %swap3A_486 : i32 to index
    %swap3A_488 = arith.constant 0 : index
    %swap3A_489 = tpu.vector_load %arg8[%swap3A_487, %swap3A_488] {strides = array<i32>} : memref<5x128xi32, #tpu.memory_space<vmem>>, vector<1x16xi32>,
    %swap3A_490 = vector.shape_cast %swap3A_489 : vector<1x16xi32> to vector<16xi32>
    %swap3A_491 = vector.shape_cast %add3A_485 : vector<16xi32> to vector<1x16xi32>
    tpu.vector_store %arg8[%swap3A_487, %swap3A_488], %swap3A_491 {strides = array<i32>} : memref<5x128xi32, #tpu.memory_space<vmem>>, vector<1x16xi32>,
    %get3A_492 = arith.constant 1 : i32
    %get3A_493 = arith.index_cast %get3A_492 : i32 to index
    %get3A_494 = arith.constant 16 : index
    %get3A_495 = tpu.vector_load %arg6[%get3A_493, %get3A_494] {strides = array<i32>} : memref<5x128xi32, #tpu.memory_space<vmem>>, vector<1x16xi32>,
    %get3A_496 = vector.shape_cast %get3A_495 : vector<1x16xi32> to vector<16xi32>
    %get3A_497 = arith.constant 1 : i32
    %get3A_498 = arith.index_cast %get3A_497 : i32 to index
    %get3A_499 = arith.constant 16 : index
    %get3A_500 = tpu.vector_load %arg7[%get3A_498, %get3A_499] {strides = array<i32>} : memref<5x128xi32, #tpu.memory_space<vmem>>, vector<1x16xi32>,
    %get3A_501 = vector.shape_cast %get3A_500 : vector<1x16xi32> to vector<16xi32>
    %iota3A_502 = tpu.iota {dimensions = array<i32: 0>} : vector<16xi32>
    %add3A_503 = arith.constant 16 : i32
    %add3A_504 = arith.addi %add3A_459, %add3A_503 : i32
    %add3A_505 = vector.broadcast %add3A_504 : i32 to vector<16xi32>
    %add3A_506 = arith.addi %iota3A_502, %add3A_505 : vector<16xi32>
    %rem3A_507 = arith.constant 200 : i32
    %rem3A_508 = vector.broadcast %rem3A_507 : i32 to vector<16xi32>
    %rem3A_509 = arith.remsi %add3A_506, %rem3A_508 : vector<16xi32>
    %mul3A_510 = arith.constant 240 : i32
    %mul3A_511 = vector.broadcast %mul3A_510 : i32 to vector<16xi32>
    %mul3A_512 = arith.muli %rem3A_509, %mul3A_511 : vector<16xi32>
    %mul3A_513 = arith.constant 8 : i32
    %mul3A_514 = vector.broadcast %mul3A_513 : i32 to vector<16xi32>
    %mul3A_515 = arith.muli %get3A_496, %mul3A_514 : vector<16xi32>
    %add3A_516 = arith.addi %mul3A_512, %mul3A_515 : vector<16xi32>
    %add3A_517 = arith.addi %add3A_516, %get3A_501 : vector<16xi32>
    %swap3A_518 = arith.constant 1 : i32
    %swap3A_519 = arith.index_cast %swap3A_518 : i32 to index
    %swap3A_520 = arith.constant 16 : index
    %swap3A_521 = tpu.vector_load %arg8[%swap3A_519, %swap3A_520] {strides = array<i32>} : memref<5x128xi32, #tpu.memory_space<vmem>>, vector<1x16xi32>,
    %swap3A_522 = vector.shape_cast %swap3A_521 : vector<1x16xi32> to vector<16xi32>
    %swap3A_523 = vector.shape_cast %add3A_517 : vector<16xi32> to vector<1x16xi32>
    tpu.vector_store %arg8[%swap3A_519, %swap3A_520], %swap3A_523 {strides = array<i32>} : memref<5x128xi32, #tpu.memory_space<vmem>>, vector<1x16xi32>,
    %get3A_524 = arith.constant 1 : i32
    %get3A_525 = arith.index_cast %get3A_524 : i32 to index
    %get3A_526 = arith.constant 32 : index
    %get3A_527 = tpu.vector_load %arg6[%get3A_525, %get3A_526] {strides = array<i32>} : memref<5x128xi32, #tpu.memory_space<vmem>>, vector<1x16xi32>,
    %get3A_528 = vector.shape_cast %get3A_527 : vector<1x16xi32> to vector<16xi32>
    %get3A_529 = arith.constant 1 : i32
    %get3A_530 = arith.index_cast %get3A_529 : i32 to index
    %get3A_531 = arith.constant 32 : index
    %get3A_532 = tpu.vector_load %arg7[%get3A_530, %get3A_531] {strides = array<i32>} : memref<5x128xi32, #tpu.memory_space<vmem>>, vector<1x16xi32>,
    %get3A_533 = vector.shape_cast %get3A_532 : vector<1x16xi32> to vector<16xi32>
    %iota3A_534 = tpu.iota {dimensions = array<i32: 0>} : vector<16xi32>
    %add3A_535 = arith.constant 32 : i32
    %add3A_536 = arith.addi %add3A_459, %add3A_535 : i32
    %add3A_537 = vector.broadcast %add3A_536 : i32 to vector<16xi32>
    %add3A_538 = arith.addi %iota3A_534, %add3A_537 : vector<16xi32>
    %rem3A_539 = arith.constant 200 : i32
    %rem3A_540 = vector.broadcast %rem3A_539 : i32 to vector<16xi32>
    %rem3A_541 = arith.remsi %add3A_538, %rem3A_540 : vector<16xi32>
    %mul3A_542 = arith.constant 240 : i32
    %mul3A_543 = vector.broadcast %mul3A_542 : i32 to vector<16xi32>
    %mul3A_544 = arith.muli %rem3A_541, %mul3A_543 : vector<16xi32>
    %mul3A_545 = arith.constant 8 : i32
    %mul3A_546 = vector.broadcast %mul3A_545 : i32 to vector<16xi32>
    %mul3A_547 = arith.muli %get3A_528, %mul3A_546 : vector<16xi32>
    %add3A_548 = arith.addi %mul3A_544, %mul3A_547 : vector<16xi32>
    %add3A_549 = arith.addi %add3A_548, %get3A_533 : vector<16xi32>
    %swap3A_550 = arith.constant 1 : i32
    %swap3A_551 = arith.index_cast %swap3A_550 : i32 to index
    %swap3A_552 = arith.constant 32 : index
    %swap3A_553 = tpu.vector_load %arg8[%swap3A_551, %swap3A_552] {strides = array<i32>} : memref<5x128xi32, #tpu.memory_space<vmem>>, vector<1x16xi32>,
    %swap3A_554 = vector.shape_cast %swap3A_553 : vector<1x16xi32> to vector<16xi32>
    %swap3A_555 = vector.shape_cast %add3A_549 : vector<16xi32> to vector<1x16xi32>
    tpu.vector_store %arg8[%swap3A_551, %swap3A_552], %swap3A_555 {strides = array<i32>} : memref<5x128xi32, #tpu.memory_space<vmem>>, vector<1x16xi32>,
    %get3A_556 = arith.constant 1 : i32
    %get3A_557 = arith.index_cast %get3A_556 : i32 to index
    %get3A_558 = arith.constant 48 : index
    %get3A_559 = tpu.vector_load %arg6[%get3A_557, %get3A_558] {strides = array<i32>} : memref<5x128xi32, #tpu.memory_space<vmem>>, vector<1x16xi32>,
    %get3A_560 = vector.shape_cast %get3A_559 : vector<1x16xi32> to vector<16xi32>
    %get3A_561 = arith.constant 1 : i32
    %get3A_562 = arith.index_cast %get3A_561 : i32 to index
    %get3A_563 = arith.constant 48 : index
    %get3A_564 = tpu.vector_load %arg7[%get3A_562, %get3A_563] {strides = array<i32>} : memref<5x128xi32, #tpu.memory_space<vmem>>, vector<1x16xi32>,
    %get3A_565 = vector.shape_cast %get3A_564 : vector<1x16xi32> to vector<16xi32>
    %iota3A_566 = tpu.iota {dimensions = array<i32: 0>} : vector<16xi32>
    %add3A_567 = arith.constant 48 : i32
    %add3A_568 = arith.addi %add3A_459, %add3A_567 : i32
    %add3A_569 = vector.broadcast %add3A_568 : i32 to vector<16xi32>
    %add3A_570 = arith.addi %iota3A_566, %add3A_569 : vector<16xi32>
    %rem3A_571 = arith.constant 200 : i32
    %rem3A_572 = vector.broadcast %rem3A_571 : i32 to vector<16xi32>
    %rem3A_573 = arith.remsi %add3A_570, %rem3A_572 : vector<16xi32>
    %mul3A_574 = arith.constant 240 : i32
    %mul3A_575 = vector.broadcast %mul3A_574 : i32 to vector<16xi32>
    %mul3A_576 = arith.muli %rem3A_573, %mul3A_575 : vector<16xi32>
    %mul3A_577 = arith.constant 8 : i32
    %mul3A_578 = vector.broadcast %mul3A_577 : i32 to vector<16xi32>
    %mul3A_579 = arith.muli %get3A_560, %mul3A_578 : vector<16xi32>
    %add3A_580 = arith.addi %mul3A_576, %mul3A_579 : vector<16xi32>
    %add3A_581 = arith.addi %add3A_580, %get3A_565 : vector<16xi32>
    %swap3A_582 = arith.constant 1 : i32
    %swap3A_583 = arith.index_cast %swap3A_582 : i32 to index
    %swap3A_584 = arith.constant 48 : index
    %swap3A_585 = tpu.vector_load %arg8[%swap3A_583, %swap3A_584] {strides = array<i32>} : memref<5x128xi32, #tpu.memory_space<vmem>>, vector<1x16xi32>,
    %swap3A_586 = vector.shape_cast %swap3A_585 : vector<1x16xi32> to vector<16xi32>
    %swap3A_587 = vector.shape_cast %add3A_581 : vector<16xi32> to vector<1x16xi32>
    tpu.vector_store %arg8[%swap3A_583, %swap3A_584], %swap3A_587 {strides = array<i32>} : memref<5x128xi32, #tpu.memory_space<vmem>>, vector<1x16xi32>,
    %get3A_588 = arith.constant 1 : i32
    %get3A_589 = arith.index_cast %get3A_588 : i32 to index
    %get3A_590 = arith.constant 64 : index
    %get3A_591 = tpu.vector_load %arg6[%get3A_589, %get3A_590] {strides = array<i32>} : memref<5x128xi32, #tpu.memory_space<vmem>>, vector<1x16xi32>,
    %get3A_592 = vector.shape_cast %get3A_591 : vector<1x16xi32> to vector<16xi32>
    %get3A_593 = arith.constant 1 : i32
    %get3A_594 = arith.index_cast %get3A_593 : i32 to index
    %get3A_595 = arith.constant 64 : index
    %get3A_596 = tpu.vector_load %arg7[%get3A_594, %get3A_595] {strides = array<i32>} : memref<5x128xi32, #tpu.memory_space<vmem>>, vector<1x16xi32>,
    %get3A_597 = vector.shape_cast %get3A_596 : vector<1x16xi32> to vector<16xi32>
    %iota3A_598 = tpu.iota {dimensions = array<i32: 0>} : vector<16xi32>
    %add3A_599 = arith.constant 64 : i32
    %add3A_600 = arith.addi %add3A_459, %add3A_599 : i32
    %add3A_601 = vector.broadcast %add3A_600 : i32 to vector<16xi32>
    %add3A_602 = arith.addi %iota3A_598, %add3A_601 : vector<16xi32>
    %rem3A_603 = arith.constant 200 : i32
    %rem3A_604 = vector.broadcast %rem3A_603 : i32 to vector<16xi32>
    %rem3A_605 = arith.remsi %add3A_602, %rem3A_604 : vector<16xi32>
    %mul3A_606 = arith.constant 240 : i32
    %mul3A_607 = vector.broadcast %mul3A_606 : i32 to vector<16xi32>
    %mul3A_608 = arith.muli %rem3A_605, %mul3A_607 : vector<16xi32>
    %mul3A_609 = arith.constant 8 : i32
    %mul3A_610 = vector.broadcast %mul3A_609 : i32 to vector<16xi32>
    %mul3A_611 = arith.muli %get3A_592, %mul3A_610 : vector<16xi32>
    %add3A_612 = arith.addi %mul3A_608, %mul3A_611 : vector<16xi32>
    %add3A_613 = arith.addi %add3A_612, %get3A_597 : vector<16xi32>
    %swap3A_614 = arith.constant 1 : i32
    %swap3A_615 = arith.index_cast %swap3A_614 : i32 to index
    %swap3A_616 = arith.constant 64 : index
    %swap3A_617 = tpu.vector_load %arg8[%swap3A_615, %swap3A_616] {strides = array<i32>} : memref<5x128xi32, #tpu.memory_space<vmem>>, vector<1x16xi32>,
    %swap3A_618 = vector.shape_cast %swap3A_617 : vector<1x16xi32> to vector<16xi32>
    %swap3A_619 = vector.shape_cast %add3A_613 : vector<16xi32> to vector<1x16xi32>
    tpu.vector_store %arg8[%swap3A_615, %swap3A_616], %swap3A_619 {strides = array<i32>} : memref<5x128xi32, #tpu.memory_space<vmem>>, vector<1x16xi32>,
    %get3A_620 = arith.constant 1 : i32
    %get3A_621 = arith.index_cast %get3A_620 : i32 to index
    %get3A_622 = arith.constant 80 : index
    %get3A_623 = tpu.vector_load %arg6[%get3A_621, %get3A_622] {strides = array<i32>} : memref<5x128xi32, #tpu.memory_space<vmem>>, vector<1x16xi32>,
    %get3A_624 = vector.shape_cast %get3A_623 : vector<1x16xi32> to vector<16xi32>
    %get3A_625 = arith.constant 1 : i32
    %get3A_626 = arith.index_cast %get3A_625 : i32 to index
    %get3A_627 = arith.constant 80 : index
    %get3A_628 = tpu.vector_load %arg7[%get3A_626, %get3A_627] {strides = array<i32>} : memref<5x128xi32, #tpu.memory_space<vmem>>, vector<1x16xi32>,
    %get3A_629 = vector.shape_cast %get3A_628 : vector<1x16xi32> to vector<16xi32>
    %iota3A_630 = tpu.iota {dimensions = array<i32: 0>} : vector<16xi32>
    %add3A_631 = arith.constant 80 : i32
    %add3A_632 = arith.addi %add3A_459, %add3A_631 : i32
    %add3A_633 = vector.broadcast %add3A_632 : i32 to vector<16xi32>
    %add3A_634 = arith.addi %iota3A_630, %add3A_633 : vector<16xi32>
    %rem3A_635 = arith.constant 200 : i32
    %rem3A_636 = vector.broadcast %rem3A_635 : i32 to vector<16xi32>
    %rem3A_637 = arith.remsi %add3A_634, %rem3A_636 : vector<16xi32>
    %mul3A_638 = arith.constant 240 : i32
    %mul3A_639 = vector.broadcast %mul3A_638 : i32 to vector<16xi32>
    %mul3A_640 = arith.muli %rem3A_637, %mul3A_639 : vector<16xi32>
    %mul3A_641 = arith.constant 8 : i32
    %mul3A_642 = vector.broadcast %mul3A_641 : i32 to vector<16xi32>
    %mul3A_643 = arith.muli %get3A_624, %mul3A_642 : vector<16xi32>
    %add3A_644 = arith.addi %mul3A_640, %mul3A_643 : vector<16xi32>
    %add3A_645 = arith.addi %add3A_644, %get3A_629 : vector<16xi32>
    %swap3A_646 = arith.constant 1 : i32
    %swap3A_647 = arith.index_cast %swap3A_646 : i32 to index
    %swap3A_648 = arith.constant 80 : index
    %swap3A_649 = tpu.vector_load %arg8[%swap3A_647, %swap3A_648] {strides = array<i32>} : memref<5x128xi32, #tpu.memory_space<vmem>>, vector<1x16xi32>,
    %swap3A_650 = vector.shape_cast %swap3A_649 : vector<1x16xi32> to vector<16xi32>
    %swap3A_651 = vector.shape_cast %add3A_645 : vector<16xi32> to vector<1x16xi32>
    tpu.vector_store %arg8[%swap3A_647, %swap3A_648], %swap3A_651 {strides = array<i32>} : memref<5x128xi32, #tpu.memory_space<vmem>>, vector<1x16xi32>,
    %get3A_652 = arith.constant 1 : i32
    %get3A_653 = arith.index_cast %get3A_652 : i32 to index
    %get3A_654 = arith.constant 96 : index
    %get3A_655 = tpu.vector_load %arg6[%get3A_653, %get3A_654] {strides = array<i32>} : memref<5x128xi32, #tpu.memory_space<vmem>>, vector<1x16xi32>,
    %get3A_656 = vector.shape_cast %get3A_655 : vector<1x16xi32> to vector<16xi32>
    %get3A_657 = arith.constant 1 : i32
    %get3A_658 = arith.index_cast %get3A_657 : i32 to index
    %get3A_659 = arith.constant 96 : index
    %get3A_660 = tpu.vector_load %arg7[%get3A_658, %get3A_659] {strides = array<i32>} : memref<5x128xi32, #tpu.memory_space<vmem>>, vector<1x16xi32>,
    %get3A_661 = vector.shape_cast %get3A_660 : vector<1x16xi32> to vector<16xi32>
    %iota3A_662 = tpu.iota {dimensions = array<i32: 0>} : vector<16xi32>
    %add3A_663 = arith.constant 96 : i32
    %add3A_664 = arith.addi %add3A_459, %add3A_663 : i32
    %add3A_665 = vector.broadcast %add3A_664 : i32 to vector<16xi32>
    %add3A_666 = arith.addi %iota3A_662, %add3A_665 : vector<16xi32>
    %rem3A_667 = arith.constant 200 : i32
    %rem3A_668 = vector.broadcast %rem3A_667 : i32 to vector<16xi32>
    %rem3A_669 = arith.remsi %add3A_666, %rem3A_668 : vector<16xi32>
    %mul3A_670 = arith.constant 240 : i32
    %mul3A_671 = vector.broadcast %mul3A_670 : i32 to vector<16xi32>
    %mul3A_672 = arith.muli %rem3A_669, %mul3A_671 : vector<16xi32>
    %mul3A_673 = arith.constant 8 : i32
    %mul3A_674 = vector.broadcast %mul3A_673 : i32 to vector<16xi32>
    %mul3A_675 = arith.muli %get3A_656, %mul3A_674 : vector<16xi32>
    %add3A_676 = arith.addi %mul3A_672, %mul3A_675 : vector<16xi32>
    %add3A_677 = arith.addi %add3A_676, %get3A_661 : vector<16xi32>
    %swap3A_678 = arith.constant 1 : i32
    %swap3A_679 = arith.index_cast %swap3A_678 : i32 to index
    %swap3A_680 = arith.constant 96 : index
    %swap3A_681 = tpu.vector_load %arg8[%swap3A_679, %swap3A_680] {strides = array<i32>} : memref<5x128xi32, #tpu.memory_space<vmem>>, vector<1x16xi32>,
    %swap3A_682 = vector.shape_cast %swap3A_681 : vector<1x16xi32> to vector<16xi32>
    %swap3A_683 = vector.shape_cast %add3A_677 : vector<16xi32> to vector<1x16xi32>
    tpu.vector_store %arg8[%swap3A_679, %swap3A_680], %swap3A_683 {strides = array<i32>} : memref<5x128xi32, #tpu.memory_space<vmem>>, vector<1x16xi32>,
    %get3A_684 = arith.constant 1 : i32
    %get3A_685 = arith.index_cast %get3A_684 : i32 to index
    %get3A_686 = arith.constant 112 : index
    %get3A_687 = tpu.vector_load %arg6[%get3A_685, %get3A_686] {strides = array<i32>} : memref<5x128xi32, #tpu.memory_space<vmem>>, vector<1x16xi32>,
    %get3A_688 = vector.shape_cast %get3A_687 : vector<1x16xi32> to vector<16xi32>
    %get3A_689 = arith.constant 1 : i32
    %get3A_690 = arith.index_cast %get3A_689 : i32 to index
    %get3A_691 = arith.constant 112 : index
    %get3A_692 = tpu.vector_load %arg7[%get3A_690, %get3A_691] {strides = array<i32>} : memref<5x128xi32, #tpu.memory_space<vmem>>, vector<1x16xi32>,
    %get3A_693 = vector.shape_cast %get3A_692 : vector<1x16xi32> to vector<16xi32>
    %iota3A_694 = tpu.iota {dimensions = array<i32: 0>} : vector<16xi32>
    %add3A_695 = arith.constant 112 : i32
    %add3A_696 = arith.addi %add3A_459, %add3A_695 : i32
    %add3A_697 = vector.broadcast %add3A_696 : i32 to vector<16xi32>
    %add3A_698 = arith.addi %iota3A_694, %add3A_697 : vector<16xi32>
    %rem3A_699 = arith.constant 200 : i32
    %rem3A_700 = vector.broadcast %rem3A_699 : i32 to vector<16xi32>
    %rem3A_701 = arith.remsi %add3A_698, %rem3A_700 : vector<16xi32>
    %mul3A_702 = arith.constant 240 : i32
    %mul3A_703 = vector.broadcast %mul3A_702 : i32 to vector<16xi32>
    %mul3A_704 = arith.muli %rem3A_701, %mul3A_703 : vector<16xi32>
    %mul3A_705 = arith.constant 8 : i32
    %mul3A_706 = vector.broadcast %mul3A_705 : i32 to vector<16xi32>
    %mul3A_707 = arith.muli %get3A_688, %mul3A_706 : vector<16xi32>
    %add3A_708 = arith.addi %mul3A_704, %mul3A_707 : vector<16xi32>
    %add3A_709 = arith.addi %add3A_708, %get3A_693 : vector<16xi32>
    %swap3A_710 = arith.constant 1 : i32
    %swap3A_711 = arith.index_cast %swap3A_710 : i32 to index
    %swap3A_712 = arith.constant 112 : index
    %swap3A_713 = tpu.vector_load %arg8[%swap3A_711, %swap3A_712] {strides = array<i32>} : memref<5x128xi32, #tpu.memory_space<vmem>>, vector<1x16xi32>,
    %swap3A_714 = vector.shape_cast %swap3A_713 : vector<1x16xi32> to vector<16xi32>
    %swap3A_715 = vector.shape_cast %add3A_709 : vector<16xi32> to vector<1x16xi32>
    tpu.vector_store %arg8[%swap3A_711, %swap3A_712], %swap3A_715 {strides = array<i32>} : memref<5x128xi32, #tpu.memory_space<vmem>>, vector<1x16xi32>,
    %dma_start3A_716 = arith.constant 1 : i32
    %dma_start3A_717 = arith.constant 1 : i32
    %dma_start3A_718 = arith.constant 1 : i32
    %dma_start3A_719 = arith.constant 0 : i32
    %dma_start3A_720 = arith.constant 0 : i32
    %dma_start3A_721 = tpu.memref_slice %arg9[%dma_start3A_717, %dma_start3A_719, %dma_start3A_720] : memref<5x128x128xf32, #tpu.memory_space<vmem>> -> memref<1x128x128xf32, #tpu.memory_space<vmem>>
    %dma_start3A_722 = tpu.memref_squeeze %dma_start3A_721 : memref<1x128x128xf32, #tpu.memory_space<vmem>> -> memref<128x128xf32, #tpu.memory_space<vmem>>
    %dma_start3A_723 = arith.constant 0 : i32
    %dma_start3A_724 = tpu.memref_slice %arg8[%dma_start3A_716, %dma_start3A_723] : memref<5x128xi32, #tpu.memory_space<vmem>> -> memref<1x128xi32, #tpu.memory_space<vmem>>
    %dma_start3A_725 = tpu.memref_squeeze %dma_start3A_724 : memref<1x128xi32, #tpu.memory_space<vmem>> -> memref<128xi32, #tpu.memory_space<vmem>>
    %dma_start3A_726 = arith.constant 0 : i32
    %dma_start3A_727 = arith.constant 0 : i32
    %dma_start3A_728 = tpu.memref_slice %arg4[%dma_start3A_726, %dma_start3A_727] : memref<48000x128xf32, #tpu.memory_space<hbm>> -> memref<48000x128xf32, #tpu.memory_space<hbm>>
    %dma_start3A_729 = tpu.memref_slice %arg11[%dma_start3A_718] : memref<5x!tpu.dma_semaphore, #tpu.memory_space<semaphore_mem>> -> memref<1x!tpu.dma_semaphore, #tpu.memory_space<semaphore_mem>>
    %dma_start3A_730 = tpu.memref_squeeze %dma_start3A_729 : memref<1x!tpu.dma_semaphore, #tpu.memory_space<semaphore_mem>> -> memref<!tpu.dma_semaphore, #tpu.memory_space<semaphore_mem>>
    tpu.enqueue_indirect_dma source(%dma_start3A_728 : memref<48000x128xf32, #tpu.memory_space<hbm>>) target(%dma_start3A_722 : memref<128x128xf32, #tpu.memory_space<vmem>>) offsets(%dma_start3A_725 : memref<128xi32, #tpu.memory_space<vmem>>) semaphore(%dma_start3A_730 : memref<!tpu.dma_semaphore, #tpu.memory_space<semaphore_mem>>)
    %add3A_731 = arith.constant 256 : i32
    %add3A_732 = arith.addi %mul3A_2, %add3A_731 : i32
    %multiple_of3A_733 = tpu.assume_multiple %add3A_732, 8 : i32
    %dma_wait3A_734 = arith.constant 2 : i32
    %dma_wait3A_735 = arith.constant 2 : i32
    %dma_wait3A_736 = arith.constant 0 : i32
    %dma_wait3A_737 = tpu.memref_slice %arg6[%dma_wait3A_734, %dma_wait3A_736] : memref<5x128xi32, #tpu.memory_space<vmem>> -> memref<1x128xi32, #tpu.memory_space<vmem>>
    %dma_wait3A_738 = tpu.memref_squeeze %dma_wait3A_737 : memref<1x128xi32, #tpu.memory_space<vmem>> -> memref<128xi32, #tpu.memory_space<vmem>>
    %dma_wait3A_739 = tpu.memref_slice %arg2[%multiple_of3A_733] : memref<204800xi32, #tpu.memory_space<hbm>> -> memref<128xi32, #tpu.memory_space<hbm>>
    %dma_wait3A_740 = tpu.memref_slice %arg10[%dma_wait3A_735] : memref<5x!tpu.dma_semaphore, #tpu.memory_space<semaphore_mem>> -> memref<1x!tpu.dma_semaphore, #tpu.memory_space<semaphore_mem>>
    %dma_wait3A_741 = tpu.memref_squeeze %dma_wait3A_740 : memref<1x!tpu.dma_semaphore, #tpu.memory_space<semaphore_mem>> -> memref<!tpu.dma_semaphore, #tpu.memory_space<semaphore_mem>>
    %dma_wait3A_742 = arith.constant 0 : i32
    %dma_wait3A_743 = tpu.memref_slice %arg6[%dma_wait3A_734, %dma_wait3A_742] : memref<5x128xi32, #tpu.memory_space<vmem>> -> memref<1x128xi32, #tpu.memory_space<vmem>>
    %dma_wait3A_744 = tpu.memref_squeeze %dma_wait3A_743 : memref<1x128xi32, #tpu.memory_space<vmem>> -> memref<128xi32, #tpu.memory_space<vmem>>
    %dma_wait3A_745 = tpu.memref_slice %arg2[%multiple_of3A_733] : memref<204800xi32, #tpu.memory_space<hbm>> -> memref<128xi32, #tpu.memory_space<hbm>>
    tpu.wait_dma2 semaphore(%dma_wait3A_741 : memref<!tpu.dma_semaphore, #tpu.memory_space<semaphore_mem>>) src(%dma_wait3A_745 : memref<128xi32, #tpu.memory_space<hbm>>) dst(%dma_wait3A_744 : memref<128xi32, #tpu.memory_space<vmem>>)
    %dma_wait3A_746 = arith.constant 2 : i32
    %dma_wait3A_747 = arith.constant 2 : i32
    %dma_wait3A_748 = arith.constant 0 : i32
    %dma_wait3A_749 = tpu.memref_slice %arg7[%dma_wait3A_746, %dma_wait3A_748] : memref<5x128xi32, #tpu.memory_space<vmem>> -> memref<1x128xi32, #tpu.memory_space<vmem>>
    %dma_wait3A_750 = tpu.memref_squeeze %dma_wait3A_749 : memref<1x128xi32, #tpu.memory_space<vmem>> -> memref<128xi32, #tpu.memory_space<vmem>>
    %dma_wait3A_751 = tpu.memref_slice %arg3[%multiple_of3A_733] : memref<204800xi32, #tpu.memory_space<hbm>> -> memref<128xi32, #tpu.memory_space<hbm>>
    %dma_wait3A_752 = tpu.memref_slice %arg10[%dma_wait3A_747] : memref<5x!tpu.dma_semaphore, #tpu.memory_space<semaphore_mem>> -> memref<1x!tpu.dma_semaphore, #tpu.memory_space<semaphore_mem>>
    %dma_wait3A_753 = tpu.memref_squeeze %dma_wait3A_752 : memref<1x!tpu.dma_semaphore, #tpu.memory_space<semaphore_mem>> -> memref<!tpu.dma_semaphore, #tpu.memory_space<semaphore_mem>>
    %dma_wait3A_754 = arith.constant 0 : i32
    %dma_wait3A_755 = tpu.memref_slice %arg7[%dma_wait3A_746, %dma_wait3A_754] : memref<5x128xi32, #tpu.memory_space<vmem>> -> memref<1x128xi32, #tpu.memory_space<vmem>>
    %dma_wait3A_756 = tpu.memref_squeeze %dma_wait3A_755 : memref<1x128xi32, #tpu.memory_space<vmem>> -> memref<128xi32, #tpu.memory_space<vmem>>
    %dma_wait3A_757 = tpu.memref_slice %arg3[%multiple_of3A_733] : memref<204800xi32, #tpu.memory_space<hbm>> -> memref<128xi32, #tpu.memory_space<hbm>>
    tpu.wait_dma2 semaphore(%dma_wait3A_753 : memref<!tpu.dma_semaphore, #tpu.memory_space<semaphore_mem>>) src(%dma_wait3A_757 : memref<128xi32, #tpu.memory_space<hbm>>) dst(%dma_wait3A_756 : memref<128xi32, #tpu.memory_space<vmem>>)
    %add3A_758 = arith.constant 256 : i32
    %add3A_759 = arith.addi %mul3A_2, %add3A_758 : i32
    %get3A_760 = arith.constant 2 : i32
    %get3A_761 = arith.index_cast %get3A_760 : i32 to index
    %get3A_762 = arith.constant 0 : index
    %get3A_763 = tpu.vector_load %arg6[%get3A_761, %get3A_762] {strides = array<i32>} : memref<5x128xi32, #tpu.memory_space<vmem>>, vector<1x16xi32>,
    %get3A_764 = vector.shape_cast %get3A_763 : vector<1x16xi32> to vector<16xi32>
    %get3A_765 = arith.constant 2 : i32
    %get3A_766 = arith.index_cast %get3A_765 : i32 to index
    %get3A_767 = arith.constant 0 : index
    %get3A_768 = tpu.vector_load %arg7[%get3A_766, %get3A_767] {strides = array<i32>} : memref<5x128xi32, #tpu.memory_space<vmem>>, vector<1x16xi32>,
    %get3A_769 = vector.shape_cast %get3A_768 : vector<1x16xi32> to vector<16xi32>
    %iota3A_770 = tpu.iota {dimensions = array<i32: 0>} : vector<16xi32>
    %add3A_771 = arith.constant 0 : i32
    %add3A_772 = arith.addi %add3A_759, %add3A_771 : i32
    %add3A_773 = vector.broadcast %add3A_772 : i32 to vector<16xi32>
    %add3A_774 = arith.addi %iota3A_770, %add3A_773 : vector<16xi32>
    %rem3A_775 = arith.constant 200 : i32
    %rem3A_776 = vector.broadcast %rem3A_775 : i32 to vector<16xi32>
    %rem3A_777 = arith.remsi %add3A_774, %rem3A_776 : vector<16xi32>
    %mul3A_778 = arith.constant 240 : i32
    %mul3A_779 = vector.broadcast %mul3A_778 : i32 to vector<16xi32>
    %mul3A_780 = arith.muli %rem3A_777, %mul3A_779 : vector<16xi32>
    %mul3A_781 = arith.constant 8 : i32
    %mul3A_782 = vector.broadcast %mul3A_781 : i32 to vector<16xi32>
    %mul3A_783 = arith.muli %get3A_764, %mul3A_782 : vector<16xi32>
    %add3A_784 = arith.addi %mul3A_780, %mul3A_783 : vector<16xi32>
    %add3A_785 = arith.addi %add3A_784, %get3A_769 : vector<16xi32>
    %swap3A_786 = arith.constant 2 : i32
    %swap3A_787 = arith.index_cast %swap3A_786 : i32 to index
    %swap3A_788 = arith.constant 0 : index
    %swap3A_789 = tpu.vector_load %arg8[%swap3A_787, %swap3A_788] {strides = array<i32>} : memref<5x128xi32, #tpu.memory_space<vmem>>, vector<1x16xi32>,
    %swap3A_790 = vector.shape_cast %swap3A_789 : vector<1x16xi32> to vector<16xi32>
    %swap3A_791 = vector.shape_cast %add3A_785 : vector<16xi32> to vector<1x16xi32>
    tpu.vector_store %arg8[%swap3A_787, %swap3A_788], %swap3A_791 {strides = array<i32>} : memref<5x128xi32, #tpu.memory_space<vmem>>, vector<1x16xi32>,
    %get3A_792 = arith.constant 2 : i32
    %get3A_793 = arith.index_cast %get3A_792 : i32 to index
    %get3A_794 = arith.constant 16 : index
    %get3A_795 = tpu.vector_load %arg6[%get3A_793, %get3A_794] {strides = array<i32>} : memref<5x128xi32, #tpu.memory_space<vmem>>, vector<1x16xi32>,
    %get3A_796 = vector.shape_cast %get3A_795 : vector<1x16xi32> to vector<16xi32>
    %get3A_797 = arith.constant 2 : i32
    %get3A_798 = arith.index_cast %get3A_797 : i32 to index
    %get3A_799 = arith.constant 16 : index
    %get3A_800 = tpu.vector_load %arg7[%get3A_798, %get3A_799] {strides = array<i32>} : memref<5x128xi32, #tpu.memory_space<vmem>>, vector<1x16xi32>,
    %get3A_801 = vector.shape_cast %get3A_800 : vector<1x16xi32> to vector<16xi32>
    %iota3A_802 = tpu.iota {dimensions = array<i32: 0>} : vector<16xi32>
    %add3A_803 = arith.constant 16 : i32
    %add3A_804 = arith.addi %add3A_759, %add3A_803 : i32
    %add3A_805 = vector.broadcast %add3A_804 : i32 to vector<16xi32>
    %add3A_806 = arith.addi %iota3A_802, %add3A_805 : vector<16xi32>
    %rem3A_807 = arith.constant 200 : i32
    %rem3A_808 = vector.broadcast %rem3A_807 : i32 to vector<16xi32>
    %rem3A_809 = arith.remsi %add3A_806, %rem3A_808 : vector<16xi32>
    %mul3A_810 = arith.constant 240 : i32
    %mul3A_811 = vector.broadcast %mul3A_810 : i32 to vector<16xi32>
    %mul3A_812 = arith.muli %rem3A_809, %mul3A_811 : vector<16xi32>
    %mul3A_813 = arith.constant 8 : i32
    %mul3A_814 = vector.broadcast %mul3A_813 : i32 to vector<16xi32>
    %mul3A_815 = arith.muli %get3A_796, %mul3A_814 : vector<16xi32>
    %add3A_816 = arith.addi %mul3A_812, %mul3A_815 : vector<16xi32>
    %add3A_817 = arith.addi %add3A_816, %get3A_801 : vector<16xi32>
    %swap3A_818 = arith.constant 2 : i32
    %swap3A_819 = arith.index_cast %swap3A_818 : i32 to index
    %swap3A_820 = arith.constant 16 : index
    %swap3A_821 = tpu.vector_load %arg8[%swap3A_819, %swap3A_820] {strides = array<i32>} : memref<5x128xi32, #tpu.memory_space<vmem>>, vector<1x16xi32>,
    %swap3A_822 = vector.shape_cast %swap3A_821 : vector<1x16xi32> to vector<16xi32>
    %swap3A_823 = vector.shape_cast %add3A_817 : vector<16xi32> to vector<1x16xi32>
    tpu.vector_store %arg8[%swap3A_819, %swap3A_820], %swap3A_823 {strides = array<i32>} : memref<5x128xi32, #tpu.memory_space<vmem>>, vector<1x16xi32>,
    %get3A_824 = arith.constant 2 : i32
    %get3A_825 = arith.index_cast %get3A_824 : i32 to index
    %get3A_826 = arith.constant 32 : index
    %get3A_827 = tpu.vector_load %arg6[%get3A_825, %get3A_826] {strides = array<i32>} : memref<5x128xi32, #tpu.memory_space<vmem>>, vector<1x16xi32>,
    %get3A_828 = vector.shape_cast %get3A_827 : vector<1x16xi32> to vector<16xi32>
    %get3A_829 = arith.constant 2 : i32
    %get3A_830 = arith.index_cast %get3A_829 : i32 to index
    %get3A_831 = arith.constant 32 : index
    %get3A_832 = tpu.vector_load %arg7[%get3A_830, %get3A_831] {strides = array<i32>} : memref<5x128xi32, #tpu.memory_space<vmem>>, vector<1x16xi32>,
    %get3A_833 = vector.shape_cast %get3A_832 : vector<1x16xi32> to vector<16xi32>
    %iota3A_834 = tpu.iota {dimensions = array<i32: 0>} : vector<16xi32>
    %add3A_835 = arith.constant 32 : i32
    %add3A_836 = arith.addi %add3A_759, %add3A_835 : i32
    %add3A_837 = vector.broadcast %add3A_836 : i32 to vector<16xi32>
    %add3A_838 = arith.addi %iota3A_834, %add3A_837 : vector<16xi32>
    %rem3A_839 = arith.constant 200 : i32
    %rem3A_840 = vector.broadcast %rem3A_839 : i32 to vector<16xi32>
    %rem3A_841 = arith.remsi %add3A_838, %rem3A_840 : vector<16xi32>
    %mul3A_842 = arith.constant 240 : i32
    %mul3A_843 = vector.broadcast %mul3A_842 : i32 to vector<16xi32>
    %mul3A_844 = arith.muli %rem3A_841, %mul3A_843 : vector<16xi32>
    %mul3A_845 = arith.constant 8 : i32
    %mul3A_846 = vector.broadcast %mul3A_845 : i32 to vector<16xi32>
    %mul3A_847 = arith.muli %get3A_828, %mul3A_846 : vector<16xi32>
    %add3A_848 = arith.addi %mul3A_844, %mul3A_847 : vector<16xi32>
    %add3A_849 = arith.addi %add3A_848, %get3A_833 : vector<16xi32>
    %swap3A_850 = arith.constant 2 : i32
    %swap3A_851 = arith.index_cast %swap3A_850 : i32 to index
    %swap3A_852 = arith.constant 32 : index
    %swap3A_853 = tpu.vector_load %arg8[%swap3A_851, %swap3A_852] {strides = array<i32>} : memref<5x128xi32, #tpu.memory_space<vmem>>, vector<1x16xi32>,
    %swap3A_854 = vector.shape_cast %swap3A_853 : vector<1x16xi32> to vector<16xi32>
    %swap3A_855 = vector.shape_cast %add3A_849 : vector<16xi32> to vector<1x16xi32>
    tpu.vector_store %arg8[%swap3A_851, %swap3A_852], %swap3A_855 {strides = array<i32>} : memref<5x128xi32, #tpu.memory_space<vmem>>, vector<1x16xi32>,
    %get3A_856 = arith.constant 2 : i32
    %get3A_857 = arith.index_cast %get3A_856 : i32 to index
    %get3A_858 = arith.constant 48 : index
    %get3A_859 = tpu.vector_load %arg6[%get3A_857, %get3A_858] {strides = array<i32>} : memref<5x128xi32, #tpu.memory_space<vmem>>, vector<1x16xi32>,
    %get3A_860 = vector.shape_cast %get3A_859 : vector<1x16xi32> to vector<16xi32>
    %get3A_861 = arith.constant 2 : i32
    %get3A_862 = arith.index_cast %get3A_861 : i32 to index
    %get3A_863 = arith.constant 48 : index
    %get3A_864 = tpu.vector_load %arg7[%get3A_862, %get3A_863] {strides = array<i32>} : memref<5x128xi32, #tpu.memory_space<vmem>>, vector<1x16xi32>,
    %get3A_865 = vector.shape_cast %get3A_864 : vector<1x16xi32> to vector<16xi32>
    %iota3A_866 = tpu.iota {dimensions = array<i32: 0>} : vector<16xi32>
    %add3A_867 = arith.constant 48 : i32
    %add3A_868 = arith.addi %add3A_759, %add3A_867 : i32
    %add3A_869 = vector.broadcast %add3A_868 : i32 to vector<16xi32>
    %add3A_870 = arith.addi %iota3A_866, %add3A_869 : vector<16xi32>
    %rem3A_871 = arith.constant 200 : i32
    %rem3A_872 = vector.broadcast %rem3A_871 : i32 to vector<16xi32>
    %rem3A_873 = arith.remsi %add3A_870, %rem3A_872 : vector<16xi32>
    %mul3A_874 = arith.constant 240 : i32
    %mul3A_875 = vector.broadcast %mul3A_874 : i32 to vector<16xi32>
    %mul3A_876 = arith.muli %rem3A_873, %mul3A_875 : vector<16xi32>
    %mul3A_877 = arith.constant 8 : i32
    %mul3A_878 = vector.broadcast %mul3A_877 : i32 to vector<16xi32>
    %mul3A_879 = arith.muli %get3A_860, %mul3A_878 : vector<16xi32>
    %add3A_880 = arith.addi %mul3A_876, %mul3A_879 : vector<16xi32>
    %add3A_881 = arith.addi %add3A_880, %get3A_865 : vector<16xi32>
    %swap3A_882 = arith.constant 2 : i32
    %swap3A_883 = arith.index_cast %swap3A_882 : i32 to index
    %swap3A_884 = arith.constant 48 : index
    %swap3A_885 = tpu.vector_load %arg8[%swap3A_883, %swap3A_884] {strides = array<i32>} : memref<5x128xi32, #tpu.memory_space<vmem>>, vector<1x16xi32>,
    %swap3A_886 = vector.shape_cast %swap3A_885 : vector<1x16xi32> to vector<16xi32>
    %swap3A_887 = vector.shape_cast %add3A_881 : vector<16xi32> to vector<1x16xi32>
    tpu.vector_store %arg8[%swap3A_883, %swap3A_884], %swap3A_887 {strides = array<i32>} : memref<5x128xi32, #tpu.memory_space<vmem>>, vector<1x16xi32>,
    %get3A_888 = arith.constant 2 : i32
    %get3A_889 = arith.index_cast %get3A_888 : i32 to index
    %get3A_890 = arith.constant 64 : index
    %get3A_891 = tpu.vector_load %arg6[%get3A_889, %get3A_890] {strides = array<i32>} : memref<5x128xi32, #tpu.memory_space<vmem>>, vector<1x16xi32>,
    %get3A_892 = vector.shape_cast %get3A_891 : vector<1x16xi32> to vector<16xi32>
    %get3A_893 = arith.constant 2 : i32
    %get3A_894 = arith.index_cast %get3A_893 : i32 to index
    %get3A_895 = arith.constant 64 : index
    %get3A_896 = tpu.vector_load %arg7[%get3A_894, %get3A_895] {strides = array<i32>} : memref<5x128xi32, #tpu.memory_space<vmem>>, vector<1x16xi32>,
    %get3A_897 = vector.shape_cast %get3A_896 : vector<1x16xi32> to vector<16xi32>
    %iota3A_898 = tpu.iota {dimensions = array<i32: 0>} : vector<16xi32>
    %add3A_899 = arith.constant 64 : i32
    %add3A_900 = arith.addi %add3A_759, %add3A_899 : i32
    %add3A_901 = vector.broadcast %add3A_900 : i32 to vector<16xi32>
    %add3A_902 = arith.addi %iota3A_898, %add3A_901 : vector<16xi32>
    %rem3A_903 = arith.constant 200 : i32
    %rem3A_904 = vector.broadcast %rem3A_903 : i32 to vector<16xi32>
    %rem3A_905 = arith.remsi %add3A_902, %rem3A_904 : vector<16xi32>
    %mul3A_906 = arith.constant 240 : i32
    %mul3A_907 = vector.broadcast %mul3A_906 : i32 to vector<16xi32>
    %mul3A_908 = arith.muli %rem3A_905, %mul3A_907 : vector<16xi32>
    %mul3A_909 = arith.constant 8 : i32
    %mul3A_910 = vector.broadcast %mul3A_909 : i32 to vector<16xi32>
    %mul3A_911 = arith.muli %get3A_892, %mul3A_910 : vector<16xi32>
    %add3A_912 = arith.addi %mul3A_908, %mul3A_911 : vector<16xi32>
    %add3A_913 = arith.addi %add3A_912, %get3A_897 : vector<16xi32>
    %swap3A_914 = arith.constant 2 : i32
    %swap3A_915 = arith.index_cast %swap3A_914 : i32 to index
    %swap3A_916 = arith.constant 64 : index
    %swap3A_917 = tpu.vector_load %arg8[%swap3A_915, %swap3A_916] {strides = array<i32>} : memref<5x128xi32, #tpu.memory_space<vmem>>, vector<1x16xi32>,
    %swap3A_918 = vector.shape_cast %swap3A_917 : vector<1x16xi32> to vector<16xi32>
    %swap3A_919 = vector.shape_cast %add3A_913 : vector<16xi32> to vector<1x16xi32>
    tpu.vector_store %arg8[%swap3A_915, %swap3A_916], %swap3A_919 {strides = array<i32>} : memref<5x128xi32, #tpu.memory_space<vmem>>, vector<1x16xi32>,
    %get3A_920 = arith.constant 2 : i32
    %get3A_921 = arith.index_cast %get3A_920 : i32 to index
    %get3A_922 = arith.constant 80 : index
    %get3A_923 = tpu.vector_load %arg6[%get3A_921, %get3A_922] {strides = array<i32>} : memref<5x128xi32, #tpu.memory_space<vmem>>, vector<1x16xi32>,
    %get3A_924 = vector.shape_cast %get3A_923 : vector<1x16xi32> to vector<16xi32>
    %get3A_925 = arith.constant 2 : i32
    %get3A_926 = arith.index_cast %get3A_925 : i32 to index
    %get3A_927 = arith.constant 80 : index
    %get3A_928 = tpu.vector_load %arg7[%get3A_926, %get3A_927] {strides = array<i32>} : memref<5x128xi32, #tpu.memory_space<vmem>>, vector<1x16xi32>,
    %get3A_929 = vector.shape_cast %get3A_928 : vector<1x16xi32> to vector<16xi32>
    %iota3A_930 = tpu.iota {dimensions = array<i32: 0>} : vector<16xi32>
    %add3A_931 = arith.constant 80 : i32
    %add3A_932 = arith.addi %add3A_759, %add3A_931 : i32
    %add3A_933 = vector.broadcast %add3A_932 : i32 to vector<16xi32>
    %add3A_934 = arith.addi %iota3A_930, %add3A_933 : vector<16xi32>
    %rem3A_935 = arith.constant 200 : i32
    %rem3A_936 = vector.broadcast %rem3A_935 : i32 to vector<16xi32>
    %rem3A_937 = arith.remsi %add3A_934, %rem3A_936 : vector<16xi32>
    %mul3A_938 = arith.constant 240 : i32
    %mul3A_939 = vector.broadcast %mul3A_938 : i32 to vector<16xi32>
    %mul3A_940 = arith.muli %rem3A_937, %mul3A_939 : vector<16xi32>
    %mul3A_941 = arith.constant 8 : i32
    %mul3A_942 = vector.broadcast %mul3A_941 : i32 to vector<16xi32>
    %mul3A_943 = arith.muli %get3A_924, %mul3A_942 : vector<16xi32>
    %add3A_944 = arith.addi %mul3A_940, %mul3A_943 : vector<16xi32>
    %add3A_945 = arith.addi %add3A_944, %get3A_929 : vector<16xi32>
    %swap3A_946 = arith.constant 2 : i32
    %swap3A_947 = arith.index_cast %swap3A_946 : i32 to index
    %swap3A_948 = arith.constant 80 : index
    %swap3A_949 = tpu.vector_load %arg8[%swap3A_947, %swap3A_948] {strides = array<i32>} : memref<5x128xi32, #tpu.memory_space<vmem>>, vector<1x16xi32>,
    %swap3A_950 = vector.shape_cast %swap3A_949 : vector<1x16xi32> to vector<16xi32>
    %swap3A_951 = vector.shape_cast %add3A_945 : vector<16xi32> to vector<1x16xi32>
    tpu.vector_store %arg8[%swap3A_947, %swap3A_948], %swap3A_951 {strides = array<i32>} : memref<5x128xi32, #tpu.memory_space<vmem>>, vector<1x16xi32>,
    %get3A_952 = arith.constant 2 : i32
    %get3A_953 = arith.index_cast %get3A_952 : i32 to index
    %get3A_954 = arith.constant 96 : index
    %get3A_955 = tpu.vector_load %arg6[%get3A_953, %get3A_954] {strides = array<i32>} : memref<5x128xi32, #tpu.memory_space<vmem>>, vector<1x16xi32>,
    %get3A_956 = vector.shape_cast %get3A_955 : vector<1x16xi32> to vector<16xi32>
    %get3A_957 = arith.constant 2 : i32
    %get3A_958 = arith.index_cast %get3A_957 : i32 to index
    %get3A_959 = arith.constant 96 : index
    %get3A_960 = tpu.vector_load %arg7[%get3A_958, %get3A_959] {strides = array<i32>} : memref<5x128xi32, #tpu.memory_space<vmem>>, vector<1x16xi32>,
    %get3A_961 = vector.shape_cast %get3A_960 : vector<1x16xi32> to vector<16xi32>
    %iota3A_962 = tpu.iota {dimensions = array<i32: 0>} : vector<16xi32>
    %add3A_963 = arith.constant 96 : i32
    %add3A_964 = arith.addi %add3A_759, %add3A_963 : i32
    %add3A_965 = vector.broadcast %add3A_964 : i32 to vector<16xi32>
    %add3A_966 = arith.addi %iota3A_962, %add3A_965 : vector<16xi32>
    %rem3A_967 = arith.constant 200 : i32
    %rem3A_968 = vector.broadcast %rem3A_967 : i32 to vector<16xi32>
    %rem3A_969 = arith.remsi %add3A_966, %rem3A_968 : vector<16xi32>
    %mul3A_970 = arith.constant 240 : i32
    %mul3A_971 = vector.broadcast %mul3A_970 : i32 to vector<16xi32>
    %mul3A_972 = arith.muli %rem3A_969, %mul3A_971 : vector<16xi32>
    %mul3A_973 = arith.constant 8 : i32
    %mul3A_974 = vector.broadcast %mul3A_973 : i32 to vector<16xi32>
    %mul3A_975 = arith.muli %get3A_956, %mul3A_974 : vector<16xi32>
    %add3A_976 = arith.addi %mul3A_972, %mul3A_975 : vector<16xi32>
    %add3A_977 = arith.addi %add3A_976, %get3A_961 : vector<16xi32>
    %swap3A_978 = arith.constant 2 : i32
    %swap3A_979 = arith.index_cast %swap3A_978 : i32 to index
    %swap3A_980 = arith.constant 96 : index
    %swap3A_981 = tpu.vector_load %arg8[%swap3A_979, %swap3A_980] {strides = array<i32>} : memref<5x128xi32, #tpu.memory_space<vmem>>, vector<1x16xi32>,
    %swap3A_982 = vector.shape_cast %swap3A_981 : vector<1x16xi32> to vector<16xi32>
    %swap3A_983 = vector.shape_cast %add3A_977 : vector<16xi32> to vector<1x16xi32>
    tpu.vector_store %arg8[%swap3A_979, %swap3A_980], %swap3A_983 {strides = array<i32>} : memref<5x128xi32, #tpu.memory_space<vmem>>, vector<1x16xi32>,
    %get3A_984 = arith.constant 2 : i32
    %get3A_985 = arith.index_cast %get3A_984 : i32 to index
    %get3A_986 = arith.constant 112 : index
    %get3A_987 = tpu.vector_load %arg6[%get3A_985, %get3A_986] {strides = array<i32>} : memref<5x128xi32, #tpu.memory_space<vmem>>, vector<1x16xi32>,
    %get3A_988 = vector.shape_cast %get3A_987 : vector<1x16xi32> to vector<16xi32>
    %get3A_989 = arith.constant 2 : i32
    %get3A_990 = arith.index_cast %get3A_989 : i32 to index
    %get3A_991 = arith.constant 112 : index
    %get3A_992 = tpu.vector_load %arg7[%get3A_990, %get3A_991] {strides = array<i32>} : memref<5x128xi32, #tpu.memory_space<vmem>>, vector<1x16xi32>,
    %get3A_993 = vector.shape_cast %get3A_992 : vector<1x16xi32> to vector<16xi32>
    %iota3A_994 = tpu.iota {dimensions = array<i32: 0>} : vector<16xi32>
    %add3A_995 = arith.constant 112 : i32
    %add3A_996 = arith.addi %add3A_759, %add3A_995 : i32
    %add3A_997 = vector.broadcast %add3A_996 : i32 to vector<16xi32>
    %add3A_998 = arith.addi %iota3A_994, %add3A_997 : vector<16xi32>
    %rem3A_999 = arith.constant 200 : i32
    %rem3A_1000 = vector.broadcast %rem3A_999 : i32 to vector<16xi32>
    %rem3A_1001 = arith.remsi %add3A_998, %rem3A_1000 : vector<16xi32>
    %mul3A_1002 = arith.constant 240 : i32
    %mul3A_1003 = vector.broadcast %mul3A_1002 : i32 to vector<16xi32>
    %mul3A_1004 = arith.muli %rem3A_1001, %mul3A_1003 : vector<16xi32>
    %mul3A_1005 = arith.constant 8 : i32
    %mul3A_1006 = vector.broadcast %mul3A_1005 : i32 to vector<16xi32>
    %mul3A_1007 = arith.muli %get3A_988, %mul3A_1006 : vector<16xi32>
    %add3A_1008 = arith.addi %mul3A_1004, %mul3A_1007 : vector<16xi32>
    %add3A_1009 = arith.addi %add3A_1008, %get3A_993 : vector<16xi32>
    %swap3A_1010 = arith.constant 2 : i32
    %swap3A_1011 = arith.index_cast %swap3A_1010 : i32 to index
    %swap3A_1012 = arith.constant 112 : index
    %swap3A_1013 = tpu.vector_load %arg8[%swap3A_1011, %swap3A_1012] {strides = array<i32>} : memref<5x128xi32, #tpu.memory_space<vmem>>, vector<1x16xi32>,
    %swap3A_1014 = vector.shape_cast %swap3A_1013 : vector<1x16xi32> to vector<16xi32>
    %swap3A_1015 = vector.shape_cast %add3A_1009 : vector<16xi32> to vector<1x16xi32>
    tpu.vector_store %arg8[%swap3A_1011, %swap3A_1012], %swap3A_1015 {strides = array<i32>} : memref<5x128xi32, #tpu.memory_space<vmem>>, vector<1x16xi32>,
    %dma_start3A_1016 = arith.constant 2 : i32
    %dma_start3A_1017 = arith.constant 2 : i32
    %dma_start3A_1018 = arith.constant 2 : i32
    %dma_start3A_1019 = arith.constant 0 : i32
    %dma_start3A_1020 = arith.constant 0 : i32
    %dma_start3A_1021 = tpu.memref_slice %arg9[%dma_start3A_1017, %dma_start3A_1019, %dma_start3A_1020] : memref<5x128x128xf32, #tpu.memory_space<vmem>> -> memref<1x128x128xf32, #tpu.memory_space<vmem>>
    %dma_start3A_1022 = tpu.memref_squeeze %dma_start3A_1021 : memref<1x128x128xf32, #tpu.memory_space<vmem>> -> memref<128x128xf32, #tpu.memory_space<vmem>>
    %dma_start3A_1023 = arith.constant 0 : i32
    %dma_start3A_1024 = tpu.memref_slice %arg8[%dma_start3A_1016, %dma_start3A_1023] : memref<5x128xi32, #tpu.memory_space<vmem>> -> memref<1x128xi32, #tpu.memory_space<vmem>>
    %dma_start3A_1025 = tpu.memref_squeeze %dma_start3A_1024 : memref<1x128xi32, #tpu.memory_space<vmem>> -> memref<128xi32, #tpu.memory_space<vmem>>
    %dma_start3A_1026 = arith.constant 0 : i32
    %dma_start3A_1027 = arith.constant 0 : i32
    %dma_start3A_1028 = tpu.memref_slice %arg4[%dma_start3A_1026, %dma_start3A_1027] : memref<48000x128xf32, #tpu.memory_space<hbm>> -> memref<48000x128xf32, #tpu.memory_space<hbm>>
    %dma_start3A_1029 = tpu.memref_slice %arg11[%dma_start3A_1018] : memref<5x!tpu.dma_semaphore, #tpu.memory_space<semaphore_mem>> -> memref<1x!tpu.dma_semaphore, #tpu.memory_space<semaphore_mem>>
    %dma_start3A_1030 = tpu.memref_squeeze %dma_start3A_1029 : memref<1x!tpu.dma_semaphore, #tpu.memory_space<semaphore_mem>> -> memref<!tpu.dma_semaphore, #tpu.memory_space<semaphore_mem>>
    tpu.enqueue_indirect_dma source(%dma_start3A_1028 : memref<48000x128xf32, #tpu.memory_space<hbm>>) target(%dma_start3A_1022 : memref<128x128xf32, #tpu.memory_space<vmem>>) offsets(%dma_start3A_1025 : memref<128xi32, #tpu.memory_space<vmem>>) semaphore(%dma_start3A_1030 : memref<!tpu.dma_semaphore, #tpu.memory_space<semaphore_mem>>)
    %add3A_1031 = arith.constant 384 : i32
    %add3A_1032 = arith.addi %mul3A_2, %add3A_1031 : i32
    %multiple_of3A_1033 = tpu.assume_multiple %add3A_1032, 8 : i32
    %dma_wait3A_1034 = arith.constant 3 : i32
    %dma_wait3A_1035 = arith.constant 3 : i32
    %dma_wait3A_1036 = arith.constant 0 : i32
    %dma_wait3A_1037 = tpu.memref_slice %arg6[%dma_wait3A_1034, %dma_wait3A_1036] : memref<5x128xi32, #tpu.memory_space<vmem>> -> memref<1x128xi32, #tpu.memory_space<vmem>>
    %dma_wait3A_1038 = tpu.memref_squeeze %dma_wait3A_1037 : memref<1x128xi32, #tpu.memory_space<vmem>> -> memref<128xi32, #tpu.memory_space<vmem>>
    %dma_wait3A_1039 = tpu.memref_slice %arg2[%multiple_of3A_1033] : memref<204800xi32, #tpu.memory_space<hbm>> -> memref<128xi32, #tpu.memory_space<hbm>>
    %dma_wait3A_1040 = tpu.memref_slice %arg10[%dma_wait3A_1035] : memref<5x!tpu.dma_semaphore, #tpu.memory_space<semaphore_mem>> -> memref<1x!tpu.dma_semaphore, #tpu.memory_space<semaphore_mem>>
    %dma_wait3A_1041 = tpu.memref_squeeze %dma_wait3A_1040 : memref<1x!tpu.dma_semaphore, #tpu.memory_space<semaphore_mem>> -> memref<!tpu.dma_semaphore, #tpu.memory_space<semaphore_mem>>
    %dma_wait3A_1042 = arith.constant 0 : i32
    %dma_wait3A_1043 = tpu.memref_slice %arg6[%dma_wait3A_1034, %dma_wait3A_1042] : memref<5x128xi32, #tpu.memory_space<vmem>> -> memref<1x128xi32, #tpu.memory_space<vmem>>
    %dma_wait3A_1044 = tpu.memref_squeeze %dma_wait3A_1043 : memref<1x128xi32, #tpu.memory_space<vmem>> -> memref<128xi32, #tpu.memory_space<vmem>>
    %dma_wait3A_1045 = tpu.memref_slice %arg2[%multiple_of3A_1033] : memref<204800xi32, #tpu.memory_space<hbm>> -> memref<128xi32, #tpu.memory_space<hbm>>
    tpu.wait_dma2 semaphore(%dma_wait3A_1041 : memref<!tpu.dma_semaphore, #tpu.memory_space<semaphore_mem>>) src(%dma_wait3A_1045 : memref<128xi32, #tpu.memory_space<hbm>>) dst(%dma_wait3A_1044 : memref<128xi32, #tpu.memory_space<vmem>>)
    %dma_wait3A_1046 = arith.constant 3 : i32
    %dma_wait3A_1047 = arith.constant 3 : i32
    %dma_wait3A_1048 = arith.constant 0 : i32
    %dma_wait3A_1049 = tpu.memref_slice %arg7[%dma_wait3A_1046, %dma_wait3A_1048] : memref<5x128xi32, #tpu.memory_space<vmem>> -> memref<1x128xi32, #tpu.memory_space<vmem>>
    %dma_wait3A_1050 = tpu.memref_squeeze %dma_wait3A_1049 : memref<1x128xi32, #tpu.memory_space<vmem>> -> memref<128xi32, #tpu.memory_space<vmem>>
    %dma_wait3A_1051 = tpu.memref_slice %arg3[%multiple_of3A_1033] : memref<204800xi32, #tpu.memory_space<hbm>> -> memref<128xi32, #tpu.memory_space<hbm>>
    %dma_wait3A_1052 = tpu.memref_slice %arg10[%dma_wait3A_1047] : memref<5x!tpu.dma_semaphore, #tpu.memory_space<semaphore_mem>> -> memref<1x!tpu.dma_semaphore, #tpu.memory_space<semaphore_mem>>
    %dma_wait3A_1053 = tpu.memref_squeeze %dma_wait3A_1052 : memref<1x!tpu.dma_semaphore, #tpu.memory_space<semaphore_mem>> -> memref<!tpu.dma_semaphore, #tpu.memory_space<semaphore_mem>>
    %dma_wait3A_1054 = arith.constant 0 : i32
    %dma_wait3A_1055 = tpu.memref_slice %arg7[%dma_wait3A_1046, %dma_wait3A_1054] : memref<5x128xi32, #tpu.memory_space<vmem>> -> memref<1x128xi32, #tpu.memory_space<vmem>>
    %dma_wait3A_1056 = tpu.memref_squeeze %dma_wait3A_1055 : memref<1x128xi32, #tpu.memory_space<vmem>> -> memref<128xi32, #tpu.memory_space<vmem>>
    %dma_wait3A_1057 = tpu.memref_slice %arg3[%multiple_of3A_1033] : memref<204800xi32, #tpu.memory_space<hbm>> -> memref<128xi32, #tpu.memory_space<hbm>>
    tpu.wait_dma2 semaphore(%dma_wait3A_1053 : memref<!tpu.dma_semaphore, #tpu.memory_space<semaphore_mem>>) src(%dma_wait3A_1057 : memref<128xi32, #tpu.memory_space<hbm>>) dst(%dma_wait3A_1056 : memref<128xi32, #tpu.memory_space<vmem>>)
    %add3A_1058 = arith.constant 384 : i32
    %add3A_1059 = arith.addi %mul3A_2, %add3A_1058 : i32
    %get3A_1060 = arith.constant 3 : i32
    %get3A_1061 = arith.index_cast %get3A_1060 : i32 to index
    %get3A_1062 = arith.constant 0 : index
    %get3A_1063 = tpu.vector_load %arg6[%get3A_1061, %get3A_1062] {strides = array<i32>} : memref<5x128xi32, #tpu.memory_space<vmem>>, vector<1x16xi32>,
    %get3A_1064 = vector.shape_cast %get3A_1063 : vector<1x16xi32> to vector<16xi32>
    %get3A_1065 = arith.constant 3 : i32
    %get3A_1066 = arith.index_cast %get3A_1065 : i32 to index
    %get3A_1067 = arith.constant 0 : index
    %get3A_1068 = tpu.vector_load %arg7[%get3A_1066, %get3A_1067] {strides = array<i32>} : memref<5x128xi32, #tpu.memory_space<vmem>>, vector<1x16xi32>,
    %get3A_1069 = vector.shape_cast %get3A_1068 : vector<1x16xi32> to vector<16xi32>
    %iota3A_1070 = tpu.iota {dimensions = array<i32: 0>} : vector<16xi32>
    %add3A_1071 = arith.constant 0 : i32
    %add3A_1072 = arith.addi %add3A_1059, %add3A_1071 : i32
    %add3A_1073 = vector.broadcast %add3A_1072 : i32 to vector<16xi32>
    %add3A_1074 = arith.addi %iota3A_1070, %add3A_1073 : vector<16xi32>
    %rem3A_1075 = arith.constant 200 : i32
    %rem3A_1076 = vector.broadcast %rem3A_1075 : i32 to vector<16xi32>
    %rem3A_1077 = arith.remsi %add3A_1074, %rem3A_1076 : vector<16xi32>
    %mul3A_1078 = arith.constant 240 : i32
    %mul3A_1079 = vector.broadcast %mul3A_1078 : i32 to vector<16xi32>
    %mul3A_1080 = arith.muli %rem3A_1077, %mul3A_1079 : vector<16xi32>
    %mul3A_1081 = arith.constant 8 : i32
    %mul3A_1082 = vector.broadcast %mul3A_1081 : i32 to vector<16xi32>
    %mul3A_1083 = arith.muli %get3A_1064, %mul3A_1082 : vector<16xi32>
    %add3A_1084 = arith.addi %mul3A_1080, %mul3A_1083 : vector<16xi32>
    %add3A_1085 = arith.addi %add3A_1084, %get3A_1069 : vector<16xi32>
    %swap3A_1086 = arith.constant 3 : i32
    %swap3A_1087 = arith.index_cast %swap3A_1086 : i32 to index
    %swap3A_1088 = arith.constant 0 : index
    %swap3A_1089 = tpu.vector_load %arg8[%swap3A_1087, %swap3A_1088] {strides = array<i32>} : memref<5x128xi32, #tpu.memory_space<vmem>>, vector<1x16xi32>,
    %swap3A_1090 = vector.shape_cast %swap3A_1089 : vector<1x16xi32> to vector<16xi32>
    %swap3A_1091 = vector.shape_cast %add3A_1085 : vector<16xi32> to vector<1x16xi32>
    tpu.vector_store %arg8[%swap3A_1087, %swap3A_1088], %swap3A_1091 {strides = array<i32>} : memref<5x128xi32, #tpu.memory_space<vmem>>, vector<1x16xi32>,
    %get3A_1092 = arith.constant 3 : i32
    %get3A_1093 = arith.index_cast %get3A_1092 : i32 to index
    %get3A_1094 = arith.constant 16 : index
    %get3A_1095 = tpu.vector_load %arg6[%get3A_1093, %get3A_1094] {strides = array<i32>} : memref<5x128xi32, #tpu.memory_space<vmem>>, vector<1x16xi32>,
    %get3A_1096 = vector.shape_cast %get3A_1095 : vector<1x16xi32> to vector<16xi32>
    %get3A_1097 = arith.constant 3 : i32
    %get3A_1098 = arith.index_cast %get3A_1097 : i32 to index
    %get3A_1099 = arith.constant 16 : index
    %get3A_1100 = tpu.vector_load %arg7[%get3A_1098, %get3A_1099] {strides = array<i32>} : memref<5x128xi32, #tpu.memory_space<vmem>>, vector<1x16xi32>,
    %get3A_1101 = vector.shape_cast %get3A_1100 : vector<1x16xi32> to vector<16xi32>
    %iota3A_1102 = tpu.iota {dimensions = array<i32: 0>} : vector<16xi32>
    %add3A_1103 = arith.constant 16 : i32
    %add3A_1104 = arith.addi %add3A_1059, %add3A_1103 : i32
    %add3A_1105 = vector.broadcast %add3A_1104 : i32 to vector<16xi32>
    %add3A_1106 = arith.addi %iota3A_1102, %add3A_1105 : vector<16xi32>
    %rem3A_1107 = arith.constant 200 : i32
    %rem3A_1108 = vector.broadcast %rem3A_1107 : i32 to vector<16xi32>
    %rem3A_1109 = arith.remsi %add3A_1106, %rem3A_1108 : vector<16xi32>
    %mul3A_1110 = arith.constant 240 : i32
    %mul3A_1111 = vector.broadcast %mul3A_1110 : i32 to vector<16xi32>
    %mul3A_1112 = arith.muli %rem3A_1109, %mul3A_1111 : vector<16xi32>
    %mul3A_1113 = arith.constant 8 : i32
    %mul3A_1114 = vector.broadcast %mul3A_1113 : i32 to vector<16xi32>
    %mul3A_1115 = arith.muli %get3A_1096, %mul3A_1114 : vector<16xi32>
    %add3A_1116 = arith.addi %mul3A_1112, %mul3A_1115 : vector<16xi32>
    %add3A_1117 = arith.addi %add3A_1116, %get3A_1101 : vector<16xi32>
    %swap3A_1118 = arith.constant 3 : i32
    %swap3A_1119 = arith.index_cast %swap3A_1118 : i32 to index
    %swap3A_1120 = arith.constant 16 : index
    %swap3A_1121 = tpu.vector_load %arg8[%swap3A_1119, %swap3A_1120] {strides = array<i32>} : memref<5x128xi32, #tpu.memory_space<vmem>>, vector<1x16xi32>,
    %swap3A_1122 = vector.shape_cast %swap3A_1121 : vector<1x16xi32> to vector<16xi32>
    %swap3A_1123 = vector.shape_cast %add3A_1117 : vector<16xi32> to vector<1x16xi32>
    tpu.vector_store %arg8[%swap3A_1119, %swap3A_1120], %swap3A_1123 {strides = array<i32>} : memref<5x128xi32, #tpu.memory_space<vmem>>, vector<1x16xi32>,
    %get3A_1124 = arith.constant 3 : i32
    %get3A_1125 = arith.index_cast %get3A_1124 : i32 to index
    %get3A_1126 = arith.constant 32 : index
    %get3A_1127 = tpu.vector_load %arg6[%get3A_1125, %get3A_1126] {strides = array<i32>} : memref<5x128xi32, #tpu.memory_space<vmem>>, vector<1x16xi32>,
    %get3A_1128 = vector.shape_cast %get3A_1127 : vector<1x16xi32> to vector<16xi32>
    %get3A_1129 = arith.constant 3 : i32
    %get3A_1130 = arith.index_cast %get3A_1129 : i32 to index
    %get3A_1131 = arith.constant 32 : index
    %get3A_1132 = tpu.vector_load %arg7[%get3A_1130, %get3A_1131] {strides = array<i32>} : memref<5x128xi32, #tpu.memory_space<vmem>>, vector<1x16xi32>,
    %get3A_1133 = vector.shape_cast %get3A_1132 : vector<1x16xi32> to vector<16xi32>
    %iota3A_1134 = tpu.iota {dimensions = array<i32: 0>} : vector<16xi32>
    %add3A_1135 = arith.constant 32 : i32
    %add3A_1136 = arith.addi %add3A_1059, %add3A_1135 : i32
    %add3A_1137 = vector.broadcast %add3A_1136 : i32 to vector<16xi32>
    %add3A_1138 = arith.addi %iota3A_1134, %add3A_1137 : vector<16xi32>
    %rem3A_1139 = arith.constant 200 : i32
    %rem3A_1140 = vector.broadcast %rem3A_1139 : i32 to vector<16xi32>
    %rem3A_1141 = arith.remsi %add3A_1138, %rem3A_1140 : vector<16xi32>
    %mul3A_1142 = arith.constant 240 : i32
    %mul3A_1143 = vector.broadcast %mul3A_1142 : i32 to vector<16xi32>
    %mul3A_1144 = arith.muli %rem3A_1141, %mul3A_1143 : vector<16xi32>
    %mul3A_1145 = arith.constant 8 : i32
    %mul3A_1146 = vector.broadcast %mul3A_1145 : i32 to vector<16xi32>
    %mul3A_1147 = arith.muli %get3A_1128, %mul3A_1146 : vector<16xi32>
    %add3A_1148 = arith.addi %mul3A_1144, %mul3A_1147 : vector<16xi32>
    %add3A_1149 = arith.addi %add3A_1148, %get3A_1133 : vector<16xi32>
    %swap3A_1150 = arith.constant 3 : i32
    %swap3A_1151 = arith.index_cast %swap3A_1150 : i32 to index
    %swap3A_1152 = arith.constant 32 : index
    %swap3A_1153 = tpu.vector_load %arg8[%swap3A_1151, %swap3A_1152] {strides = array<i32>} : memref<5x128xi32, #tpu.memory_space<vmem>>, vector<1x16xi32>,
    %swap3A_1154 = vector.shape_cast %swap3A_1153 : vector<1x16xi32> to vector<16xi32>
    %swap3A_1155 = vector.shape_cast %add3A_1149 : vector<16xi32> to vector<1x16xi32>
    tpu.vector_store %arg8[%swap3A_1151, %swap3A_1152], %swap3A_1155 {strides = array<i32>} : memref<5x128xi32, #tpu.memory_space<vmem>>, vector<1x16xi32>,
    %get3A_1156 = arith.constant 3 : i32
    %get3A_1157 = arith.index_cast %get3A_1156 : i32 to index
    %get3A_1158 = arith.constant 48 : index
    %get3A_1159 = tpu.vector_load %arg6[%get3A_1157, %get3A_1158] {strides = array<i32>} : memref<5x128xi32, #tpu.memory_space<vmem>>, vector<1x16xi32>,
    %get3A_1160 = vector.shape_cast %get3A_1159 : vector<1x16xi32> to vector<16xi32>
    %get3A_1161 = arith.constant 3 : i32
    %get3A_1162 = arith.index_cast %get3A_1161 : i32 to index
    %get3A_1163 = arith.constant 48 : index
    %get3A_1164 = tpu.vector_load %arg7[%get3A_1162, %get3A_1163] {strides = array<i32>} : memref<5x128xi32, #tpu.memory_space<vmem>>, vector<1x16xi32>,
    %get3A_1165 = vector.shape_cast %get3A_1164 : vector<1x16xi32> to vector<16xi32>
    %iota3A_1166 = tpu.iota {dimensions = array<i32: 0>} : vector<16xi32>
    %add3A_1167 = arith.constant 48 : i32
    %add3A_1168 = arith.addi %add3A_1059, %add3A_1167 : i32
    %add3A_1169 = vector.broadcast %add3A_1168 : i32 to vector<16xi32>
    %add3A_1170 = arith.addi %iota3A_1166, %add3A_1169 : vector<16xi32>
    %rem3A_1171 = arith.constant 200 : i32
    %rem3A_1172 = vector.broadcast %rem3A_1171 : i32 to vector<16xi32>
    %rem3A_1173 = arith.remsi %add3A_1170, %rem3A_1172 : vector<16xi32>
    %mul3A_1174 = arith.constant 240 : i32
    %mul3A_1175 = vector.broadcast %mul3A_1174 : i32 to vector<16xi32>
    %mul3A_1176 = arith.muli %rem3A_1173, %mul3A_1175 : vector<16xi32>
    %mul3A_1177 = arith.constant 8 : i32
    %mul3A_1178 = vector.broadcast %mul3A_1177 : i32 to vector<16xi32>
    %mul3A_1179 = arith.muli %get3A_1160, %mul3A_1178 : vector<16xi32>
    %add3A_1180 = arith.addi %mul3A_1176, %mul3A_1179 : vector<16xi32>
    %add3A_1181 = arith.addi %add3A_1180, %get3A_1165 : vector<16xi32>
    %swap3A_1182 = arith.constant 3 : i32
    %swap3A_1183 = arith.index_cast %swap3A_1182 : i32 to index
    %swap3A_1184 = arith.constant 48 : index
    %swap3A_1185 = tpu.vector_load %arg8[%swap3A_1183, %swap3A_1184] {strides = array<i32>} : memref<5x128xi32, #tpu.memory_space<vmem>>, vector<1x16xi32>,
    %swap3A_1186 = vector.shape_cast %swap3A_1185 : vector<1x16xi32> to vector<16xi32>
    %swap3A_1187 = vector.shape_cast %add3A_1181 : vector<16xi32> to vector<1x16xi32>
    tpu.vector_store %arg8[%swap3A_1183, %swap3A_1184], %swap3A_1187 {strides = array<i32>} : memref<5x128xi32, #tpu.memory_space<vmem>>, vector<1x16xi32>,
    %get3A_1188 = arith.constant 3 : i32
    %get3A_1189 = arith.index_cast %get3A_1188 : i32 to index
    %get3A_1190 = arith.constant 64 : index
    %get3A_1191 = tpu.vector_load %arg6[%get3A_1189, %get3A_1190] {strides = array<i32>} : memref<5x128xi32, #tpu.memory_space<vmem>>, vector<1x16xi32>,
    %get3A_1192 = vector.shape_cast %get3A_1191 : vector<1x16xi32> to vector<16xi32>
    %get3A_1193 = arith.constant 3 : i32
    %get3A_1194 = arith.index_cast %get3A_1193 : i32 to index
    %get3A_1195 = arith.constant 64 : index
    %get3A_1196 = tpu.vector_load %arg7[%get3A_1194, %get3A_1195] {strides = array<i32>} : memref<5x128xi32, #tpu.memory_space<vmem>>, vector<1x16xi32>,
    %get3A_1197 = vector.shape_cast %get3A_1196 : vector<1x16xi32> to vector<16xi32>
    %iota3A_1198 = tpu.iota {dimensions = array<i32: 0>} : vector<16xi32>
    %add3A_1199 = arith.constant 64 : i32
    %add3A_1200 = arith.addi %add3A_1059, %add3A_1199 : i32
    %add3A_1201 = vector.broadcast %add3A_1200 : i32 to vector<16xi32>
    %add3A_1202 = arith.addi %iota3A_1198, %add3A_1201 : vector<16xi32>
    %rem3A_1203 = arith.constant 200 : i32
    %rem3A_1204 = vector.broadcast %rem3A_1203 : i32 to vector<16xi32>
    %rem3A_1205 = arith.remsi %add3A_1202, %rem3A_1204 : vector<16xi32>
    %mul3A_1206 = arith.constant 240 : i32
    %mul3A_1207 = vector.broadcast %mul3A_1206 : i32 to vector<16xi32>
    %mul3A_1208 = arith.muli %rem3A_1205, %mul3A_1207 : vector<16xi32>
    %mul3A_1209 = arith.constant 8 : i32
    %mul3A_1210 = vector.broadcast %mul3A_1209 : i32 to vector<16xi32>
    %mul3A_1211 = arith.muli %get3A_1192, %mul3A_1210 : vector<16xi32>
    %add3A_1212 = arith.addi %mul3A_1208, %mul3A_1211 : vector<16xi32>
    %add3A_1213 = arith.addi %add3A_1212, %get3A_1197 : vector<16xi32>
    %swap3A_1214 = arith.constant 3 : i32
    %swap3A_1215 = arith.index_cast %swap3A_1214 : i32 to index
    %swap3A_1216 = arith.constant 64 : index
    %swap3A_1217 = tpu.vector_load %arg8[%swap3A_1215, %swap3A_1216] {strides = array<i32>} : memref<5x128xi32, #tpu.memory_space<vmem>>, vector<1x16xi32>,
    %swap3A_1218 = vector.shape_cast %swap3A_1217 : vector<1x16xi32> to vector<16xi32>
    %swap3A_1219 = vector.shape_cast %add3A_1213 : vector<16xi32> to vector<1x16xi32>
    tpu.vector_store %arg8[%swap3A_1215, %swap3A_1216], %swap3A_1219 {strides = array<i32>} : memref<5x128xi32, #tpu.memory_space<vmem>>, vector<1x16xi32>,
    %get3A_1220 = arith.constant 3 : i32
    %get3A_1221 = arith.index_cast %get3A_1220 : i32 to index
    %get3A_1222 = arith.constant 80 : index
    %get3A_1223 = tpu.vector_load %arg6[%get3A_1221, %get3A_1222] {strides = array<i32>} : memref<5x128xi32, #tpu.memory_space<vmem>>, vector<1x16xi32>,
    %get3A_1224 = vector.shape_cast %get3A_1223 : vector<1x16xi32> to vector<16xi32>
    %get3A_1225 = arith.constant 3 : i32
    %get3A_1226 = arith.index_cast %get3A_1225 : i32 to index
    %get3A_1227 = arith.constant 80 : index
    %get3A_1228 = tpu.vector_load %arg7[%get3A_1226, %get3A_1227] {strides = array<i32>} : memref<5x128xi32, #tpu.memory_space<vmem>>, vector<1x16xi32>,
    %get3A_1229 = vector.shape_cast %get3A_1228 : vector<1x16xi32> to vector<16xi32>
    %iota3A_1230 = tpu.iota {dimensions = array<i32: 0>} : vector<16xi32>
    %add3A_1231 = arith.constant 80 : i32
    %add3A_1232 = arith.addi %add3A_1059, %add3A_1231 : i32
    %add3A_1233 = vector.broadcast %add3A_1232 : i32 to vector<16xi32>
    %add3A_1234 = arith.addi %iota3A_1230, %add3A_1233 : vector<16xi32>
    %rem3A_1235 = arith.constant 200 : i32
    %rem3A_1236 = vector.broadcast %rem3A_1235 : i32 to vector<16xi32>
    %rem3A_1237 = arith.remsi %add3A_1234, %rem3A_1236 : vector<16xi32>
    %mul3A_1238 = arith.constant 240 : i32
    %mul3A_1239 = vector.broadcast %mul3A_1238 : i32 to vector<16xi32>
    %mul3A_1240 = arith.muli %rem3A_1237, %mul3A_1239 : vector<16xi32>
    %mul3A_1241 = arith.constant 8 : i32
    %mul3A_1242 = vector.broadcast %mul3A_1241 : i32 to vector<16xi32>
    %mul3A_1243 = arith.muli %get3A_1224, %mul3A_1242 : vector<16xi32>
    %add3A_1244 = arith.addi %mul3A_1240, %mul3A_1243 : vector<16xi32>
    %add3A_1245 = arith.addi %add3A_1244, %get3A_1229 : vector<16xi32>
    %swap3A_1246 = arith.constant 3 : i32
    %swap3A_1247 = arith.index_cast %swap3A_1246 : i32 to index
    %swap3A_1248 = arith.constant 80 : index
    %swap3A_1249 = tpu.vector_load %arg8[%swap3A_1247, %swap3A_1248] {strides = array<i32>} : memref<5x128xi32, #tpu.memory_space<vmem>>, vector<1x16xi32>,
    %swap3A_1250 = vector.shape_cast %swap3A_1249 : vector<1x16xi32> to vector<16xi32>
    %swap3A_1251 = vector.shape_cast %add3A_1245 : vector<16xi32> to vector<1x16xi32>
    tpu.vector_store %arg8[%swap3A_1247, %swap3A_1248], %swap3A_1251 {strides = array<i32>} : memref<5x128xi32, #tpu.memory_space<vmem>>, vector<1x16xi32>,
    %get3A_1252 = arith.constant 3 : i32
    %get3A_1253 = arith.index_cast %get3A_1252 : i32 to index
    %get3A_1254 = arith.constant 96 : index
    %get3A_1255 = tpu.vector_load %arg6[%get3A_1253, %get3A_1254] {strides = array<i32>} : memref<5x128xi32, #tpu.memory_space<vmem>>, vector<1x16xi32>,
    %get3A_1256 = vector.shape_cast %get3A_1255 : vector<1x16xi32> to vector<16xi32>
    %get3A_1257 = arith.constant 3 : i32
    %get3A_1258 = arith.index_cast %get3A_1257 : i32 to index
    %get3A_1259 = arith.constant 96 : index
    %get3A_1260 = tpu.vector_load %arg7[%get3A_1258, %get3A_1259] {strides = array<i32>} : memref<5x128xi32, #tpu.memory_space<vmem>>, vector<1x16xi32>,
    %get3A_1261 = vector.shape_cast %get3A_1260 : vector<1x16xi32> to vector<16xi32>
    %iota3A_1262 = tpu.iota {dimensions = array<i32: 0>} : vector<16xi32>
    %add3A_1263 = arith.constant 96 : i32
    %add3A_1264 = arith.addi %add3A_1059, %add3A_1263 : i32
    %add3A_1265 = vector.broadcast %add3A_1264 : i32 to vector<16xi32>
    %add3A_1266 = arith.addi %iota3A_1262, %add3A_1265 : vector<16xi32>
    %rem3A_1267 = arith.constant 200 : i32
    %rem3A_1268 = vector.broadcast %rem3A_1267 : i32 to vector<16xi32>
    %rem3A_1269 = arith.remsi %add3A_1266, %rem3A_1268 : vector<16xi32>
    %mul3A_1270 = arith.constant 240 : i32
    %mul3A_1271 = vector.broadcast %mul3A_1270 : i32 to vector<16xi32>
    %mul3A_1272 = arith.muli %rem3A_1269, %mul3A_1271 : vector<16xi32>
    %mul3A_1273 = arith.constant 8 : i32
    %mul3A_1274 = vector.broadcast %mul3A_1273 : i32 to vector<16xi32>
    %mul3A_1275 = arith.muli %get3A_1256, %mul3A_1274 : vector<16xi32>
    %add3A_1276 = arith.addi %mul3A_1272, %mul3A_1275 : vector<16xi32>
    %add3A_1277 = arith.addi %add3A_1276, %get3A_1261 : vector<16xi32>
    %swap3A_1278 = arith.constant 3 : i32
    %swap3A_1279 = arith.index_cast %swap3A_1278 : i32 to index
    %swap3A_1280 = arith.constant 96 : index
    %swap3A_1281 = tpu.vector_load %arg8[%swap3A_1279, %swap3A_1280] {strides = array<i32>} : memref<5x128xi32, #tpu.memory_space<vmem>>, vector<1x16xi32>,
    %swap3A_1282 = vector.shape_cast %swap3A_1281 : vector<1x16xi32> to vector<16xi32>
    %swap3A_1283 = vector.shape_cast %add3A_1277 : vector<16xi32> to vector<1x16xi32>
    tpu.vector_store %arg8[%swap3A_1279, %swap3A_1280], %swap3A_1283 {strides = array<i32>} : memref<5x128xi32, #tpu.memory_space<vmem>>, vector<1x16xi32>,
    %get3A_1284 = arith.constant 3 : i32
    %get3A_1285 = arith.index_cast %get3A_1284 : i32 to index
    %get3A_1286 = arith.constant 112 : index
    %get3A_1287 = tpu.vector_load %arg6[%get3A_1285, %get3A_1286] {strides = array<i32>} : memref<5x128xi32, #tpu.memory_space<vmem>>, vector<1x16xi32>,
    %get3A_1288 = vector.shape_cast %get3A_1287 : vector<1x16xi32> to vector<16xi32>
    %get3A_1289 = arith.constant 3 : i32
    %get3A_1290 = arith.index_cast %get3A_1289 : i32 to index
    %get3A_1291 = arith.constant 112 : index
    %get3A_1292 = tpu.vector_load %arg7[%get3A_1290, %get3A_1291] {strides = array<i32>} : memref<5x128xi32, #tpu.memory_space<vmem>>, vector<1x16xi32>,
    %get3A_1293 = vector.shape_cast %get3A_1292 : vector<1x16xi32> to vector<16xi32>
    %iota3A_1294 = tpu.iota {dimensions = array<i32: 0>} : vector<16xi32>
    %add3A_1295 = arith.constant 112 : i32
    %add3A_1296 = arith.addi %add3A_1059, %add3A_1295 : i32
    %add3A_1297 = vector.broadcast %add3A_1296 : i32 to vector<16xi32>
    %add3A_1298 = arith.addi %iota3A_1294, %add3A_1297 : vector<16xi32>
    %rem3A_1299 = arith.constant 200 : i32
    %rem3A_1300 = vector.broadcast %rem3A_1299 : i32 to vector<16xi32>
    %rem3A_1301 = arith.remsi %add3A_1298, %rem3A_1300 : vector<16xi32>
    %mul3A_1302 = arith.constant 240 : i32
    %mul3A_1303 = vector.broadcast %mul3A_1302 : i32 to vector<16xi32>
    %mul3A_1304 = arith.muli %rem3A_1301, %mul3A_1303 : vector<16xi32>
    %mul3A_1305 = arith.constant 8 : i32
    %mul3A_1306 = vector.broadcast %mul3A_1305 : i32 to vector<16xi32>
    %mul3A_1307 = arith.muli %get3A_1288, %mul3A_1306 : vector<16xi32>
    %add3A_1308 = arith.addi %mul3A_1304, %mul3A_1307 : vector<16xi32>
    %add3A_1309 = arith.addi %add3A_1308, %get3A_1293 : vector<16xi32>
    %swap3A_1310 = arith.constant 3 : i32
    %swap3A_1311 = arith.index_cast %swap3A_1310 : i32 to index
    %swap3A_1312 = arith.constant 112 : index
    %swap3A_1313 = tpu.vector_load %arg8[%swap3A_1311, %swap3A_1312] {strides = array<i32>} : memref<5x128xi32, #tpu.memory_space<vmem>>, vector<1x16xi32>,
    %swap3A_1314 = vector.shape_cast %swap3A_1313 : vector<1x16xi32> to vector<16xi32>
    %swap3A_1315 = vector.shape_cast %add3A_1309 : vector<16xi32> to vector<1x16xi32>
    tpu.vector_store %arg8[%swap3A_1311, %swap3A_1312], %swap3A_1315 {strides = array<i32>} : memref<5x128xi32, #tpu.memory_space<vmem>>, vector<1x16xi32>,
    %dma_start3A_1316 = arith.constant 3 : i32
    %dma_start3A_1317 = arith.constant 3 : i32
    %dma_start3A_1318 = arith.constant 3 : i32
    %dma_start3A_1319 = arith.constant 0 : i32
    %dma_start3A_1320 = arith.constant 0 : i32
    %dma_start3A_1321 = tpu.memref_slice %arg9[%dma_start3A_1317, %dma_start3A_1319, %dma_start3A_1320] : memref<5x128x128xf32, #tpu.memory_space<vmem>> -> memref<1x128x128xf32, #tpu.memory_space<vmem>>
    %dma_start3A_1322 = tpu.memref_squeeze %dma_start3A_1321 : memref<1x128x128xf32, #tpu.memory_space<vmem>> -> memref<128x128xf32, #tpu.memory_space<vmem>>
    %dma_start3A_1323 = arith.constant 0 : i32
    %dma_start3A_1324 = tpu.memref_slice %arg8[%dma_start3A_1316, %dma_start3A_1323] : memref<5x128xi32, #tpu.memory_space<vmem>> -> memref<1x128xi32, #tpu.memory_space<vmem>>
    %dma_start3A_1325 = tpu.memref_squeeze %dma_start3A_1324 : memref<1x128xi32, #tpu.memory_space<vmem>> -> memref<128xi32, #tpu.memory_space<vmem>>
    %dma_start3A_1326 = arith.constant 0 : i32
    %dma_start3A_1327 = arith.constant 0 : i32
    %dma_start3A_1328 = tpu.memref_slice %arg4[%dma_start3A_1326, %dma_start3A_1327] : memref<48000x128xf32, #tpu.memory_space<hbm>> -> memref<48000x128xf32, #tpu.memory_space<hbm>>
    %dma_start3A_1329 = tpu.memref_slice %arg11[%dma_start3A_1318] : memref<5x!tpu.dma_semaphore, #tpu.memory_space<semaphore_mem>> -> memref<1x!tpu.dma_semaphore, #tpu.memory_space<semaphore_mem>>
    %dma_start3A_1330 = tpu.memref_squeeze %dma_start3A_1329 : memref<1x!tpu.dma_semaphore, #tpu.memory_space<semaphore_mem>> -> memref<!tpu.dma_semaphore, #tpu.memory_space<semaphore_mem>>
    tpu.enqueue_indirect_dma source(%dma_start3A_1328 : memref<48000x128xf32, #tpu.memory_space<hbm>>) target(%dma_start3A_1322 : memref<128x128xf32, #tpu.memory_space<vmem>>) offsets(%dma_start3A_1325 : memref<128xi32, #tpu.memory_space<vmem>>) semaphore(%dma_start3A_1330 : memref<!tpu.dma_semaphore, #tpu.memory_space<semaphore_mem>>)
    %add3A_1331 = arith.constant 512 : i32
    %add3A_1332 = arith.addi %mul3A_2, %add3A_1331 : i32
    %multiple_of3A_1333 = tpu.assume_multiple %add3A_1332, 8 : i32
    %dma_wait3A_1334 = arith.constant 4 : i32
    %dma_wait3A_1335 = arith.constant 4 : i32
    %dma_wait3A_1336 = arith.constant 0 : i32
    %dma_wait3A_1337 = tpu.memref_slice %arg6[%dma_wait3A_1334, %dma_wait3A_1336] : memref<5x128xi32, #tpu.memory_space<vmem>> -> memref<1x128xi32, #tpu.memory_space<vmem>>
    %dma_wait3A_1338 = tpu.memref_squeeze %dma_wait3A_1337 : memref<1x128xi32, #tpu.memory_space<vmem>> -> memref<128xi32, #tpu.memory_space<vmem>>
    %dma_wait3A_1339 = tpu.memref_slice %arg2[%multiple_of3A_1333] : memref<204800xi32, #tpu.memory_space<hbm>> -> memref<128xi32, #tpu.memory_space<hbm>>
    %dma_wait3A_1340 = tpu.memref_slice %arg10[%dma_wait3A_1335] : memref<5x!tpu.dma_semaphore, #tpu.memory_space<semaphore_mem>> -> memref<1x!tpu.dma_semaphore, #tpu.memory_space<semaphore_mem>>
    %dma_wait3A_1341 = tpu.memref_squeeze %dma_wait3A_1340 : memref<1x!tpu.dma_semaphore, #tpu.memory_space<semaphore_mem>> -> memref<!tpu.dma_semaphore, #tpu.memory_space<semaphore_mem>>
    %dma_wait3A_1342 = arith.constant 0 : i32
    %dma_wait3A_1343 = tpu.memref_slice %arg6[%dma_wait3A_1334, %dma_wait3A_1342] : memref<5x128xi32, #tpu.memory_space<vmem>> -> memref<1x128xi32, #tpu.memory_space<vmem>>
    %dma_wait3A_1344 = tpu.memref_squeeze %dma_wait3A_1343 : memref<1x128xi32, #tpu.memory_space<vmem>> -> memref<128xi32, #tpu.memory_space<vmem>>
    %dma_wait3A_1345 = tpu.memref_slice %arg2[%multiple_of3A_1333] : memref<204800xi32, #tpu.memory_space<hbm>> -> memref<128xi32, #tpu.memory_space<hbm>>
    tpu.wait_dma2 semaphore(%dma_wait3A_1341 : memref<!tpu.dma_semaphore, #tpu.memory_space<semaphore_mem>>) src(%dma_wait3A_1345 : memref<128xi32, #tpu.memory_space<hbm>>) dst(%dma_wait3A_1344 : memref<128xi32, #tpu.memory_space<vmem>>)
    %dma_wait3A_1346 = arith.constant 4 : i32
    %dma_wait3A_1347 = arith.constant 4 : i32
    %dma_wait3A_1348 = arith.constant 0 : i32
    %dma_wait3A_1349 = tpu.memref_slice %arg7[%dma_wait3A_1346, %dma_wait3A_1348] : memref<5x128xi32, #tpu.memory_space<vmem>> -> memref<1x128xi32, #tpu.memory_space<vmem>>
    %dma_wait3A_1350 = tpu.memref_squeeze %dma_wait3A_1349 : memref<1x128xi32, #tpu.memory_space<vmem>> -> memref<128xi32, #tpu.memory_space<vmem>>
    %dma_wait3A_1351 = tpu.memref_slice %arg3[%multiple_of3A_1333] : memref<204800xi32, #tpu.memory_space<hbm>> -> memref<128xi32, #tpu.memory_space<hbm>>
    %dma_wait3A_1352 = tpu.memref_slice %arg10[%dma_wait3A_1347] : memref<5x!tpu.dma_semaphore, #tpu.memory_space<semaphore_mem>> -> memref<1x!tpu.dma_semaphore, #tpu.memory_space<semaphore_mem>>
    %dma_wait3A_1353 = tpu.memref_squeeze %dma_wait3A_1352 : memref<1x!tpu.dma_semaphore, #tpu.memory_space<semaphore_mem>> -> memref<!tpu.dma_semaphore, #tpu.memory_space<semaphore_mem>>
    %dma_wait3A_1354 = arith.constant 0 : i32
    %dma_wait3A_1355 = tpu.memref_slice %arg7[%dma_wait3A_1346, %dma_wait3A_1354] : memref<5x128xi32, #tpu.memory_space<vmem>> -> memref<1x128xi32, #tpu.memory_space<vmem>>
    %dma_wait3A_1356 = tpu.memref_squeeze %dma_wait3A_1355 : memref<1x128xi32, #tpu.memory_space<vmem>> -> memref<128xi32, #tpu.memory_space<vmem>>
    %dma_wait3A_1357 = tpu.memref_slice %arg3[%multiple_of3A_1333] : memref<204800xi32, #tpu.memory_space<hbm>> -> memref<128xi32, #tpu.memory_space<hbm>>
    tpu.wait_dma2 semaphore(%dma_wait3A_1353 : memref<!tpu.dma_semaphore, #tpu.memory_space<semaphore_mem>>) src(%dma_wait3A_1357 : memref<128xi32, #tpu.memory_space<hbm>>) dst(%dma_wait3A_1356 : memref<128xi32, #tpu.memory_space<vmem>>)
    %add3A_1358 = arith.constant 512 : i32
    %add3A_1359 = arith.addi %mul3A_2, %add3A_1358 : i32
    %get3A_1360 = arith.constant 4 : i32
    %get3A_1361 = arith.index_cast %get3A_1360 : i32 to index
    %get3A_1362 = arith.constant 0 : index
    %get3A_1363 = tpu.vector_load %arg6[%get3A_1361, %get3A_1362] {strides = array<i32>} : memref<5x128xi32, #tpu.memory_space<vmem>>, vector<1x16xi32>,
    %get3A_1364 = vector.shape_cast %get3A_1363 : vector<1x16xi32> to vector<16xi32>
    %get3A_1365 = arith.constant 4 : i32
    %get3A_1366 = arith.index_cast %get3A_1365 : i32 to index
    %get3A_1367 = arith.constant 0 : index
    %get3A_1368 = tpu.vector_load %arg7[%get3A_1366, %get3A_1367] {strides = array<i32>} : memref<5x128xi32, #tpu.memory_space<vmem>>, vector<1x16xi32>,
    %get3A_1369 = vector.shape_cast %get3A_1368 : vector<1x16xi32> to vector<16xi32>
    %iota3A_1370 = tpu.iota {dimensions = array<i32: 0>} : vector<16xi32>
    %add3A_1371 = arith.constant 0 : i32
    %add3A_1372 = arith.addi %add3A_1359, %add3A_1371 : i32
    %add3A_1373 = vector.broadcast %add3A_1372 : i32 to vector<16xi32>
    %add3A_1374 = arith.addi %iota3A_1370, %add3A_1373 : vector<16xi32>
    %rem3A_1375 = arith.constant 200 : i32
    %rem3A_1376 = vector.broadcast %rem3A_1375 : i32 to vector<16xi32>
    %rem3A_1377 = arith.remsi %add3A_1374, %rem3A_1376 : vector<16xi32>
    %mul3A_1378 = arith.constant 240 : i32
    %mul3A_1379 = vector.broadcast %mul3A_1378 : i32 to vector<16xi32>
    %mul3A_1380 = arith.muli %rem3A_1377, %mul3A_1379 : vector<16xi32>
    %mul3A_1381 = arith.constant 8 : i32
    %mul3A_1382 = vector.broadcast %mul3A_1381 : i32 to vector<16xi32>
    %mul3A_1383 = arith.muli %get3A_1364, %mul3A_1382 : vector<16xi32>
    %add3A_1384 = arith.addi %mul3A_1380, %mul3A_1383 : vector<16xi32>
    %add3A_1385 = arith.addi %add3A_1384, %get3A_1369 : vector<16xi32>
    %swap3A_1386 = arith.constant 4 : i32
    %swap3A_1387 = arith.index_cast %swap3A_1386 : i32 to index
    %swap3A_1388 = arith.constant 0 : index
    %swap3A_1389 = tpu.vector_load %arg8[%swap3A_1387, %swap3A_1388] {strides = array<i32>} : memref<5x128xi32, #tpu.memory_space<vmem>>, vector<1x16xi32>,
    %swap3A_1390 = vector.shape_cast %swap3A_1389 : vector<1x16xi32> to vector<16xi32>
    %swap3A_1391 = vector.shape_cast %add3A_1385 : vector<16xi32> to vector<1x16xi32>
    tpu.vector_store %arg8[%swap3A_1387, %swap3A_1388], %swap3A_1391 {strides = array<i32>} : memref<5x128xi32, #tpu.memory_space<vmem>>, vector<1x16xi32>,
    %get3A_1392 = arith.constant 4 : i32
    %get3A_1393 = arith.index_cast %get3A_1392 : i32 to index
    %get3A_1394 = arith.constant 16 : index
    %get3A_1395 = tpu.vector_load %arg6[%get3A_1393, %get3A_1394] {strides = array<i32>} : memref<5x128xi32, #tpu.memory_space<vmem>>, vector<1x16xi32>,
    %get3A_1396 = vector.shape_cast %get3A_1395 : vector<1x16xi32> to vector<16xi32>
    %get3A_1397 = arith.constant 4 : i32
    %get3A_1398 = arith.index_cast %get3A_1397 : i32 to index
    %get3A_1399 = arith.constant 16 : index
    %get3A_1400 = tpu.vector_load %arg7[%get3A_1398, %get3A_1399] {strides = array<i32>} : memref<5x128xi32, #tpu.memory_space<vmem>>, vector<1x16xi32>,
    %get3A_1401 = vector.shape_cast %get3A_1400 : vector<1x16xi32> to vector<16xi32>
    %iota3A_1402 = tpu.iota {dimensions = array<i32: 0>} : vector<16xi32>
    %add3A_1403 = arith.constant 16 : i32
    %add3A_1404 = arith.addi %add3A_1359, %add3A_1403 : i32
    %add3A_1405 = vector.broadcast %add3A_1404 : i32 to vector<16xi32>
    %add3A_1406 = arith.addi %iota3A_1402, %add3A_1405 : vector<16xi32>
    %rem3A_1407 = arith.constant 200 : i32
    %rem3A_1408 = vector.broadcast %rem3A_1407 : i32 to vector<16xi32>
    %rem3A_1409 = arith.remsi %add3A_1406, %rem3A_1408 : vector<16xi32>
    %mul3A_1410 = arith.constant 240 : i32
    %mul3A_1411 = vector.broadcast %mul3A_1410 : i32 to vector<16xi32>
    %mul3A_1412 = arith.muli %rem3A_1409, %mul3A_1411 : vector<16xi32>
    %mul3A_1413 = arith.constant 8 : i32
    %mul3A_1414 = vector.broadcast %mul3A_1413 : i32 to vector<16xi32>
    %mul3A_1415 = arith.muli %get3A_1396, %mul3A_1414 : vector<16xi32>
    %add3A_1416 = arith.addi %mul3A_1412, %mul3A_1415 : vector<16xi32>
    %add3A_1417 = arith.addi %add3A_1416, %get3A_1401 : vector<16xi32>
    %swap3A_1418 = arith.constant 4 : i32
    %swap3A_1419 = arith.index_cast %swap3A_1418 : i32 to index
    %swap3A_1420 = arith.constant 16 : index
    %swap3A_1421 = tpu.vector_load %arg8[%swap3A_1419, %swap3A_1420] {strides = array<i32>} : memref<5x128xi32, #tpu.memory_space<vmem>>, vector<1x16xi32>,
    %swap3A_1422 = vector.shape_cast %swap3A_1421 : vector<1x16xi32> to vector<16xi32>
    %swap3A_1423 = vector.shape_cast %add3A_1417 : vector<16xi32> to vector<1x16xi32>
    tpu.vector_store %arg8[%swap3A_1419, %swap3A_1420], %swap3A_1423 {strides = array<i32>} : memref<5x128xi32, #tpu.memory_space<vmem>>, vector<1x16xi32>,
    %get3A_1424 = arith.constant 4 : i32
    %get3A_1425 = arith.index_cast %get3A_1424 : i32 to index
    %get3A_1426 = arith.constant 32 : index
    %get3A_1427 = tpu.vector_load %arg6[%get3A_1425, %get3A_1426] {strides = array<i32>} : memref<5x128xi32, #tpu.memory_space<vmem>>, vector<1x16xi32>,
    %get3A_1428 = vector.shape_cast %get3A_1427 : vector<1x16xi32> to vector<16xi32>
    %get3A_1429 = arith.constant 4 : i32
    %get3A_1430 = arith.index_cast %get3A_1429 : i32 to index
    %get3A_1431 = arith.constant 32 : index
    %get3A_1432 = tpu.vector_load %arg7[%get3A_1430, %get3A_1431] {strides = array<i32>} : memref<5x128xi32, #tpu.memory_space<vmem>>, vector<1x16xi32>,
    %get3A_1433 = vector.shape_cast %get3A_1432 : vector<1x16xi32> to vector<16xi32>
    %iota3A_1434 = tpu.iota {dimensions = array<i32: 0>} : vector<16xi32>
    %add3A_1435 = arith.constant 32 : i32
    %add3A_1436 = arith.addi %add3A_1359, %add3A_1435 : i32
    %add3A_1437 = vector.broadcast %add3A_1436 : i32 to vector<16xi32>
    %add3A_1438 = arith.addi %iota3A_1434, %add3A_1437 : vector<16xi32>
    %rem3A_1439 = arith.constant 200 : i32
    %rem3A_1440 = vector.broadcast %rem3A_1439 : i32 to vector<16xi32>
    %rem3A_1441 = arith.remsi %add3A_1438, %rem3A_1440 : vector<16xi32>
    %mul3A_1442 = arith.constant 240 : i32
    %mul3A_1443 = vector.broadcast %mul3A_1442 : i32 to vector<16xi32>
    %mul3A_1444 = arith.muli %rem3A_1441, %mul3A_1443 : vector<16xi32>
    %mul3A_1445 = arith.constant 8 : i32
    %mul3A_1446 = vector.broadcast %mul3A_1445 : i32 to vector<16xi32>
    %mul3A_1447 = arith.muli %get3A_1428, %mul3A_1446 : vector<16xi32>
    %add3A_1448 = arith.addi %mul3A_1444, %mul3A_1447 : vector<16xi32>
    %add3A_1449 = arith.addi %add3A_1448, %get3A_1433 : vector<16xi32>
    %swap3A_1450 = arith.constant 4 : i32
    %swap3A_1451 = arith.index_cast %swap3A_1450 : i32 to index
    %swap3A_1452 = arith.constant 32 : index
    %swap3A_1453 = tpu.vector_load %arg8[%swap3A_1451, %swap3A_1452] {strides = array<i32>} : memref<5x128xi32, #tpu.memory_space<vmem>>, vector<1x16xi32>,
    %swap3A_1454 = vector.shape_cast %swap3A_1453 : vector<1x16xi32> to vector<16xi32>
    %swap3A_1455 = vector.shape_cast %add3A_1449 : vector<16xi32> to vector<1x16xi32>
    tpu.vector_store %arg8[%swap3A_1451, %swap3A_1452], %swap3A_1455 {strides = array<i32>} : memref<5x128xi32, #tpu.memory_space<vmem>>, vector<1x16xi32>,
    %get3A_1456 = arith.constant 4 : i32
    %get3A_1457 = arith.index_cast %get3A_1456 : i32 to index
    %get3A_1458 = arith.constant 48 : index
    %get3A_1459 = tpu.vector_load %arg6[%get3A_1457, %get3A_1458] {strides = array<i32>} : memref<5x128xi32, #tpu.memory_space<vmem>>, vector<1x16xi32>,
    %get3A_1460 = vector.shape_cast %get3A_1459 : vector<1x16xi32> to vector<16xi32>
    %get3A_1461 = arith.constant 4 : i32
    %get3A_1462 = arith.index_cast %get3A_1461 : i32 to index
    %get3A_1463 = arith.constant 48 : index
    %get3A_1464 = tpu.vector_load %arg7[%get3A_1462, %get3A_1463] {strides = array<i32>} : memref<5x128xi32, #tpu.memory_space<vmem>>, vector<1x16xi32>,
    %get3A_1465 = vector.shape_cast %get3A_1464 : vector<1x16xi32> to vector<16xi32>
    %iota3A_1466 = tpu.iota {dimensions = array<i32: 0>} : vector<16xi32>
    %add3A_1467 = arith.constant 48 : i32
    %add3A_1468 = arith.addi %add3A_1359, %add3A_1467 : i32
    %add3A_1469 = vector.broadcast %add3A_1468 : i32 to vector<16xi32>
    %add3A_1470 = arith.addi %iota3A_1466, %add3A_1469 : vector<16xi32>
    %rem3A_1471 = arith.constant 200 : i32
    %rem3A_1472 = vector.broadcast %rem3A_1471 : i32 to vector<16xi32>
    %rem3A_1473 = arith.remsi %add3A_1470, %rem3A_1472 : vector<16xi32>
    %mul3A_1474 = arith.constant 240 : i32
    %mul3A_1475 = vector.broadcast %mul3A_1474 : i32 to vector<16xi32>
    %mul3A_1476 = arith.muli %rem3A_1473, %mul3A_1475 : vector<16xi32>
    %mul3A_1477 = arith.constant 8 : i32
    %mul3A_1478 = vector.broadcast %mul3A_1477 : i32 to vector<16xi32>
    %mul3A_1479 = arith.muli %get3A_1460, %mul3A_1478 : vector<16xi32>
    %add3A_1480 = arith.addi %mul3A_1476, %mul3A_1479 : vector<16xi32>
    %add3A_1481 = arith.addi %add3A_1480, %get3A_1465 : vector<16xi32>
    %swap3A_1482 = arith.constant 4 : i32
    %swap3A_1483 = arith.index_cast %swap3A_1482 : i32 to index
    %swap3A_1484 = arith.constant 48 : index
    %swap3A_1485 = tpu.vector_load %arg8[%swap3A_1483, %swap3A_1484] {strides = array<i32>} : memref<5x128xi32, #tpu.memory_space<vmem>>, vector<1x16xi32>,
    %swap3A_1486 = vector.shape_cast %swap3A_1485 : vector<1x16xi32> to vector<16xi32>
    %swap3A_1487 = vector.shape_cast %add3A_1481 : vector<16xi32> to vector<1x16xi32>
    tpu.vector_store %arg8[%swap3A_1483, %swap3A_1484], %swap3A_1487 {strides = array<i32>} : memref<5x128xi32, #tpu.memory_space<vmem>>, vector<1x16xi32>,
    %get3A_1488 = arith.constant 4 : i32
    %get3A_1489 = arith.index_cast %get3A_1488 : i32 to index
    %get3A_1490 = arith.constant 64 : index
    %get3A_1491 = tpu.vector_load %arg6[%get3A_1489, %get3A_1490] {strides = array<i32>} : memref<5x128xi32, #tpu.memory_space<vmem>>, vector<1x16xi32>,
    %get3A_1492 = vector.shape_cast %get3A_1491 : vector<1x16xi32> to vector<16xi32>
    %get3A_1493 = arith.constant 4 : i32
    %get3A_1494 = arith.index_cast %get3A_1493 : i32 to index
    %get3A_1495 = arith.constant 64 : index
    %get3A_1496 = tpu.vector_load %arg7[%get3A_1494, %get3A_1495] {strides = array<i32>} : memref<5x128xi32, #tpu.memory_space<vmem>>, vector<1x16xi32>,
    %get3A_1497 = vector.shape_cast %get3A_1496 : vector<1x16xi32> to vector<16xi32>
    %iota3A_1498 = tpu.iota {dimensions = array<i32: 0>} : vector<16xi32>
    %add3A_1499 = arith.constant 64 : i32
    %add3A_1500 = arith.addi %add3A_1359, %add3A_1499 : i32
    %add3A_1501 = vector.broadcast %add3A_1500 : i32 to vector<16xi32>
    %add3A_1502 = arith.addi %iota3A_1498, %add3A_1501 : vector<16xi32>
    %rem3A_1503 = arith.constant 200 : i32
    %rem3A_1504 = vector.broadcast %rem3A_1503 : i32 to vector<16xi32>
    %rem3A_1505 = arith.remsi %add3A_1502, %rem3A_1504 : vector<16xi32>
    %mul3A_1506 = arith.constant 240 : i32
    %mul3A_1507 = vector.broadcast %mul3A_1506 : i32 to vector<16xi32>
    %mul3A_1508 = arith.muli %rem3A_1505, %mul3A_1507 : vector<16xi32>
    %mul3A_1509 = arith.constant 8 : i32
    %mul3A_1510 = vector.broadcast %mul3A_1509 : i32 to vector<16xi32>
    %mul3A_1511 = arith.muli %get3A_1492, %mul3A_1510 : vector<16xi32>
    %add3A_1512 = arith.addi %mul3A_1508, %mul3A_1511 : vector<16xi32>
    %add3A_1513 = arith.addi %add3A_1512, %get3A_1497 : vector<16xi32>
    %swap3A_1514 = arith.constant 4 : i32
    %swap3A_1515 = arith.index_cast %swap3A_1514 : i32 to index
    %swap3A_1516 = arith.constant 64 : index
    %swap3A_1517 = tpu.vector_load %arg8[%swap3A_1515, %swap3A_1516] {strides = array<i32>} : memref<5x128xi32, #tpu.memory_space<vmem>>, vector<1x16xi32>,
    %swap3A_1518 = vector.shape_cast %swap3A_1517 : vector<1x16xi32> to vector<16xi32>
    %swap3A_1519 = vector.shape_cast %add3A_1513 : vector<16xi32> to vector<1x16xi32>
    tpu.vector_store %arg8[%swap3A_1515, %swap3A_1516], %swap3A_1519 {strides = array<i32>} : memref<5x128xi32, #tpu.memory_space<vmem>>, vector<1x16xi32>,
    %get3A_1520 = arith.constant 4 : i32
    %get3A_1521 = arith.index_cast %get3A_1520 : i32 to index
    %get3A_1522 = arith.constant 80 : index
    %get3A_1523 = tpu.vector_load %arg6[%get3A_1521, %get3A_1522] {strides = array<i32>} : memref<5x128xi32, #tpu.memory_space<vmem>>, vector<1x16xi32>,
    %get3A_1524 = vector.shape_cast %get3A_1523 : vector<1x16xi32> to vector<16xi32>
    %get3A_1525 = arith.constant 4 : i32
    %get3A_1526 = arith.index_cast %get3A_1525 : i32 to index
    %get3A_1527 = arith.constant 80 : index
    %get3A_1528 = tpu.vector_load %arg7[%get3A_1526, %get3A_1527] {strides = array<i32>} : memref<5x128xi32, #tpu.memory_space<vmem>>, vector<1x16xi32>,
    %get3A_1529 = vector.shape_cast %get3A_1528 : vector<1x16xi32> to vector<16xi32>
    %iota3A_1530 = tpu.iota {dimensions = array<i32: 0>} : vector<16xi32>
    %add3A_1531 = arith.constant 80 : i32
    %add3A_1532 = arith.addi %add3A_1359, %add3A_1531 : i32
    %add3A_1533 = vector.broadcast %add3A_1532 : i32 to vector<16xi32>
    %add3A_1534 = arith.addi %iota3A_1530, %add3A_1533 : vector<16xi32>
    %rem3A_1535 = arith.constant 200 : i32
    %rem3A_1536 = vector.broadcast %rem3A_1535 : i32 to vector<16xi32>
    %rem3A_1537 = arith.remsi %add3A_1534, %rem3A_1536 : vector<16xi32>
    %mul3A_1538 = arith.constant 240 : i32
    %mul3A_1539 = vector.broadcast %mul3A_1538 : i32 to vector<16xi32>
    %mul3A_1540 = arith.muli %rem3A_1537, %mul3A_1539 : vector<16xi32>
    %mul3A_1541 = arith.constant 8 : i32
    %mul3A_1542 = vector.broadcast %mul3A_1541 : i32 to vector<16xi32>
    %mul3A_1543 = arith.muli %get3A_1524, %mul3A_1542 : vector<16xi32>
    %add3A_1544 = arith.addi %mul3A_1540, %mul3A_1543 : vector<16xi32>
    %add3A_1545 = arith.addi %add3A_1544, %get3A_1529 : vector<16xi32>
    %swap3A_1546 = arith.constant 4 : i32
    %swap3A_1547 = arith.index_cast %swap3A_1546 : i32 to index
    %swap3A_1548 = arith.constant 80 : index
    %swap3A_1549 = tpu.vector_load %arg8[%swap3A_1547, %swap3A_1548] {strides = array<i32>} : memref<5x128xi32, #tpu.memory_space<vmem>>, vector<1x16xi32>,
    %swap3A_1550 = vector.shape_cast %swap3A_1549 : vector<1x16xi32> to vector<16xi32>
    %swap3A_1551 = vector.shape_cast %add3A_1545 : vector<16xi32> to vector<1x16xi32>
    tpu.vector_store %arg8[%swap3A_1547, %swap3A_1548], %swap3A_1551 {strides = array<i32>} : memref<5x128xi32, #tpu.memory_space<vmem>>, vector<1x16xi32>,
    %get3A_1552 = arith.constant 4 : i32
    %get3A_1553 = arith.index_cast %get3A_1552 : i32 to index
    %get3A_1554 = arith.constant 96 : index
    %get3A_1555 = tpu.vector_load %arg6[%get3A_1553, %get3A_1554] {strides = array<i32>} : memref<5x128xi32, #tpu.memory_space<vmem>>, vector<1x16xi32>,
    %get3A_1556 = vector.shape_cast %get3A_1555 : vector<1x16xi32> to vector<16xi32>
    %get3A_1557 = arith.constant 4 : i32
    %get3A_1558 = arith.index_cast %get3A_1557 : i32 to index
    %get3A_1559 = arith.constant 96 : index
    %get3A_1560 = tpu.vector_load %arg7[%get3A_1558, %get3A_1559] {strides = array<i32>} : memref<5x128xi32, #tpu.memory_space<vmem>>, vector<1x16xi32>,
    %get3A_1561 = vector.shape_cast %get3A_1560 : vector<1x16xi32> to vector<16xi32>
    %iota3A_1562 = tpu.iota {dimensions = array<i32: 0>} : vector<16xi32>
    %add3A_1563 = arith.constant 96 : i32
    %add3A_1564 = arith.addi %add3A_1359, %add3A_1563 : i32
    %add3A_1565 = vector.broadcast %add3A_1564 : i32 to vector<16xi32>
    %add3A_1566 = arith.addi %iota3A_1562, %add3A_1565 : vector<16xi32>
    %rem3A_1567 = arith.constant 200 : i32
    %rem3A_1568 = vector.broadcast %rem3A_1567 : i32 to vector<16xi32>
    %rem3A_1569 = arith.remsi %add3A_1566, %rem3A_1568 : vector<16xi32>
    %mul3A_1570 = arith.constant 240 : i32
    %mul3A_1571 = vector.broadcast %mul3A_1570 : i32 to vector<16xi32>
    %mul3A_1572 = arith.muli %rem3A_1569, %mul3A_1571 : vector<16xi32>
    %mul3A_1573 = arith.constant 8 : i32
    %mul3A_1574 = vector.broadcast %mul3A_1573 : i32 to vector<16xi32>
    %mul3A_1575 = arith.muli %get3A_1556, %mul3A_1574 : vector<16xi32>
    %add3A_1576 = arith.addi %mul3A_1572, %mul3A_1575 : vector<16xi32>
    %add3A_1577 = arith.addi %add3A_1576, %get3A_1561 : vector<16xi32>
    %swap3A_1578 = arith.constant 4 : i32
    %swap3A_1579 = arith.index_cast %swap3A_1578 : i32 to index
    %swap3A_1580 = arith.constant 96 : index
    %swap3A_1581 = tpu.vector_load %arg8[%swap3A_1579, %swap3A_1580] {strides = array<i32>} : memref<5x128xi32, #tpu.memory_space<vmem>>, vector<1x16xi32>,
    %swap3A_1582 = vector.shape_cast %swap3A_1581 : vector<1x16xi32> to vector<16xi32>
    %swap3A_1583 = vector.shape_cast %add3A_1577 : vector<16xi32> to vector<1x16xi32>
    tpu.vector_store %arg8[%swap3A_1579, %swap3A_1580], %swap3A_1583 {strides = array<i32>} : memref<5x128xi32, #tpu.memory_space<vmem>>, vector<1x16xi32>,
    %get3A_1584 = arith.constant 4 : i32
    %get3A_1585 = arith.index_cast %get3A_1584 : i32 to index
    %get3A_1586 = arith.constant 112 : index
    %get3A_1587 = tpu.vector_load %arg6[%get3A_1585, %get3A_1586] {strides = array<i32>} : memref<5x128xi32, #tpu.memory_space<vmem>>, vector<1x16xi32>,
    %get3A_1588 = vector.shape_cast %get3A_1587 : vector<1x16xi32> to vector<16xi32>
    %get3A_1589 = arith.constant 4 : i32
    %get3A_1590 = arith.index_cast %get3A_1589 : i32 to index
    %get3A_1591 = arith.constant 112 : index
    %get3A_1592 = tpu.vector_load %arg7[%get3A_1590, %get3A_1591] {strides = array<i32>} : memref<5x128xi32, #tpu.memory_space<vmem>>, vector<1x16xi32>,
    %get3A_1593 = vector.shape_cast %get3A_1592 : vector<1x16xi32> to vector<16xi32>
    %iota3A_1594 = tpu.iota {dimensions = array<i32: 0>} : vector<16xi32>
    %add3A_1595 = arith.constant 112 : i32
    %add3A_1596 = arith.addi %add3A_1359, %add3A_1595 : i32
    %add3A_1597 = vector.broadcast %add3A_1596 : i32 to vector<16xi32>
    %add3A_1598 = arith.addi %iota3A_1594, %add3A_1597 : vector<16xi32>
    %rem3A_1599 = arith.constant 200 : i32
    %rem3A_1600 = vector.broadcast %rem3A_1599 : i32 to vector<16xi32>
    %rem3A_1601 = arith.remsi %add3A_1598, %rem3A_1600 : vector<16xi32>
    %mul3A_1602 = arith.constant 240 : i32
    %mul3A_1603 = vector.broadcast %mul3A_1602 : i32 to vector<16xi32>
    %mul3A_1604 = arith.muli %rem3A_1601, %mul3A_1603 : vector<16xi32>
    %mul3A_1605 = arith.constant 8 : i32
    %mul3A_1606 = vector.broadcast %mul3A_1605 : i32 to vector<16xi32>
    %mul3A_1607 = arith.muli %get3A_1588, %mul3A_1606 : vector<16xi32>
    %add3A_1608 = arith.addi %mul3A_1604, %mul3A_1607 : vector<16xi32>
    %add3A_1609 = arith.addi %add3A_1608, %get3A_1593 : vector<16xi32>
    %swap3A_1610 = arith.constant 4 : i32
    %swap3A_1611 = arith.index_cast %swap3A_1610 : i32 to index
    %swap3A_1612 = arith.constant 112 : index
    %swap3A_1613 = tpu.vector_load %arg8[%swap3A_1611, %swap3A_1612] {strides = array<i32>} : memref<5x128xi32, #tpu.memory_space<vmem>>, vector<1x16xi32>,
    %swap3A_1614 = vector.shape_cast %swap3A_1613 : vector<1x16xi32> to vector<16xi32>
    %swap3A_1615 = vector.shape_cast %add3A_1609 : vector<16xi32> to vector<1x16xi32>
    tpu.vector_store %arg8[%swap3A_1611, %swap3A_1612], %swap3A_1615 {strides = array<i32>} : memref<5x128xi32, #tpu.memory_space<vmem>>, vector<1x16xi32>,
    %dma_start3A_1616 = arith.constant 4 : i32
    %dma_start3A_1617 = arith.constant 4 : i32
    %dma_start3A_1618 = arith.constant 4 : i32
    %dma_start3A_1619 = arith.constant 0 : i32
    %dma_start3A_1620 = arith.constant 0 : i32
    %dma_start3A_1621 = tpu.memref_slice %arg9[%dma_start3A_1617, %dma_start3A_1619, %dma_start3A_1620] : memref<5x128x128xf32, #tpu.memory_space<vmem>> -> memref<1x128x128xf32, #tpu.memory_space<vmem>>
    %dma_start3A_1622 = tpu.memref_squeeze %dma_start3A_1621 : memref<1x128x128xf32, #tpu.memory_space<vmem>> -> memref<128x128xf32, #tpu.memory_space<vmem>>
    %dma_start3A_1623 = arith.constant 0 : i32
    %dma_start3A_1624 = tpu.memref_slice %arg8[%dma_start3A_1616, %dma_start3A_1623] : memref<5x128xi32, #tpu.memory_space<vmem>> -> memref<1x128xi32, #tpu.memory_space<vmem>>
    %dma_start3A_1625 = tpu.memref_squeeze %dma_start3A_1624 : memref<1x128xi32, #tpu.memory_space<vmem>> -> memref<128xi32, #tpu.memory_space<vmem>>
    %dma_start3A_1626 = arith.constant 0 : i32
    %dma_start3A_1627 = arith.constant 0 : i32
    %dma_start3A_1628 = tpu.memref_slice %arg4[%dma_start3A_1626, %dma_start3A_1627] : memref<48000x128xf32, #tpu.memory_space<hbm>> -> memref<48000x128xf32, #tpu.memory_space<hbm>>
    %dma_start3A_1629 = tpu.memref_slice %arg11[%dma_start3A_1618] : memref<5x!tpu.dma_semaphore, #tpu.memory_space<semaphore_mem>> -> memref<1x!tpu.dma_semaphore, #tpu.memory_space<semaphore_mem>>
    %dma_start3A_1630 = tpu.memref_squeeze %dma_start3A_1629 : memref<1x!tpu.dma_semaphore, #tpu.memory_space<semaphore_mem>> -> memref<!tpu.dma_semaphore, #tpu.memory_space<semaphore_mem>>
    tpu.enqueue_indirect_dma source(%dma_start3A_1628 : memref<48000x128xf32, #tpu.memory_space<hbm>>) target(%dma_start3A_1622 : memref<128x128xf32, #tpu.memory_space<vmem>>) offsets(%dma_start3A_1625 : memref<128xi32, #tpu.memory_space<vmem>>) semaphore(%dma_start3A_1630 : memref<!tpu.dma_semaphore, #tpu.memory_space<semaphore_mem>>)
    %scan3A = arith.constant 0 : i32
    %scan3A_1631 = arith.constant 0 : i32
    %scan3A_1632 = arith.constant 9 : i32
    %scan3A_1633 = arith.addi %scan3A_1631, %scan3A_1632 : i32
    %scan3A_1634 = arith.constant 1 : i32
    scf.for %scan3A_1901 = %scan3A_1631 to %scan3A_1633 step %scan3A_1634  : i32 {
      %mul3A_1902 = arith.constant 5 : i32
      %mul3A_1903 = arith.muli %scan3A_1901, %mul3A_1902 : i32
      %add3A_1904 = arith.constant 0 : i32
      %add3A_1905 = arith.addi %mul3A_1903, %add3A_1904 : i32
      %add3A_1906 = arith.constant 5 : i32
      %add3A_1907 = arith.addi %add3A_1905, %add3A_1906 : i32
      %mul3A_1908 = arith.constant 128 : i32
      %mul3A_1909 = arith.muli %add3A_1907, %mul3A_1908 : i32
      %add3A_1910 = arith.addi %mul3A_2, %mul3A_1909 : i32
      %multiple_of3A_1911 = tpu.assume_multiple %add3A_1910, 8 : i32
      %dma_start3A_1912 = arith.constant 0 : i32
      %dma_start3A_1913 = arith.constant 0 : i32
      %dma_start3A_1914 = arith.constant 0 : i32
      %dma_start3A_1915 = tpu.memref_slice %arg6[%dma_start3A_1912, %dma_start3A_1914] : memref<5x128xi32, #tpu.memory_space<vmem>> -> memref<1x128xi32, #tpu.memory_space<vmem>>
      %dma_start3A_1916 = tpu.memref_squeeze %dma_start3A_1915 : memref<1x128xi32, #tpu.memory_space<vmem>> -> memref<128xi32, #tpu.memory_space<vmem>>
      %dma_start3A_1917 = tpu.memref_slice %arg2[%multiple_of3A_1911] : memref<204800xi32, #tpu.memory_space<hbm>> -> memref<128xi32, #tpu.memory_space<hbm>>
      %dma_start3A_1918 = tpu.memref_slice %arg10[%dma_start3A_1913] : memref<5x!tpu.dma_semaphore, #tpu.memory_space<semaphore_mem>> -> memref<1x!tpu.dma_semaphore, #tpu.memory_space<semaphore_mem>>
      %dma_start3A_1919 = tpu.memref_squeeze %dma_start3A_1918 : memref<1x!tpu.dma_semaphore, #tpu.memory_space<semaphore_mem>> -> memref<!tpu.dma_semaphore, #tpu.memory_space<semaphore_mem>>
      %dma_start3A_1920 = arith.constant 0 : i32
      %dma_start3A_1921 = tpu.memref_slice %arg6[%dma_start3A_1912, %dma_start3A_1920] : memref<5x128xi32, #tpu.memory_space<vmem>> -> memref<1x128xi32, #tpu.memory_space<vmem>>
      %dma_start3A_1922 = tpu.memref_squeeze %dma_start3A_1921 : memref<1x128xi32, #tpu.memory_space<vmem>> -> memref<128xi32, #tpu.memory_space<vmem>>
      %dma_start3A_1923 = tpu.memref_slice %arg2[%multiple_of3A_1911] : memref<204800xi32, #tpu.memory_space<hbm>> -> memref<128xi32, #tpu.memory_space<hbm>>
      tpu.enqueue_dma source(%dma_start3A_1923 : memref<128xi32, #tpu.memory_space<hbm>>) target(%dma_start3A_1922 : memref<128xi32, #tpu.memory_space<vmem>>) target_semaphore(%dma_start3A_1919 : memref<!tpu.dma_semaphore, #tpu.memory_space<semaphore_mem>>)
      %dma_start3A_1924 = arith.constant 0 : i32
      %dma_start3A_1925 = arith.constant 0 : i32
      %dma_start3A_1926 = arith.constant 0 : i32
      %dma_start3A_1927 = tpu.memref_slice %arg7[%dma_start3A_1924, %dma_start3A_1926] : memref<5x128xi32, #tpu.memory_space<vmem>> -> memref<1x128xi32, #tpu.memory_space<vmem>>
      %dma_start3A_1928 = tpu.memref_squeeze %dma_start3A_1927 : memref<1x128xi32, #tpu.memory_space<vmem>> -> memref<128xi32, #tpu.memory_space<vmem>>
      %dma_start3A_1929 = tpu.memref_slice %arg3[%multiple_of3A_1911] : memref<204800xi32, #tpu.memory_space<hbm>> -> memref<128xi32, #tpu.memory_space<hbm>>
      %dma_start3A_1930 = tpu.memref_slice %arg10[%dma_start3A_1925] : memref<5x!tpu.dma_semaphore, #tpu.memory_space<semaphore_mem>> -> memref<1x!tpu.dma_semaphore, #tpu.memory_space<semaphore_mem>>
      %dma_start3A_1931 = tpu.memref_squeeze %dma_start3A_1930 : memref<1x!tpu.dma_semaphore, #tpu.memory_space<semaphore_mem>> -> memref<!tpu.dma_semaphore, #tpu.memory_space<semaphore_mem>>
      %dma_start3A_1932 = arith.constant 0 : i32
      %dma_start3A_1933 = tpu.memref_slice %arg7[%dma_start3A_1924, %dma_start3A_1932] : memref<5x128xi32, #tpu.memory_space<vmem>> -> memref<1x128xi32, #tpu.memory_space<vmem>>
      %dma_start3A_1934 = tpu.memref_squeeze %dma_start3A_1933 : memref<1x128xi32, #tpu.memory_space<vmem>> -> memref<128xi32, #tpu.memory_space<vmem>>
      %dma_start3A_1935 = tpu.memref_slice %arg3[%multiple_of3A_1911] : memref<204800xi32, #tpu.memory_space<hbm>> -> memref<128xi32, #tpu.memory_space<hbm>>
      tpu.enqueue_dma source(%dma_start3A_1935 : memref<128xi32, #tpu.memory_space<hbm>>) target(%dma_start3A_1934 : memref<128xi32, #tpu.memory_space<vmem>>) target_semaphore(%dma_start3A_1931 : memref<!tpu.dma_semaphore, #tpu.memory_space<semaphore_mem>>)
      %dma_wait3A_1936 = arith.constant 0 : i32
      %dma_wait3A_1937 = arith.constant 0 : i32
      %dma_wait3A_1938 = arith.constant 0 : i32
      %dma_wait3A_1939 = arith.constant 0 : i32
      %dma_wait3A_1940 = arith.constant 0 : i32
      %dma_wait3A_1941 = tpu.memref_slice %arg9[%dma_wait3A_1937, %dma_wait3A_1939, %dma_wait3A_1940] : memref<5x128x128xf32, #tpu.memory_space<vmem>> -> memref<1x128x128xf32, #tpu.memory_space<vmem>>
      %dma_wait3A_1942 = tpu.memref_squeeze %dma_wait3A_1941 : memref<1x128x128xf32, #tpu.memory_space<vmem>> -> memref<128x128xf32, #tpu.memory_space<vmem>>
      %dma_wait3A_1943 = arith.constant 0 : i32
      %dma_wait3A_1944 = tpu.memref_slice %arg8[%dma_wait3A_1936, %dma_wait3A_1943] : memref<5x128xi32, #tpu.memory_space<vmem>> -> memref<1x128xi32, #tpu.memory_space<vmem>>
      %dma_wait3A_1945 = tpu.memref_squeeze %dma_wait3A_1944 : memref<1x128xi32, #tpu.memory_space<vmem>> -> memref<128xi32, #tpu.memory_space<vmem>>
      %dma_wait3A_1946 = arith.constant 0 : i32
      %dma_wait3A_1947 = arith.constant 0 : i32
      %dma_wait3A_1948 = tpu.memref_slice %arg4[%dma_wait3A_1946, %dma_wait3A_1947] : memref<48000x128xf32, #tpu.memory_space<hbm>> -> memref<48000x128xf32, #tpu.memory_space<hbm>>
      %dma_wait3A_1949 = tpu.memref_slice %arg11[%dma_wait3A_1938] : memref<5x!tpu.dma_semaphore, #tpu.memory_space<semaphore_mem>> -> memref<1x!tpu.dma_semaphore, #tpu.memory_space<semaphore_mem>>
      %dma_wait3A_1950 = tpu.memref_squeeze %dma_wait3A_1949 : memref<1x!tpu.dma_semaphore, #tpu.memory_space<semaphore_mem>> -> memref<!tpu.dma_semaphore, #tpu.memory_space<semaphore_mem>>
      tpu.wait_indirect_dma semaphore(%dma_wait3A_1950 : memref<!tpu.dma_semaphore, #tpu.memory_space<semaphore_mem>>) src(%dma_wait3A_1948 : memref<48000x128xf32, #tpu.memory_space<hbm>>) dst(%dma_wait3A_1942 : memref<128x128xf32, #tpu.memory_space<vmem>>)
      %mul3A_1951 = arith.constant 128 : i32
      %mul3A_1952 = arith.muli %add3A_1905, %mul3A_1951 : i32
      %add3A_1953 = arith.addi %mul3A_2, %mul3A_1952 : i32
      %multiple_of3A_1954 = tpu.assume_multiple %add3A_1953, 8 : i32
      %dma_start3A_1955 = arith.constant 0 : i32
      %dma_start3A_1956 = arith.constant 0 : i32
      %dma_start3A_1957 = arith.constant 0 : i32
      %dma_start3A_1958 = arith.constant 0 : i32
      %dma_start3A_1959 = tpu.memref_slice %arg9[%dma_start3A_1955, %dma_start3A_1957, %dma_start3A_1958] : memref<5x128x128xf32, #tpu.memory_space<vmem>> -> memref<1x128x128xf32, #tpu.memory_space<vmem>>
      %dma_start3A_1960 = tpu.memref_squeeze %dma_start3A_1959 : memref<1x128x128xf32, #tpu.memory_space<vmem>> -> memref<128x128xf32, #tpu.memory_space<vmem>>
      %dma_start3A_1961 = arith.constant 0 : i32
      %dma_start3A_1962 = tpu.memref_slice %arg5[%multiple_of3A_1954, %dma_start3A_1961] : memref<204800x128xf32, #tpu.memory_space<hbm>> -> memref<128x128xf32, #tpu.memory_space<hbm>>
      %dma_start3A_1963 = tpu.memref_slice %arg12[%dma_start3A_1956] : memref<5x!tpu.dma_semaphore, #tpu.memory_space<semaphore_mem>> -> memref<1x!tpu.dma_semaphore, #tpu.memory_space<semaphore_mem>>
      %dma_start3A_1964 = tpu.memref_squeeze %dma_start3A_1963 : memref<1x!tpu.dma_semaphore, #tpu.memory_space<semaphore_mem>> -> memref<!tpu.dma_semaphore, #tpu.memory_space<semaphore_mem>>
      %dma_start3A_1965 = arith.constant 0 : i32
      %dma_start3A_1966 = tpu.memref_slice %arg5[%multiple_of3A_1954, %dma_start3A_1965] : memref<204800x128xf32, #tpu.memory_space<hbm>> -> memref<128x128xf32, #tpu.memory_space<hbm>>
      %dma_start3A_1967 = arith.constant 0 : i32
      %dma_start3A_1968 = arith.constant 0 : i32
      %dma_start3A_1969 = tpu.memref_slice %arg9[%dma_start3A_1955, %dma_start3A_1967, %dma_start3A_1968] : memref<5x128x128xf32, #tpu.memory_space<vmem>> -> memref<1x128x128xf32, #tpu.memory_space<vmem>>
      %dma_start3A_1970 = tpu.memref_squeeze %dma_start3A_1969 : memref<1x128x128xf32, #tpu.memory_space<vmem>> -> memref<128x128xf32, #tpu.memory_space<vmem>>
      tpu.enqueue_dma source(%dma_start3A_1970 : memref<128x128xf32, #tpu.memory_space<vmem>>) target(%dma_start3A_1966 : memref<128x128xf32, #tpu.memory_space<hbm>>) target_semaphore(%dma_start3A_1964 : memref<!tpu.dma_semaphore, #tpu.memory_space<semaphore_mem>>)
      %add3A_1971 = arith.constant 5 : i32
      %add3A_1972 = arith.addi %add3A_1905, %add3A_1971 : i32
      %mul3A_1973 = arith.constant 128 : i32
      %mul3A_1974 = arith.muli %add3A_1972, %mul3A_1973 : i32
      %add3A_1975 = arith.addi %mul3A_2, %mul3A_1974 : i32
      %multiple_of3A_1976 = tpu.assume_multiple %add3A_1975, 8 : i32
      %dma_wait3A_1977 = arith.constant 0 : i32
      %dma_wait3A_1978 = arith.constant 0 : i32
      %dma_wait3A_1979 = arith.constant 0 : i32
      %dma_wait3A_1980 = tpu.memref_slice %arg6[%dma_wait3A_1977, %dma_wait3A_1979] : memref<5x128xi32, #tpu.memory_space<vmem>> -> memref<1x128xi32, #tpu.memory_space<vmem>>
      %dma_wait3A_1981 = tpu.memref_squeeze %dma_wait3A_1980 : memref<1x128xi32, #tpu.memory_space<vmem>> -> memref<128xi32, #tpu.memory_space<vmem>>
      %dma_wait3A_1982 = tpu.memref_slice %arg2[%multiple_of3A_1976] : memref<204800xi32, #tpu.memory_space<hbm>> -> memref<128xi32, #tpu.memory_space<hbm>>
      %dma_wait3A_1983 = tpu.memref_slice %arg10[%dma_wait3A_1978] : memref<5x!tpu.dma_semaphore, #tpu.memory_space<semaphore_mem>> -> memref<1x!tpu.dma_semaphore, #tpu.memory_space<semaphore_mem>>
      %dma_wait3A_1984 = tpu.memref_squeeze %dma_wait3A_1983 : memref<1x!tpu.dma_semaphore, #tpu.memory_space<semaphore_mem>> -> memref<!tpu.dma_semaphore, #tpu.memory_space<semaphore_mem>>
      %dma_wait3A_1985 = arith.constant 0 : i32
      %dma_wait3A_1986 = tpu.memref_slice %arg6[%dma_wait3A_1977, %dma_wait3A_1985] : memref<5x128xi32, #tpu.memory_space<vmem>> -> memref<1x128xi32, #tpu.memory_space<vmem>>
      %dma_wait3A_1987 = tpu.memref_squeeze %dma_wait3A_1986 : memref<1x128xi32, #tpu.memory_space<vmem>> -> memref<128xi32, #tpu.memory_space<vmem>>
      %dma_wait3A_1988 = tpu.memref_slice %arg2[%multiple_of3A_1976] : memref<204800xi32, #tpu.memory_space<hbm>> -> memref<128xi32, #tpu.memory_space<hbm>>
      tpu.wait_dma2 semaphore(%dma_wait3A_1984 : memref<!tpu.dma_semaphore, #tpu.memory_space<semaphore_mem>>) src(%dma_wait3A_1988 : memref<128xi32, #tpu.memory_space<hbm>>) dst(%dma_wait3A_1987 : memref<128xi32, #tpu.memory_space<vmem>>)
      %dma_wait3A_1989 = arith.constant 0 : i32
      %dma_wait3A_1990 = arith.constant 0 : i32
      %dma_wait3A_1991 = arith.constant 0 : i32
      %dma_wait3A_1992 = tpu.memref_slice %arg7[%dma_wait3A_1989, %dma_wait3A_1991] : memref<5x128xi32, #tpu.memory_space<vmem>> -> memref<1x128xi32, #tpu.memory_space<vmem>>
      %dma_wait3A_1993 = tpu.memref_squeeze %dma_wait3A_1992 : memref<1x128xi32, #tpu.memory_space<vmem>> -> memref<128xi32, #tpu.memory_space<vmem>>
      %dma_wait3A_1994 = tpu.memref_slice %arg3[%multiple_of3A_1976] : memref<204800xi32, #tpu.memory_space<hbm>> -> memref<128xi32, #tpu.memory_space<hbm>>
      %dma_wait3A_1995 = tpu.memref_slice %arg10[%dma_wait3A_1990] : memref<5x!tpu.dma_semaphore, #tpu.memory_space<semaphore_mem>> -> memref<1x!tpu.dma_semaphore, #tpu.memory_space<semaphore_mem>>
      %dma_wait3A_1996 = tpu.memref_squeeze %dma_wait3A_1995 : memref<1x!tpu.dma_semaphore, #tpu.memory_space<semaphore_mem>> -> memref<!tpu.dma_semaphore, #tpu.memory_space<semaphore_mem>>
      %dma_wait3A_1997 = arith.constant 0 : i32
      %dma_wait3A_1998 = tpu.memref_slice %arg7[%dma_wait3A_1989, %dma_wait3A_1997] : memref<5x128xi32, #tpu.memory_space<vmem>> -> memref<1x128xi32, #tpu.memory_space<vmem>>
      %dma_wait3A_1999 = tpu.memref_squeeze %dma_wait3A_1998 : memref<1x128xi32, #tpu.memory_space<vmem>> -> memref<128xi32, #tpu.memory_space<vmem>>
      %dma_wait3A_2000 = tpu.memref_slice %arg3[%multiple_of3A_1976] : memref<204800xi32, #tpu.memory_space<hbm>> -> memref<128xi32, #tpu.memory_space<hbm>>
      tpu.wait_dma2 semaphore(%dma_wait3A_1996 : memref<!tpu.dma_semaphore, #tpu.memory_space<semaphore_mem>>) src(%dma_wait3A_2000 : memref<128xi32, #tpu.memory_space<hbm>>) dst(%dma_wait3A_1999 : memref<128xi32, #tpu.memory_space<vmem>>)
      %add3A_2001 = arith.constant 5 : i32
      %add3A_2002 = arith.addi %add3A_1905, %add3A_2001 : i32
      %mul3A_2003 = arith.constant 128 : i32
      %mul3A_2004 = arith.muli %add3A_2002, %mul3A_2003 : i32
      %add3A_2005 = arith.addi %mul3A_2, %mul3A_2004 : i32
      %get3A_2006 = arith.constant 0 : i32
      %get3A_2007 = arith.index_cast %get3A_2006 : i32 to index
      %get3A_2008 = arith.constant 0 : index
      %get3A_2009 = tpu.vector_load %arg6[%get3A_2007, %get3A_2008] {strides = array<i32>} : memref<5x128xi32, #tpu.memory_space<vmem>>, vector<1x16xi32>,
      %get3A_2010 = vector.shape_cast %get3A_2009 : vector<1x16xi32> to vector<16xi32>
      %get3A_2011 = arith.constant 0 : i32
      %get3A_2012 = arith.index_cast %get3A_2011 : i32 to index
      %get3A_2013 = arith.constant 0 : index
      %get3A_2014 = tpu.vector_load %arg7[%get3A_2012, %get3A_2013] {strides = array<i32>} : memref<5x128xi32, #tpu.memory_space<vmem>>, vector<1x16xi32>,
      %get3A_2015 = vector.shape_cast %get3A_2014 : vector<1x16xi32> to vector<16xi32>
      %iota3A_2016 = tpu.iota {dimensions = array<i32: 0>} : vector<16xi32>
      %add3A_2017 = arith.constant 0 : i32
      %add3A_2018 = arith.addi %add3A_2005, %add3A_2017 : i32
      %add3A_2019 = vector.broadcast %add3A_2018 : i32 to vector<16xi32>
      %add3A_2020 = arith.addi %iota3A_2016, %add3A_2019 : vector<16xi32>
      %rem3A_2021 = arith.constant 200 : i32
      %rem3A_2022 = vector.broadcast %rem3A_2021 : i32 to vector<16xi32>
      %rem3A_2023 = arith.remsi %add3A_2020, %rem3A_2022 : vector<16xi32>
      %mul3A_2024 = arith.constant 240 : i32
      %mul3A_2025 = vector.broadcast %mul3A_2024 : i32 to vector<16xi32>
      %mul3A_2026 = arith.muli %rem3A_2023, %mul3A_2025 : vector<16xi32>
      %mul3A_2027 = arith.constant 8 : i32
      %mul3A_2028 = vector.broadcast %mul3A_2027 : i32 to vector<16xi32>
      %mul3A_2029 = arith.muli %get3A_2010, %mul3A_2028 : vector<16xi32>
      %add3A_2030 = arith.addi %mul3A_2026, %mul3A_2029 : vector<16xi32>
      %add3A_2031 = arith.addi %add3A_2030, %get3A_2015 : vector<16xi32>
      %swap3A_2032 = arith.constant 0 : i32
      %swap3A_2033 = arith.index_cast %swap3A_2032 : i32 to index
      %swap3A_2034 = arith.constant 0 : index
      %swap3A_2035 = tpu.vector_load %arg8[%swap3A_2033, %swap3A_2034] {strides = array<i32>} : memref<5x128xi32, #tpu.memory_space<vmem>>, vector<1x16xi32>,
      %swap3A_2036 = vector.shape_cast %swap3A_2035 : vector<1x16xi32> to vector<16xi32>
      %swap3A_2037 = vector.shape_cast %add3A_2031 : vector<16xi32> to vector<1x16xi32>
      tpu.vector_store %arg8[%swap3A_2033, %swap3A_2034], %swap3A_2037 {strides = array<i32>} : memref<5x128xi32, #tpu.memory_space<vmem>>, vector<1x16xi32>,
      %get3A_2038 = arith.constant 0 : i32
      %get3A_2039 = arith.index_cast %get3A_2038 : i32 to index
      %get3A_2040 = arith.constant 16 : index
      %get3A_2041 = tpu.vector_load %arg6[%get3A_2039, %get3A_2040] {strides = array<i32>} : memref<5x128xi32, #tpu.memory_space<vmem>>, vector<1x16xi32>,
      %get3A_2042 = vector.shape_cast %get3A_2041 : vector<1x16xi32> to vector<16xi32>
      %get3A_2043 = arith.constant 0 : i32
      %get3A_2044 = arith.index_cast %get3A_2043 : i32 to index
      %get3A_2045 = arith.constant 16 : index
      %get3A_2046 = tpu.vector_load %arg7[%get3A_2044, %get3A_2045] {strides = array<i32>} : memref<5x128xi32, #tpu.memory_space<vmem>>, vector<1x16xi32>,
      %get3A_2047 = vector.shape_cast %get3A_2046 : vector<1x16xi32> to vector<16xi32>
      %iota3A_2048 = tpu.iota {dimensions = array<i32: 0>} : vector<16xi32>
      %add3A_2049 = arith.constant 16 : i32
      %add3A_2050 = arith.addi %add3A_2005, %add3A_2049 : i32
      %add3A_2051 = vector.broadcast %add3A_2050 : i32 to vector<16xi32>
      %add3A_2052 = arith.addi %iota3A_2048, %add3A_2051 : vector<16xi32>
      %rem3A_2053 = arith.constant 200 : i32
      %rem3A_2054 = vector.broadcast %rem3A_2053 : i32 to vector<16xi32>
      %rem3A_2055 = arith.remsi %add3A_2052, %rem3A_2054 : vector<16xi32>
      %mul3A_2056 = arith.constant 240 : i32
      %mul3A_2057 = vector.broadcast %mul3A_2056 : i32 to vector<16xi32>
      %mul3A_2058 = arith.muli %rem3A_2055, %mul3A_2057 : vector<16xi32>
      %mul3A_2059 = arith.constant 8 : i32
      %mul3A_2060 = vector.broadcast %mul3A_2059 : i32 to vector<16xi32>
      %mul3A_2061 = arith.muli %get3A_2042, %mul3A_2060 : vector<16xi32>
      %add3A_2062 = arith.addi %mul3A_2058, %mul3A_2061 : vector<16xi32>
      %add3A_2063 = arith.addi %add3A_2062, %get3A_2047 : vector<16xi32>
      %swap3A_2064 = arith.constant 0 : i32
      %swap3A_2065 = arith.index_cast %swap3A_2064 : i32 to index
      %swap3A_2066 = arith.constant 16 : index
      %swap3A_2067 = tpu.vector_load %arg8[%swap3A_2065, %swap3A_2066] {strides = array<i32>} : memref<5x128xi32, #tpu.memory_space<vmem>>, vector<1x16xi32>,
      %swap3A_2068 = vector.shape_cast %swap3A_2067 : vector<1x16xi32> to vector<16xi32>
      %swap3A_2069 = vector.shape_cast %add3A_2063 : vector<16xi32> to vector<1x16xi32>
      tpu.vector_store %arg8[%swap3A_2065, %swap3A_2066], %swap3A_2069 {strides = array<i32>} : memref<5x128xi32, #tpu.memory_space<vmem>>, vector<1x16xi32>,
      %get3A_2070 = arith.constant 0 : i32
      %get3A_2071 = arith.index_cast %get3A_2070 : i32 to index
      %get3A_2072 = arith.constant 32 : index
      %get3A_2073 = tpu.vector_load %arg6[%get3A_2071, %get3A_2072] {strides = array<i32>} : memref<5x128xi32, #tpu.memory_space<vmem>>, vector<1x16xi32>,
      %get3A_2074 = vector.shape_cast %get3A_2073 : vector<1x16xi32> to vector<16xi32>
      %get3A_2075 = arith.constant 0 : i32
      %get3A_2076 = arith.index_cast %get3A_2075 : i32 to index
      %get3A_2077 = arith.constant 32 : index
      %get3A_2078 = tpu.vector_load %arg7[%get3A_2076, %get3A_2077] {strides = array<i32>} : memref<5x128xi32, #tpu.memory_space<vmem>>, vector<1x16xi32>,
      %get3A_2079 = vector.shape_cast %get3A_2078 : vector<1x16xi32> to vector<16xi32>
      %iota3A_2080 = tpu.iota {dimensions = array<i32: 0>} : vector<16xi32>
      %add3A_2081 = arith.constant 32 : i32
      %add3A_2082 = arith.addi %add3A_2005, %add3A_2081 : i32
      %add3A_2083 = vector.broadcast %add3A_2082 : i32 to vector<16xi32>
      %add3A_2084 = arith.addi %iota3A_2080, %add3A_2083 : vector<16xi32>
      %rem3A_2085 = arith.constant 200 : i32
      %rem3A_2086 = vector.broadcast %rem3A_2085 : i32 to vector<16xi32>
      %rem3A_2087 = arith.remsi %add3A_2084, %rem3A_2086 : vector<16xi32>
      %mul3A_2088 = arith.constant 240 : i32
      %mul3A_2089 = vector.broadcast %mul3A_2088 : i32 to vector<16xi32>
      %mul3A_2090 = arith.muli %rem3A_2087, %mul3A_2089 : vector<16xi32>
      %mul3A_2091 = arith.constant 8 : i32
      %mul3A_2092 = vector.broadcast %mul3A_2091 : i32 to vector<16xi32>
      %mul3A_2093 = arith.muli %get3A_2074, %mul3A_2092 : vector<16xi32>
      %add3A_2094 = arith.addi %mul3A_2090, %mul3A_2093 : vector<16xi32>
      %add3A_2095 = arith.addi %add3A_2094, %get3A_2079 : vector<16xi32>
      %swap3A_2096 = arith.constant 0 : i32
      %swap3A_2097 = arith.index_cast %swap3A_2096 : i32 to index
      %swap3A_2098 = arith.constant 32 : index
      %swap3A_2099 = tpu.vector_load %arg8[%swap3A_2097, %swap3A_2098] {strides = array<i32>} : memref<5x128xi32, #tpu.memory_space<vmem>>, vector<1x16xi32>,
      %swap3A_2100 = vector.shape_cast %swap3A_2099 : vector<1x16xi32> to vector<16xi32>
      %swap3A_2101 = vector.shape_cast %add3A_2095 : vector<16xi32> to vector<1x16xi32>
      tpu.vector_store %arg8[%swap3A_2097, %swap3A_2098], %swap3A_2101 {strides = array<i32>} : memref<5x128xi32, #tpu.memory_space<vmem>>, vector<1x16xi32>,
      %get3A_2102 = arith.constant 0 : i32
      %get3A_2103 = arith.index_cast %get3A_2102 : i32 to index
      %get3A_2104 = arith.constant 48 : index
      %get3A_2105 = tpu.vector_load %arg6[%get3A_2103, %get3A_2104] {strides = array<i32>} : memref<5x128xi32, #tpu.memory_space<vmem>>, vector<1x16xi32>,
      %get3A_2106 = vector.shape_cast %get3A_2105 : vector<1x16xi32> to vector<16xi32>
      %get3A_2107 = arith.constant 0 : i32
      %get3A_2108 = arith.index_cast %get3A_2107 : i32 to index
      %get3A_2109 = arith.constant 48 : index
      %get3A_2110 = tpu.vector_load %arg7[%get3A_2108, %get3A_2109] {strides = array<i32>} : memref<5x128xi32, #tpu.memory_space<vmem>>, vector<1x16xi32>,
      %get3A_2111 = vector.shape_cast %get3A_2110 : vector<1x16xi32> to vector<16xi32>
      %iota3A_2112 = tpu.iota {dimensions = array<i32: 0>} : vector<16xi32>
      %add3A_2113 = arith.constant 48 : i32
      %add3A_2114 = arith.addi %add3A_2005, %add3A_2113 : i32
      %add3A_2115 = vector.broadcast %add3A_2114 : i32 to vector<16xi32>
      %add3A_2116 = arith.addi %iota3A_2112, %add3A_2115 : vector<16xi32>
      %rem3A_2117 = arith.constant 200 : i32
      %rem3A_2118 = vector.broadcast %rem3A_2117 : i32 to vector<16xi32>
      %rem3A_2119 = arith.remsi %add3A_2116, %rem3A_2118 : vector<16xi32>
      %mul3A_2120 = arith.constant 240 : i32
      %mul3A_2121 = vector.broadcast %mul3A_2120 : i32 to vector<16xi32>
      %mul3A_2122 = arith.muli %rem3A_2119, %mul3A_2121 : vector<16xi32>
      %mul3A_2123 = arith.constant 8 : i32
      %mul3A_2124 = vector.broadcast %mul3A_2123 : i32 to vector<16xi32>
      %mul3A_2125 = arith.muli %get3A_2106, %mul3A_2124 : vector<16xi32>
      %add3A_2126 = arith.addi %mul3A_2122, %mul3A_2125 : vector<16xi32>
      %add3A_2127 = arith.addi %add3A_2126, %get3A_2111 : vector<16xi32>
      %swap3A_2128 = arith.constant 0 : i32
      %swap3A_2129 = arith.index_cast %swap3A_2128 : i32 to index
      %swap3A_2130 = arith.constant 48 : index
      %swap3A_2131 = tpu.vector_load %arg8[%swap3A_2129, %swap3A_2130] {strides = array<i32>} : memref<5x128xi32, #tpu.memory_space<vmem>>, vector<1x16xi32>,
      %swap3A_2132 = vector.shape_cast %swap3A_2131 : vector<1x16xi32> to vector<16xi32>
      %swap3A_2133 = vector.shape_cast %add3A_2127 : vector<16xi32> to vector<1x16xi32>
      tpu.vector_store %arg8[%swap3A_2129, %swap3A_2130], %swap3A_2133 {strides = array<i32>} : memref<5x128xi32, #tpu.memory_space<vmem>>, vector<1x16xi32>,
      %get3A_2134 = arith.constant 0 : i32
      %get3A_2135 = arith.index_cast %get3A_2134 : i32 to index
      %get3A_2136 = arith.constant 64 : index
      %get3A_2137 = tpu.vector_load %arg6[%get3A_2135, %get3A_2136] {strides = array<i32>} : memref<5x128xi32, #tpu.memory_space<vmem>>, vector<1x16xi32>,
      %get3A_2138 = vector.shape_cast %get3A_2137 : vector<1x16xi32> to vector<16xi32>
      %get3A_2139 = arith.constant 0 : i32
      %get3A_2140 = arith.index_cast %get3A_2139 : i32 to index
      %get3A_2141 = arith.constant 64 : index
      %get3A_2142 = tpu.vector_load %arg7[%get3A_2140, %get3A_2141] {strides = array<i32>} : memref<5x128xi32, #tpu.memory_space<vmem>>, vector<1x16xi32>,
      %get3A_2143 = vector.shape_cast %get3A_2142 : vector<1x16xi32> to vector<16xi32>
      %iota3A_2144 = tpu.iota {dimensions = array<i32: 0>} : vector<16xi32>
      %add3A_2145 = arith.constant 64 : i32
      %add3A_2146 = arith.addi %add3A_2005, %add3A_2145 : i32
      %add3A_2147 = vector.broadcast %add3A_2146 : i32 to vector<16xi32>
      %add3A_2148 = arith.addi %iota3A_2144, %add3A_2147 : vector<16xi32>
      %rem3A_2149 = arith.constant 200 : i32
      %rem3A_2150 = vector.broadcast %rem3A_2149 : i32 to vector<16xi32>
      %rem3A_2151 = arith.remsi %add3A_2148, %rem3A_2150 : vector<16xi32>
      %mul3A_2152 = arith.constant 240 : i32
      %mul3A_2153 = vector.broadcast %mul3A_2152 : i32 to vector<16xi32>
      %mul3A_2154 = arith.muli %rem3A_2151, %mul3A_2153 : vector<16xi32>
      %mul3A_2155 = arith.constant 8 : i32
      %mul3A_2156 = vector.broadcast %mul3A_2155 : i32 to vector<16xi32>
      %mul3A_2157 = arith.muli %get3A_2138, %mul3A_2156 : vector<16xi32>
      %add3A_2158 = arith.addi %mul3A_2154, %mul3A_2157 : vector<16xi32>
      %add3A_2159 = arith.addi %add3A_2158, %get3A_2143 : vector<16xi32>
      %swap3A_2160 = arith.constant 0 : i32
      %swap3A_2161 = arith.index_cast %swap3A_2160 : i32 to index
      %swap3A_2162 = arith.constant 64 : index
      %swap3A_2163 = tpu.vector_load %arg8[%swap3A_2161, %swap3A_2162] {strides = array<i32>} : memref<5x128xi32, #tpu.memory_space<vmem>>, vector<1x16xi32>,
      %swap3A_2164 = vector.shape_cast %swap3A_2163 : vector<1x16xi32> to vector<16xi32>
      %swap3A_2165 = vector.shape_cast %add3A_2159 : vector<16xi32> to vector<1x16xi32>
      tpu.vector_store %arg8[%swap3A_2161, %swap3A_2162], %swap3A_2165 {strides = array<i32>} : memref<5x128xi32, #tpu.memory_space<vmem>>, vector<1x16xi32>,
      %get3A_2166 = arith.constant 0 : i32
      %get3A_2167 = arith.index_cast %get3A_2166 : i32 to index
      %get3A_2168 = arith.constant 80 : index
      %get3A_2169 = tpu.vector_load %arg6[%get3A_2167, %get3A_2168] {strides = array<i32>} : memref<5x128xi32, #tpu.memory_space<vmem>>, vector<1x16xi32>,
      %get3A_2170 = vector.shape_cast %get3A_2169 : vector<1x16xi32> to vector<16xi32>
      %get3A_2171 = arith.constant 0 : i32
      %get3A_2172 = arith.index_cast %get3A_2171 : i32 to index
      %get3A_2173 = arith.constant 80 : index
      %get3A_2174 = tpu.vector_load %arg7[%get3A_2172, %get3A_2173] {strides = array<i32>} : memref<5x128xi32, #tpu.memory_space<vmem>>, vector<1x16xi32>,
      %get3A_2175 = vector.shape_cast %get3A_2174 : vector<1x16xi32> to vector<16xi32>
      %iota3A_2176 = tpu.iota {dimensions = array<i32: 0>} : vector<16xi32>
      %add3A_2177 = arith.constant 80 : i32
      %add3A_2178 = arith.addi %add3A_2005, %add3A_2177 : i32
      %add3A_2179 = vector.broadcast %add3A_2178 : i32 to vector<16xi32>
      %add3A_2180 = arith.addi %iota3A_2176, %add3A_2179 : vector<16xi32>
      %rem3A_2181 = arith.constant 200 : i32
      %rem3A_2182 = vector.broadcast %rem3A_2181 : i32 to vector<16xi32>
      %rem3A_2183 = arith.remsi %add3A_2180, %rem3A_2182 : vector<16xi32>
      %mul3A_2184 = arith.constant 240 : i32
      %mul3A_2185 = vector.broadcast %mul3A_2184 : i32 to vector<16xi32>
      %mul3A_2186 = arith.muli %rem3A_2183, %mul3A_2185 : vector<16xi32>
      %mul3A_2187 = arith.constant 8 : i32
      %mul3A_2188 = vector.broadcast %mul3A_2187 : i32 to vector<16xi32>
      %mul3A_2189 = arith.muli %get3A_2170, %mul3A_2188 : vector<16xi32>
      %add3A_2190 = arith.addi %mul3A_2186, %mul3A_2189 : vector<16xi32>
      %add3A_2191 = arith.addi %add3A_2190, %get3A_2175 : vector<16xi32>
      %swap3A_2192 = arith.constant 0 : i32
      %swap3A_2193 = arith.index_cast %swap3A_2192 : i32 to index
      %swap3A_2194 = arith.constant 80 : index
      %swap3A_2195 = tpu.vector_load %arg8[%swap3A_2193, %swap3A_2194] {strides = array<i32>} : memref<5x128xi32, #tpu.memory_space<vmem>>, vector<1x16xi32>,
      %swap3A_2196 = vector.shape_cast %swap3A_2195 : vector<1x16xi32> to vector<16xi32>
      %swap3A_2197 = vector.shape_cast %add3A_2191 : vector<16xi32> to vector<1x16xi32>
      tpu.vector_store %arg8[%swap3A_2193, %swap3A_2194], %swap3A_2197 {strides = array<i32>} : memref<5x128xi32, #tpu.memory_space<vmem>>, vector<1x16xi32>,
      %get3A_2198 = arith.constant 0 : i32
      %get3A_2199 = arith.index_cast %get3A_2198 : i32 to index
      %get3A_2200 = arith.constant 96 : index
      %get3A_2201 = tpu.vector_load %arg6[%get3A_2199, %get3A_2200] {strides = array<i32>} : memref<5x128xi32, #tpu.memory_space<vmem>>, vector<1x16xi32>,
      %get3A_2202 = vector.shape_cast %get3A_2201 : vector<1x16xi32> to vector<16xi32>
      %get3A_2203 = arith.constant 0 : i32
      %get3A_2204 = arith.index_cast %get3A_2203 : i32 to index
      %get3A_2205 = arith.constant 96 : index
      %get3A_2206 = tpu.vector_load %arg7[%get3A_2204, %get3A_2205] {strides = array<i32>} : memref<5x128xi32, #tpu.memory_space<vmem>>, vector<1x16xi32>,
      %get3A_2207 = vector.shape_cast %get3A_2206 : vector<1x16xi32> to vector<16xi32>
      %iota3A_2208 = tpu.iota {dimensions = array<i32: 0>} : vector<16xi32>
      %add3A_2209 = arith.constant 96 : i32
      %add3A_2210 = arith.addi %add3A_2005, %add3A_2209 : i32
      %add3A_2211 = vector.broadcast %add3A_2210 : i32 to vector<16xi32>
      %add3A_2212 = arith.addi %iota3A_2208, %add3A_2211 : vector<16xi32>
      %rem3A_2213 = arith.constant 200 : i32
      %rem3A_2214 = vector.broadcast %rem3A_2213 : i32 to vector<16xi32>
      %rem3A_2215 = arith.remsi %add3A_2212, %rem3A_2214 : vector<16xi32>
      %mul3A_2216 = arith.constant 240 : i32
      %mul3A_2217 = vector.broadcast %mul3A_2216 : i32 to vector<16xi32>
      %mul3A_2218 = arith.muli %rem3A_2215, %mul3A_2217 : vector<16xi32>
      %mul3A_2219 = arith.constant 8 : i32
      %mul3A_2220 = vector.broadcast %mul3A_2219 : i32 to vector<16xi32>
      %mul3A_2221 = arith.muli %get3A_2202, %mul3A_2220 : vector<16xi32>
      %add3A_2222 = arith.addi %mul3A_2218, %mul3A_2221 : vector<16xi32>
      %add3A_2223 = arith.addi %add3A_2222, %get3A_2207 : vector<16xi32>
      %swap3A_2224 = arith.constant 0 : i32
      %swap3A_2225 = arith.index_cast %swap3A_2224 : i32 to index
      %swap3A_2226 = arith.constant 96 : index
      %swap3A_2227 = tpu.vector_load %arg8[%swap3A_2225, %swap3A_2226] {strides = array<i32>} : memref<5x128xi32, #tpu.memory_space<vmem>>, vector<1x16xi32>,
      %swap3A_2228 = vector.shape_cast %swap3A_2227 : vector<1x16xi32> to vector<16xi32>
      %swap3A_2229 = vector.shape_cast %add3A_2223 : vector<16xi32> to vector<1x16xi32>
      tpu.vector_store %arg8[%swap3A_2225, %swap3A_2226], %swap3A_2229 {strides = array<i32>} : memref<5x128xi32, #tpu.memory_space<vmem>>, vector<1x16xi32>,
      %get3A_2230 = arith.constant 0 : i32
      %get3A_2231 = arith.index_cast %get3A_2230 : i32 to index
      %get3A_2232 = arith.constant 112 : index
      %get3A_2233 = tpu.vector_load %arg6[%get3A_2231, %get3A_2232] {strides = array<i32>} : memref<5x128xi32, #tpu.memory_space<vmem>>, vector<1x16xi32>,
      %get3A_2234 = vector.shape_cast %get3A_2233 : vector<1x16xi32> to vector<16xi32>
      %get3A_2235 = arith.constant 0 : i32
      %get3A_2236 = arith.index_cast %get3A_2235 : i32 to index
      %get3A_2237 = arith.constant 112 : index
      %get3A_2238 = tpu.vector_load %arg7[%get3A_2236, %get3A_2237] {strides = array<i32>} : memref<5x128xi32, #tpu.memory_space<vmem>>, vector<1x16xi32>,
      %get3A_2239 = vector.shape_cast %get3A_2238 : vector<1x16xi32> to vector<16xi32>
      %iota3A_2240 = tpu.iota {dimensions = array<i32: 0>} : vector<16xi32>
      %add3A_2241 = arith.constant 112 : i32
      %add3A_2242 = arith.addi %add3A_2005, %add3A_2241 : i32
      %add3A_2243 = vector.broadcast %add3A_2242 : i32 to vector<16xi32>
      %add3A_2244 = arith.addi %iota3A_2240, %add3A_2243 : vector<16xi32>
      %rem3A_2245 = arith.constant 200 : i32
      %rem3A_2246 = vector.broadcast %rem3A_2245 : i32 to vector<16xi32>
      %rem3A_2247 = arith.remsi %add3A_2244, %rem3A_2246 : vector<16xi32>
      %mul3A_2248 = arith.constant 240 : i32
      %mul3A_2249 = vector.broadcast %mul3A_2248 : i32 to vector<16xi32>
      %mul3A_2250 = arith.muli %rem3A_2247, %mul3A_2249 : vector<16xi32>
      %mul3A_2251 = arith.constant 8 : i32
      %mul3A_2252 = vector.broadcast %mul3A_2251 : i32 to vector<16xi32>
      %mul3A_2253 = arith.muli %get3A_2234, %mul3A_2252 : vector<16xi32>
      %add3A_2254 = arith.addi %mul3A_2250, %mul3A_2253 : vector<16xi32>
      %add3A_2255 = arith.addi %add3A_2254, %get3A_2239 : vector<16xi32>
      %swap3A_2256 = arith.constant 0 : i32
      %swap3A_2257 = arith.index_cast %swap3A_2256 : i32 to index
      %swap3A_2258 = arith.constant 112 : index
      %swap3A_2259 = tpu.vector_load %arg8[%swap3A_2257, %swap3A_2258] {strides = array<i32>} : memref<5x128xi32, #tpu.memory_space<vmem>>, vector<1x16xi32>,
      %swap3A_2260 = vector.shape_cast %swap3A_2259 : vector<1x16xi32> to vector<16xi32>
      %swap3A_2261 = vector.shape_cast %add3A_2255 : vector<16xi32> to vector<1x16xi32>
      tpu.vector_store %arg8[%swap3A_2257, %swap3A_2258], %swap3A_2261 {strides = array<i32>} : memref<5x128xi32, #tpu.memory_space<vmem>>, vector<1x16xi32>,
      %mul3A_2262 = arith.constant 128 : i32
      %mul3A_2263 = arith.muli %add3A_1905, %mul3A_2262 : i32
      %add3A_2264 = arith.addi %mul3A_2, %mul3A_2263 : i32
      %multiple_of3A_2265 = tpu.assume_multiple %add3A_2264, 8 : i32
      %dma_wait3A_2266 = arith.constant 0 : i32
      %dma_wait3A_2267 = arith.constant 0 : i32
      %dma_wait3A_2268 = arith.constant 0 : i32
      %dma_wait3A_2269 = arith.constant 0 : i32
      %dma_wait3A_2270 = tpu.memref_slice %arg9[%dma_wait3A_2266, %dma_wait3A_2268, %dma_wait3A_2269] : memref<5x128x128xf32, #tpu.memory_space<vmem>> -> memref<1x128x128xf32, #tpu.memory_space<vmem>>
      %dma_wait3A_2271 = tpu.memref_squeeze %dma_wait3A_2270 : memref<1x128x128xf32, #tpu.memory_space<vmem>> -> memref<128x128xf32, #tpu.memory_space<vmem>>
      %dma_wait3A_2272 = arith.constant 0 : i32
      %dma_wait3A_2273 = tpu.memref_slice %arg5[%multiple_of3A_2265, %dma_wait3A_2272] : memref<204800x128xf32, #tpu.memory_space<hbm>> -> memref<128x128xf32, #tpu.memory_space<hbm>>
      %dma_wait3A_2274 = tpu.memref_slice %arg12[%dma_wait3A_2267] : memref<5x!tpu.dma_semaphore, #tpu.memory_space<semaphore_mem>> -> memref<1x!tpu.dma_semaphore, #tpu.memory_space<semaphore_mem>>
      %dma_wait3A_2275 = tpu.memref_squeeze %dma_wait3A_2274 : memref<1x!tpu.dma_semaphore, #tpu.memory_space<semaphore_mem>> -> memref<!tpu.dma_semaphore, #tpu.memory_space<semaphore_mem>>
      %dma_wait3A_2276 = arith.constant 0 : i32
      %dma_wait3A_2277 = tpu.memref_slice %arg5[%multiple_of3A_2265, %dma_wait3A_2276] : memref<204800x128xf32, #tpu.memory_space<hbm>> -> memref<128x128xf32, #tpu.memory_space<hbm>>
      %dma_wait3A_2278 = arith.constant 0 : i32
      %dma_wait3A_2279 = arith.constant 0 : i32
      %dma_wait3A_2280 = tpu.memref_slice %arg9[%dma_wait3A_2266, %dma_wait3A_2278, %dma_wait3A_2279] : memref<5x128x128xf32, #tpu.memory_space<vmem>> -> memref<1x128x128xf32, #tpu.memory_space<vmem>>
      %dma_wait3A_2281 = tpu.memref_squeeze %dma_wait3A_2280 : memref<1x128x128xf32, #tpu.memory_space<vmem>> -> memref<128x128xf32, #tpu.memory_space<vmem>>
      tpu.wait_dma2 semaphore(%dma_wait3A_2275 : memref<!tpu.dma_semaphore, #tpu.memory_space<semaphore_mem>>) src(%dma_wait3A_2281 : memref<128x128xf32, #tpu.memory_space<vmem>>) dst(%dma_wait3A_2277 : memref<128x128xf32, #tpu.memory_space<hbm>>)
      %dma_start3A_2282 = arith.constant 0 : i32
      %dma_start3A_2283 = arith.constant 0 : i32
      %dma_start3A_2284 = arith.constant 0 : i32
      %dma_start3A_2285 = arith.constant 0 : i32
      %dma_start3A_2286 = arith.constant 0 : i32
      %dma_start3A_2287 = tpu.memref_slice %arg9[%dma_start3A_2283, %dma_start3A_2285, %dma_start3A_2286] : memref<5x128x128xf32, #tpu.memory_space<vmem>> -> memref<1x128x128xf32, #tpu.memory_space<vmem>>
      %dma_start3A_2288 = tpu.memref_squeeze %dma_start3A_2287 : memref<1x128x128xf32, #tpu.memory_space<vmem>> -> memref<128x128xf32, #tpu.memory_space<vmem>>
      %dma_start3A_2289 = arith.constant 0 : i32
      %dma_start3A_2290 = tpu.memref_slice %arg8[%dma_start3A_2282, %dma_start3A_2289] : memref<5x128xi32, #tpu.memory_space<vmem>> -> memref<1x128xi32, #tpu.memory_space<vmem>>
      %dma_start3A_2291 = tpu.memref_squeeze %dma_start3A_2290 : memref<1x128xi32, #tpu.memory_space<vmem>> -> memref<128xi32, #tpu.memory_space<vmem>>
      %dma_start3A_2292 = arith.constant 0 : i32
      %dma_start3A_2293 = arith.constant 0 : i32
      %dma_start3A_2294 = tpu.memref_slice %arg4[%dma_start3A_2292, %dma_start3A_2293] : memref<48000x128xf32, #tpu.memory_space<hbm>> -> memref<48000x128xf32, #tpu.memory_space<hbm>>
      %dma_start3A_2295 = tpu.memref_slice %arg11[%dma_start3A_2284] : memref<5x!tpu.dma_semaphore, #tpu.memory_space<semaphore_mem>> -> memref<1x!tpu.dma_semaphore, #tpu.memory_space<semaphore_mem>>
      %dma_start3A_2296 = tpu.memref_squeeze %dma_start3A_2295 : memref<1x!tpu.dma_semaphore, #tpu.memory_space<semaphore_mem>> -> memref<!tpu.dma_semaphore, #tpu.memory_space<semaphore_mem>>
      tpu.enqueue_indirect_dma source(%dma_start3A_2294 : memref<48000x128xf32, #tpu.memory_space<hbm>>) target(%dma_start3A_2288 : memref<128x128xf32, #tpu.memory_space<vmem>>) offsets(%dma_start3A_2291 : memref<128xi32, #tpu.memory_space<vmem>>) semaphore(%dma_start3A_2296 : memref<!tpu.dma_semaphore, #tpu.memory_space<semaphore_mem>>)
      %add3A_2297 = arith.constant 1 : i32
      %add3A_2298 = arith.addi %mul3A_1903, %add3A_2297 : i32
      %add3A_2299 = arith.constant 5 : i32
      %add3A_2300 = arith.addi %add3A_2298, %add3A_2299 : i32
      %mul3A_2301 = arith.constant 128 : i32
      %mul3A_2302 = arith.muli %add3A_2300, %mul3A_2301 : i32
      %add3A_2303 = arith.addi %mul3A_2, %mul3A_2302 : i32
      %multiple_of3A_2304 = tpu.assume_multiple %add3A_2303, 8 : i32
      %dma_start3A_2305 = arith.constant 1 : i32
      %dma_start3A_2306 = arith.constant 1 : i32
      %dma_start3A_2307 = arith.constant 0 : i32
      %dma_start3A_2308 = tpu.memref_slice %arg6[%dma_start3A_2305, %dma_start3A_2307] : memref<5x128xi32, #tpu.memory_space<vmem>> -> memref<1x128xi32, #tpu.memory_space<vmem>>
      %dma_start3A_2309 = tpu.memref_squeeze %dma_start3A_2308 : memref<1x128xi32, #tpu.memory_space<vmem>> -> memref<128xi32, #tpu.memory_space<vmem>>
      %dma_start3A_2310 = tpu.memref_slice %arg2[%multiple_of3A_2304] : memref<204800xi32, #tpu.memory_space<hbm>> -> memref<128xi32, #tpu.memory_space<hbm>>
      %dma_start3A_2311 = tpu.memref_slice %arg10[%dma_start3A_2306] : memref<5x!tpu.dma_semaphore, #tpu.memory_space<semaphore_mem>> -> memref<1x!tpu.dma_semaphore, #tpu.memory_space<semaphore_mem>>
      %dma_start3A_2312 = tpu.memref_squeeze %dma_start3A_2311 : memref<1x!tpu.dma_semaphore, #tpu.memory_space<semaphore_mem>> -> memref<!tpu.dma_semaphore, #tpu.memory_space<semaphore_mem>>
      %dma_start3A_2313 = arith.constant 0 : i32
      %dma_start3A_2314 = tpu.memref_slice %arg6[%dma_start3A_2305, %dma_start3A_2313] : memref<5x128xi32, #tpu.memory_space<vmem>> -> memref<1x128xi32, #tpu.memory_space<vmem>>
      %dma_start3A_2315 = tpu.memref_squeeze %dma_start3A_2314 : memref<1x128xi32, #tpu.memory_space<vmem>> -> memref<128xi32, #tpu.memory_space<vmem>>
      %dma_start3A_2316 = tpu.memref_slice %arg2[%multiple_of3A_2304] : memref<204800xi32, #tpu.memory_space<hbm>> -> memref<128xi32, #tpu.memory_space<hbm>>
      tpu.enqueue_dma source(%dma_start3A_2316 : memref<128xi32, #tpu.memory_space<hbm>>) target(%dma_start3A_2315 : memref<128xi32, #tpu.memory_space<vmem>>) target_semaphore(%dma_start3A_2312 : memref<!tpu.dma_semaphore, #tpu.memory_space<semaphore_mem>>)
      %dma_start3A_2317 = arith.constant 1 : i32
      %dma_start3A_2318 = arith.constant 1 : i32
      %dma_start3A_2319 = arith.constant 0 : i32
      %dma_start3A_2320 = tpu.memref_slice %arg7[%dma_start3A_2317, %dma_start3A_2319] : memref<5x128xi32, #tpu.memory_space<vmem>> -> memref<1x128xi32, #tpu.memory_space<vmem>>
      %dma_start3A_2321 = tpu.memref_squeeze %dma_start3A_2320 : memref<1x128xi32, #tpu.memory_space<vmem>> -> memref<128xi32, #tpu.memory_space<vmem>>
      %dma_start3A_2322 = tpu.memref_slice %arg3[%multiple_of3A_2304] : memref<204800xi32, #tpu.memory_space<hbm>> -> memref<128xi32, #tpu.memory_space<hbm>>
      %dma_start3A_2323 = tpu.memref_slice %arg10[%dma_start3A_2318] : memref<5x!tpu.dma_semaphore, #tpu.memory_space<semaphore_mem>> -> memref<1x!tpu.dma_semaphore, #tpu.memory_space<semaphore_mem>>
      %dma_start3A_2324 = tpu.memref_squeeze %dma_start3A_2323 : memref<1x!tpu.dma_semaphore, #tpu.memory_space<semaphore_mem>> -> memref<!tpu.dma_semaphore, #tpu.memory_space<semaphore_mem>>
      %dma_start3A_2325 = arith.constant 0 : i32
      %dma_start3A_2326 = tpu.memref_slice %arg7[%dma_start3A_2317, %dma_start3A_2325] : memref<5x128xi32, #tpu.memory_space<vmem>> -> memref<1x128xi32, #tpu.memory_space<vmem>>
      %dma_start3A_2327 = tpu.memref_squeeze %dma_start3A_2326 : memref<1x128xi32, #tpu.memory_space<vmem>> -> memref<128xi32, #tpu.memory_space<vmem>>
      %dma_start3A_2328 = tpu.memref_slice %arg3[%multiple_of3A_2304] : memref<204800xi32, #tpu.memory_space<hbm>> -> memref<128xi32, #tpu.memory_space<hbm>>
      tpu.enqueue_dma source(%dma_start3A_2328 : memref<128xi32, #tpu.memory_space<hbm>>) target(%dma_start3A_2327 : memref<128xi32, #tpu.memory_space<vmem>>) target_semaphore(%dma_start3A_2324 : memref<!tpu.dma_semaphore, #tpu.memory_space<semaphore_mem>>)
      %dma_wait3A_2329 = arith.constant 1 : i32
      %dma_wait3A_2330 = arith.constant 1 : i32
      %dma_wait3A_2331 = arith.constant 1 : i32
      %dma_wait3A_2332 = arith.constant 0 : i32
      %dma_wait3A_2333 = arith.constant 0 : i32
      %dma_wait3A_2334 = tpu.memref_slice %arg9[%dma_wait3A_2330, %dma_wait3A_2332, %dma_wait3A_2333] : memref<5x128x128xf32, #tpu.memory_space<vmem>> -> memref<1x128x128xf32, #tpu.memory_space<vmem>>
      %dma_wait3A_2335 = tpu.memref_squeeze %dma_wait3A_2334 : memref<1x128x128xf32, #tpu.memory_space<vmem>> -> memref<128x128xf32, #tpu.memory_space<vmem>>
      %dma_wait3A_2336 = arith.constant 0 : i32
      %dma_wait3A_2337 = tpu.memref_slice %arg8[%dma_wait3A_2329, %dma_wait3A_2336] : memref<5x128xi32, #tpu.memory_space<vmem>> -> memref<1x128xi32, #tpu.memory_space<vmem>>
      %dma_wait3A_2338 = tpu.memref_squeeze %dma_wait3A_2337 : memref<1x128xi32, #tpu.memory_space<vmem>> -> memref<128xi32, #tpu.memory_space<vmem>>
      %dma_wait3A_2339 = arith.constant 0 : i32
      %dma_wait3A_2340 = arith.constant 0 : i32
      %dma_wait3A_2341 = tpu.memref_slice %arg4[%dma_wait3A_2339, %dma_wait3A_2340] : memref<48000x128xf32, #tpu.memory_space<hbm>> -> memref<48000x128xf32, #tpu.memory_space<hbm>>
      %dma_wait3A_2342 = tpu.memref_slice %arg11[%dma_wait3A_2331] : memref<5x!tpu.dma_semaphore, #tpu.memory_space<semaphore_mem>> -> memref<1x!tpu.dma_semaphore, #tpu.memory_space<semaphore_mem>>
      %dma_wait3A_2343 = tpu.memref_squeeze %dma_wait3A_2342 : memref<1x!tpu.dma_semaphore, #tpu.memory_space<semaphore_mem>> -> memref<!tpu.dma_semaphore, #tpu.memory_space<semaphore_mem>>
      tpu.wait_indirect_dma semaphore(%dma_wait3A_2343 : memref<!tpu.dma_semaphore, #tpu.memory_space<semaphore_mem>>) src(%dma_wait3A_2341 : memref<48000x128xf32, #tpu.memory_space<hbm>>) dst(%dma_wait3A_2335 : memref<128x128xf32, #tpu.memory_space<vmem>>)
      %mul3A_2344 = arith.constant 128 : i32
      %mul3A_2345 = arith.muli %add3A_2298, %mul3A_2344 : i32
      %add3A_2346 = arith.addi %mul3A_2, %mul3A_2345 : i32
      %multiple_of3A_2347 = tpu.assume_multiple %add3A_2346, 8 : i32
      %dma_start3A_2348 = arith.constant 1 : i32
      %dma_start3A_2349 = arith.constant 1 : i32
      %dma_start3A_2350 = arith.constant 0 : i32
      %dma_start3A_2351 = arith.constant 0 : i32
      %dma_start3A_2352 = tpu.memref_slice %arg9[%dma_start3A_2348, %dma_start3A_2350, %dma_start3A_2351] : memref<5x128x128xf32, #tpu.memory_space<vmem>> -> memref<1x128x128xf32, #tpu.memory_space<vmem>>
      %dma_start3A_2353 = tpu.memref_squeeze %dma_start3A_2352 : memref<1x128x128xf32, #tpu.memory_space<vmem>> -> memref<128x128xf32, #tpu.memory_space<vmem>>
      %dma_start3A_2354 = arith.constant 0 : i32
      %dma_start3A_2355 = tpu.memref_slice %arg5[%multiple_of3A_2347, %dma_start3A_2354] : memref<204800x128xf32, #tpu.memory_space<hbm>> -> memref<128x128xf32, #tpu.memory_space<hbm>>
      %dma_start3A_2356 = tpu.memref_slice %arg12[%dma_start3A_2349] : memref<5x!tpu.dma_semaphore, #tpu.memory_space<semaphore_mem>> -> memref<1x!tpu.dma_semaphore, #tpu.memory_space<semaphore_mem>>
      %dma_start3A_2357 = tpu.memref_squeeze %dma_start3A_2356 : memref<1x!tpu.dma_semaphore, #tpu.memory_space<semaphore_mem>> -> memref<!tpu.dma_semaphore, #tpu.memory_space<semaphore_mem>>
      %dma_start3A_2358 = arith.constant 0 : i32
      %dma_start3A_2359 = tpu.memref_slice %arg5[%multiple_of3A_2347, %dma_start3A_2358] : memref<204800x128xf32, #tpu.memory_space<hbm>> -> memref<128x128xf32, #tpu.memory_space<hbm>>
      %dma_start3A_2360 = arith.constant 0 : i32
      %dma_start3A_2361 = arith.constant 0 : i32
      %dma_start3A_2362 = tpu.memref_slice %arg9[%dma_start3A_2348, %dma_start3A_2360, %dma_start3A_2361] : memref<5x128x128xf32, #tpu.memory_space<vmem>> -> memref<1x128x128xf32, #tpu.memory_space<vmem>>
      %dma_start3A_2363 = tpu.memref_squeeze %dma_start3A_2362 : memref<1x128x128xf32, #tpu.memory_space<vmem>> -> memref<128x128xf32, #tpu.memory_space<vmem>>
      tpu.enqueue_dma source(%dma_start3A_2363 : memref<128x128xf32, #tpu.memory_space<vmem>>) target(%dma_start3A_2359 : memref<128x128xf32, #tpu.memory_space<hbm>>) target_semaphore(%dma_start3A_2357 : memref<!tpu.dma_semaphore, #tpu.memory_space<semaphore_mem>>)
      %add3A_2364 = arith.constant 5 : i32
      %add3A_2365 = arith.addi %add3A_2298, %add3A_2364 : i32
      %mul3A_2366 = arith.constant 128 : i32
      %mul3A_2367 = arith.muli %add3A_2365, %mul3A_2366 : i32
      %add3A_2368 = arith.addi %mul3A_2, %mul3A_2367 : i32
      %multiple_of3A_2369 = tpu.assume_multiple %add3A_2368, 8 : i32
      %dma_wait3A_2370 = arith.constant 1 : i32
      %dma_wait3A_2371 = arith.constant 1 : i32
      %dma_wait3A_2372 = arith.constant 0 : i32
      %dma_wait3A_2373 = tpu.memref_slice %arg6[%dma_wait3A_2370, %dma_wait3A_2372] : memref<5x128xi32, #tpu.memory_space<vmem>> -> memref<1x128xi32, #tpu.memory_space<vmem>>
      %dma_wait3A_2374 = tpu.memref_squeeze %dma_wait3A_2373 : memref<1x128xi32, #tpu.memory_space<vmem>> -> memref<128xi32, #tpu.memory_space<vmem>>
      %dma_wait3A_2375 = tpu.memref_slice %arg2[%multiple_of3A_2369] : memref<204800xi32, #tpu.memory_space<hbm>> -> memref<128xi32, #tpu.memory_space<hbm>>
      %dma_wait3A_2376 = tpu.memref_slice %arg10[%dma_wait3A_2371] : memref<5x!tpu.dma_semaphore, #tpu.memory_space<semaphore_mem>> -> memref<1x!tpu.dma_semaphore, #tpu.memory_space<semaphore_mem>>
      %dma_wait3A_2377 = tpu.memref_squeeze %dma_wait3A_2376 : memref<1x!tpu.dma_semaphore, #tpu.memory_space<semaphore_mem>> -> memref<!tpu.dma_semaphore, #tpu.memory_space<semaphore_mem>>
      %dma_wait3A_2378 = arith.constant 0 : i32
      %dma_wait3A_2379 = tpu.memref_slice %arg6[%dma_wait3A_2370, %dma_wait3A_2378] : memref<5x128xi32, #tpu.memory_space<vmem>> -> memref<1x128xi32, #tpu.memory_space<vmem>>
      %dma_wait3A_2380 = tpu.memref_squeeze %dma_wait3A_2379 : memref<1x128xi32, #tpu.memory_space<vmem>> -> memref<128xi32, #tpu.memory_space<vmem>>
      %dma_wait3A_2381 = tpu.memref_slice %arg2[%multiple_of3A_2369] : memref<204800xi32, #tpu.memory_space<hbm>> -> memref<128xi32, #tpu.memory_space<hbm>>
      tpu.wait_dma2 semaphore(%dma_wait3A_2377 : memref<!tpu.dma_semaphore, #tpu.memory_space<semaphore_mem>>) src(%dma_wait3A_2381 : memref<128xi32, #tpu.memory_space<hbm>>) dst(%dma_wait3A_2380 : memref<128xi32, #tpu.memory_space<vmem>>)
      %dma_wait3A_2382 = arith.constant 1 : i32
      %dma_wait3A_2383 = arith.constant 1 : i32
      %dma_wait3A_2384 = arith.constant 0 : i32
      %dma_wait3A_2385 = tpu.memref_slice %arg7[%dma_wait3A_2382, %dma_wait3A_2384] : memref<5x128xi32, #tpu.memory_space<vmem>> -> memref<1x128xi32, #tpu.memory_space<vmem>>
      %dma_wait3A_2386 = tpu.memref_squeeze %dma_wait3A_2385 : memref<1x128xi32, #tpu.memory_space<vmem>> -> memref<128xi32, #tpu.memory_space<vmem>>
      %dma_wait3A_2387 = tpu.memref_slice %arg3[%multiple_of3A_2369] : memref<204800xi32, #tpu.memory_space<hbm>> -> memref<128xi32, #tpu.memory_space<hbm>>
      %dma_wait3A_2388 = tpu.memref_slice %arg10[%dma_wait3A_2383] : memref<5x!tpu.dma_semaphore, #tpu.memory_space<semaphore_mem>> -> memref<1x!tpu.dma_semaphore, #tpu.memory_space<semaphore_mem>>
      %dma_wait3A_2389 = tpu.memref_squeeze %dma_wait3A_2388 : memref<1x!tpu.dma_semaphore, #tpu.memory_space<semaphore_mem>> -> memref<!tpu.dma_semaphore, #tpu.memory_space<semaphore_mem>>
      %dma_wait3A_2390 = arith.constant 0 : i32
      %dma_wait3A_2391 = tpu.memref_slice %arg7[%dma_wait3A_2382, %dma_wait3A_2390] : memref<5x128xi32, #tpu.memory_space<vmem>> -> memref<1x128xi32, #tpu.memory_space<vmem>>
      %dma_wait3A_2392 = tpu.memref_squeeze %dma_wait3A_2391 : memref<1x128xi32, #tpu.memory_space<vmem>> -> memref<128xi32, #tpu.memory_space<vmem>>
      %dma_wait3A_2393 = tpu.memref_slice %arg3[%multiple_of3A_2369] : memref<204800xi32, #tpu.memory_space<hbm>> -> memref<128xi32, #tpu.memory_space<hbm>>
      tpu.wait_dma2 semaphore(%dma_wait3A_2389 : memref<!tpu.dma_semaphore, #tpu.memory_space<semaphore_mem>>) src(%dma_wait3A_2393 : memref<128xi32, #tpu.memory_space<hbm>>) dst(%dma_wait3A_2392 : memref<128xi32, #tpu.memory_space<vmem>>)
      %add3A_2394 = arith.constant 5 : i32
      %add3A_2395 = arith.addi %add3A_2298, %add3A_2394 : i32
      %mul3A_2396 = arith.constant 128 : i32
      %mul3A_2397 = arith.muli %add3A_2395, %mul3A_2396 : i32
      %add3A_2398 = arith.addi %mul3A_2, %mul3A_2397 : i32
      %get3A_2399 = arith.constant 1 : i32
      %get3A_2400 = arith.index_cast %get3A_2399 : i32 to index
      %get3A_2401 = arith.constant 0 : index
      %get3A_2402 = tpu.vector_load %arg6[%get3A_2400, %get3A_2401] {strides = array<i32>} : memref<5x128xi32, #tpu.memory_space<vmem>>, vector<1x16xi32>,
      %get3A_2403 = vector.shape_cast %get3A_2402 : vector<1x16xi32> to vector<16xi32>
      %get3A_2404 = arith.constant 1 : i32
      %get3A_2405 = arith.index_cast %get3A_2404 : i32 to index
      %get3A_2406 = arith.constant 0 : index
      %get3A_2407 = tpu.vector_load %arg7[%get3A_2405, %get3A_2406] {strides = array<i32>} : memref<5x128xi32, #tpu.memory_space<vmem>>, vector<1x16xi32>,
      %get3A_2408 = vector.shape_cast %get3A_2407 : vector<1x16xi32> to vector<16xi32>
      %iota3A_2409 = tpu.iota {dimensions = array<i32: 0>} : vector<16xi32>
      %add3A_2410 = arith.constant 0 : i32
      %add3A_2411 = arith.addi %add3A_2398, %add3A_2410 : i32
      %add3A_2412 = vector.broadcast %add3A_2411 : i32 to vector<16xi32>
      %add3A_2413 = arith.addi %iota3A_2409, %add3A_2412 : vector<16xi32>
      %rem3A_2414 = arith.constant 200 : i32
      %rem3A_2415 = vector.broadcast %rem3A_2414 : i32 to vector<16xi32>
      %rem3A_2416 = arith.remsi %add3A_2413, %rem3A_2415 : vector<16xi32>
      %mul3A_2417 = arith.constant 240 : i32
      %mul3A_2418 = vector.broadcast %mul3A_2417 : i32 to vector<16xi32>
      %mul3A_2419 = arith.muli %rem3A_2416, %mul3A_2418 : vector<16xi32>
      %mul3A_2420 = arith.constant 8 : i32
      %mul3A_2421 = vector.broadcast %mul3A_2420 : i32 to vector<16xi32>
      %mul3A_2422 = arith.muli %get3A_2403, %mul3A_2421 : vector<16xi32>
      %add3A_2423 = arith.addi %mul3A_2419, %mul3A_2422 : vector<16xi32>
      %add3A_2424 = arith.addi %add3A_2423, %get3A_2408 : vector<16xi32>
      %swap3A_2425 = arith.constant 1 : i32
      %swap3A_2426 = arith.index_cast %swap3A_2425 : i32 to index
      %swap3A_2427 = arith.constant 0 : index
      %swap3A_2428 = tpu.vector_load %arg8[%swap3A_2426, %swap3A_2427] {strides = array<i32>} : memref<5x128xi32, #tpu.memory_space<vmem>>, vector<1x16xi32>,
      %swap3A_2429 = vector.shape_cast %swap3A_2428 : vector<1x16xi32> to vector<16xi32>
      %swap3A_2430 = vector.shape_cast %add3A_2424 : vector<16xi32> to vector<1x16xi32>
      tpu.vector_store %arg8[%swap3A_2426, %swap3A_2427], %swap3A_2430 {strides = array<i32>} : memref<5x128xi32, #tpu.memory_space<vmem>>, vector<1x16xi32>,
      %get3A_2431 = arith.constant 1 : i32
      %get3A_2432 = arith.index_cast %get3A_2431 : i32 to index
      %get3A_2433 = arith.constant 16 : index
      %get3A_2434 = tpu.vector_load %arg6[%get3A_2432, %get3A_2433] {strides = array<i32>} : memref<5x128xi32, #tpu.memory_space<vmem>>, vector<1x16xi32>,
      %get3A_2435 = vector.shape_cast %get3A_2434 : vector<1x16xi32> to vector<16xi32>
      %get3A_2436 = arith.constant 1 : i32
      %get3A_2437 = arith.index_cast %get3A_2436 : i32 to index
      %get3A_2438 = arith.constant 16 : index
      %get3A_2439 = tpu.vector_load %arg7[%get3A_2437, %get3A_2438] {strides = array<i32>} : memref<5x128xi32, #tpu.memory_space<vmem>>, vector<1x16xi32>,
      %get3A_2440 = vector.shape_cast %get3A_2439 : vector<1x16xi32> to vector<16xi32>
      %iota3A_2441 = tpu.iota {dimensions = array<i32: 0>} : vector<16xi32>
      %add3A_2442 = arith.constant 16 : i32
      %add3A_2443 = arith.addi %add3A_2398, %add3A_2442 : i32
      %add3A_2444 = vector.broadcast %add3A_2443 : i32 to vector<16xi32>
      %add3A_2445 = arith.addi %iota3A_2441, %add3A_2444 : vector<16xi32>
      %rem3A_2446 = arith.constant 200 : i32
      %rem3A_2447 = vector.broadcast %rem3A_2446 : i32 to vector<16xi32>
      %rem3A_2448 = arith.remsi %add3A_2445, %rem3A_2447 : vector<16xi32>
      %mul3A_2449 = arith.constant 240 : i32
      %mul3A_2450 = vector.broadcast %mul3A_2449 : i32 to vector<16xi32>
      %mul3A_2451 = arith.muli %rem3A_2448, %mul3A_2450 : vector<16xi32>
      %mul3A_2452 = arith.constant 8 : i32
      %mul3A_2453 = vector.broadcast %mul3A_2452 : i32 to vector<16xi32>
      %mul3A_2454 = arith.muli %get3A_2435, %mul3A_2453 : vector<16xi32>
      %add3A_2455 = arith.addi %mul3A_2451, %mul3A_2454 : vector<16xi32>
      %add3A_2456 = arith.addi %add3A_2455, %get3A_2440 : vector<16xi32>
      %swap3A_2457 = arith.constant 1 : i32
      %swap3A_2458 = arith.index_cast %swap3A_2457 : i32 to index
      %swap3A_2459 = arith.constant 16 : index
      %swap3A_2460 = tpu.vector_load %arg8[%swap3A_2458, %swap3A_2459] {strides = array<i32>} : memref<5x128xi32, #tpu.memory_space<vmem>>, vector<1x16xi32>,
      %swap3A_2461 = vector.shape_cast %swap3A_2460 : vector<1x16xi32> to vector<16xi32>
      %swap3A_2462 = vector.shape_cast %add3A_2456 : vector<16xi32> to vector<1x16xi32>
      tpu.vector_store %arg8[%swap3A_2458, %swap3A_2459], %swap3A_2462 {strides = array<i32>} : memref<5x128xi32, #tpu.memory_space<vmem>>, vector<1x16xi32>,
      %get3A_2463 = arith.constant 1 : i32
      %get3A_2464 = arith.index_cast %get3A_2463 : i32 to index
      %get3A_2465 = arith.constant 32 : index
      %get3A_2466 = tpu.vector_load %arg6[%get3A_2464, %get3A_2465] {strides = array<i32>} : memref<5x128xi32, #tpu.memory_space<vmem>>, vector<1x16xi32>,
      %get3A_2467 = vector.shape_cast %get3A_2466 : vector<1x16xi32> to vector<16xi32>
      %get3A_2468 = arith.constant 1 : i32
      %get3A_2469 = arith.index_cast %get3A_2468 : i32 to index
      %get3A_2470 = arith.constant 32 : index
      %get3A_2471 = tpu.vector_load %arg7[%get3A_2469, %get3A_2470] {strides = array<i32>} : memref<5x128xi32, #tpu.memory_space<vmem>>, vector<1x16xi32>,
      %get3A_2472 = vector.shape_cast %get3A_2471 : vector<1x16xi32> to vector<16xi32>
      %iota3A_2473 = tpu.iota {dimensions = array<i32: 0>} : vector<16xi32>
      %add3A_2474 = arith.constant 32 : i32
      %add3A_2475 = arith.addi %add3A_2398, %add3A_2474 : i32
      %add3A_2476 = vector.broadcast %add3A_2475 : i32 to vector<16xi32>
      %add3A_2477 = arith.addi %iota3A_2473, %add3A_2476 : vector<16xi32>
      %rem3A_2478 = arith.constant 200 : i32
      %rem3A_2479 = vector.broadcast %rem3A_2478 : i32 to vector<16xi32>
      %rem3A_2480 = arith.remsi %add3A_2477, %rem3A_2479 : vector<16xi32>
      %mul3A_2481 = arith.constant 240 : i32
      %mul3A_2482 = vector.broadcast %mul3A_2481 : i32 to vector<16xi32>
      %mul3A_2483 = arith.muli %rem3A_2480, %mul3A_2482 : vector<16xi32>
      %mul3A_2484 = arith.constant 8 : i32
      %mul3A_2485 = vector.broadcast %mul3A_2484 : i32 to vector<16xi32>
      %mul3A_2486 = arith.muli %get3A_2467, %mul3A_2485 : vector<16xi32>
      %add3A_2487 = arith.addi %mul3A_2483, %mul3A_2486 : vector<16xi32>
      %add3A_2488 = arith.addi %add3A_2487, %get3A_2472 : vector<16xi32>
      %swap3A_2489 = arith.constant 1 : i32
      %swap3A_2490 = arith.index_cast %swap3A_2489 : i32 to index
      %swap3A_2491 = arith.constant 32 : index
      %swap3A_2492 = tpu.vector_load %arg8[%swap3A_2490, %swap3A_2491] {strides = array<i32>} : memref<5x128xi32, #tpu.memory_space<vmem>>, vector<1x16xi32>,
      %swap3A_2493 = vector.shape_cast %swap3A_2492 : vector<1x16xi32> to vector<16xi32>
      %swap3A_2494 = vector.shape_cast %add3A_2488 : vector<16xi32> to vector<1x16xi32>
      tpu.vector_store %arg8[%swap3A_2490, %swap3A_2491], %swap3A_2494 {strides = array<i32>} : memref<5x128xi32, #tpu.memory_space<vmem>>, vector<1x16xi32>,
      %get3A_2495 = arith.constant 1 : i32
      %get3A_2496 = arith.index_cast %get3A_2495 : i32 to index
      %get3A_2497 = arith.constant 48 : index
      %get3A_2498 = tpu.vector_load %arg6[%get3A_2496, %get3A_2497] {strides = array<i32>} : memref<5x128xi32, #tpu.memory_space<vmem>>, vector<1x16xi32>,
      %get3A_2499 = vector.shape_cast %get3A_2498 : vector<1x16xi32> to vector<16xi32>
      %get3A_2500 = arith.constant 1 : i32
      %get3A_2501 = arith.index_cast %get3A_2500 : i32 to index
      %get3A_2502 = arith.constant 48 : index
      %get3A_2503 = tpu.vector_load %arg7[%get3A_2501, %get3A_2502] {strides = array<i32>} : memref<5x128xi32, #tpu.memory_space<vmem>>, vector<1x16xi32>,
      %get3A_2504 = vector.shape_cast %get3A_2503 : vector<1x16xi32> to vector<16xi32>
      %iota3A_2505 = tpu.iota {dimensions = array<i32: 0>} : vector<16xi32>
      %add3A_2506 = arith.constant 48 : i32
      %add3A_2507 = arith.addi %add3A_2398, %add3A_2506 : i32
      %add3A_2508 = vector.broadcast %add3A_2507 : i32 to vector<16xi32>
      %add3A_2509 = arith.addi %iota3A_2505, %add3A_2508 : vector<16xi32>
      %rem3A_2510 = arith.constant 200 : i32
      %rem3A_2511 = vector.broadcast %rem3A_2510 : i32 to vector<16xi32>
      %rem3A_2512 = arith.remsi %add3A_2509, %rem3A_2511 : vector<16xi32>
      %mul3A_2513 = arith.constant 240 : i32
      %mul3A_2514 = vector.broadcast %mul3A_2513 : i32 to vector<16xi32>
      %mul3A_2515 = arith.muli %rem3A_2512, %mul3A_2514 : vector<16xi32>
      %mul3A_2516 = arith.constant 8 : i32
      %mul3A_2517 = vector.broadcast %mul3A_2516 : i32 to vector<16xi32>
      %mul3A_2518 = arith.muli %get3A_2499, %mul3A_2517 : vector<16xi32>
      %add3A_2519 = arith.addi %mul3A_2515, %mul3A_2518 : vector<16xi32>
      %add3A_2520 = arith.addi %add3A_2519, %get3A_2504 : vector<16xi32>
      %swap3A_2521 = arith.constant 1 : i32
      %swap3A_2522 = arith.index_cast %swap3A_2521 : i32 to index
      %swap3A_2523 = arith.constant 48 : index
      %swap3A_2524 = tpu.vector_load %arg8[%swap3A_2522, %swap3A_2523] {strides = array<i32>} : memref<5x128xi32, #tpu.memory_space<vmem>>, vector<1x16xi32>,
      %swap3A_2525 = vector.shape_cast %swap3A_2524 : vector<1x16xi32> to vector<16xi32>
      %swap3A_2526 = vector.shape_cast %add3A_2520 : vector<16xi32> to vector<1x16xi32>
      tpu.vector_store %arg8[%swap3A_2522, %swap3A_2523], %swap3A_2526 {strides = array<i32>} : memref<5x128xi32, #tpu.memory_space<vmem>>, vector<1x16xi32>,
      %get3A_2527 = arith.constant 1 : i32
      %get3A_2528 = arith.index_cast %get3A_2527 : i32 to index
      %get3A_2529 = arith.constant 64 : index
      %get3A_2530 = tpu.vector_load %arg6[%get3A_2528, %get3A_2529] {strides = array<i32>} : memref<5x128xi32, #tpu.memory_space<vmem>>, vector<1x16xi32>,
      %get3A_2531 = vector.shape_cast %get3A_2530 : vector<1x16xi32> to vector<16xi32>
      %get3A_2532 = arith.constant 1 : i32
      %get3A_2533 = arith.index_cast %get3A_2532 : i32 to index
      %get3A_2534 = arith.constant 64 : index
      %get3A_2535 = tpu.vector_load %arg7[%get3A_2533, %get3A_2534] {strides = array<i32>} : memref<5x128xi32, #tpu.memory_space<vmem>>, vector<1x16xi32>,
      %get3A_2536 = vector.shape_cast %get3A_2535 : vector<1x16xi32> to vector<16xi32>
      %iota3A_2537 = tpu.iota {dimensions = array<i32: 0>} : vector<16xi32>
      %add3A_2538 = arith.constant 64 : i32
      %add3A_2539 = arith.addi %add3A_2398, %add3A_2538 : i32
      %add3A_2540 = vector.broadcast %add3A_2539 : i32 to vector<16xi32>
      %add3A_2541 = arith.addi %iota3A_2537, %add3A_2540 : vector<16xi32>
      %rem3A_2542 = arith.constant 200 : i32
      %rem3A_2543 = vector.broadcast %rem3A_2542 : i32 to vector<16xi32>
      %rem3A_2544 = arith.remsi %add3A_2541, %rem3A_2543 : vector<16xi32>
      %mul3A_2545 = arith.constant 240 : i32
      %mul3A_2546 = vector.broadcast %mul3A_2545 : i32 to vector<16xi32>
      %mul3A_2547 = arith.muli %rem3A_2544, %mul3A_2546 : vector<16xi32>
      %mul3A_2548 = arith.constant 8 : i32
      %mul3A_2549 = vector.broadcast %mul3A_2548 : i32 to vector<16xi32>
      %mul3A_2550 = arith.muli %get3A_2531, %mul3A_2549 : vector<16xi32>
      %add3A_2551 = arith.addi %mul3A_2547, %mul3A_2550 : vector<16xi32>
      %add3A_2552 = arith.addi %add3A_2551, %get3A_2536 : vector<16xi32>
      %swap3A_2553 = arith.constant 1 : i32
      %swap3A_2554 = arith.index_cast %swap3A_2553 : i32 to index
      %swap3A_2555 = arith.constant 64 : index
      %swap3A_2556 = tpu.vector_load %arg8[%swap3A_2554, %swap3A_2555] {strides = array<i32>} : memref<5x128xi32, #tpu.memory_space<vmem>>, vector<1x16xi32>,
      %swap3A_2557 = vector.shape_cast %swap3A_2556 : vector<1x16xi32> to vector<16xi32>
      %swap3A_2558 = vector.shape_cast %add3A_2552 : vector<16xi32> to vector<1x16xi32>
      tpu.vector_store %arg8[%swap3A_2554, %swap3A_2555], %swap3A_2558 {strides = array<i32>} : memref<5x128xi32, #tpu.memory_space<vmem>>, vector<1x16xi32>,
      %get3A_2559 = arith.constant 1 : i32
      %get3A_2560 = arith.index_cast %get3A_2559 : i32 to index
      %get3A_2561 = arith.constant 80 : index
      %get3A_2562 = tpu.vector_load %arg6[%get3A_2560, %get3A_2561] {strides = array<i32>} : memref<5x128xi32, #tpu.memory_space<vmem>>, vector<1x16xi32>,
      %get3A_2563 = vector.shape_cast %get3A_2562 : vector<1x16xi32> to vector<16xi32>
      %get3A_2564 = arith.constant 1 : i32
      %get3A_2565 = arith.index_cast %get3A_2564 : i32 to index
      %get3A_2566 = arith.constant 80 : index
      %get3A_2567 = tpu.vector_load %arg7[%get3A_2565, %get3A_2566] {strides = array<i32>} : memref<5x128xi32, #tpu.memory_space<vmem>>, vector<1x16xi32>,
      %get3A_2568 = vector.shape_cast %get3A_2567 : vector<1x16xi32> to vector<16xi32>
      %iota3A_2569 = tpu.iota {dimensions = array<i32: 0>} : vector<16xi32>
      %add3A_2570 = arith.constant 80 : i32
      %add3A_2571 = arith.addi %add3A_2398, %add3A_2570 : i32
      %add3A_2572 = vector.broadcast %add3A_2571 : i32 to vector<16xi32>
      %add3A_2573 = arith.addi %iota3A_2569, %add3A_2572 : vector<16xi32>
      %rem3A_2574 = arith.constant 200 : i32
      %rem3A_2575 = vector.broadcast %rem3A_2574 : i32 to vector<16xi32>
      %rem3A_2576 = arith.remsi %add3A_2573, %rem3A_2575 : vector<16xi32>
      %mul3A_2577 = arith.constant 240 : i32
      %mul3A_2578 = vector.broadcast %mul3A_2577 : i32 to vector<16xi32>
      %mul3A_2579 = arith.muli %rem3A_2576, %mul3A_2578 : vector<16xi32>
      %mul3A_2580 = arith.constant 8 : i32
      %mul3A_2581 = vector.broadcast %mul3A_2580 : i32 to vector<16xi32>
      %mul3A_2582 = arith.muli %get3A_2563, %mul3A_2581 : vector<16xi32>
      %add3A_2583 = arith.addi %mul3A_2579, %mul3A_2582 : vector<16xi32>
      %add3A_2584 = arith.addi %add3A_2583, %get3A_2568 : vector<16xi32>
      %swap3A_2585 = arith.constant 1 : i32
      %swap3A_2586 = arith.index_cast %swap3A_2585 : i32 to index
      %swap3A_2587 = arith.constant 80 : index
      %swap3A_2588 = tpu.vector_load %arg8[%swap3A_2586, %swap3A_2587] {strides = array<i32>} : memref<5x128xi32, #tpu.memory_space<vmem>>, vector<1x16xi32>,
      %swap3A_2589 = vector.shape_cast %swap3A_2588 : vector<1x16xi32> to vector<16xi32>
      %swap3A_2590 = vector.shape_cast %add3A_2584 : vector<16xi32> to vector<1x16xi32>
      tpu.vector_store %arg8[%swap3A_2586, %swap3A_2587], %swap3A_2590 {strides = array<i32>} : memref<5x128xi32, #tpu.memory_space<vmem>>, vector<1x16xi32>,
      %get3A_2591 = arith.constant 1 : i32
      %get3A_2592 = arith.index_cast %get3A_2591 : i32 to index
      %get3A_2593 = arith.constant 96 : index
      %get3A_2594 = tpu.vector_load %arg6[%get3A_2592, %get3A_2593] {strides = array<i32>} : memref<5x128xi32, #tpu.memory_space<vmem>>, vector<1x16xi32>,
      %get3A_2595 = vector.shape_cast %get3A_2594 : vector<1x16xi32> to vector<16xi32>
      %get3A_2596 = arith.constant 1 : i32
      %get3A_2597 = arith.index_cast %get3A_2596 : i32 to index
      %get3A_2598 = arith.constant 96 : index
      %get3A_2599 = tpu.vector_load %arg7[%get3A_2597, %get3A_2598] {strides = array<i32>} : memref<5x128xi32, #tpu.memory_space<vmem>>, vector<1x16xi32>,
      %get3A_2600 = vector.shape_cast %get3A_2599 : vector<1x16xi32> to vector<16xi32>
      %iota3A_2601 = tpu.iota {dimensions = array<i32: 0>} : vector<16xi32>
      %add3A_2602 = arith.constant 96 : i32
      %add3A_2603 = arith.addi %add3A_2398, %add3A_2602 : i32
      %add3A_2604 = vector.broadcast %add3A_2603 : i32 to vector<16xi32>
      %add3A_2605 = arith.addi %iota3A_2601, %add3A_2604 : vector<16xi32>
      %rem3A_2606 = arith.constant 200 : i32
      %rem3A_2607 = vector.broadcast %rem3A_2606 : i32 to vector<16xi32>
      %rem3A_2608 = arith.remsi %add3A_2605, %rem3A_2607 : vector<16xi32>
      %mul3A_2609 = arith.constant 240 : i32
      %mul3A_2610 = vector.broadcast %mul3A_2609 : i32 to vector<16xi32>
      %mul3A_2611 = arith.muli %rem3A_2608, %mul3A_2610 : vector<16xi32>
      %mul3A_2612 = arith.constant 8 : i32
      %mul3A_2613 = vector.broadcast %mul3A_2612 : i32 to vector<16xi32>
      %mul3A_2614 = arith.muli %get3A_2595, %mul3A_2613 : vector<16xi32>
      %add3A_2615 = arith.addi %mul3A_2611, %mul3A_2614 : vector<16xi32>
      %add3A_2616 = arith.addi %add3A_2615, %get3A_2600 : vector<16xi32>
      %swap3A_2617 = arith.constant 1 : i32
      %swap3A_2618 = arith.index_cast %swap3A_2617 : i32 to index
      %swap3A_2619 = arith.constant 96 : index
      %swap3A_2620 = tpu.vector_load %arg8[%swap3A_2618, %swap3A_2619] {strides = array<i32>} : memref<5x128xi32, #tpu.memory_space<vmem>>, vector<1x16xi32>,
      %swap3A_2621 = vector.shape_cast %swap3A_2620 : vector<1x16xi32> to vector<16xi32>
      %swap3A_2622 = vector.shape_cast %add3A_2616 : vector<16xi32> to vector<1x16xi32>
      tpu.vector_store %arg8[%swap3A_2618, %swap3A_2619], %swap3A_2622 {strides = array<i32>} : memref<5x128xi32, #tpu.memory_space<vmem>>, vector<1x16xi32>,
      %get3A_2623 = arith.constant 1 : i32
      %get3A_2624 = arith.index_cast %get3A_2623 : i32 to index
      %get3A_2625 = arith.constant 112 : index
      %get3A_2626 = tpu.vector_load %arg6[%get3A_2624, %get3A_2625] {strides = array<i32>} : memref<5x128xi32, #tpu.memory_space<vmem>>, vector<1x16xi32>,
      %get3A_2627 = vector.shape_cast %get3A_2626 : vector<1x16xi32> to vector<16xi32>
      %get3A_2628 = arith.constant 1 : i32
      %get3A_2629 = arith.index_cast %get3A_2628 : i32 to index
      %get3A_2630 = arith.constant 112 : index
      %get3A_2631 = tpu.vector_load %arg7[%get3A_2629, %get3A_2630] {strides = array<i32>} : memref<5x128xi32, #tpu.memory_space<vmem>>, vector<1x16xi32>,
      %get3A_2632 = vector.shape_cast %get3A_2631 : vector<1x16xi32> to vector<16xi32>
      %iota3A_2633 = tpu.iota {dimensions = array<i32: 0>} : vector<16xi32>
      %add3A_2634 = arith.constant 112 : i32
      %add3A_2635 = arith.addi %add3A_2398, %add3A_2634 : i32
      %add3A_2636 = vector.broadcast %add3A_2635 : i32 to vector<16xi32>
      %add3A_2637 = arith.addi %iota3A_2633, %add3A_2636 : vector<16xi32>
      %rem3A_2638 = arith.constant 200 : i32
      %rem3A_2639 = vector.broadcast %rem3A_2638 : i32 to vector<16xi32>
      %rem3A_2640 = arith.remsi %add3A_2637, %rem3A_2639 : vector<16xi32>
      %mul3A_2641 = arith.constant 240 : i32
      %mul3A_2642 = vector.broadcast %mul3A_2641 : i32 to vector<16xi32>
      %mul3A_2643 = arith.muli %rem3A_2640, %mul3A_2642 : vector<16xi32>
      %mul3A_2644 = arith.constant 8 : i32
      %mul3A_2645 = vector.broadcast %mul3A_2644 : i32 to vector<16xi32>
      %mul3A_2646 = arith.muli %get3A_2627, %mul3A_2645 : vector<16xi32>
      %add3A_2647 = arith.addi %mul3A_2643, %mul3A_2646 : vector<16xi32>
      %add3A_2648 = arith.addi %add3A_2647, %get3A_2632 : vector<16xi32>
      %swap3A_2649 = arith.constant 1 : i32
      %swap3A_2650 = arith.index_cast %swap3A_2649 : i32 to index
      %swap3A_2651 = arith.constant 112 : index
      %swap3A_2652 = tpu.vector_load %arg8[%swap3A_2650, %swap3A_2651] {strides = array<i32>} : memref<5x128xi32, #tpu.memory_space<vmem>>, vector<1x16xi32>,
      %swap3A_2653 = vector.shape_cast %swap3A_2652 : vector<1x16xi32> to vector<16xi32>
      %swap3A_2654 = vector.shape_cast %add3A_2648 : vector<16xi32> to vector<1x16xi32>
      tpu.vector_store %arg8[%swap3A_2650, %swap3A_2651], %swap3A_2654 {strides = array<i32>} : memref<5x128xi32, #tpu.memory_space<vmem>>, vector<1x16xi32>,
      %mul3A_2655 = arith.constant 128 : i32
      %mul3A_2656 = arith.muli %add3A_2298, %mul3A_2655 : i32
      %add3A_2657 = arith.addi %mul3A_2, %mul3A_2656 : i32
      %multiple_of3A_2658 = tpu.assume_multiple %add3A_2657, 8 : i32
      %dma_wait3A_2659 = arith.constant 1 : i32
      %dma_wait3A_2660 = arith.constant 1 : i32
      %dma_wait3A_2661 = arith.constant 0 : i32
      %dma_wait3A_2662 = arith.constant 0 : i32
      %dma_wait3A_2663 = tpu.memref_slice %arg9[%dma_wait3A_2659, %dma_wait3A_2661, %dma_wait3A_2662] : memref<5x128x128xf32, #tpu.memory_space<vmem>> -> memref<1x128x128xf32, #tpu.memory_space<vmem>>
      %dma_wait3A_2664 = tpu.memref_squeeze %dma_wait3A_2663 : memref<1x128x128xf32, #tpu.memory_space<vmem>> -> memref<128x128xf32, #tpu.memory_space<vmem>>
      %dma_wait3A_2665 = arith.constant 0 : i32
      %dma_wait3A_2666 = tpu.memref_slice %arg5[%multiple_of3A_2658, %dma_wait3A_2665] : memref<204800x128xf32, #tpu.memory_space<hbm>> -> memref<128x128xf32, #tpu.memory_space<hbm>>
      %dma_wait3A_2667 = tpu.memref_slice %arg12[%dma_wait3A_2660] : memref<5x!tpu.dma_semaphore, #tpu.memory_space<semaphore_mem>> -> memref<1x!tpu.dma_semaphore, #tpu.memory_space<semaphore_mem>>
      %dma_wait3A_2668 = tpu.memref_squeeze %dma_wait3A_2667 : memref<1x!tpu.dma_semaphore, #tpu.memory_space<semaphore_mem>> -> memref<!tpu.dma_semaphore, #tpu.memory_space<semaphore_mem>>
      %dma_wait3A_2669 = arith.constant 0 : i32
      %dma_wait3A_2670 = tpu.memref_slice %arg5[%multiple_of3A_2658, %dma_wait3A_2669] : memref<204800x128xf32, #tpu.memory_space<hbm>> -> memref<128x128xf32, #tpu.memory_space<hbm>>
      %dma_wait3A_2671 = arith.constant 0 : i32
      %dma_wait3A_2672 = arith.constant 0 : i32
      %dma_wait3A_2673 = tpu.memref_slice %arg9[%dma_wait3A_2659, %dma_wait3A_2671, %dma_wait3A_2672] : memref<5x128x128xf32, #tpu.memory_space<vmem>> -> memref<1x128x128xf32, #tpu.memory_space<vmem>>
      %dma_wait3A_2674 = tpu.memref_squeeze %dma_wait3A_2673 : memref<1x128x128xf32, #tpu.memory_space<vmem>> -> memref<128x128xf32, #tpu.memory_space<vmem>>
      tpu.wait_dma2 semaphore(%dma_wait3A_2668 : memref<!tpu.dma_semaphore, #tpu.memory_space<semaphore_mem>>) src(%dma_wait3A_2674 : memref<128x128xf32, #tpu.memory_space<vmem>>) dst(%dma_wait3A_2670 : memref<128x128xf32, #tpu.memory_space<hbm>>)
      %dma_start3A_2675 = arith.constant 1 : i32
      %dma_start3A_2676 = arith.constant 1 : i32
      %dma_start3A_2677 = arith.constant 1 : i32
      %dma_start3A_2678 = arith.constant 0 : i32
      %dma_start3A_2679 = arith.constant 0 : i32
      %dma_start3A_2680 = tpu.memref_slice %arg9[%dma_start3A_2676, %dma_start3A_2678, %dma_start3A_2679] : memref<5x128x128xf32, #tpu.memory_space<vmem>> -> memref<1x128x128xf32, #tpu.memory_space<vmem>>
      %dma_start3A_2681 = tpu.memref_squeeze %dma_start3A_2680 : memref<1x128x128xf32, #tpu.memory_space<vmem>> -> memref<128x128xf32, #tpu.memory_space<vmem>>
      %dma_start3A_2682 = arith.constant 0 : i32
      %dma_start3A_2683 = tpu.memref_slice %arg8[%dma_start3A_2675, %dma_start3A_2682] : memref<5x128xi32, #tpu.memory_space<vmem>> -> memref<1x128xi32, #tpu.memory_space<vmem>>
      %dma_start3A_2684 = tpu.memref_squeeze %dma_start3A_2683 : memref<1x128xi32, #tpu.memory_space<vmem>> -> memref<128xi32, #tpu.memory_space<vmem>>
      %dma_start3A_2685 = arith.constant 0 : i32
      %dma_start3A_2686 = arith.constant 0 : i32
      %dma_start3A_2687 = tpu.memref_slice %arg4[%dma_start3A_2685, %dma_start3A_2686] : memref<48000x128xf32, #tpu.memory_space<hbm>> -> memref<48000x128xf32, #tpu.memory_space<hbm>>
      %dma_start3A_2688 = tpu.memref_slice %arg11[%dma_start3A_2677] : memref<5x!tpu.dma_semaphore, #tpu.memory_space<semaphore_mem>> -> memref<1x!tpu.dma_semaphore, #tpu.memory_space<semaphore_mem>>
      %dma_start3A_2689 = tpu.memref_squeeze %dma_start3A_2688 : memref<1x!tpu.dma_semaphore, #tpu.memory_space<semaphore_mem>> -> memref<!tpu.dma_semaphore, #tpu.memory_space<semaphore_mem>>
      tpu.enqueue_indirect_dma source(%dma_start3A_2687 : memref<48000x128xf32, #tpu.memory_space<hbm>>) target(%dma_start3A_2681 : memref<128x128xf32, #tpu.memory_space<vmem>>) offsets(%dma_start3A_2684 : memref<128xi32, #tpu.memory_space<vmem>>) semaphore(%dma_start3A_2689 : memref<!tpu.dma_semaphore, #tpu.memory_space<semaphore_mem>>)
      %add3A_2690 = arith.constant 2 : i32
      %add3A_2691 = arith.addi %mul3A_1903, %add3A_2690 : i32
      %add3A_2692 = arith.constant 5 : i32
      %add3A_2693 = arith.addi %add3A_2691, %add3A_2692 : i32
      %mul3A_2694 = arith.constant 128 : i32
      %mul3A_2695 = arith.muli %add3A_2693, %mul3A_2694 : i32
      %add3A_2696 = arith.addi %mul3A_2, %mul3A_2695 : i32
      %multiple_of3A_2697 = tpu.assume_multiple %add3A_2696, 8 : i32
      %dma_start3A_2698 = arith.constant 2 : i32
      %dma_start3A_2699 = arith.constant 2 : i32
      %dma_start3A_2700 = arith.constant 0 : i32
      %dma_start3A_2701 = tpu.memref_slice %arg6[%dma_start3A_2698, %dma_start3A_2700] : memref<5x128xi32, #tpu.memory_space<vmem>> -> memref<1x128xi32, #tpu.memory_space<vmem>>
      %dma_start3A_2702 = tpu.memref_squeeze %dma_start3A_2701 : memref<1x128xi32, #tpu.memory_space<vmem>> -> memref<128xi32, #tpu.memory_space<vmem>>
      %dma_start3A_2703 = tpu.memref_slice %arg2[%multiple_of3A_2697] : memref<204800xi32, #tpu.memory_space<hbm>> -> memref<128xi32, #tpu.memory_space<hbm>>
      %dma_start3A_2704 = tpu.memref_slice %arg10[%dma_start3A_2699] : memref<5x!tpu.dma_semaphore, #tpu.memory_space<semaphore_mem>> -> memref<1x!tpu.dma_semaphore, #tpu.memory_space<semaphore_mem>>
      %dma_start3A_2705 = tpu.memref_squeeze %dma_start3A_2704 : memref<1x!tpu.dma_semaphore, #tpu.memory_space<semaphore_mem>> -> memref<!tpu.dma_semaphore, #tpu.memory_space<semaphore_mem>>
      %dma_start3A_2706 = arith.constant 0 : i32
      %dma_start3A_2707 = tpu.memref_slice %arg6[%dma_start3A_2698, %dma_start3A_2706] : memref<5x128xi32, #tpu.memory_space<vmem>> -> memref<1x128xi32, #tpu.memory_space<vmem>>
      %dma_start3A_2708 = tpu.memref_squeeze %dma_start3A_2707 : memref<1x128xi32, #tpu.memory_space<vmem>> -> memref<128xi32, #tpu.memory_space<vmem>>
      %dma_start3A_2709 = tpu.memref_slice %arg2[%multiple_of3A_2697] : memref<204800xi32, #tpu.memory_space<hbm>> -> memref<128xi32, #tpu.memory_space<hbm>>
      tpu.enqueue_dma source(%dma_start3A_2709 : memref<128xi32, #tpu.memory_space<hbm>>) target(%dma_start3A_2708 : memref<128xi32, #tpu.memory_space<vmem>>) target_semaphore(%dma_start3A_2705 : memref<!tpu.dma_semaphore, #tpu.memory_space<semaphore_mem>>)
      %dma_start3A_2710 = arith.constant 2 : i32
      %dma_start3A_2711 = arith.constant 2 : i32
      %dma_start3A_2712 = arith.constant 0 : i32
      %dma_start3A_2713 = tpu.memref_slice %arg7[%dma_start3A_2710, %dma_start3A_2712] : memref<5x128xi32, #tpu.memory_space<vmem>> -> memref<1x128xi32, #tpu.memory_space<vmem>>
      %dma_start3A_2714 = tpu.memref_squeeze %dma_start3A_2713 : memref<1x128xi32, #tpu.memory_space<vmem>> -> memref<128xi32, #tpu.memory_space<vmem>>
      %dma_start3A_2715 = tpu.memref_slice %arg3[%multiple_of3A_2697] : memref<204800xi32, #tpu.memory_space<hbm>> -> memref<128xi32, #tpu.memory_space<hbm>>
      %dma_start3A_2716 = tpu.memref_slice %arg10[%dma_start3A_2711] : memref<5x!tpu.dma_semaphore, #tpu.memory_space<semaphore_mem>> -> memref<1x!tpu.dma_semaphore, #tpu.memory_space<semaphore_mem>>
      %dma_start3A_2717 = tpu.memref_squeeze %dma_start3A_2716 : memref<1x!tpu.dma_semaphore, #tpu.memory_space<semaphore_mem>> -> memref<!tpu.dma_semaphore, #tpu.memory_space<semaphore_mem>>
      %dma_start3A_2718 = arith.constant 0 : i32
      %dma_start3A_2719 = tpu.memref_slice %arg7[%dma_start3A_2710, %dma_start3A_2718] : memref<5x128xi32, #tpu.memory_space<vmem>> -> memref<1x128xi32, #tpu.memory_space<vmem>>
      %dma_start3A_2720 = tpu.memref_squeeze %dma_start3A_2719 : memref<1x128xi32, #tpu.memory_space<vmem>> -> memref<128xi32, #tpu.memory_space<vmem>>
      %dma_start3A_2721 = tpu.memref_slice %arg3[%multiple_of3A_2697] : memref<204800xi32, #tpu.memory_space<hbm>> -> memref<128xi32, #tpu.memory_space<hbm>>
      tpu.enqueue_dma source(%dma_start3A_2721 : memref<128xi32, #tpu.memory_space<hbm>>) target(%dma_start3A_2720 : memref<128xi32, #tpu.memory_space<vmem>>) target_semaphore(%dma_start3A_2717 : memref<!tpu.dma_semaphore, #tpu.memory_space<semaphore_mem>>)
      %dma_wait3A_2722 = arith.constant 2 : i32
      %dma_wait3A_2723 = arith.constant 2 : i32
      %dma_wait3A_2724 = arith.constant 2 : i32
      %dma_wait3A_2725 = arith.constant 0 : i32
      %dma_wait3A_2726 = arith.constant 0 : i32
      %dma_wait3A_2727 = tpu.memref_slice %arg9[%dma_wait3A_2723, %dma_wait3A_2725, %dma_wait3A_2726] : memref<5x128x128xf32, #tpu.memory_space<vmem>> -> memref<1x128x128xf32, #tpu.memory_space<vmem>>
      %dma_wait3A_2728 = tpu.memref_squeeze %dma_wait3A_2727 : memref<1x128x128xf32, #tpu.memory_space<vmem>> -> memref<128x128xf32, #tpu.memory_space<vmem>>
      %dma_wait3A_2729 = arith.constant 0 : i32
      %dma_wait3A_2730 = tpu.memref_slice %arg8[%dma_wait3A_2722, %dma_wait3A_2729] : memref<5x128xi32, #tpu.memory_space<vmem>> -> memref<1x128xi32, #tpu.memory_space<vmem>>
      %dma_wait3A_2731 = tpu.memref_squeeze %dma_wait3A_2730 : memref<1x128xi32, #tpu.memory_space<vmem>> -> memref<128xi32, #tpu.memory_space<vmem>>
      %dma_wait3A_2732 = arith.constant 0 : i32
      %dma_wait3A_2733 = arith.constant 0 : i32
      %dma_wait3A_2734 = tpu.memref_slice %arg4[%dma_wait3A_2732, %dma_wait3A_2733] : memref<48000x128xf32, #tpu.memory_space<hbm>> -> memref<48000x128xf32, #tpu.memory_space<hbm>>
      %dma_wait3A_2735 = tpu.memref_slice %arg11[%dma_wait3A_2724] : memref<5x!tpu.dma_semaphore, #tpu.memory_space<semaphore_mem>> -> memref<1x!tpu.dma_semaphore, #tpu.memory_space<semaphore_mem>>
      %dma_wait3A_2736 = tpu.memref_squeeze %dma_wait3A_2735 : memref<1x!tpu.dma_semaphore, #tpu.memory_space<semaphore_mem>> -> memref<!tpu.dma_semaphore, #tpu.memory_space<semaphore_mem>>
      tpu.wait_indirect_dma semaphore(%dma_wait3A_2736 : memref<!tpu.dma_semaphore, #tpu.memory_space<semaphore_mem>>) src(%dma_wait3A_2734 : memref<48000x128xf32, #tpu.memory_space<hbm>>) dst(%dma_wait3A_2728 : memref<128x128xf32, #tpu.memory_space<vmem>>)
      %mul3A_2737 = arith.constant 128 : i32
      %mul3A_2738 = arith.muli %add3A_2691, %mul3A_2737 : i32
      %add3A_2739 = arith.addi %mul3A_2, %mul3A_2738 : i32
      %multiple_of3A_2740 = tpu.assume_multiple %add3A_2739, 8 : i32
      %dma_start3A_2741 = arith.constant 2 : i32
      %dma_start3A_2742 = arith.constant 2 : i32
      %dma_start3A_2743 = arith.constant 0 : i32
      %dma_start3A_2744 = arith.constant 0 : i32
      %dma_start3A_2745 = tpu.memref_slice %arg9[%dma_start3A_2741, %dma_start3A_2743, %dma_start3A_2744] : memref<5x128x128xf32, #tpu.memory_space<vmem>> -> memref<1x128x128xf32, #tpu.memory_space<vmem>>
      %dma_start3A_2746 = tpu.memref_squeeze %dma_start3A_2745 : memref<1x128x128xf32, #tpu.memory_space<vmem>> -> memref<128x128xf32, #tpu.memory_space<vmem>>
      %dma_start3A_2747 = arith.constant 0 : i32
      %dma_start3A_2748 = tpu.memref_slice %arg5[%multiple_of3A_2740, %dma_start3A_2747] : memref<204800x128xf32, #tpu.memory_space<hbm>> -> memref<128x128xf32, #tpu.memory_space<hbm>>
      %dma_start3A_2749 = tpu.memref_slice %arg12[%dma_start3A_2742] : memref<5x!tpu.dma_semaphore, #tpu.memory_space<semaphore_mem>> -> memref<1x!tpu.dma_semaphore, #tpu.memory_space<semaphore_mem>>
      %dma_start3A_2750 = tpu.memref_squeeze %dma_start3A_2749 : memref<1x!tpu.dma_semaphore, #tpu.memory_space<semaphore_mem>> -> memref<!tpu.dma_semaphore, #tpu.memory_space<semaphore_mem>>
      %dma_start3A_2751 = arith.constant 0 : i32
      %dma_start3A_2752 = tpu.memref_slice %arg5[%multiple_of3A_2740, %dma_start3A_2751] : memref<204800x128xf32, #tpu.memory_space<hbm>> -> memref<128x128xf32, #tpu.memory_space<hbm>>
      %dma_start3A_2753 = arith.constant 0 : i32
      %dma_start3A_2754 = arith.constant 0 : i32
      %dma_start3A_2755 = tpu.memref_slice %arg9[%dma_start3A_2741, %dma_start3A_2753, %dma_start3A_2754] : memref<5x128x128xf32, #tpu.memory_space<vmem>> -> memref<1x128x128xf32, #tpu.memory_space<vmem>>
      %dma_start3A_2756 = tpu.memref_squeeze %dma_start3A_2755 : memref<1x128x128xf32, #tpu.memory_space<vmem>> -> memref<128x128xf32, #tpu.memory_space<vmem>>
      tpu.enqueue_dma source(%dma_start3A_2756 : memref<128x128xf32, #tpu.memory_space<vmem>>) target(%dma_start3A_2752 : memref<128x128xf32, #tpu.memory_space<hbm>>) target_semaphore(%dma_start3A_2750 : memref<!tpu.dma_semaphore, #tpu.memory_space<semaphore_mem>>)
      %add3A_2757 = arith.constant 5 : i32
      %add3A_2758 = arith.addi %add3A_2691, %add3A_2757 : i32
      %mul3A_2759 = arith.constant 128 : i32
      %mul3A_2760 = arith.muli %add3A_2758, %mul3A_2759 : i32
      %add3A_2761 = arith.addi %mul3A_2, %mul3A_2760 : i32
      %multiple_of3A_2762 = tpu.assume_multiple %add3A_2761, 8 : i32
      %dma_wait3A_2763 = arith.constant 2 : i32
      %dma_wait3A_2764 = arith.constant 2 : i32
      %dma_wait3A_2765 = arith.constant 0 : i32
      %dma_wait3A_2766 = tpu.memref_slice %arg6[%dma_wait3A_2763, %dma_wait3A_2765] : memref<5x128xi32, #tpu.memory_space<vmem>> -> memref<1x128xi32, #tpu.memory_space<vmem>>
      %dma_wait3A_2767 = tpu.memref_squeeze %dma_wait3A_2766 : memref<1x128xi32, #tpu.memory_space<vmem>> -> memref<128xi32, #tpu.memory_space<vmem>>
      %dma_wait3A_2768 = tpu.memref_slice %arg2[%multiple_of3A_2762] : memref<204800xi32, #tpu.memory_space<hbm>> -> memref<128xi32, #tpu.memory_space<hbm>>
      %dma_wait3A_2769 = tpu.memref_slice %arg10[%dma_wait3A_2764] : memref<5x!tpu.dma_semaphore, #tpu.memory_space<semaphore_mem>> -> memref<1x!tpu.dma_semaphore, #tpu.memory_space<semaphore_mem>>
      %dma_wait3A_2770 = tpu.memref_squeeze %dma_wait3A_2769 : memref<1x!tpu.dma_semaphore, #tpu.memory_space<semaphore_mem>> -> memref<!tpu.dma_semaphore, #tpu.memory_space<semaphore_mem>>
      %dma_wait3A_2771 = arith.constant 0 : i32
      %dma_wait3A_2772 = tpu.memref_slice %arg6[%dma_wait3A_2763, %dma_wait3A_2771] : memref<5x128xi32, #tpu.memory_space<vmem>> -> memref<1x128xi32, #tpu.memory_space<vmem>>
      %dma_wait3A_2773 = tpu.memref_squeeze %dma_wait3A_2772 : memref<1x128xi32, #tpu.memory_space<vmem>> -> memref<128xi32, #tpu.memory_space<vmem>>
      %dma_wait3A_2774 = tpu.memref_slice %arg2[%multiple_of3A_2762] : memref<204800xi32, #tpu.memory_space<hbm>> -> memref<128xi32, #tpu.memory_space<hbm>>
      tpu.wait_dma2 semaphore(%dma_wait3A_2770 : memref<!tpu.dma_semaphore, #tpu.memory_space<semaphore_mem>>) src(%dma_wait3A_2774 : memref<128xi32, #tpu.memory_space<hbm>>) dst(%dma_wait3A_2773 : memref<128xi32, #tpu.memory_space<vmem>>)
      %dma_wait3A_2775 = arith.constant 2 : i32
      %dma_wait3A_2776 = arith.constant 2 : i32
      %dma_wait3A_2777 = arith.constant 0 : i32
      %dma_wait3A_2778 = tpu.memref_slice %arg7[%dma_wait3A_2775, %dma_wait3A_2777] : memref<5x128xi32, #tpu.memory_space<vmem>> -> memref<1x128xi32, #tpu.memory_space<vmem>>
      %dma_wait3A_2779 = tpu.memref_squeeze %dma_wait3A_2778 : memref<1x128xi32, #tpu.memory_space<vmem>> -> memref<128xi32, #tpu.memory_space<vmem>>
      %dma_wait3A_2780 = tpu.memref_slice %arg3[%multiple_of3A_2762] : memref<204800xi32, #tpu.memory_space<hbm>> -> memref<128xi32, #tpu.memory_space<hbm>>
      %dma_wait3A_2781 = tpu.memref_slice %arg10[%dma_wait3A_2776] : memref<5x!tpu.dma_semaphore, #tpu.memory_space<semaphore_mem>> -> memref<1x!tpu.dma_semaphore, #tpu.memory_space<semaphore_mem>>
      %dma_wait3A_2782 = tpu.memref_squeeze %dma_wait3A_2781 : memref<1x!tpu.dma_semaphore, #tpu.memory_space<semaphore_mem>> -> memref<!tpu.dma_semaphore, #tpu.memory_space<semaphore_mem>>
      %dma_wait3A_2783 = arith.constant 0 : i32
      %dma_wait3A_2784 = tpu.memref_slice %arg7[%dma_wait3A_2775, %dma_wait3A_2783] : memref<5x128xi32, #tpu.memory_space<vmem>> -> memref<1x128xi32, #tpu.memory_space<vmem>>
      %dma_wait3A_2785 = tpu.memref_squeeze %dma_wait3A_2784 : memref<1x128xi32, #tpu.memory_space<vmem>> -> memref<128xi32, #tpu.memory_space<vmem>>
      %dma_wait3A_2786 = tpu.memref_slice %arg3[%multiple_of3A_2762] : memref<204800xi32, #tpu.memory_space<hbm>> -> memref<128xi32, #tpu.memory_space<hbm>>
      tpu.wait_dma2 semaphore(%dma_wait3A_2782 : memref<!tpu.dma_semaphore, #tpu.memory_space<semaphore_mem>>) src(%dma_wait3A_2786 : memref<128xi32, #tpu.memory_space<hbm>>) dst(%dma_wait3A_2785 : memref<128xi32, #tpu.memory_space<vmem>>)
      %add3A_2787 = arith.constant 5 : i32
      %add3A_2788 = arith.addi %add3A_2691, %add3A_2787 : i32
      %mul3A_2789 = arith.constant 128 : i32
      %mul3A_2790 = arith.muli %add3A_2788, %mul3A_2789 : i32
      %add3A_2791 = arith.addi %mul3A_2, %mul3A_2790 : i32
      %get3A_2792 = arith.constant 2 : i32
      %get3A_2793 = arith.index_cast %get3A_2792 : i32 to index
      %get3A_2794 = arith.constant 0 : index
      %get3A_2795 = tpu.vector_load %arg6[%get3A_2793, %get3A_2794] {strides = array<i32>} : memref<5x128xi32, #tpu.memory_space<vmem>>, vector<1x16xi32>,
      %get3A_2796 = vector.shape_cast %get3A_2795 : vector<1x16xi32> to vector<16xi32>
      %get3A_2797 = arith.constant 2 : i32
      %get3A_2798 = arith.index_cast %get3A_2797 : i32 to index
      %get3A_2799 = arith.constant 0 : index
      %get3A_2800 = tpu.vector_load %arg7[%get3A_2798, %get3A_2799] {strides = array<i32>} : memref<5x128xi32, #tpu.memory_space<vmem>>, vector<1x16xi32>,
      %get3A_2801 = vector.shape_cast %get3A_2800 : vector<1x16xi32> to vector<16xi32>
      %iota3A_2802 = tpu.iota {dimensions = array<i32: 0>} : vector<16xi32>
      %add3A_2803 = arith.constant 0 : i32
      %add3A_2804 = arith.addi %add3A_2791, %add3A_2803 : i32
      %add3A_2805 = vector.broadcast %add3A_2804 : i32 to vector<16xi32>
      %add3A_2806 = arith.addi %iota3A_2802, %add3A_2805 : vector<16xi32>
      %rem3A_2807 = arith.constant 200 : i32
      %rem3A_2808 = vector.broadcast %rem3A_2807 : i32 to vector<16xi32>
      %rem3A_2809 = arith.remsi %add3A_2806, %rem3A_2808 : vector<16xi32>
      %mul3A_2810 = arith.constant 240 : i32
      %mul3A_2811 = vector.broadcast %mul3A_2810 : i32 to vector<16xi32>
      %mul3A_2812 = arith.muli %rem3A_2809, %mul3A_2811 : vector<16xi32>
      %mul3A_2813 = arith.constant 8 : i32
      %mul3A_2814 = vector.broadcast %mul3A_2813 : i32 to vector<16xi32>
      %mul3A_2815 = arith.muli %get3A_2796, %mul3A_2814 : vector<16xi32>
      %add3A_2816 = arith.addi %mul3A_2812, %mul3A_2815 : vector<16xi32>
      %add3A_2817 = arith.addi %add3A_2816, %get3A_2801 : vector<16xi32>
      %swap3A_2818 = arith.constant 2 : i32
      %swap3A_2819 = arith.index_cast %swap3A_2818 : i32 to index
      %swap3A_2820 = arith.constant 0 : index
      %swap3A_2821 = tpu.vector_load %arg8[%swap3A_2819, %swap3A_2820] {strides = array<i32>} : memref<5x128xi32, #tpu.memory_space<vmem>>, vector<1x16xi32>,
      %swap3A_2822 = vector.shape_cast %swap3A_2821 : vector<1x16xi32> to vector<16xi32>
      %swap3A_2823 = vector.shape_cast %add3A_2817 : vector<16xi32> to vector<1x16xi32>
      tpu.vector_store %arg8[%swap3A_2819, %swap3A_2820], %swap3A_2823 {strides = array<i32>} : memref<5x128xi32, #tpu.memory_space<vmem>>, vector<1x16xi32>,
      %get3A_2824 = arith.constant 2 : i32
      %get3A_2825 = arith.index_cast %get3A_2824 : i32 to index
      %get3A_2826 = arith.constant 16 : index
      %get3A_2827 = tpu.vector_load %arg6[%get3A_2825, %get3A_2826] {strides = array<i32>} : memref<5x128xi32, #tpu.memory_space<vmem>>, vector<1x16xi32>,
      %get3A_2828 = vector.shape_cast %get3A_2827 : vector<1x16xi32> to vector<16xi32>
      %get3A_2829 = arith.constant 2 : i32
      %get3A_2830 = arith.index_cast %get3A_2829 : i32 to index
      %get3A_2831 = arith.constant 16 : index
      %get3A_2832 = tpu.vector_load %arg7[%get3A_2830, %get3A_2831] {strides = array<i32>} : memref<5x128xi32, #tpu.memory_space<vmem>>, vector<1x16xi32>,
      %get3A_2833 = vector.shape_cast %get3A_2832 : vector<1x16xi32> to vector<16xi32>
      %iota3A_2834 = tpu.iota {dimensions = array<i32: 0>} : vector<16xi32>
      %add3A_2835 = arith.constant 16 : i32
      %add3A_2836 = arith.addi %add3A_2791, %add3A_2835 : i32
      %add3A_2837 = vector.broadcast %add3A_2836 : i32 to vector<16xi32>
      %add3A_2838 = arith.addi %iota3A_2834, %add3A_2837 : vector<16xi32>
      %rem3A_2839 = arith.constant 200 : i32
      %rem3A_2840 = vector.broadcast %rem3A_2839 : i32 to vector<16xi32>
      %rem3A_2841 = arith.remsi %add3A_2838, %rem3A_2840 : vector<16xi32>
      %mul3A_2842 = arith.constant 240 : i32
      %mul3A_2843 = vector.broadcast %mul3A_2842 : i32 to vector<16xi32>
      %mul3A_2844 = arith.muli %rem3A_2841, %mul3A_2843 : vector<16xi32>
      %mul3A_2845 = arith.constant 8 : i32
      %mul3A_2846 = vector.broadcast %mul3A_2845 : i32 to vector<16xi32>
      %mul3A_2847 = arith.muli %get3A_2828, %mul3A_2846 : vector<16xi32>
      %add3A_2848 = arith.addi %mul3A_2844, %mul3A_2847 : vector<16xi32>
      %add3A_2849 = arith.addi %add3A_2848, %get3A_2833 : vector<16xi32>
      %swap3A_2850 = arith.constant 2 : i32
      %swap3A_2851 = arith.index_cast %swap3A_2850 : i32 to index
      %swap3A_2852 = arith.constant 16 : index
      %swap3A_2853 = tpu.vector_load %arg8[%swap3A_2851, %swap3A_2852] {strides = array<i32>} : memref<5x128xi32, #tpu.memory_space<vmem>>, vector<1x16xi32>,
      %swap3A_2854 = vector.shape_cast %swap3A_2853 : vector<1x16xi32> to vector<16xi32>
      %swap3A_2855 = vector.shape_cast %add3A_2849 : vector<16xi32> to vector<1x16xi32>
      tpu.vector_store %arg8[%swap3A_2851, %swap3A_2852], %swap3A_2855 {strides = array<i32>} : memref<5x128xi32, #tpu.memory_space<vmem>>, vector<1x16xi32>,
      %get3A_2856 = arith.constant 2 : i32
      %get3A_2857 = arith.index_cast %get3A_2856 : i32 to index
      %get3A_2858 = arith.constant 32 : index
      %get3A_2859 = tpu.vector_load %arg6[%get3A_2857, %get3A_2858] {strides = array<i32>} : memref<5x128xi32, #tpu.memory_space<vmem>>, vector<1x16xi32>,
      %get3A_2860 = vector.shape_cast %get3A_2859 : vector<1x16xi32> to vector<16xi32>
      %get3A_2861 = arith.constant 2 : i32
      %get3A_2862 = arith.index_cast %get3A_2861 : i32 to index
      %get3A_2863 = arith.constant 32 : index
      %get3A_2864 = tpu.vector_load %arg7[%get3A_2862, %get3A_2863] {strides = array<i32>} : memref<5x128xi32, #tpu.memory_space<vmem>>, vector<1x16xi32>,
      %get3A_2865 = vector.shape_cast %get3A_2864 : vector<1x16xi32> to vector<16xi32>
      %iota3A_2866 = tpu.iota {dimensions = array<i32: 0>} : vector<16xi32>
      %add3A_2867 = arith.constant 32 : i32
      %add3A_2868 = arith.addi %add3A_2791, %add3A_2867 : i32
      %add3A_2869 = vector.broadcast %add3A_2868 : i32 to vector<16xi32>
      %add3A_2870 = arith.addi %iota3A_2866, %add3A_2869 : vector<16xi32>
      %rem3A_2871 = arith.constant 200 : i32
      %rem3A_2872 = vector.broadcast %rem3A_2871 : i32 to vector<16xi32>
      %rem3A_2873 = arith.remsi %add3A_2870, %rem3A_2872 : vector<16xi32>
      %mul3A_2874 = arith.constant 240 : i32
      %mul3A_2875 = vector.broadcast %mul3A_2874 : i32 to vector<16xi32>
      %mul3A_2876 = arith.muli %rem3A_2873, %mul3A_2875 : vector<16xi32>
      %mul3A_2877 = arith.constant 8 : i32
      %mul3A_2878 = vector.broadcast %mul3A_2877 : i32 to vector<16xi32>
      %mul3A_2879 = arith.muli %get3A_2860, %mul3A_2878 : vector<16xi32>
      %add3A_2880 = arith.addi %mul3A_2876, %mul3A_2879 : vector<16xi32>
      %add3A_2881 = arith.addi %add3A_2880, %get3A_2865 : vector<16xi32>
      %swap3A_2882 = arith.constant 2 : i32
      %swap3A_2883 = arith.index_cast %swap3A_2882 : i32 to index
      %swap3A_2884 = arith.constant 32 : index
      %swap3A_2885 = tpu.vector_load %arg8[%swap3A_2883, %swap3A_2884] {strides = array<i32>} : memref<5x128xi32, #tpu.memory_space<vmem>>, vector<1x16xi32>,
      %swap3A_2886 = vector.shape_cast %swap3A_2885 : vector<1x16xi32> to vector<16xi32>
      %swap3A_2887 = vector.shape_cast %add3A_2881 : vector<16xi32> to vector<1x16xi32>
      tpu.vector_store %arg8[%swap3A_2883, %swap3A_2884], %swap3A_2887 {strides = array<i32>} : memref<5x128xi32, #tpu.memory_space<vmem>>, vector<1x16xi32>,
      %get3A_2888 = arith.constant 2 : i32
      %get3A_2889 = arith.index_cast %get3A_2888 : i32 to index
      %get3A_2890 = arith.constant 48 : index
      %get3A_2891 = tpu.vector_load %arg6[%get3A_2889, %get3A_2890] {strides = array<i32>} : memref<5x128xi32, #tpu.memory_space<vmem>>, vector<1x16xi32>,
      %get3A_2892 = vector.shape_cast %get3A_2891 : vector<1x16xi32> to vector<16xi32>
      %get3A_2893 = arith.constant 2 : i32
      %get3A_2894 = arith.index_cast %get3A_2893 : i32 to index
      %get3A_2895 = arith.constant 48 : index
      %get3A_2896 = tpu.vector_load %arg7[%get3A_2894, %get3A_2895] {strides = array<i32>} : memref<5x128xi32, #tpu.memory_space<vmem>>, vector<1x16xi32>,
      %get3A_2897 = vector.shape_cast %get3A_2896 : vector<1x16xi32> to vector<16xi32>
      %iota3A_2898 = tpu.iota {dimensions = array<i32: 0>} : vector<16xi32>
      %add3A_2899 = arith.constant 48 : i32
      %add3A_2900 = arith.addi %add3A_2791, %add3A_2899 : i32
      %add3A_2901 = vector.broadcast %add3A_2900 : i32 to vector<16xi32>
      %add3A_2902 = arith.addi %iota3A_2898, %add3A_2901 : vector<16xi32>
      %rem3A_2903 = arith.constant 200 : i32
      %rem3A_2904 = vector.broadcast %rem3A_2903 : i32 to vector<16xi32>
      %rem3A_2905 = arith.remsi %add3A_2902, %rem3A_2904 : vector<16xi32>
      %mul3A_2906 = arith.constant 240 : i32
      %mul3A_2907 = vector.broadcast %mul3A_2906 : i32 to vector<16xi32>
      %mul3A_2908 = arith.muli %rem3A_2905, %mul3A_2907 : vector<16xi32>
      %mul3A_2909 = arith.constant 8 : i32
      %mul3A_2910 = vector.broadcast %mul3A_2909 : i32 to vector<16xi32>
      %mul3A_2911 = arith.muli %get3A_2892, %mul3A_2910 : vector<16xi32>
      %add3A_2912 = arith.addi %mul3A_2908, %mul3A_2911 : vector<16xi32>
      %add3A_2913 = arith.addi %add3A_2912, %get3A_2897 : vector<16xi32>
      %swap3A_2914 = arith.constant 2 : i32
      %swap3A_2915 = arith.index_cast %swap3A_2914 : i32 to index
      %swap3A_2916 = arith.constant 48 : index
      %swap3A_2917 = tpu.vector_load %arg8[%swap3A_2915, %swap3A_2916] {strides = array<i32>} : memref<5x128xi32, #tpu.memory_space<vmem>>, vector<1x16xi32>,
      %swap3A_2918 = vector.shape_cast %swap3A_2917 : vector<1x16xi32> to vector<16xi32>
      %swap3A_2919 = vector.shape_cast %add3A_2913 : vector<16xi32> to vector<1x16xi32>
      tpu.vector_store %arg8[%swap3A_2915, %swap3A_2916], %swap3A_2919 {strides = array<i32>} : memref<5x128xi32, #tpu.memory_space<vmem>>, vector<1x16xi32>,
      %get3A_2920 = arith.constant 2 : i32
      %get3A_2921 = arith.index_cast %get3A_2920 : i32 to index
      %get3A_2922 = arith.constant 64 : index
      %get3A_2923 = tpu.vector_load %arg6[%get3A_2921, %get3A_2922] {strides = array<i32>} : memref<5x128xi32, #tpu.memory_space<vmem>>, vector<1x16xi32>,
      %get3A_2924 = vector.shape_cast %get3A_2923 : vector<1x16xi32> to vector<16xi32>
      %get3A_2925 = arith.constant 2 : i32
      %get3A_2926 = arith.index_cast %get3A_2925 : i32 to index
      %get3A_2927 = arith.constant 64 : index
      %get3A_2928 = tpu.vector_load %arg7[%get3A_2926, %get3A_2927] {strides = array<i32>} : memref<5x128xi32, #tpu.memory_space<vmem>>, vector<1x16xi32>,
      %get3A_2929 = vector.shape_cast %get3A_2928 : vector<1x16xi32> to vector<16xi32>
      %iota3A_2930 = tpu.iota {dimensions = array<i32: 0>} : vector<16xi32>
      %add3A_2931 = arith.constant 64 : i32
      %add3A_2932 = arith.addi %add3A_2791, %add3A_2931 : i32
      %add3A_2933 = vector.broadcast %add3A_2932 : i32 to vector<16xi32>
      %add3A_2934 = arith.addi %iota3A_2930, %add3A_2933 : vector<16xi32>
      %rem3A_2935 = arith.constant 200 : i32
      %rem3A_2936 = vector.broadcast %rem3A_2935 : i32 to vector<16xi32>
      %rem3A_2937 = arith.remsi %add3A_2934, %rem3A_2936 : vector<16xi32>
      %mul3A_2938 = arith.constant 240 : i32
      %mul3A_2939 = vector.broadcast %mul3A_2938 : i32 to vector<16xi32>
      %mul3A_2940 = arith.muli %rem3A_2937, %mul3A_2939 : vector<16xi32>
      %mul3A_2941 = arith.constant 8 : i32
      %mul3A_2942 = vector.broadcast %mul3A_2941 : i32 to vector<16xi32>
      %mul3A_2943 = arith.muli %get3A_2924, %mul3A_2942 : vector<16xi32>
      %add3A_2944 = arith.addi %mul3A_2940, %mul3A_2943 : vector<16xi32>
      %add3A_2945 = arith.addi %add3A_2944, %get3A_2929 : vector<16xi32>
      %swap3A_2946 = arith.constant 2 : i32
      %swap3A_2947 = arith.index_cast %swap3A_2946 : i32 to index
      %swap3A_2948 = arith.constant 64 : index
      %swap3A_2949 = tpu.vector_load %arg8[%swap3A_2947, %swap3A_2948] {strides = array<i32>} : memref<5x128xi32, #tpu.memory_space<vmem>>, vector<1x16xi32>,
      %swap3A_2950 = vector.shape_cast %swap3A_2949 : vector<1x16xi32> to vector<16xi32>
      %swap3A_2951 = vector.shape_cast %add3A_2945 : vector<16xi32> to vector<1x16xi32>
      tpu.vector_store %arg8[%swap3A_2947, %swap3A_2948], %swap3A_2951 {strides = array<i32>} : memref<5x128xi32, #tpu.memory_space<vmem>>, vector<1x16xi32>,
      %get3A_2952 = arith.constant 2 : i32
      %get3A_2953 = arith.index_cast %get3A_2952 : i32 to index
      %get3A_2954 = arith.constant 80 : index
      %get3A_2955 = tpu.vector_load %arg6[%get3A_2953, %get3A_2954] {strides = array<i32>} : memref<5x128xi32, #tpu.memory_space<vmem>>, vector<1x16xi32>,
      %get3A_2956 = vector.shape_cast %get3A_2955 : vector<1x16xi32> to vector<16xi32>
      %get3A_2957 = arith.constant 2 : i32
      %get3A_2958 = arith.index_cast %get3A_2957 : i32 to index
      %get3A_2959 = arith.constant 80 : index
      %get3A_2960 = tpu.vector_load %arg7[%get3A_2958, %get3A_2959] {strides = array<i32>} : memref<5x128xi32, #tpu.memory_space<vmem>>, vector<1x16xi32>,
      %get3A_2961 = vector.shape_cast %get3A_2960 : vector<1x16xi32> to vector<16xi32>
      %iota3A_2962 = tpu.iota {dimensions = array<i32: 0>} : vector<16xi32>
      %add3A_2963 = arith.constant 80 : i32
      %add3A_2964 = arith.addi %add3A_2791, %add3A_2963 : i32
      %add3A_2965 = vector.broadcast %add3A_2964 : i32 to vector<16xi32>
      %add3A_2966 = arith.addi %iota3A_2962, %add3A_2965 : vector<16xi32>
      %rem3A_2967 = arith.constant 200 : i32
      %rem3A_2968 = vector.broadcast %rem3A_2967 : i32 to vector<16xi32>
      %rem3A_2969 = arith.remsi %add3A_2966, %rem3A_2968 : vector<16xi32>
      %mul3A_2970 = arith.constant 240 : i32
      %mul3A_2971 = vector.broadcast %mul3A_2970 : i32 to vector<16xi32>
      %mul3A_2972 = arith.muli %rem3A_2969, %mul3A_2971 : vector<16xi32>
      %mul3A_2973 = arith.constant 8 : i32
      %mul3A_2974 = vector.broadcast %mul3A_2973 : i32 to vector<16xi32>
      %mul3A_2975 = arith.muli %get3A_2956, %mul3A_2974 : vector<16xi32>
      %add3A_2976 = arith.addi %mul3A_2972, %mul3A_2975 : vector<16xi32>
      %add3A_2977 = arith.addi %add3A_2976, %get3A_2961 : vector<16xi32>
      %swap3A_2978 = arith.constant 2 : i32
      %swap3A_2979 = arith.index_cast %swap3A_2978 : i32 to index
      %swap3A_2980 = arith.constant 80 : index
      %swap3A_2981 = tpu.vector_load %arg8[%swap3A_2979, %swap3A_2980] {strides = array<i32>} : memref<5x128xi32, #tpu.memory_space<vmem>>, vector<1x16xi32>,
      %swap3A_2982 = vector.shape_cast %swap3A_2981 : vector<1x16xi32> to vector<16xi32>
      %swap3A_2983 = vector.shape_cast %add3A_2977 : vector<16xi32> to vector<1x16xi32>
      tpu.vector_store %arg8[%swap3A_2979, %swap3A_2980], %swap3A_2983 {strides = array<i32>} : memref<5x128xi32, #tpu.memory_space<vmem>>, vector<1x16xi32>,
      %get3A_2984 = arith.constant 2 : i32
      %get3A_2985 = arith.index_cast %get3A_2984 : i32 to index
      %get3A_2986 = arith.constant 96 : index
      %get3A_2987 = tpu.vector_load %arg6[%get3A_2985, %get3A_2986] {strides = array<i32>} : memref<5x128xi32, #tpu.memory_space<vmem>>, vector<1x16xi32>,
      %get3A_2988 = vector.shape_cast %get3A_2987 : vector<1x16xi32> to vector<16xi32>
      %get3A_2989 = arith.constant 2 : i32
      %get3A_2990 = arith.index_cast %get3A_2989 : i32 to index
      %get3A_2991 = arith.constant 96 : index
      %get3A_2992 = tpu.vector_load %arg7[%get3A_2990, %get3A_2991] {strides = array<i32>} : memref<5x128xi32, #tpu.memory_space<vmem>>, vector<1x16xi32>,
      %get3A_2993 = vector.shape_cast %get3A_2992 : vector<1x16xi32> to vector<16xi32>
      %iota3A_2994 = tpu.iota {dimensions = array<i32: 0>} : vector<16xi32>
      %add3A_2995 = arith.constant 96 : i32
      %add3A_2996 = arith.addi %add3A_2791, %add3A_2995 : i32
      %add3A_2997 = vector.broadcast %add3A_2996 : i32 to vector<16xi32>
      %add3A_2998 = arith.addi %iota3A_2994, %add3A_2997 : vector<16xi32>
      %rem3A_2999 = arith.constant 200 : i32
      %rem3A_3000 = vector.broadcast %rem3A_2999 : i32 to vector<16xi32>
      %rem3A_3001 = arith.remsi %add3A_2998, %rem3A_3000 : vector<16xi32>
      %mul3A_3002 = arith.constant 240 : i32
      %mul3A_3003 = vector.broadcast %mul3A_3002 : i32 to vector<16xi32>
      %mul3A_3004 = arith.muli %rem3A_3001, %mul3A_3003 : vector<16xi32>
      %mul3A_3005 = arith.constant 8 : i32
      %mul3A_3006 = vector.broadcast %mul3A_3005 : i32 to vector<16xi32>
      %mul3A_3007 = arith.muli %get3A_2988, %mul3A_3006 : vector<16xi32>
      %add3A_3008 = arith.addi %mul3A_3004, %mul3A_3007 : vector<16xi32>
      %add3A_3009 = arith.addi %add3A_3008, %get3A_2993 : vector<16xi32>
      %swap3A_3010 = arith.constant 2 : i32
      %swap3A_3011 = arith.index_cast %swap3A_3010 : i32 to index
      %swap3A_3012 = arith.constant 96 : index
      %swap3A_3013 = tpu.vector_load %arg8[%swap3A_3011, %swap3A_3012] {strides = array<i32>} : memref<5x128xi32, #tpu.memory_space<vmem>>, vector<1x16xi32>,
      %swap3A_3014 = vector.shape_cast %swap3A_3013 : vector<1x16xi32> to vector<16xi32>
      %swap3A_3015 = vector.shape_cast %add3A_3009 : vector<16xi32> to vector<1x16xi32>
      tpu.vector_store %arg8[%swap3A_3011, %swap3A_3012], %swap3A_3015 {strides = array<i32>} : memref<5x128xi32, #tpu.memory_space<vmem>>, vector<1x16xi32>,
      %get3A_3016 = arith.constant 2 : i32
      %get3A_3017 = arith.index_cast %get3A_3016 : i32 to index
      %get3A_3018 = arith.constant 112 : index
      %get3A_3019 = tpu.vector_load %arg6[%get3A_3017, %get3A_3018] {strides = array<i32>} : memref<5x128xi32, #tpu.memory_space<vmem>>, vector<1x16xi32>,
      %get3A_3020 = vector.shape_cast %get3A_3019 : vector<1x16xi32> to vector<16xi32>
      %get3A_3021 = arith.constant 2 : i32
      %get3A_3022 = arith.index_cast %get3A_3021 : i32 to index
      %get3A_3023 = arith.constant 112 : index
      %get3A_3024 = tpu.vector_load %arg7[%get3A_3022, %get3A_3023] {strides = array<i32>} : memref<5x128xi32, #tpu.memory_space<vmem>>, vector<1x16xi32>,
      %get3A_3025 = vector.shape_cast %get3A_3024 : vector<1x16xi32> to vector<16xi32>
      %iota3A_3026 = tpu.iota {dimensions = array<i32: 0>} : vector<16xi32>
      %add3A_3027 = arith.constant 112 : i32
      %add3A_3028 = arith.addi %add3A_2791, %add3A_3027 : i32
      %add3A_3029 = vector.broadcast %add3A_3028 : i32 to vector<16xi32>
      %add3A_3030 = arith.addi %iota3A_3026, %add3A_3029 : vector<16xi32>
      %rem3A_3031 = arith.constant 200 : i32
      %rem3A_3032 = vector.broadcast %rem3A_3031 : i32 to vector<16xi32>
      %rem3A_3033 = arith.remsi %add3A_3030, %rem3A_3032 : vector<16xi32>
      %mul3A_3034 = arith.constant 240 : i32
      %mul3A_3035 = vector.broadcast %mul3A_3034 : i32 to vector<16xi32>
      %mul3A_3036 = arith.muli %rem3A_3033, %mul3A_3035 : vector<16xi32>
      %mul3A_3037 = arith.constant 8 : i32
      %mul3A_3038 = vector.broadcast %mul3A_3037 : i32 to vector<16xi32>
      %mul3A_3039 = arith.muli %get3A_3020, %mul3A_3038 : vector<16xi32>
      %add3A_3040 = arith.addi %mul3A_3036, %mul3A_3039 : vector<16xi32>
      %add3A_3041 = arith.addi %add3A_3040, %get3A_3025 : vector<16xi32>
      %swap3A_3042 = arith.constant 2 : i32
      %swap3A_3043 = arith.index_cast %swap3A_3042 : i32 to index
      %swap3A_3044 = arith.constant 112 : index
      %swap3A_3045 = tpu.vector_load %arg8[%swap3A_3043, %swap3A_3044] {strides = array<i32>} : memref<5x128xi32, #tpu.memory_space<vmem>>, vector<1x16xi32>,
      %swap3A_3046 = vector.shape_cast %swap3A_3045 : vector<1x16xi32> to vector<16xi32>
      %swap3A_3047 = vector.shape_cast %add3A_3041 : vector<16xi32> to vector<1x16xi32>
      tpu.vector_store %arg8[%swap3A_3043, %swap3A_3044], %swap3A_3047 {strides = array<i32>} : memref<5x128xi32, #tpu.memory_space<vmem>>, vector<1x16xi32>,
      %mul3A_3048 = arith.constant 128 : i32
      %mul3A_3049 = arith.muli %add3A_2691, %mul3A_3048 : i32
      %add3A_3050 = arith.addi %mul3A_2, %mul3A_3049 : i32
      %multiple_of3A_3051 = tpu.assume_multiple %add3A_3050, 8 : i32
      %dma_wait3A_3052 = arith.constant 2 : i32
      %dma_wait3A_3053 = arith.constant 2 : i32
      %dma_wait3A_3054 = arith.constant 0 : i32
      %dma_wait3A_3055 = arith.constant 0 : i32
      %dma_wait3A_3056 = tpu.memref_slice %arg9[%dma_wait3A_3052, %dma_wait3A_3054, %dma_wait3A_3055] : memref<5x128x128xf32, #tpu.memory_space<vmem>> -> memref<1x128x128xf32, #tpu.memory_space<vmem>>
      %dma_wait3A_3057 = tpu.memref_squeeze %dma_wait3A_3056 : memref<1x128x128xf32, #tpu.memory_space<vmem>> -> memref<128x128xf32, #tpu.memory_space<vmem>>
      %dma_wait3A_3058 = arith.constant 0 : i32
      %dma_wait3A_3059 = tpu.memref_slice %arg5[%multiple_of3A_3051, %dma_wait3A_3058] : memref<204800x128xf32, #tpu.memory_space<hbm>> -> memref<128x128xf32, #tpu.memory_space<hbm>>
      %dma_wait3A_3060 = tpu.memref_slice %arg12[%dma_wait3A_3053] : memref<5x!tpu.dma_semaphore, #tpu.memory_space<semaphore_mem>> -> memref<1x!tpu.dma_semaphore, #tpu.memory_space<semaphore_mem>>
      %dma_wait3A_3061 = tpu.memref_squeeze %dma_wait3A_3060 : memref<1x!tpu.dma_semaphore, #tpu.memory_space<semaphore_mem>> -> memref<!tpu.dma_semaphore, #tpu.memory_space<semaphore_mem>>
      %dma_wait3A_3062 = arith.constant 0 : i32
      %dma_wait3A_3063 = tpu.memref_slice %arg5[%multiple_of3A_3051, %dma_wait3A_3062] : memref<204800x128xf32, #tpu.memory_space<hbm>> -> memref<128x128xf32, #tpu.memory_space<hbm>>
      %dma_wait3A_3064 = arith.constant 0 : i32
      %dma_wait3A_3065 = arith.constant 0 : i32
      %dma_wait3A_3066 = tpu.memref_slice %arg9[%dma_wait3A_3052, %dma_wait3A_3064, %dma_wait3A_3065] : memref<5x128x128xf32, #tpu.memory_space<vmem>> -> memref<1x128x128xf32, #tpu.memory_space<vmem>>
      %dma_wait3A_3067 = tpu.memref_squeeze %dma_wait3A_3066 : memref<1x128x128xf32, #tpu.memory_space<vmem>> -> memref<128x128xf32, #tpu.memory_space<vmem>>
      tpu.wait_dma2 semaphore(%dma_wait3A_3061 : memref<!tpu.dma_semaphore, #tpu.memory_space<semaphore_mem>>) src(%dma_wait3A_3067 : memref<128x128xf32, #tpu.memory_space<vmem>>) dst(%dma_wait3A_3063 : memref<128x128xf32, #tpu.memory_space<hbm>>)
      %dma_start3A_3068 = arith.constant 2 : i32
      %dma_start3A_3069 = arith.constant 2 : i32
      %dma_start3A_3070 = arith.constant 2 : i32
      %dma_start3A_3071 = arith.constant 0 : i32
      %dma_start3A_3072 = arith.constant 0 : i32
      %dma_start3A_3073 = tpu.memref_slice %arg9[%dma_start3A_3069, %dma_start3A_3071, %dma_start3A_3072] : memref<5x128x128xf32, #tpu.memory_space<vmem>> -> memref<1x128x128xf32, #tpu.memory_space<vmem>>
      %dma_start3A_3074 = tpu.memref_squeeze %dma_start3A_3073 : memref<1x128x128xf32, #tpu.memory_space<vmem>> -> memref<128x128xf32, #tpu.memory_space<vmem>>
      %dma_start3A_3075 = arith.constant 0 : i32
      %dma_start3A_3076 = tpu.memref_slice %arg8[%dma_start3A_3068, %dma_start3A_3075] : memref<5x128xi32, #tpu.memory_space<vmem>> -> memref<1x128xi32, #tpu.memory_space<vmem>>
      %dma_start3A_3077 = tpu.memref_squeeze %dma_start3A_3076 : memref<1x128xi32, #tpu.memory_space<vmem>> -> memref<128xi32, #tpu.memory_space<vmem>>
      %dma_start3A_3078 = arith.constant 0 : i32
      %dma_start3A_3079 = arith.constant 0 : i32
      %dma_start3A_3080 = tpu.memref_slice %arg4[%dma_start3A_3078, %dma_start3A_3079] : memref<48000x128xf32, #tpu.memory_space<hbm>> -> memref<48000x128xf32, #tpu.memory_space<hbm>>
      %dma_start3A_3081 = tpu.memref_slice %arg11[%dma_start3A_3070] : memref<5x!tpu.dma_semaphore, #tpu.memory_space<semaphore_mem>> -> memref<1x!tpu.dma_semaphore, #tpu.memory_space<semaphore_mem>>
      %dma_start3A_3082 = tpu.memref_squeeze %dma_start3A_3081 : memref<1x!tpu.dma_semaphore, #tpu.memory_space<semaphore_mem>> -> memref<!tpu.dma_semaphore, #tpu.memory_space<semaphore_mem>>
      tpu.enqueue_indirect_dma source(%dma_start3A_3080 : memref<48000x128xf32, #tpu.memory_space<hbm>>) target(%dma_start3A_3074 : memref<128x128xf32, #tpu.memory_space<vmem>>) offsets(%dma_start3A_3077 : memref<128xi32, #tpu.memory_space<vmem>>) semaphore(%dma_start3A_3082 : memref<!tpu.dma_semaphore, #tpu.memory_space<semaphore_mem>>)
      %add3A_3083 = arith.constant 3 : i32
      %add3A_3084 = arith.addi %mul3A_1903, %add3A_3083 : i32
      %add3A_3085 = arith.constant 5 : i32
      %add3A_3086 = arith.addi %add3A_3084, %add3A_3085 : i32
      %mul3A_3087 = arith.constant 128 : i32
      %mul3A_3088 = arith.muli %add3A_3086, %mul3A_3087 : i32
      %add3A_3089 = arith.addi %mul3A_2, %mul3A_3088 : i32
      %multiple_of3A_3090 = tpu.assume_multiple %add3A_3089, 8 : i32
      %dma_start3A_3091 = arith.constant 3 : i32
      %dma_start3A_3092 = arith.constant 3 : i32
      %dma_start3A_3093 = arith.constant 0 : i32
      %dma_start3A_3094 = tpu.memref_slice %arg6[%dma_start3A_3091, %dma_start3A_3093] : memref<5x128xi32, #tpu.memory_space<vmem>> -> memref<1x128xi32, #tpu.memory_space<vmem>>
      %dma_start3A_3095 = tpu.memref_squeeze %dma_start3A_3094 : memref<1x128xi32, #tpu.memory_space<vmem>> -> memref<128xi32, #tpu.memory_space<vmem>>
      %dma_start3A_3096 = tpu.memref_slice %arg2[%multiple_of3A_3090] : memref<204800xi32, #tpu.memory_space<hbm>> -> memref<128xi32, #tpu.memory_space<hbm>>
      %dma_start3A_3097 = tpu.memref_slice %arg10[%dma_start3A_3092] : memref<5x!tpu.dma_semaphore, #tpu.memory_space<semaphore_mem>> -> memref<1x!tpu.dma_semaphore, #tpu.memory_space<semaphore_mem>>
      %dma_start3A_3098 = tpu.memref_squeeze %dma_start3A_3097 : memref<1x!tpu.dma_semaphore, #tpu.memory_space<semaphore_mem>> -> memref<!tpu.dma_semaphore, #tpu.memory_space<semaphore_mem>>
      %dma_start3A_3099 = arith.constant 0 : i32
      %dma_start3A_3100 = tpu.memref_slice %arg6[%dma_start3A_3091, %dma_start3A_3099] : memref<5x128xi32, #tpu.memory_space<vmem>> -> memref<1x128xi32, #tpu.memory_space<vmem>>
      %dma_start3A_3101 = tpu.memref_squeeze %dma_start3A_3100 : memref<1x128xi32, #tpu.memory_space<vmem>> -> memref<128xi32, #tpu.memory_space<vmem>>
      %dma_start3A_3102 = tpu.memref_slice %arg2[%multiple_of3A_3090] : memref<204800xi32, #tpu.memory_space<hbm>> -> memref<128xi32, #tpu.memory_space<hbm>>
      tpu.enqueue_dma source(%dma_start3A_3102 : memref<128xi32, #tpu.memory_space<hbm>>) target(%dma_start3A_3101 : memref<128xi32, #tpu.memory_space<vmem>>) target_semaphore(%dma_start3A_3098 : memref<!tpu.dma_semaphore, #tpu.memory_space<semaphore_mem>>)
      %dma_start3A_3103 = arith.constant 3 : i32
      %dma_start3A_3104 = arith.constant 3 : i32
      %dma_start3A_3105 = arith.constant 0 : i32
      %dma_start3A_3106 = tpu.memref_slice %arg7[%dma_start3A_3103, %dma_start3A_3105] : memref<5x128xi32, #tpu.memory_space<vmem>> -> memref<1x128xi32, #tpu.memory_space<vmem>>
      %dma_start3A_3107 = tpu.memref_squeeze %dma_start3A_3106 : memref<1x128xi32, #tpu.memory_space<vmem>> -> memref<128xi32, #tpu.memory_space<vmem>>
      %dma_start3A_3108 = tpu.memref_slice %arg3[%multiple_of3A_3090] : memref<204800xi32, #tpu.memory_space<hbm>> -> memref<128xi32, #tpu.memory_space<hbm>>
      %dma_start3A_3109 = tpu.memref_slice %arg10[%dma_start3A_3104] : memref<5x!tpu.dma_semaphore, #tpu.memory_space<semaphore_mem>> -> memref<1x!tpu.dma_semaphore, #tpu.memory_space<semaphore_mem>>
      %dma_start3A_3110 = tpu.memref_squeeze %dma_start3A_3109 : memref<1x!tpu.dma_semaphore, #tpu.memory_space<semaphore_mem>> -> memref<!tpu.dma_semaphore, #tpu.memory_space<semaphore_mem>>
      %dma_start3A_3111 = arith.constant 0 : i32
      %dma_start3A_3112 = tpu.memref_slice %arg7[%dma_start3A_3103, %dma_start3A_3111] : memref<5x128xi32, #tpu.memory_space<vmem>> -> memref<1x128xi32, #tpu.memory_space<vmem>>
      %dma_start3A_3113 = tpu.memref_squeeze %dma_start3A_3112 : memref<1x128xi32, #tpu.memory_space<vmem>> -> memref<128xi32, #tpu.memory_space<vmem>>
      %dma_start3A_3114 = tpu.memref_slice %arg3[%multiple_of3A_3090] : memref<204800xi32, #tpu.memory_space<hbm>> -> memref<128xi32, #tpu.memory_space<hbm>>
      tpu.enqueue_dma source(%dma_start3A_3114 : memref<128xi32, #tpu.memory_space<hbm>>) target(%dma_start3A_3113 : memref<128xi32, #tpu.memory_space<vmem>>) target_semaphore(%dma_start3A_3110 : memref<!tpu.dma_semaphore, #tpu.memory_space<semaphore_mem>>)
      %dma_wait3A_3115 = arith.constant 3 : i32
      %dma_wait3A_3116 = arith.constant 3 : i32
      %dma_wait3A_3117 = arith.constant 3 : i32
      %dma_wait3A_3118 = arith.constant 0 : i32
      %dma_wait3A_3119 = arith.constant 0 : i32
      %dma_wait3A_3120 = tpu.memref_slice %arg9[%dma_wait3A_3116, %dma_wait3A_3118, %dma_wait3A_3119] : memref<5x128x128xf32, #tpu.memory_space<vmem>> -> memref<1x128x128xf32, #tpu.memory_space<vmem>>
      %dma_wait3A_3121 = tpu.memref_squeeze %dma_wait3A_3120 : memref<1x128x128xf32, #tpu.memory_space<vmem>> -> memref<128x128xf32, #tpu.memory_space<vmem>>
      %dma_wait3A_3122 = arith.constant 0 : i32
      %dma_wait3A_3123 = tpu.memref_slice %arg8[%dma_wait3A_3115, %dma_wait3A_3122] : memref<5x128xi32, #tpu.memory_space<vmem>> -> memref<1x128xi32, #tpu.memory_space<vmem>>
      %dma_wait3A_3124 = tpu.memref_squeeze %dma_wait3A_3123 : memref<1x128xi32, #tpu.memory_space<vmem>> -> memref<128xi32, #tpu.memory_space<vmem>>
      %dma_wait3A_3125 = arith.constant 0 : i32
      %dma_wait3A_3126 = arith.constant 0 : i32
      %dma_wait3A_3127 = tpu.memref_slice %arg4[%dma_wait3A_3125, %dma_wait3A_3126] : memref<48000x128xf32, #tpu.memory_space<hbm>> -> memref<48000x128xf32, #tpu.memory_space<hbm>>
      %dma_wait3A_3128 = tpu.memref_slice %arg11[%dma_wait3A_3117] : memref<5x!tpu.dma_semaphore, #tpu.memory_space<semaphore_mem>> -> memref<1x!tpu.dma_semaphore, #tpu.memory_space<semaphore_mem>>
      %dma_wait3A_3129 = tpu.memref_squeeze %dma_wait3A_3128 : memref<1x!tpu.dma_semaphore, #tpu.memory_space<semaphore_mem>> -> memref<!tpu.dma_semaphore, #tpu.memory_space<semaphore_mem>>
      tpu.wait_indirect_dma semaphore(%dma_wait3A_3129 : memref<!tpu.dma_semaphore, #tpu.memory_space<semaphore_mem>>) src(%dma_wait3A_3127 : memref<48000x128xf32, #tpu.memory_space<hbm>>) dst(%dma_wait3A_3121 : memref<128x128xf32, #tpu.memory_space<vmem>>)
      %mul3A_3130 = arith.constant 128 : i32
      %mul3A_3131 = arith.muli %add3A_3084, %mul3A_3130 : i32
      %add3A_3132 = arith.addi %mul3A_2, %mul3A_3131 : i32
      %multiple_of3A_3133 = tpu.assume_multiple %add3A_3132, 8 : i32
      %dma_start3A_3134 = arith.constant 3 : i32
      %dma_start3A_3135 = arith.constant 3 : i32
      %dma_start3A_3136 = arith.constant 0 : i32
      %dma_start3A_3137 = arith.constant 0 : i32
      %dma_start3A_3138 = tpu.memref_slice %arg9[%dma_start3A_3134, %dma_start3A_3136, %dma_start3A_3137] : memref<5x128x128xf32, #tpu.memory_space<vmem>> -> memref<1x128x128xf32, #tpu.memory_space<vmem>>
      %dma_start3A_3139 = tpu.memref_squeeze %dma_start3A_3138 : memref<1x128x128xf32, #tpu.memory_space<vmem>> -> memref<128x128xf32, #tpu.memory_space<vmem>>
      %dma_start3A_3140 = arith.constant 0 : i32
      %dma_start3A_3141 = tpu.memref_slice %arg5[%multiple_of3A_3133, %dma_start3A_3140] : memref<204800x128xf32, #tpu.memory_space<hbm>> -> memref<128x128xf32, #tpu.memory_space<hbm>>
      %dma_start3A_3142 = tpu.memref_slice %arg12[%dma_start3A_3135] : memref<5x!tpu.dma_semaphore, #tpu.memory_space<semaphore_mem>> -> memref<1x!tpu.dma_semaphore, #tpu.memory_space<semaphore_mem>>
      %dma_start3A_3143 = tpu.memref_squeeze %dma_start3A_3142 : memref<1x!tpu.dma_semaphore, #tpu.memory_space<semaphore_mem>> -> memref<!tpu.dma_semaphore, #tpu.memory_space<semaphore_mem>>
      %dma_start3A_3144 = arith.constant 0 : i32
      %dma_start3A_3145 = tpu.memref_slice %arg5[%multiple_of3A_3133, %dma_start3A_3144] : memref<204800x128xf32, #tpu.memory_space<hbm>> -> memref<128x128xf32, #tpu.memory_space<hbm>>
      %dma_start3A_3146 = arith.constant 0 : i32
      %dma_start3A_3147 = arith.constant 0 : i32
      %dma_start3A_3148 = tpu.memref_slice %arg9[%dma_start3A_3134, %dma_start3A_3146, %dma_start3A_3147] : memref<5x128x128xf32, #tpu.memory_space<vmem>> -> memref<1x128x128xf32, #tpu.memory_space<vmem>>
      %dma_start3A_3149 = tpu.memref_squeeze %dma_start3A_3148 : memref<1x128x128xf32, #tpu.memory_space<vmem>> -> memref<128x128xf32, #tpu.memory_space<vmem>>
      tpu.enqueue_dma source(%dma_start3A_3149 : memref<128x128xf32, #tpu.memory_space<vmem>>) target(%dma_start3A_3145 : memref<128x128xf32, #tpu.memory_space<hbm>>) target_semaphore(%dma_start3A_3143 : memref<!tpu.dma_semaphore, #tpu.memory_space<semaphore_mem>>)
      %add3A_3150 = arith.constant 5 : i32
      %add3A_3151 = arith.addi %add3A_3084, %add3A_3150 : i32
      %mul3A_3152 = arith.constant 128 : i32
      %mul3A_3153 = arith.muli %add3A_3151, %mul3A_3152 : i32
      %add3A_3154 = arith.addi %mul3A_2, %mul3A_3153 : i32
      %multiple_of3A_3155 = tpu.assume_multiple %add3A_3154, 8 : i32
      %dma_wait3A_3156 = arith.constant 3 : i32
      %dma_wait3A_3157 = arith.constant 3 : i32
      %dma_wait3A_3158 = arith.constant 0 : i32
      %dma_wait3A_3159 = tpu.memref_slice %arg6[%dma_wait3A_3156, %dma_wait3A_3158] : memref<5x128xi32, #tpu.memory_space<vmem>> -> memref<1x128xi32, #tpu.memory_space<vmem>>
      %dma_wait3A_3160 = tpu.memref_squeeze %dma_wait3A_3159 : memref<1x128xi32, #tpu.memory_space<vmem>> -> memref<128xi32, #tpu.memory_space<vmem>>
      %dma_wait3A_3161 = tpu.memref_slice %arg2[%multiple_of3A_3155] : memref<204800xi32, #tpu.memory_space<hbm>> -> memref<128xi32, #tpu.memory_space<hbm>>
      %dma_wait3A_3162 = tpu.memref_slice %arg10[%dma_wait3A_3157] : memref<5x!tpu.dma_semaphore, #tpu.memory_space<semaphore_mem>> -> memref<1x!tpu.dma_semaphore, #tpu.memory_space<semaphore_mem>>
      %dma_wait3A_3163 = tpu.memref_squeeze %dma_wait3A_3162 : memref<1x!tpu.dma_semaphore, #tpu.memory_space<semaphore_mem>> -> memref<!tpu.dma_semaphore, #tpu.memory_space<semaphore_mem>>
      %dma_wait3A_3164 = arith.constant 0 : i32
      %dma_wait3A_3165 = tpu.memref_slice %arg6[%dma_wait3A_3156, %dma_wait3A_3164] : memref<5x128xi32, #tpu.memory_space<vmem>> -> memref<1x128xi32, #tpu.memory_space<vmem>>
      %dma_wait3A_3166 = tpu.memref_squeeze %dma_wait3A_3165 : memref<1x128xi32, #tpu.memory_space<vmem>> -> memref<128xi32, #tpu.memory_space<vmem>>
      %dma_wait3A_3167 = tpu.memref_slice %arg2[%multiple_of3A_3155] : memref<204800xi32, #tpu.memory_space<hbm>> -> memref<128xi32, #tpu.memory_space<hbm>>
      tpu.wait_dma2 semaphore(%dma_wait3A_3163 : memref<!tpu.dma_semaphore, #tpu.memory_space<semaphore_mem>>) src(%dma_wait3A_3167 : memref<128xi32, #tpu.memory_space<hbm>>) dst(%dma_wait3A_3166 : memref<128xi32, #tpu.memory_space<vmem>>)
      %dma_wait3A_3168 = arith.constant 3 : i32
      %dma_wait3A_3169 = arith.constant 3 : i32
      %dma_wait3A_3170 = arith.constant 0 : i32
      %dma_wait3A_3171 = tpu.memref_slice %arg7[%dma_wait3A_3168, %dma_wait3A_3170] : memref<5x128xi32, #tpu.memory_space<vmem>> -> memref<1x128xi32, #tpu.memory_space<vmem>>
      %dma_wait3A_3172 = tpu.memref_squeeze %dma_wait3A_3171 : memref<1x128xi32, #tpu.memory_space<vmem>> -> memref<128xi32, #tpu.memory_space<vmem>>
      %dma_wait3A_3173 = tpu.memref_slice %arg3[%multiple_of3A_3155] : memref<204800xi32, #tpu.memory_space<hbm>> -> memref<128xi32, #tpu.memory_space<hbm>>
      %dma_wait3A_3174 = tpu.memref_slice %arg10[%dma_wait3A_3169] : memref<5x!tpu.dma_semaphore, #tpu.memory_space<semaphore_mem>> -> memref<1x!tpu.dma_semaphore, #tpu.memory_space<semaphore_mem>>
      %dma_wait3A_3175 = tpu.memref_squeeze %dma_wait3A_3174 : memref<1x!tpu.dma_semaphore, #tpu.memory_space<semaphore_mem>> -> memref<!tpu.dma_semaphore, #tpu.memory_space<semaphore_mem>>
      %dma_wait3A_3176 = arith.constant 0 : i32
      %dma_wait3A_3177 = tpu.memref_slice %arg7[%dma_wait3A_3168, %dma_wait3A_3176] : memref<5x128xi32, #tpu.memory_space<vmem>> -> memref<1x128xi32, #tpu.memory_space<vmem>>
      %dma_wait3A_3178 = tpu.memref_squeeze %dma_wait3A_3177 : memref<1x128xi32, #tpu.memory_space<vmem>> -> memref<128xi32, #tpu.memory_space<vmem>>
      %dma_wait3A_3179 = tpu.memref_slice %arg3[%multiple_of3A_3155] : memref<204800xi32, #tpu.memory_space<hbm>> -> memref<128xi32, #tpu.memory_space<hbm>>
      tpu.wait_dma2 semaphore(%dma_wait3A_3175 : memref<!tpu.dma_semaphore, #tpu.memory_space<semaphore_mem>>) src(%dma_wait3A_3179 : memref<128xi32, #tpu.memory_space<hbm>>) dst(%dma_wait3A_3178 : memref<128xi32, #tpu.memory_space<vmem>>)
      %add3A_3180 = arith.constant 5 : i32
      %add3A_3181 = arith.addi %add3A_3084, %add3A_3180 : i32
      %mul3A_3182 = arith.constant 128 : i32
      %mul3A_3183 = arith.muli %add3A_3181, %mul3A_3182 : i32
      %add3A_3184 = arith.addi %mul3A_2, %mul3A_3183 : i32
      %get3A_3185 = arith.constant 3 : i32
      %get3A_3186 = arith.index_cast %get3A_3185 : i32 to index
      %get3A_3187 = arith.constant 0 : index
      %get3A_3188 = tpu.vector_load %arg6[%get3A_3186, %get3A_3187] {strides = array<i32>} : memref<5x128xi32, #tpu.memory_space<vmem>>, vector<1x16xi32>,
      %get3A_3189 = vector.shape_cast %get3A_3188 : vector<1x16xi32> to vector<16xi32>
      %get3A_3190 = arith.constant 3 : i32
      %get3A_3191 = arith.index_cast %get3A_3190 : i32 to index
      %get3A_3192 = arith.constant 0 : index
      %get3A_3193 = tpu.vector_load %arg7[%get3A_3191, %get3A_3192] {strides = array<i32>} : memref<5x128xi32, #tpu.memory_space<vmem>>, vector<1x16xi32>,
      %get3A_3194 = vector.shape_cast %get3A_3193 : vector<1x16xi32> to vector<16xi32>
      %iota3A_3195 = tpu.iota {dimensions = array<i32: 0>} : vector<16xi32>
      %add3A_3196 = arith.constant 0 : i32
      %add3A_3197 = arith.addi %add3A_3184, %add3A_3196 : i32
      %add3A_3198 = vector.broadcast %add3A_3197 : i32 to vector<16xi32>
      %add3A_3199 = arith.addi %iota3A_3195, %add3A_3198 : vector<16xi32>
      %rem3A_3200 = arith.constant 200 : i32
      %rem3A_3201 = vector.broadcast %rem3A_3200 : i32 to vector<16xi32>
      %rem3A_3202 = arith.remsi %add3A_3199, %rem3A_3201 : vector<16xi32>
      %mul3A_3203 = arith.constant 240 : i32
      %mul3A_3204 = vector.broadcast %mul3A_3203 : i32 to vector<16xi32>
      %mul3A_3205 = arith.muli %rem3A_3202, %mul3A_3204 : vector<16xi32>
      %mul3A_3206 = arith.constant 8 : i32
      %mul3A_3207 = vector.broadcast %mul3A_3206 : i32 to vector<16xi32>
      %mul3A_3208 = arith.muli %get3A_3189, %mul3A_3207 : vector<16xi32>
      %add3A_3209 = arith.addi %mul3A_3205, %mul3A_3208 : vector<16xi32>
      %add3A_3210 = arith.addi %add3A_3209, %get3A_3194 : vector<16xi32>
      %swap3A_3211 = arith.constant 3 : i32
      %swap3A_3212 = arith.index_cast %swap3A_3211 : i32 to index
      %swap3A_3213 = arith.constant 0 : index
      %swap3A_3214 = tpu.vector_load %arg8[%swap3A_3212, %swap3A_3213] {strides = array<i32>} : memref<5x128xi32, #tpu.memory_space<vmem>>, vector<1x16xi32>,
      %swap3A_3215 = vector.shape_cast %swap3A_3214 : vector<1x16xi32> to vector<16xi32>
      %swap3A_3216 = vector.shape_cast %add3A_3210 : vector<16xi32> to vector<1x16xi32>
      tpu.vector_store %arg8[%swap3A_3212, %swap3A_3213], %swap3A_3216 {strides = array<i32>} : memref<5x128xi32, #tpu.memory_space<vmem>>, vector<1x16xi32>,
      %get3A_3217 = arith.constant 3 : i32
      %get3A_3218 = arith.index_cast %get3A_3217 : i32 to index
      %get3A_3219 = arith.constant 16 : index
      %get3A_3220 = tpu.vector_load %arg6[%get3A_3218, %get3A_3219] {strides = array<i32>} : memref<5x128xi32, #tpu.memory_space<vmem>>, vector<1x16xi32>,
      %get3A_3221 = vector.shape_cast %get3A_3220 : vector<1x16xi32> to vector<16xi32>
      %get3A_3222 = arith.constant 3 : i32
      %get3A_3223 = arith.index_cast %get3A_3222 : i32 to index
      %get3A_3224 = arith.constant 16 : index
      %get3A_3225 = tpu.vector_load %arg7[%get3A_3223, %get3A_3224] {strides = array<i32>} : memref<5x128xi32, #tpu.memory_space<vmem>>, vector<1x16xi32>,
      %get3A_3226 = vector.shape_cast %get3A_3225 : vector<1x16xi32> to vector<16xi32>
      %iota3A_3227 = tpu.iota {dimensions = array<i32: 0>} : vector<16xi32>
      %add3A_3228 = arith.constant 16 : i32
      %add3A_3229 = arith.addi %add3A_3184, %add3A_3228 : i32
      %add3A_3230 = vector.broadcast %add3A_3229 : i32 to vector<16xi32>
      %add3A_3231 = arith.addi %iota3A_3227, %add3A_3230 : vector<16xi32>
      %rem3A_3232 = arith.constant 200 : i32
      %rem3A_3233 = vector.broadcast %rem3A_3232 : i32 to vector<16xi32>
      %rem3A_3234 = arith.remsi %add3A_3231, %rem3A_3233 : vector<16xi32>
      %mul3A_3235 = arith.constant 240 : i32
      %mul3A_3236 = vector.broadcast %mul3A_3235 : i32 to vector<16xi32>
      %mul3A_3237 = arith.muli %rem3A_3234, %mul3A_3236 : vector<16xi32>
      %mul3A_3238 = arith.constant 8 : i32
      %mul3A_3239 = vector.broadcast %mul3A_3238 : i32 to vector<16xi32>
      %mul3A_3240 = arith.muli %get3A_3221, %mul3A_3239 : vector<16xi32>
      %add3A_3241 = arith.addi %mul3A_3237, %mul3A_3240 : vector<16xi32>
      %add3A_3242 = arith.addi %add3A_3241, %get3A_3226 : vector<16xi32>
      %swap3A_3243 = arith.constant 3 : i32
      %swap3A_3244 = arith.index_cast %swap3A_3243 : i32 to index
      %swap3A_3245 = arith.constant 16 : index
      %swap3A_3246 = tpu.vector_load %arg8[%swap3A_3244, %swap3A_3245] {strides = array<i32>} : memref<5x128xi32, #tpu.memory_space<vmem>>, vector<1x16xi32>,
      %swap3A_3247 = vector.shape_cast %swap3A_3246 : vector<1x16xi32> to vector<16xi32>
      %swap3A_3248 = vector.shape_cast %add3A_3242 : vector<16xi32> to vector<1x16xi32>
      tpu.vector_store %arg8[%swap3A_3244, %swap3A_3245], %swap3A_3248 {strides = array<i32>} : memref<5x128xi32, #tpu.memory_space<vmem>>, vector<1x16xi32>,
      %get3A_3249 = arith.constant 3 : i32
      %get3A_3250 = arith.index_cast %get3A_3249 : i32 to index
      %get3A_3251 = arith.constant 32 : index
      %get3A_3252 = tpu.vector_load %arg6[%get3A_3250, %get3A_3251] {strides = array<i32>} : memref<5x128xi32, #tpu.memory_space<vmem>>, vector<1x16xi32>,
      %get3A_3253 = vector.shape_cast %get3A_3252 : vector<1x16xi32> to vector<16xi32>
      %get3A_3254 = arith.constant 3 : i32
      %get3A_3255 = arith.index_cast %get3A_3254 : i32 to index
      %get3A_3256 = arith.constant 32 : index
      %get3A_3257 = tpu.vector_load %arg7[%get3A_3255, %get3A_3256] {strides = array<i32>} : memref<5x128xi32, #tpu.memory_space<vmem>>, vector<1x16xi32>,
      %get3A_3258 = vector.shape_cast %get3A_3257 : vector<1x16xi32> to vector<16xi32>
      %iota3A_3259 = tpu.iota {dimensions = array<i32: 0>} : vector<16xi32>
      %add3A_3260 = arith.constant 32 : i32
      %add3A_3261 = arith.addi %add3A_3184, %add3A_3260 : i32
      %add3A_3262 = vector.broadcast %add3A_3261 : i32 to vector<16xi32>
      %add3A_3263 = arith.addi %iota3A_3259, %add3A_3262 : vector<16xi32>
      %rem3A_3264 = arith.constant 200 : i32
      %rem3A_3265 = vector.broadcast %rem3A_3264 : i32 to vector<16xi32>
      %rem3A_3266 = arith.remsi %add3A_3263, %rem3A_3265 : vector<16xi32>
      %mul3A_3267 = arith.constant 240 : i32
      %mul3A_3268 = vector.broadcast %mul3A_3267 : i32 to vector<16xi32>
      %mul3A_3269 = arith.muli %rem3A_3266, %mul3A_3268 : vector<16xi32>
      %mul3A_3270 = arith.constant 8 : i32
      %mul3A_3271 = vector.broadcast %mul3A_3270 : i32 to vector<16xi32>
      %mul3A_3272 = arith.muli %get3A_3253, %mul3A_3271 : vector<16xi32>
      %add3A_3273 = arith.addi %mul3A_3269, %mul3A_3272 : vector<16xi32>
      %add3A_3274 = arith.addi %add3A_3273, %get3A_3258 : vector<16xi32>
      %swap3A_3275 = arith.constant 3 : i32
      %swap3A_3276 = arith.index_cast %swap3A_3275 : i32 to index
      %swap3A_3277 = arith.constant 32 : index
      %swap3A_3278 = tpu.vector_load %arg8[%swap3A_3276, %swap3A_3277] {strides = array<i32>} : memref<5x128xi32, #tpu.memory_space<vmem>>, vector<1x16xi32>,
      %swap3A_3279 = vector.shape_cast %swap3A_3278 : vector<1x16xi32> to vector<16xi32>
      %swap3A_3280 = vector.shape_cast %add3A_3274 : vector<16xi32> to vector<1x16xi32>
      tpu.vector_store %arg8[%swap3A_3276, %swap3A_3277], %swap3A_3280 {strides = array<i32>} : memref<5x128xi32, #tpu.memory_space<vmem>>, vector<1x16xi32>,
      %get3A_3281 = arith.constant 3 : i32
      %get3A_3282 = arith.index_cast %get3A_3281 : i32 to index
      %get3A_3283 = arith.constant 48 : index
      %get3A_3284 = tpu.vector_load %arg6[%get3A_3282, %get3A_3283] {strides = array<i32>} : memref<5x128xi32, #tpu.memory_space<vmem>>, vector<1x16xi32>,
      %get3A_3285 = vector.shape_cast %get3A_3284 : vector<1x16xi32> to vector<16xi32>
      %get3A_3286 = arith.constant 3 : i32
      %get3A_3287 = arith.index_cast %get3A_3286 : i32 to index
      %get3A_3288 = arith.constant 48 : index
      %get3A_3289 = tpu.vector_load %arg7[%get3A_3287, %get3A_3288] {strides = array<i32>} : memref<5x128xi32, #tpu.memory_space<vmem>>, vector<1x16xi32>,
      %get3A_3290 = vector.shape_cast %get3A_3289 : vector<1x16xi32> to vector<16xi32>
      %iota3A_3291 = tpu.iota {dimensions = array<i32: 0>} : vector<16xi32>
      %add3A_3292 = arith.constant 48 : i32
      %add3A_3293 = arith.addi %add3A_3184, %add3A_3292 : i32
      %add3A_3294 = vector.broadcast %add3A_3293 : i32 to vector<16xi32>
      %add3A_3295 = arith.addi %iota3A_3291, %add3A_3294 : vector<16xi32>
      %rem3A_3296 = arith.constant 200 : i32
      %rem3A_3297 = vector.broadcast %rem3A_3296 : i32 to vector<16xi32>
      %rem3A_3298 = arith.remsi %add3A_3295, %rem3A_3297 : vector<16xi32>
      %mul3A_3299 = arith.constant 240 : i32
      %mul3A_3300 = vector.broadcast %mul3A_3299 : i32 to vector<16xi32>
      %mul3A_3301 = arith.muli %rem3A_3298, %mul3A_3300 : vector<16xi32>
      %mul3A_3302 = arith.constant 8 : i32
      %mul3A_3303 = vector.broadcast %mul3A_3302 : i32 to vector<16xi32>
      %mul3A_3304 = arith.muli %get3A_3285, %mul3A_3303 : vector<16xi32>
      %add3A_3305 = arith.addi %mul3A_3301, %mul3A_3304 : vector<16xi32>
      %add3A_3306 = arith.addi %add3A_3305, %get3A_3290 : vector<16xi32>
      %swap3A_3307 = arith.constant 3 : i32
      %swap3A_3308 = arith.index_cast %swap3A_3307 : i32 to index
      %swap3A_3309 = arith.constant 48 : index
      %swap3A_3310 = tpu.vector_load %arg8[%swap3A_3308, %swap3A_3309] {strides = array<i32>} : memref<5x128xi32, #tpu.memory_space<vmem>>, vector<1x16xi32>,
      %swap3A_3311 = vector.shape_cast %swap3A_3310 : vector<1x16xi32> to vector<16xi32>
      %swap3A_3312 = vector.shape_cast %add3A_3306 : vector<16xi32> to vector<1x16xi32>
      tpu.vector_store %arg8[%swap3A_3308, %swap3A_3309], %swap3A_3312 {strides = array<i32>} : memref<5x128xi32, #tpu.memory_space<vmem>>, vector<1x16xi32>,
      %get3A_3313 = arith.constant 3 : i32
      %get3A_3314 = arith.index_cast %get3A_3313 : i32 to index
      %get3A_3315 = arith.constant 64 : index
      %get3A_3316 = tpu.vector_load %arg6[%get3A_3314, %get3A_3315] {strides = array<i32>} : memref<5x128xi32, #tpu.memory_space<vmem>>, vector<1x16xi32>,
      %get3A_3317 = vector.shape_cast %get3A_3316 : vector<1x16xi32> to vector<16xi32>
      %get3A_3318 = arith.constant 3 : i32
      %get3A_3319 = arith.index_cast %get3A_3318 : i32 to index
      %get3A_3320 = arith.constant 64 : index
      %get3A_3321 = tpu.vector_load %arg7[%get3A_3319, %get3A_3320] {strides = array<i32>} : memref<5x128xi32, #tpu.memory_space<vmem>>, vector<1x16xi32>,
      %get3A_3322 = vector.shape_cast %get3A_3321 : vector<1x16xi32> to vector<16xi32>
      %iota3A_3323 = tpu.iota {dimensions = array<i32: 0>} : vector<16xi32>
      %add3A_3324 = arith.constant 64 : i32
      %add3A_3325 = arith.addi %add3A_3184, %add3A_3324 : i32
      %add3A_3326 = vector.broadcast %add3A_3325 : i32 to vector<16xi32>
      %add3A_3327 = arith.addi %iota3A_3323, %add3A_3326 : vector<16xi32>
      %rem3A_3328 = arith.constant 200 : i32
      %rem3A_3329 = vector.broadcast %rem3A_3328 : i32 to vector<16xi32>
      %rem3A_3330 = arith.remsi %add3A_3327, %rem3A_3329 : vector<16xi32>
      %mul3A_3331 = arith.constant 240 : i32
      %mul3A_3332 = vector.broadcast %mul3A_3331 : i32 to vector<16xi32>
      %mul3A_3333 = arith.muli %rem3A_3330, %mul3A_3332 : vector<16xi32>
      %mul3A_3334 = arith.constant 8 : i32
      %mul3A_3335 = vector.broadcast %mul3A_3334 : i32 to vector<16xi32>
      %mul3A_3336 = arith.muli %get3A_3317, %mul3A_3335 : vector<16xi32>
      %add3A_3337 = arith.addi %mul3A_3333, %mul3A_3336 : vector<16xi32>
      %add3A_3338 = arith.addi %add3A_3337, %get3A_3322 : vector<16xi32>
      %swap3A_3339 = arith.constant 3 : i32
      %swap3A_3340 = arith.index_cast %swap3A_3339 : i32 to index
      %swap3A_3341 = arith.constant 64 : index
      %swap3A_3342 = tpu.vector_load %arg8[%swap3A_3340, %swap3A_3341] {strides = array<i32>} : memref<5x128xi32, #tpu.memory_space<vmem>>, vector<1x16xi32>,
      %swap3A_3343 = vector.shape_cast %swap3A_3342 : vector<1x16xi32> to vector<16xi32>
      %swap3A_3344 = vector.shape_cast %add3A_3338 : vector<16xi32> to vector<1x16xi32>
      tpu.vector_store %arg8[%swap3A_3340, %swap3A_3341], %swap3A_3344 {strides = array<i32>} : memref<5x128xi32, #tpu.memory_space<vmem>>, vector<1x16xi32>,
      %get3A_3345 = arith.constant 3 : i32
      %get3A_3346 = arith.index_cast %get3A_3345 : i32 to index
      %get3A_3347 = arith.constant 80 : index
      %get3A_3348 = tpu.vector_load %arg6[%get3A_3346, %get3A_3347] {strides = array<i32>} : memref<5x128xi32, #tpu.memory_space<vmem>>, vector<1x16xi32>,
      %get3A_3349 = vector.shape_cast %get3A_3348 : vector<1x16xi32> to vector<16xi32>
      %get3A_3350 = arith.constant 3 : i32
      %get3A_3351 = arith.index_cast %get3A_3350 : i32 to index
      %get3A_3352 = arith.constant 80 : index
      %get3A_3353 = tpu.vector_load %arg7[%get3A_3351, %get3A_3352] {strides = array<i32>} : memref<5x128xi32, #tpu.memory_space<vmem>>, vector<1x16xi32>,
      %get3A_3354 = vector.shape_cast %get3A_3353 : vector<1x16xi32> to vector<16xi32>
      %iota3A_3355 = tpu.iota {dimensions = array<i32: 0>} : vector<16xi32>
      %add3A_3356 = arith.constant 80 : i32
      %add3A_3357 = arith.addi %add3A_3184, %add3A_3356 : i32
      %add3A_3358 = vector.broadcast %add3A_3357 : i32 to vector<16xi32>
      %add3A_3359 = arith.addi %iota3A_3355, %add3A_3358 : vector<16xi32>
      %rem3A_3360 = arith.constant 200 : i32
      %rem3A_3361 = vector.broadcast %rem3A_3360 : i32 to vector<16xi32>
      %rem3A_3362 = arith.remsi %add3A_3359, %rem3A_3361 : vector<16xi32>
      %mul3A_3363 = arith.constant 240 : i32
      %mul3A_3364 = vector.broadcast %mul3A_3363 : i32 to vector<16xi32>
      %mul3A_3365 = arith.muli %rem3A_3362, %mul3A_3364 : vector<16xi32>
      %mul3A_3366 = arith.constant 8 : i32
      %mul3A_3367 = vector.broadcast %mul3A_3366 : i32 to vector<16xi32>
      %mul3A_3368 = arith.muli %get3A_3349, %mul3A_3367 : vector<16xi32>
      %add3A_3369 = arith.addi %mul3A_3365, %mul3A_3368 : vector<16xi32>
      %add3A_3370 = arith.addi %add3A_3369, %get3A_3354 : vector<16xi32>
      %swap3A_3371 = arith.constant 3 : i32
      %swap3A_3372 = arith.index_cast %swap3A_3371 : i32 to index
      %swap3A_3373 = arith.constant 80 : index
      %swap3A_3374 = tpu.vector_load %arg8[%swap3A_3372, %swap3A_3373] {strides = array<i32>} : memref<5x128xi32, #tpu.memory_space<vmem>>, vector<1x16xi32>,
      %swap3A_3375 = vector.shape_cast %swap3A_3374 : vector<1x16xi32> to vector<16xi32>
      %swap3A_3376 = vector.shape_cast %add3A_3370 : vector<16xi32> to vector<1x16xi32>
      tpu.vector_store %arg8[%swap3A_3372, %swap3A_3373], %swap3A_3376 {strides = array<i32>} : memref<5x128xi32, #tpu.memory_space<vmem>>, vector<1x16xi32>,
      %get3A_3377 = arith.constant 3 : i32
      %get3A_3378 = arith.index_cast %get3A_3377 : i32 to index
      %get3A_3379 = arith.constant 96 : index
      %get3A_3380 = tpu.vector_load %arg6[%get3A_3378, %get3A_3379] {strides = array<i32>} : memref<5x128xi32, #tpu.memory_space<vmem>>, vector<1x16xi32>,
      %get3A_3381 = vector.shape_cast %get3A_3380 : vector<1x16xi32> to vector<16xi32>
      %get3A_3382 = arith.constant 3 : i32
      %get3A_3383 = arith.index_cast %get3A_3382 : i32 to index
      %get3A_3384 = arith.constant 96 : index
      %get3A_3385 = tpu.vector_load %arg7[%get3A_3383, %get3A_3384] {strides = array<i32>} : memref<5x128xi32, #tpu.memory_space<vmem>>, vector<1x16xi32>,
      %get3A_3386 = vector.shape_cast %get3A_3385 : vector<1x16xi32> to vector<16xi32>
      %iota3A_3387 = tpu.iota {dimensions = array<i32: 0>} : vector<16xi32>
      %add3A_3388 = arith.constant 96 : i32
      %add3A_3389 = arith.addi %add3A_3184, %add3A_3388 : i32
      %add3A_3390 = vector.broadcast %add3A_3389 : i32 to vector<16xi32>
      %add3A_3391 = arith.addi %iota3A_3387, %add3A_3390 : vector<16xi32>
      %rem3A_3392 = arith.constant 200 : i32
      %rem3A_3393 = vector.broadcast %rem3A_3392 : i32 to vector<16xi32>
      %rem3A_3394 = arith.remsi %add3A_3391, %rem3A_3393 : vector<16xi32>
      %mul3A_3395 = arith.constant 240 : i32
      %mul3A_3396 = vector.broadcast %mul3A_3395 : i32 to vector<16xi32>
      %mul3A_3397 = arith.muli %rem3A_3394, %mul3A_3396 : vector<16xi32>
      %mul3A_3398 = arith.constant 8 : i32
      %mul3A_3399 = vector.broadcast %mul3A_3398 : i32 to vector<16xi32>
      %mul3A_3400 = arith.muli %get3A_3381, %mul3A_3399 : vector<16xi32>
      %add3A_3401 = arith.addi %mul3A_3397, %mul3A_3400 : vector<16xi32>
      %add3A_3402 = arith.addi %add3A_3401, %get3A_3386 : vector<16xi32>
      %swap3A_3403 = arith.constant 3 : i32
      %swap3A_3404 = arith.index_cast %swap3A_3403 : i32 to index
      %swap3A_3405 = arith.constant 96 : index
      %swap3A_3406 = tpu.vector_load %arg8[%swap3A_3404, %swap3A_3405] {strides = array<i32>} : memref<5x128xi32, #tpu.memory_space<vmem>>, vector<1x16xi32>,
      %swap3A_3407 = vector.shape_cast %swap3A_3406 : vector<1x16xi32> to vector<16xi32>
      %swap3A_3408 = vector.shape_cast %add3A_3402 : vector<16xi32> to vector<1x16xi32>
      tpu.vector_store %arg8[%swap3A_3404, %swap3A_3405], %swap3A_3408 {strides = array<i32>} : memref<5x128xi32, #tpu.memory_space<vmem>>, vector<1x16xi32>,
      %get3A_3409 = arith.constant 3 : i32
      %get3A_3410 = arith.index_cast %get3A_3409 : i32 to index
      %get3A_3411 = arith.constant 112 : index
      %get3A_3412 = tpu.vector_load %arg6[%get3A_3410, %get3A_3411] {strides = array<i32>} : memref<5x128xi32, #tpu.memory_space<vmem>>, vector<1x16xi32>,
      %get3A_3413 = vector.shape_cast %get3A_3412 : vector<1x16xi32> to vector<16xi32>
      %get3A_3414 = arith.constant 3 : i32
      %get3A_3415 = arith.index_cast %get3A_3414 : i32 to index
      %get3A_3416 = arith.constant 112 : index
      %get3A_3417 = tpu.vector_load %arg7[%get3A_3415, %get3A_3416] {strides = array<i32>} : memref<5x128xi32, #tpu.memory_space<vmem>>, vector<1x16xi32>,
      %get3A_3418 = vector.shape_cast %get3A_3417 : vector<1x16xi32> to vector<16xi32>
      %iota3A_3419 = tpu.iota {dimensions = array<i32: 0>} : vector<16xi32>
      %add3A_3420 = arith.constant 112 : i32
      %add3A_3421 = arith.addi %add3A_3184, %add3A_3420 : i32
      %add3A_3422 = vector.broadcast %add3A_3421 : i32 to vector<16xi32>
      %add3A_3423 = arith.addi %iota3A_3419, %add3A_3422 : vector<16xi32>
      %rem3A_3424 = arith.constant 200 : i32
      %rem3A_3425 = vector.broadcast %rem3A_3424 : i32 to vector<16xi32>
      %rem3A_3426 = arith.remsi %add3A_3423, %rem3A_3425 : vector<16xi32>
      %mul3A_3427 = arith.constant 240 : i32
      %mul3A_3428 = vector.broadcast %mul3A_3427 : i32 to vector<16xi32>
      %mul3A_3429 = arith.muli %rem3A_3426, %mul3A_3428 : vector<16xi32>
      %mul3A_3430 = arith.constant 8 : i32
      %mul3A_3431 = vector.broadcast %mul3A_3430 : i32 to vector<16xi32>
      %mul3A_3432 = arith.muli %get3A_3413, %mul3A_3431 : vector<16xi32>
      %add3A_3433 = arith.addi %mul3A_3429, %mul3A_3432 : vector<16xi32>
      %add3A_3434 = arith.addi %add3A_3433, %get3A_3418 : vector<16xi32>
      %swap3A_3435 = arith.constant 3 : i32
      %swap3A_3436 = arith.index_cast %swap3A_3435 : i32 to index
      %swap3A_3437 = arith.constant 112 : index
      %swap3A_3438 = tpu.vector_load %arg8[%swap3A_3436, %swap3A_3437] {strides = array<i32>} : memref<5x128xi32, #tpu.memory_space<vmem>>, vector<1x16xi32>,
      %swap3A_3439 = vector.shape_cast %swap3A_3438 : vector<1x16xi32> to vector<16xi32>
      %swap3A_3440 = vector.shape_cast %add3A_3434 : vector<16xi32> to vector<1x16xi32>
      tpu.vector_store %arg8[%swap3A_3436, %swap3A_3437], %swap3A_3440 {strides = array<i32>} : memref<5x128xi32, #tpu.memory_space<vmem>>, vector<1x16xi32>,
      %mul3A_3441 = arith.constant 128 : i32
      %mul3A_3442 = arith.muli %add3A_3084, %mul3A_3441 : i32
      %add3A_3443 = arith.addi %mul3A_2, %mul3A_3442 : i32
      %multiple_of3A_3444 = tpu.assume_multiple %add3A_3443, 8 : i32
      %dma_wait3A_3445 = arith.constant 3 : i32
      %dma_wait3A_3446 = arith.constant 3 : i32
      %dma_wait3A_3447 = arith.constant 0 : i32
      %dma_wait3A_3448 = arith.constant 0 : i32
      %dma_wait3A_3449 = tpu.memref_slice %arg9[%dma_wait3A_3445, %dma_wait3A_3447, %dma_wait3A_3448] : memref<5x128x128xf32, #tpu.memory_space<vmem>> -> memref<1x128x128xf32, #tpu.memory_space<vmem>>
      %dma_wait3A_3450 = tpu.memref_squeeze %dma_wait3A_3449 : memref<1x128x128xf32, #tpu.memory_space<vmem>> -> memref<128x128xf32, #tpu.memory_space<vmem>>
      %dma_wait3A_3451 = arith.constant 0 : i32
      %dma_wait3A_3452 = tpu.memref_slice %arg5[%multiple_of3A_3444, %dma_wait3A_3451] : memref<204800x128xf32, #tpu.memory_space<hbm>> -> memref<128x128xf32, #tpu.memory_space<hbm>>
      %dma_wait3A_3453 = tpu.memref_slice %arg12[%dma_wait3A_3446] : memref<5x!tpu.dma_semaphore, #tpu.memory_space<semaphore_mem>> -> memref<1x!tpu.dma_semaphore, #tpu.memory_space<semaphore_mem>>
      %dma_wait3A_3454 = tpu.memref_squeeze %dma_wait3A_3453 : memref<1x!tpu.dma_semaphore, #tpu.memory_space<semaphore_mem>> -> memref<!tpu.dma_semaphore, #tpu.memory_space<semaphore_mem>>
      %dma_wait3A_3455 = arith.constant 0 : i32
      %dma_wait3A_3456 = tpu.memref_slice %arg5[%multiple_of3A_3444, %dma_wait3A_3455] : memref<204800x128xf32, #tpu.memory_space<hbm>> -> memref<128x128xf32, #tpu.memory_space<hbm>>
      %dma_wait3A_3457 = arith.constant 0 : i32
      %dma_wait3A_3458 = arith.constant 0 : i32
      %dma_wait3A_3459 = tpu.memref_slice %arg9[%dma_wait3A_3445, %dma_wait3A_3457, %dma_wait3A_3458] : memref<5x128x128xf32, #tpu.memory_space<vmem>> -> memref<1x128x128xf32, #tpu.memory_space<vmem>>
      %dma_wait3A_3460 = tpu.memref_squeeze %dma_wait3A_3459 : memref<1x128x128xf32, #tpu.memory_space<vmem>> -> memref<128x128xf32, #tpu.memory_space<vmem>>
      tpu.wait_dma2 semaphore(%dma_wait3A_3454 : memref<!tpu.dma_semaphore, #tpu.memory_space<semaphore_mem>>) src(%dma_wait3A_3460 : memref<128x128xf32, #tpu.memory_space<vmem>>) dst(%dma_wait3A_3456 : memref<128x128xf32, #tpu.memory_space<hbm>>)
      %dma_start3A_3461 = arith.constant 3 : i32
      %dma_start3A_3462 = arith.constant 3 : i32
      %dma_start3A_3463 = arith.constant 3 : i32
      %dma_start3A_3464 = arith.constant 0 : i32
      %dma_start3A_3465 = arith.constant 0 : i32
      %dma_start3A_3466 = tpu.memref_slice %arg9[%dma_start3A_3462, %dma_start3A_3464, %dma_start3A_3465] : memref<5x128x128xf32, #tpu.memory_space<vmem>> -> memref<1x128x128xf32, #tpu.memory_space<vmem>>
      %dma_start3A_3467 = tpu.memref_squeeze %dma_start3A_3466 : memref<1x128x128xf32, #tpu.memory_space<vmem>> -> memref<128x128xf32, #tpu.memory_space<vmem>>
      %dma_start3A_3468 = arith.constant 0 : i32
      %dma_start3A_3469 = tpu.memref_slice %arg8[%dma_start3A_3461, %dma_start3A_3468] : memref<5x128xi32, #tpu.memory_space<vmem>> -> memref<1x128xi32, #tpu.memory_space<vmem>>
      %dma_start3A_3470 = tpu.memref_squeeze %dma_start3A_3469 : memref<1x128xi32, #tpu.memory_space<vmem>> -> memref<128xi32, #tpu.memory_space<vmem>>
      %dma_start3A_3471 = arith.constant 0 : i32
      %dma_start3A_3472 = arith.constant 0 : i32
      %dma_start3A_3473 = tpu.memref_slice %arg4[%dma_start3A_3471, %dma_start3A_3472] : memref<48000x128xf32, #tpu.memory_space<hbm>> -> memref<48000x128xf32, #tpu.memory_space<hbm>>
      %dma_start3A_3474 = tpu.memref_slice %arg11[%dma_start3A_3463] : memref<5x!tpu.dma_semaphore, #tpu.memory_space<semaphore_mem>> -> memref<1x!tpu.dma_semaphore, #tpu.memory_space<semaphore_mem>>
      %dma_start3A_3475 = tpu.memref_squeeze %dma_start3A_3474 : memref<1x!tpu.dma_semaphore, #tpu.memory_space<semaphore_mem>> -> memref<!tpu.dma_semaphore, #tpu.memory_space<semaphore_mem>>
      tpu.enqueue_indirect_dma source(%dma_start3A_3473 : memref<48000x128xf32, #tpu.memory_space<hbm>>) target(%dma_start3A_3467 : memref<128x128xf32, #tpu.memory_space<vmem>>) offsets(%dma_start3A_3470 : memref<128xi32, #tpu.memory_space<vmem>>) semaphore(%dma_start3A_3475 : memref<!tpu.dma_semaphore, #tpu.memory_space<semaphore_mem>>)
      %add3A_3476 = arith.constant 4 : i32
      %add3A_3477 = arith.addi %mul3A_1903, %add3A_3476 : i32
      %add3A_3478 = arith.constant 5 : i32
      %add3A_3479 = arith.addi %add3A_3477, %add3A_3478 : i32
      %mul3A_3480 = arith.constant 128 : i32
      %mul3A_3481 = arith.muli %add3A_3479, %mul3A_3480 : i32
      %add3A_3482 = arith.addi %mul3A_2, %mul3A_3481 : i32
      %multiple_of3A_3483 = tpu.assume_multiple %add3A_3482, 8 : i32
      %dma_start3A_3484 = arith.constant 4 : i32
      %dma_start3A_3485 = arith.constant 4 : i32
      %dma_start3A_3486 = arith.constant 0 : i32
      %dma_start3A_3487 = tpu.memref_slice %arg6[%dma_start3A_3484, %dma_start3A_3486] : memref<5x128xi32, #tpu.memory_space<vmem>> -> memref<1x128xi32, #tpu.memory_space<vmem>>
      %dma_start3A_3488 = tpu.memref_squeeze %dma_start3A_3487 : memref<1x128xi32, #tpu.memory_space<vmem>> -> memref<128xi32, #tpu.memory_space<vmem>>
      %dma_start3A_3489 = tpu.memref_slice %arg2[%multiple_of3A_3483] : memref<204800xi32, #tpu.memory_space<hbm>> -> memref<128xi32, #tpu.memory_space<hbm>>
      %dma_start3A_3490 = tpu.memref_slice %arg10[%dma_start3A_3485] : memref<5x!tpu.dma_semaphore, #tpu.memory_space<semaphore_mem>> -> memref<1x!tpu.dma_semaphore, #tpu.memory_space<semaphore_mem>>
      %dma_start3A_3491 = tpu.memref_squeeze %dma_start3A_3490 : memref<1x!tpu.dma_semaphore, #tpu.memory_space<semaphore_mem>> -> memref<!tpu.dma_semaphore, #tpu.memory_space<semaphore_mem>>
      %dma_start3A_3492 = arith.constant 0 : i32
      %dma_start3A_3493 = tpu.memref_slice %arg6[%dma_start3A_3484, %dma_start3A_3492] : memref<5x128xi32, #tpu.memory_space<vmem>> -> memref<1x128xi32, #tpu.memory_space<vmem>>
      %dma_start3A_3494 = tpu.memref_squeeze %dma_start3A_3493 : memref<1x128xi32, #tpu.memory_space<vmem>> -> memref<128xi32, #tpu.memory_space<vmem>>
      %dma_start3A_3495 = tpu.memref_slice %arg2[%multiple_of3A_3483] : memref<204800xi32, #tpu.memory_space<hbm>> -> memref<128xi32, #tpu.memory_space<hbm>>
      tpu.enqueue_dma source(%dma_start3A_3495 : memref<128xi32, #tpu.memory_space<hbm>>) target(%dma_start3A_3494 : memref<128xi32, #tpu.memory_space<vmem>>) target_semaphore(%dma_start3A_3491 : memref<!tpu.dma_semaphore, #tpu.memory_space<semaphore_mem>>)
      %dma_start3A_3496 = arith.constant 4 : i32
      %dma_start3A_3497 = arith.constant 4 : i32
      %dma_start3A_3498 = arith.constant 0 : i32
      %dma_start3A_3499 = tpu.memref_slice %arg7[%dma_start3A_3496, %dma_start3A_3498] : memref<5x128xi32, #tpu.memory_space<vmem>> -> memref<1x128xi32, #tpu.memory_space<vmem>>
      %dma_start3A_3500 = tpu.memref_squeeze %dma_start3A_3499 : memref<1x128xi32, #tpu.memory_space<vmem>> -> memref<128xi32, #tpu.memory_space<vmem>>
      %dma_start3A_3501 = tpu.memref_slice %arg3[%multiple_of3A_3483] : memref<204800xi32, #tpu.memory_space<hbm>> -> memref<128xi32, #tpu.memory_space<hbm>>
      %dma_start3A_3502 = tpu.memref_slice %arg10[%dma_start3A_3497] : memref<5x!tpu.dma_semaphore, #tpu.memory_space<semaphore_mem>> -> memref<1x!tpu.dma_semaphore, #tpu.memory_space<semaphore_mem>>
      %dma_start3A_3503 = tpu.memref_squeeze %dma_start3A_3502 : memref<1x!tpu.dma_semaphore, #tpu.memory_space<semaphore_mem>> -> memref<!tpu.dma_semaphore, #tpu.memory_space<semaphore_mem>>
      %dma_start3A_3504 = arith.constant 0 : i32
      %dma_start3A_3505 = tpu.memref_slice %arg7[%dma_start3A_3496, %dma_start3A_3504] : memref<5x128xi32, #tpu.memory_space<vmem>> -> memref<1x128xi32, #tpu.memory_space<vmem>>
      %dma_start3A_3506 = tpu.memref_squeeze %dma_start3A_3505 : memref<1x128xi32, #tpu.memory_space<vmem>> -> memref<128xi32, #tpu.memory_space<vmem>>
      %dma_start3A_3507 = tpu.memref_slice %arg3[%multiple_of3A_3483] : memref<204800xi32, #tpu.memory_space<hbm>> -> memref<128xi32, #tpu.memory_space<hbm>>
      tpu.enqueue_dma source(%dma_start3A_3507 : memref<128xi32, #tpu.memory_space<hbm>>) target(%dma_start3A_3506 : memref<128xi32, #tpu.memory_space<vmem>>) target_semaphore(%dma_start3A_3503 : memref<!tpu.dma_semaphore, #tpu.memory_space<semaphore_mem>>)
      %dma_wait3A_3508 = arith.constant 4 : i32
      %dma_wait3A_3509 = arith.constant 4 : i32
      %dma_wait3A_3510 = arith.constant 4 : i32
      %dma_wait3A_3511 = arith.constant 0 : i32
      %dma_wait3A_3512 = arith.constant 0 : i32
      %dma_wait3A_3513 = tpu.memref_slice %arg9[%dma_wait3A_3509, %dma_wait3A_3511, %dma_wait3A_3512] : memref<5x128x128xf32, #tpu.memory_space<vmem>> -> memref<1x128x128xf32, #tpu.memory_space<vmem>>
      %dma_wait3A_3514 = tpu.memref_squeeze %dma_wait3A_3513 : memref<1x128x128xf32, #tpu.memory_space<vmem>> -> memref<128x128xf32, #tpu.memory_space<vmem>>
      %dma_wait3A_3515 = arith.constant 0 : i32
      %dma_wait3A_3516 = tpu.memref_slice %arg8[%dma_wait3A_3508, %dma_wait3A_3515] : memref<5x128xi32, #tpu.memory_space<vmem>> -> memref<1x128xi32, #tpu.memory_space<vmem>>
      %dma_wait3A_3517 = tpu.memref_squeeze %dma_wait3A_3516 : memref<1x128xi32, #tpu.memory_space<vmem>> -> memref<128xi32, #tpu.memory_space<vmem>>
      %dma_wait3A_3518 = arith.constant 0 : i32
      %dma_wait3A_3519 = arith.constant 0 : i32
      %dma_wait3A_3520 = tpu.memref_slice %arg4[%dma_wait3A_3518, %dma_wait3A_3519] : memref<48000x128xf32, #tpu.memory_space<hbm>> -> memref<48000x128xf32, #tpu.memory_space<hbm>>
      %dma_wait3A_3521 = tpu.memref_slice %arg11[%dma_wait3A_3510] : memref<5x!tpu.dma_semaphore, #tpu.memory_space<semaphore_mem>> -> memref<1x!tpu.dma_semaphore, #tpu.memory_space<semaphore_mem>>
      %dma_wait3A_3522 = tpu.memref_squeeze %dma_wait3A_3521 : memref<1x!tpu.dma_semaphore, #tpu.memory_space<semaphore_mem>> -> memref<!tpu.dma_semaphore, #tpu.memory_space<semaphore_mem>>
      tpu.wait_indirect_dma semaphore(%dma_wait3A_3522 : memref<!tpu.dma_semaphore, #tpu.memory_space<semaphore_mem>>) src(%dma_wait3A_3520 : memref<48000x128xf32, #tpu.memory_space<hbm>>) dst(%dma_wait3A_3514 : memref<128x128xf32, #tpu.memory_space<vmem>>)
      %mul3A_3523 = arith.constant 128 : i32
      %mul3A_3524 = arith.muli %add3A_3477, %mul3A_3523 : i32
      %add3A_3525 = arith.addi %mul3A_2, %mul3A_3524 : i32
      %multiple_of3A_3526 = tpu.assume_multiple %add3A_3525, 8 : i32
      %dma_start3A_3527 = arith.constant 4 : i32
      %dma_start3A_3528 = arith.constant 4 : i32
      %dma_start3A_3529 = arith.constant 0 : i32
      %dma_start3A_3530 = arith.constant 0 : i32
      %dma_start3A_3531 = tpu.memref_slice %arg9[%dma_start3A_3527, %dma_start3A_3529, %dma_start3A_3530] : memref<5x128x128xf32, #tpu.memory_space<vmem>> -> memref<1x128x128xf32, #tpu.memory_space<vmem>>
      %dma_start3A_3532 = tpu.memref_squeeze %dma_start3A_3531 : memref<1x128x128xf32, #tpu.memory_space<vmem>> -> memref<128x128xf32, #tpu.memory_space<vmem>>
      %dma_start3A_3533 = arith.constant 0 : i32
      %dma_start3A_3534 = tpu.memref_slice %arg5[%multiple_of3A_3526, %dma_start3A_3533] : memref<204800x128xf32, #tpu.memory_space<hbm>> -> memref<128x128xf32, #tpu.memory_space<hbm>>
      %dma_start3A_3535 = tpu.memref_slice %arg12[%dma_start3A_3528] : memref<5x!tpu.dma_semaphore, #tpu.memory_space<semaphore_mem>> -> memref<1x!tpu.dma_semaphore, #tpu.memory_space<semaphore_mem>>
      %dma_start3A_3536 = tpu.memref_squeeze %dma_start3A_3535 : memref<1x!tpu.dma_semaphore, #tpu.memory_space<semaphore_mem>> -> memref<!tpu.dma_semaphore, #tpu.memory_space<semaphore_mem>>
      %dma_start3A_3537 = arith.constant 0 : i32
      %dma_start3A_3538 = tpu.memref_slice %arg5[%multiple_of3A_3526, %dma_start3A_3537] : memref<204800x128xf32, #tpu.memory_space<hbm>> -> memref<128x128xf32, #tpu.memory_space<hbm>>
      %dma_start3A_3539 = arith.constant 0 : i32
      %dma_start3A_3540 = arith.constant 0 : i32
      %dma_start3A_3541 = tpu.memref_slice %arg9[%dma_start3A_3527, %dma_start3A_3539, %dma_start3A_3540] : memref<5x128x128xf32, #tpu.memory_space<vmem>> -> memref<1x128x128xf32, #tpu.memory_space<vmem>>
      %dma_start3A_3542 = tpu.memref_squeeze %dma_start3A_3541 : memref<1x128x128xf32, #tpu.memory_space<vmem>> -> memref<128x128xf32, #tpu.memory_space<vmem>>
      tpu.enqueue_dma source(%dma_start3A_3542 : memref<128x128xf32, #tpu.memory_space<vmem>>) target(%dma_start3A_3538 : memref<128x128xf32, #tpu.memory_space<hbm>>) target_semaphore(%dma_start3A_3536 : memref<!tpu.dma_semaphore, #tpu.memory_space<semaphore_mem>>)
      %add3A_3543 = arith.constant 5 : i32
      %add3A_3544 = arith.addi %add3A_3477, %add3A_3543 : i32
      %mul3A_3545 = arith.constant 128 : i32
      %mul3A_3546 = arith.muli %add3A_3544, %mul3A_3545 : i32
      %add3A_3547 = arith.addi %mul3A_2, %mul3A_3546 : i32
      %multiple_of3A_3548 = tpu.assume_multiple %add3A_3547, 8 : i32
      %dma_wait3A_3549 = arith.constant 4 : i32
      %dma_wait3A_3550 = arith.constant 4 : i32
      %dma_wait3A_3551 = arith.constant 0 : i32
      %dma_wait3A_3552 = tpu.memref_slice %arg6[%dma_wait3A_3549, %dma_wait3A_3551] : memref<5x128xi32, #tpu.memory_space<vmem>> -> memref<1x128xi32, #tpu.memory_space<vmem>>
      %dma_wait3A_3553 = tpu.memref_squeeze %dma_wait3A_3552 : memref<1x128xi32, #tpu.memory_space<vmem>> -> memref<128xi32, #tpu.memory_space<vmem>>
      %dma_wait3A_3554 = tpu.memref_slice %arg2[%multiple_of3A_3548] : memref<204800xi32, #tpu.memory_space<hbm>> -> memref<128xi32, #tpu.memory_space<hbm>>
      %dma_wait3A_3555 = tpu.memref_slice %arg10[%dma_wait3A_3550] : memref<5x!tpu.dma_semaphore, #tpu.memory_space<semaphore_mem>> -> memref<1x!tpu.dma_semaphore, #tpu.memory_space<semaphore_mem>>
      %dma_wait3A_3556 = tpu.memref_squeeze %dma_wait3A_3555 : memref<1x!tpu.dma_semaphore, #tpu.memory_space<semaphore_mem>> -> memref<!tpu.dma_semaphore, #tpu.memory_space<semaphore_mem>>
      %dma_wait3A_3557 = arith.constant 0 : i32
      %dma_wait3A_3558 = tpu.memref_slice %arg6[%dma_wait3A_3549, %dma_wait3A_3557] : memref<5x128xi32, #tpu.memory_space<vmem>> -> memref<1x128xi32, #tpu.memory_space<vmem>>
      %dma_wait3A_3559 = tpu.memref_squeeze %dma_wait3A_3558 : memref<1x128xi32, #tpu.memory_space<vmem>> -> memref<128xi32, #tpu.memory_space<vmem>>
      %dma_wait3A_3560 = tpu.memref_slice %arg2[%multiple_of3A_3548] : memref<204800xi32, #tpu.memory_space<hbm>> -> memref<128xi32, #tpu.memory_space<hbm>>
      tpu.wait_dma2 semaphore(%dma_wait3A_3556 : memref<!tpu.dma_semaphore, #tpu.memory_space<semaphore_mem>>) src(%dma_wait3A_3560 : memref<128xi32, #tpu.memory_space<hbm>>) dst(%dma_wait3A_3559 : memref<128xi32, #tpu.memory_space<vmem>>)
      %dma_wait3A_3561 = arith.constant 4 : i32
      %dma_wait3A_3562 = arith.constant 4 : i32
      %dma_wait3A_3563 = arith.constant 0 : i32
      %dma_wait3A_3564 = tpu.memref_slice %arg7[%dma_wait3A_3561, %dma_wait3A_3563] : memref<5x128xi32, #tpu.memory_space<vmem>> -> memref<1x128xi32, #tpu.memory_space<vmem>>
      %dma_wait3A_3565 = tpu.memref_squeeze %dma_wait3A_3564 : memref<1x128xi32, #tpu.memory_space<vmem>> -> memref<128xi32, #tpu.memory_space<vmem>>
      %dma_wait3A_3566 = tpu.memref_slice %arg3[%multiple_of3A_3548] : memref<204800xi32, #tpu.memory_space<hbm>> -> memref<128xi32, #tpu.memory_space<hbm>>
      %dma_wait3A_3567 = tpu.memref_slice %arg10[%dma_wait3A_3562] : memref<5x!tpu.dma_semaphore, #tpu.memory_space<semaphore_mem>> -> memref<1x!tpu.dma_semaphore, #tpu.memory_space<semaphore_mem>>
      %dma_wait3A_3568 = tpu.memref_squeeze %dma_wait3A_3567 : memref<1x!tpu.dma_semaphore, #tpu.memory_space<semaphore_mem>> -> memref<!tpu.dma_semaphore, #tpu.memory_space<semaphore_mem>>
      %dma_wait3A_3569 = arith.constant 0 : i32
      %dma_wait3A_3570 = tpu.memref_slice %arg7[%dma_wait3A_3561, %dma_wait3A_3569] : memref<5x128xi32, #tpu.memory_space<vmem>> -> memref<1x128xi32, #tpu.memory_space<vmem>>
      %dma_wait3A_3571 = tpu.memref_squeeze %dma_wait3A_3570 : memref<1x128xi32, #tpu.memory_space<vmem>> -> memref<128xi32, #tpu.memory_space<vmem>>
      %dma_wait3A_3572 = tpu.memref_slice %arg3[%multiple_of3A_3548] : memref<204800xi32, #tpu.memory_space<hbm>> -> memref<128xi32, #tpu.memory_space<hbm>>
      tpu.wait_dma2 semaphore(%dma_wait3A_3568 : memref<!tpu.dma_semaphore, #tpu.memory_space<semaphore_mem>>) src(%dma_wait3A_3572 : memref<128xi32, #tpu.memory_space<hbm>>) dst(%dma_wait3A_3571 : memref<128xi32, #tpu.memory_space<vmem>>)
      %add3A_3573 = arith.constant 5 : i32
      %add3A_3574 = arith.addi %add3A_3477, %add3A_3573 : i32
      %mul3A_3575 = arith.constant 128 : i32
      %mul3A_3576 = arith.muli %add3A_3574, %mul3A_3575 : i32
      %add3A_3577 = arith.addi %mul3A_2, %mul3A_3576 : i32
      %get3A_3578 = arith.constant 4 : i32
      %get3A_3579 = arith.index_cast %get3A_3578 : i32 to index
      %get3A_3580 = arith.constant 0 : index
      %get3A_3581 = tpu.vector_load %arg6[%get3A_3579, %get3A_3580] {strides = array<i32>} : memref<5x128xi32, #tpu.memory_space<vmem>>, vector<1x16xi32>,
      %get3A_3582 = vector.shape_cast %get3A_3581 : vector<1x16xi32> to vector<16xi32>
      %get3A_3583 = arith.constant 4 : i32
      %get3A_3584 = arith.index_cast %get3A_3583 : i32 to index
      %get3A_3585 = arith.constant 0 : index
      %get3A_3586 = tpu.vector_load %arg7[%get3A_3584, %get3A_3585] {strides = array<i32>} : memref<5x128xi32, #tpu.memory_space<vmem>>, vector<1x16xi32>,
      %get3A_3587 = vector.shape_cast %get3A_3586 : vector<1x16xi32> to vector<16xi32>
      %iota3A_3588 = tpu.iota {dimensions = array<i32: 0>} : vector<16xi32>
      %add3A_3589 = arith.constant 0 : i32
      %add3A_3590 = arith.addi %add3A_3577, %add3A_3589 : i32
      %add3A_3591 = vector.broadcast %add3A_3590 : i32 to vector<16xi32>
      %add3A_3592 = arith.addi %iota3A_3588, %add3A_3591 : vector<16xi32>
      %rem3A_3593 = arith.constant 200 : i32
      %rem3A_3594 = vector.broadcast %rem3A_3593 : i32 to vector<16xi32>
      %rem3A_3595 = arith.remsi %add3A_3592, %rem3A_3594 : vector<16xi32>
      %mul3A_3596 = arith.constant 240 : i32
      %mul3A_3597 = vector.broadcast %mul3A_3596 : i32 to vector<16xi32>
      %mul3A_3598 = arith.muli %rem3A_3595, %mul3A_3597 : vector<16xi32>
      %mul3A_3599 = arith.constant 8 : i32
      %mul3A_3600 = vector.broadcast %mul3A_3599 : i32 to vector<16xi32>
      %mul3A_3601 = arith.muli %get3A_3582, %mul3A_3600 : vector<16xi32>
      %add3A_3602 = arith.addi %mul3A_3598, %mul3A_3601 : vector<16xi32>
      %add3A_3603 = arith.addi %add3A_3602, %get3A_3587 : vector<16xi32>
      %swap3A_3604 = arith.constant 4 : i32
      %swap3A_3605 = arith.index_cast %swap3A_3604 : i32 to index
      %swap3A_3606 = arith.constant 0 : index
      %swap3A_3607 = tpu.vector_load %arg8[%swap3A_3605, %swap3A_3606] {strides = array<i32>} : memref<5x128xi32, #tpu.memory_space<vmem>>, vector<1x16xi32>,
      %swap3A_3608 = vector.shape_cast %swap3A_3607 : vector<1x16xi32> to vector<16xi32>
      %swap3A_3609 = vector.shape_cast %add3A_3603 : vector<16xi32> to vector<1x16xi32>
      tpu.vector_store %arg8[%swap3A_3605, %swap3A_3606], %swap3A_3609 {strides = array<i32>} : memref<5x128xi32, #tpu.memory_space<vmem>>, vector<1x16xi32>,
      %get3A_3610 = arith.constant 4 : i32
      %get3A_3611 = arith.index_cast %get3A_3610 : i32 to index
      %get3A_3612 = arith.constant 16 : index
      %get3A_3613 = tpu.vector_load %arg6[%get3A_3611, %get3A_3612] {strides = array<i32>} : memref<5x128xi32, #tpu.memory_space<vmem>>, vector<1x16xi32>,
      %get3A_3614 = vector.shape_cast %get3A_3613 : vector<1x16xi32> to vector<16xi32>
      %get3A_3615 = arith.constant 4 : i32
      %get3A_3616 = arith.index_cast %get3A_3615 : i32 to index
      %get3A_3617 = arith.constant 16 : index
      %get3A_3618 = tpu.vector_load %arg7[%get3A_3616, %get3A_3617] {strides = array<i32>} : memref<5x128xi32, #tpu.memory_space<vmem>>, vector<1x16xi32>,
      %get3A_3619 = vector.shape_cast %get3A_3618 : vector<1x16xi32> to vector<16xi32>
      %iota3A_3620 = tpu.iota {dimensions = array<i32: 0>} : vector<16xi32>
      %add3A_3621 = arith.constant 16 : i32
      %add3A_3622 = arith.addi %add3A_3577, %add3A_3621 : i32
      %add3A_3623 = vector.broadcast %add3A_3622 : i32 to vector<16xi32>
      %add3A_3624 = arith.addi %iota3A_3620, %add3A_3623 : vector<16xi32>
      %rem3A_3625 = arith.constant 200 : i32
      %rem3A_3626 = vector.broadcast %rem3A_3625 : i32 to vector<16xi32>
      %rem3A_3627 = arith.remsi %add3A_3624, %rem3A_3626 : vector<16xi32>
      %mul3A_3628 = arith.constant 240 : i32
      %mul3A_3629 = vector.broadcast %mul3A_3628 : i32 to vector<16xi32>
      %mul3A_3630 = arith.muli %rem3A_3627, %mul3A_3629 : vector<16xi32>
      %mul3A_3631 = arith.constant 8 : i32
      %mul3A_3632 = vector.broadcast %mul3A_3631 : i32 to vector<16xi32>
      %mul3A_3633 = arith.muli %get3A_3614, %mul3A_3632 : vector<16xi32>
      %add3A_3634 = arith.addi %mul3A_3630, %mul3A_3633 : vector<16xi32>
      %add3A_3635 = arith.addi %add3A_3634, %get3A_3619 : vector<16xi32>
      %swap3A_3636 = arith.constant 4 : i32
      %swap3A_3637 = arith.index_cast %swap3A_3636 : i32 to index
      %swap3A_3638 = arith.constant 16 : index
      %swap3A_3639 = tpu.vector_load %arg8[%swap3A_3637, %swap3A_3638] {strides = array<i32>} : memref<5x128xi32, #tpu.memory_space<vmem>>, vector<1x16xi32>,
      %swap3A_3640 = vector.shape_cast %swap3A_3639 : vector<1x16xi32> to vector<16xi32>
      %swap3A_3641 = vector.shape_cast %add3A_3635 : vector<16xi32> to vector<1x16xi32>
      tpu.vector_store %arg8[%swap3A_3637, %swap3A_3638], %swap3A_3641 {strides = array<i32>} : memref<5x128xi32, #tpu.memory_space<vmem>>, vector<1x16xi32>,
      %get3A_3642 = arith.constant 4 : i32
      %get3A_3643 = arith.index_cast %get3A_3642 : i32 to index
      %get3A_3644 = arith.constant 32 : index
      %get3A_3645 = tpu.vector_load %arg6[%get3A_3643, %get3A_3644] {strides = array<i32>} : memref<5x128xi32, #tpu.memory_space<vmem>>, vector<1x16xi32>,
      %get3A_3646 = vector.shape_cast %get3A_3645 : vector<1x16xi32> to vector<16xi32>
      %get3A_3647 = arith.constant 4 : i32
      %get3A_3648 = arith.index_cast %get3A_3647 : i32 to index
      %get3A_3649 = arith.constant 32 : index
      %get3A_3650 = tpu.vector_load %arg7[%get3A_3648, %get3A_3649] {strides = array<i32>} : memref<5x128xi32, #tpu.memory_space<vmem>>, vector<1x16xi32>,
      %get3A_3651 = vector.shape_cast %get3A_3650 : vector<1x16xi32> to vector<16xi32>
      %iota3A_3652 = tpu.iota {dimensions = array<i32: 0>} : vector<16xi32>
      %add3A_3653 = arith.constant 32 : i32
      %add3A_3654 = arith.addi %add3A_3577, %add3A_3653 : i32
      %add3A_3655 = vector.broadcast %add3A_3654 : i32 to vector<16xi32>
      %add3A_3656 = arith.addi %iota3A_3652, %add3A_3655 : vector<16xi32>
      %rem3A_3657 = arith.constant 200 : i32
      %rem3A_3658 = vector.broadcast %rem3A_3657 : i32 to vector<16xi32>
      %rem3A_3659 = arith.remsi %add3A_3656, %rem3A_3658 : vector<16xi32>
      %mul3A_3660 = arith.constant 240 : i32
      %mul3A_3661 = vector.broadcast %mul3A_3660 : i32 to vector<16xi32>
      %mul3A_3662 = arith.muli %rem3A_3659, %mul3A_3661 : vector<16xi32>
      %mul3A_3663 = arith.constant 8 : i32
      %mul3A_3664 = vector.broadcast %mul3A_3663 : i32 to vector<16xi32>
      %mul3A_3665 = arith.muli %get3A_3646, %mul3A_3664 : vector<16xi32>
      %add3A_3666 = arith.addi %mul3A_3662, %mul3A_3665 : vector<16xi32>
      %add3A_3667 = arith.addi %add3A_3666, %get3A_3651 : vector<16xi32>
      %swap3A_3668 = arith.constant 4 : i32
      %swap3A_3669 = arith.index_cast %swap3A_3668 : i32 to index
      %swap3A_3670 = arith.constant 32 : index
      %swap3A_3671 = tpu.vector_load %arg8[%swap3A_3669, %swap3A_3670] {strides = array<i32>} : memref<5x128xi32, #tpu.memory_space<vmem>>, vector<1x16xi32>,
      %swap3A_3672 = vector.shape_cast %swap3A_3671 : vector<1x16xi32> to vector<16xi32>
      %swap3A_3673 = vector.shape_cast %add3A_3667 : vector<16xi32> to vector<1x16xi32>
      tpu.vector_store %arg8[%swap3A_3669, %swap3A_3670], %swap3A_3673 {strides = array<i32>} : memref<5x128xi32, #tpu.memory_space<vmem>>, vector<1x16xi32>,
      %get3A_3674 = arith.constant 4 : i32
      %get3A_3675 = arith.index_cast %get3A_3674 : i32 to index
      %get3A_3676 = arith.constant 48 : index
      %get3A_3677 = tpu.vector_load %arg6[%get3A_3675, %get3A_3676] {strides = array<i32>} : memref<5x128xi32, #tpu.memory_space<vmem>>, vector<1x16xi32>,
      %get3A_3678 = vector.shape_cast %get3A_3677 : vector<1x16xi32> to vector<16xi32>
      %get3A_3679 = arith.constant 4 : i32
      %get3A_3680 = arith.index_cast %get3A_3679 : i32 to index
      %get3A_3681 = arith.constant 48 : index
      %get3A_3682 = tpu.vector_load %arg7[%get3A_3680, %get3A_3681] {strides = array<i32>} : memref<5x128xi32, #tpu.memory_space<vmem>>, vector<1x16xi32>,
      %get3A_3683 = vector.shape_cast %get3A_3682 : vector<1x16xi32> to vector<16xi32>
      %iota3A_3684 = tpu.iota {dimensions = array<i32: 0>} : vector<16xi32>
      %add3A_3685 = arith.constant 48 : i32
      %add3A_3686 = arith.addi %add3A_3577, %add3A_3685 : i32
      %add3A_3687 = vector.broadcast %add3A_3686 : i32 to vector<16xi32>
      %add3A_3688 = arith.addi %iota3A_3684, %add3A_3687 : vector<16xi32>
      %rem3A_3689 = arith.constant 200 : i32
      %rem3A_3690 = vector.broadcast %rem3A_3689 : i32 to vector<16xi32>
      %rem3A_3691 = arith.remsi %add3A_3688, %rem3A_3690 : vector<16xi32>
      %mul3A_3692 = arith.constant 240 : i32
      %mul3A_3693 = vector.broadcast %mul3A_3692 : i32 to vector<16xi32>
      %mul3A_3694 = arith.muli %rem3A_3691, %mul3A_3693 : vector<16xi32>
      %mul3A_3695 = arith.constant 8 : i32
      %mul3A_3696 = vector.broadcast %mul3A_3695 : i32 to vector<16xi32>
      %mul3A_3697 = arith.muli %get3A_3678, %mul3A_3696 : vector<16xi32>
      %add3A_3698 = arith.addi %mul3A_3694, %mul3A_3697 : vector<16xi32>
      %add3A_3699 = arith.addi %add3A_3698, %get3A_3683 : vector<16xi32>
      %swap3A_3700 = arith.constant 4 : i32
      %swap3A_3701 = arith.index_cast %swap3A_3700 : i32 to index
      %swap3A_3702 = arith.constant 48 : index
      %swap3A_3703 = tpu.vector_load %arg8[%swap3A_3701, %swap3A_3702] {strides = array<i32>} : memref<5x128xi32, #tpu.memory_space<vmem>>, vector<1x16xi32>,
      %swap3A_3704 = vector.shape_cast %swap3A_3703 : vector<1x16xi32> to vector<16xi32>
      %swap3A_3705 = vector.shape_cast %add3A_3699 : vector<16xi32> to vector<1x16xi32>
      tpu.vector_store %arg8[%swap3A_3701, %swap3A_3702], %swap3A_3705 {strides = array<i32>} : memref<5x128xi32, #tpu.memory_space<vmem>>, vector<1x16xi32>,
      %get3A_3706 = arith.constant 4 : i32
      %get3A_3707 = arith.index_cast %get3A_3706 : i32 to index
      %get3A_3708 = arith.constant 64 : index
      %get3A_3709 = tpu.vector_load %arg6[%get3A_3707, %get3A_3708] {strides = array<i32>} : memref<5x128xi32, #tpu.memory_space<vmem>>, vector<1x16xi32>,
      %get3A_3710 = vector.shape_cast %get3A_3709 : vector<1x16xi32> to vector<16xi32>
      %get3A_3711 = arith.constant 4 : i32
      %get3A_3712 = arith.index_cast %get3A_3711 : i32 to index
      %get3A_3713 = arith.constant 64 : index
      %get3A_3714 = tpu.vector_load %arg7[%get3A_3712, %get3A_3713] {strides = array<i32>} : memref<5x128xi32, #tpu.memory_space<vmem>>, vector<1x16xi32>,
      %get3A_3715 = vector.shape_cast %get3A_3714 : vector<1x16xi32> to vector<16xi32>
      %iota3A_3716 = tpu.iota {dimensions = array<i32: 0>} : vector<16xi32>
      %add3A_3717 = arith.constant 64 : i32
      %add3A_3718 = arith.addi %add3A_3577, %add3A_3717 : i32
      %add3A_3719 = vector.broadcast %add3A_3718 : i32 to vector<16xi32>
      %add3A_3720 = arith.addi %iota3A_3716, %add3A_3719 : vector<16xi32>
      %rem3A_3721 = arith.constant 200 : i32
      %rem3A_3722 = vector.broadcast %rem3A_3721 : i32 to vector<16xi32>
      %rem3A_3723 = arith.remsi %add3A_3720, %rem3A_3722 : vector<16xi32>
      %mul3A_3724 = arith.constant 240 : i32
      %mul3A_3725 = vector.broadcast %mul3A_3724 : i32 to vector<16xi32>
      %mul3A_3726 = arith.muli %rem3A_3723, %mul3A_3725 : vector<16xi32>
      %mul3A_3727 = arith.constant 8 : i32
      %mul3A_3728 = vector.broadcast %mul3A_3727 : i32 to vector<16xi32>
      %mul3A_3729 = arith.muli %get3A_3710, %mul3A_3728 : vector<16xi32>
      %add3A_3730 = arith.addi %mul3A_3726, %mul3A_3729 : vector<16xi32>
      %add3A_3731 = arith.addi %add3A_3730, %get3A_3715 : vector<16xi32>
      %swap3A_3732 = arith.constant 4 : i32
      %swap3A_3733 = arith.index_cast %swap3A_3732 : i32 to index
      %swap3A_3734 = arith.constant 64 : index
      %swap3A_3735 = tpu.vector_load %arg8[%swap3A_3733, %swap3A_3734] {strides = array<i32>} : memref<5x128xi32, #tpu.memory_space<vmem>>, vector<1x16xi32>,
      %swap3A_3736 = vector.shape_cast %swap3A_3735 : vector<1x16xi32> to vector<16xi32>
      %swap3A_3737 = vector.shape_cast %add3A_3731 : vector<16xi32> to vector<1x16xi32>
      tpu.vector_store %arg8[%swap3A_3733, %swap3A_3734], %swap3A_3737 {strides = array<i32>} : memref<5x128xi32, #tpu.memory_space<vmem>>, vector<1x16xi32>,
      %get3A_3738 = arith.constant 4 : i32
      %get3A_3739 = arith.index_cast %get3A_3738 : i32 to index
      %get3A_3740 = arith.constant 80 : index
      %get3A_3741 = tpu.vector_load %arg6[%get3A_3739, %get3A_3740] {strides = array<i32>} : memref<5x128xi32, #tpu.memory_space<vmem>>, vector<1x16xi32>,
      %get3A_3742 = vector.shape_cast %get3A_3741 : vector<1x16xi32> to vector<16xi32>
      %get3A_3743 = arith.constant 4 : i32
      %get3A_3744 = arith.index_cast %get3A_3743 : i32 to index
      %get3A_3745 = arith.constant 80 : index
      %get3A_3746 = tpu.vector_load %arg7[%get3A_3744, %get3A_3745] {strides = array<i32>} : memref<5x128xi32, #tpu.memory_space<vmem>>, vector<1x16xi32>,
      %get3A_3747 = vector.shape_cast %get3A_3746 : vector<1x16xi32> to vector<16xi32>
      %iota3A_3748 = tpu.iota {dimensions = array<i32: 0>} : vector<16xi32>
      %add3A_3749 = arith.constant 80 : i32
      %add3A_3750 = arith.addi %add3A_3577, %add3A_3749 : i32
      %add3A_3751 = vector.broadcast %add3A_3750 : i32 to vector<16xi32>
      %add3A_3752 = arith.addi %iota3A_3748, %add3A_3751 : vector<16xi32>
      %rem3A_3753 = arith.constant 200 : i32
      %rem3A_3754 = vector.broadcast %rem3A_3753 : i32 to vector<16xi32>
      %rem3A_3755 = arith.remsi %add3A_3752, %rem3A_3754 : vector<16xi32>
      %mul3A_3756 = arith.constant 240 : i32
      %mul3A_3757 = vector.broadcast %mul3A_3756 : i32 to vector<16xi32>
      %mul3A_3758 = arith.muli %rem3A_3755, %mul3A_3757 : vector<16xi32>
      %mul3A_3759 = arith.constant 8 : i32
      %mul3A_3760 = vector.broadcast %mul3A_3759 : i32 to vector<16xi32>
      %mul3A_3761 = arith.muli %get3A_3742, %mul3A_3760 : vector<16xi32>
      %add3A_3762 = arith.addi %mul3A_3758, %mul3A_3761 : vector<16xi32>
      %add3A_3763 = arith.addi %add3A_3762, %get3A_3747 : vector<16xi32>
      %swap3A_3764 = arith.constant 4 : i32
      %swap3A_3765 = arith.index_cast %swap3A_3764 : i32 to index
      %swap3A_3766 = arith.constant 80 : index
      %swap3A_3767 = tpu.vector_load %arg8[%swap3A_3765, %swap3A_3766] {strides = array<i32>} : memref<5x128xi32, #tpu.memory_space<vmem>>, vector<1x16xi32>,
      %swap3A_3768 = vector.shape_cast %swap3A_3767 : vector<1x16xi32> to vector<16xi32>
      %swap3A_3769 = vector.shape_cast %add3A_3763 : vector<16xi32> to vector<1x16xi32>
      tpu.vector_store %arg8[%swap3A_3765, %swap3A_3766], %swap3A_3769 {strides = array<i32>} : memref<5x128xi32, #tpu.memory_space<vmem>>, vector<1x16xi32>,
      %get3A_3770 = arith.constant 4 : i32
      %get3A_3771 = arith.index_cast %get3A_3770 : i32 to index
      %get3A_3772 = arith.constant 96 : index
      %get3A_3773 = tpu.vector_load %arg6[%get3A_3771, %get3A_3772] {strides = array<i32>} : memref<5x128xi32, #tpu.memory_space<vmem>>, vector<1x16xi32>,
      %get3A_3774 = vector.shape_cast %get3A_3773 : vector<1x16xi32> to vector<16xi32>
      %get3A_3775 = arith.constant 4 : i32
      %get3A_3776 = arith.index_cast %get3A_3775 : i32 to index
      %get3A_3777 = arith.constant 96 : index
      %get3A_3778 = tpu.vector_load %arg7[%get3A_3776, %get3A_3777] {strides = array<i32>} : memref<5x128xi32, #tpu.memory_space<vmem>>, vector<1x16xi32>,
      %get3A_3779 = vector.shape_cast %get3A_3778 : vector<1x16xi32> to vector<16xi32>
      %iota3A_3780 = tpu.iota {dimensions = array<i32: 0>} : vector<16xi32>
      %add3A_3781 = arith.constant 96 : i32
      %add3A_3782 = arith.addi %add3A_3577, %add3A_3781 : i32
      %add3A_3783 = vector.broadcast %add3A_3782 : i32 to vector<16xi32>
      %add3A_3784 = arith.addi %iota3A_3780, %add3A_3783 : vector<16xi32>
      %rem3A_3785 = arith.constant 200 : i32
      %rem3A_3786 = vector.broadcast %rem3A_3785 : i32 to vector<16xi32>
      %rem3A_3787 = arith.remsi %add3A_3784, %rem3A_3786 : vector<16xi32>
      %mul3A_3788 = arith.constant 240 : i32
      %mul3A_3789 = vector.broadcast %mul3A_3788 : i32 to vector<16xi32>
      %mul3A_3790 = arith.muli %rem3A_3787, %mul3A_3789 : vector<16xi32>
      %mul3A_3791 = arith.constant 8 : i32
      %mul3A_3792 = vector.broadcast %mul3A_3791 : i32 to vector<16xi32>
      %mul3A_3793 = arith.muli %get3A_3774, %mul3A_3792 : vector<16xi32>
      %add3A_3794 = arith.addi %mul3A_3790, %mul3A_3793 : vector<16xi32>
      %add3A_3795 = arith.addi %add3A_3794, %get3A_3779 : vector<16xi32>
      %swap3A_3796 = arith.constant 4 : i32
      %swap3A_3797 = arith.index_cast %swap3A_3796 : i32 to index
      %swap3A_3798 = arith.constant 96 : index
      %swap3A_3799 = tpu.vector_load %arg8[%swap3A_3797, %swap3A_3798] {strides = array<i32>} : memref<5x128xi32, #tpu.memory_space<vmem>>, vector<1x16xi32>,
      %swap3A_3800 = vector.shape_cast %swap3A_3799 : vector<1x16xi32> to vector<16xi32>
      %swap3A_3801 = vector.shape_cast %add3A_3795 : vector<16xi32> to vector<1x16xi32>
      tpu.vector_store %arg8[%swap3A_3797, %swap3A_3798], %swap3A_3801 {strides = array<i32>} : memref<5x128xi32, #tpu.memory_space<vmem>>, vector<1x16xi32>,
      %get3A_3802 = arith.constant 4 : i32
      %get3A_3803 = arith.index_cast %get3A_3802 : i32 to index
      %get3A_3804 = arith.constant 112 : index
      %get3A_3805 = tpu.vector_load %arg6[%get3A_3803, %get3A_3804] {strides = array<i32>} : memref<5x128xi32, #tpu.memory_space<vmem>>, vector<1x16xi32>,
      %get3A_3806 = vector.shape_cast %get3A_3805 : vector<1x16xi32> to vector<16xi32>
      %get3A_3807 = arith.constant 4 : i32
      %get3A_3808 = arith.index_cast %get3A_3807 : i32 to index
      %get3A_3809 = arith.constant 112 : index
      %get3A_3810 = tpu.vector_load %arg7[%get3A_3808, %get3A_3809] {strides = array<i32>} : memref<5x128xi32, #tpu.memory_space<vmem>>, vector<1x16xi32>,
      %get3A_3811 = vector.shape_cast %get3A_3810 : vector<1x16xi32> to vector<16xi32>
      %iota3A_3812 = tpu.iota {dimensions = array<i32: 0>} : vector<16xi32>
      %add3A_3813 = arith.constant 112 : i32
      %add3A_3814 = arith.addi %add3A_3577, %add3A_3813 : i32
      %add3A_3815 = vector.broadcast %add3A_3814 : i32 to vector<16xi32>
      %add3A_3816 = arith.addi %iota3A_3812, %add3A_3815 : vector<16xi32>
      %rem3A_3817 = arith.constant 200 : i32
      %rem3A_3818 = vector.broadcast %rem3A_3817 : i32 to vector<16xi32>
      %rem3A_3819 = arith.remsi %add3A_3816, %rem3A_3818 : vector<16xi32>
      %mul3A_3820 = arith.constant 240 : i32
      %mul3A_3821 = vector.broadcast %mul3A_3820 : i32 to vector<16xi32>
      %mul3A_3822 = arith.muli %rem3A_3819, %mul3A_3821 : vector<16xi32>
      %mul3A_3823 = arith.constant 8 : i32
      %mul3A_3824 = vector.broadcast %mul3A_3823 : i32 to vector<16xi32>
      %mul3A_3825 = arith.muli %get3A_3806, %mul3A_3824 : vector<16xi32>
      %add3A_3826 = arith.addi %mul3A_3822, %mul3A_3825 : vector<16xi32>
      %add3A_3827 = arith.addi %add3A_3826, %get3A_3811 : vector<16xi32>
      %swap3A_3828 = arith.constant 4 : i32
      %swap3A_3829 = arith.index_cast %swap3A_3828 : i32 to index
      %swap3A_3830 = arith.constant 112 : index
      %swap3A_3831 = tpu.vector_load %arg8[%swap3A_3829, %swap3A_3830] {strides = array<i32>} : memref<5x128xi32, #tpu.memory_space<vmem>>, vector<1x16xi32>,
      %swap3A_3832 = vector.shape_cast %swap3A_3831 : vector<1x16xi32> to vector<16xi32>
      %swap3A_3833 = vector.shape_cast %add3A_3827 : vector<16xi32> to vector<1x16xi32>
      tpu.vector_store %arg8[%swap3A_3829, %swap3A_3830], %swap3A_3833 {strides = array<i32>} : memref<5x128xi32, #tpu.memory_space<vmem>>, vector<1x16xi32>,
      %mul3A_3834 = arith.constant 128 : i32
      %mul3A_3835 = arith.muli %add3A_3477, %mul3A_3834 : i32
      %add3A_3836 = arith.addi %mul3A_2, %mul3A_3835 : i32
      %multiple_of3A_3837 = tpu.assume_multiple %add3A_3836, 8 : i32
      %dma_wait3A_3838 = arith.constant 4 : i32
      %dma_wait3A_3839 = arith.constant 4 : i32
      %dma_wait3A_3840 = arith.constant 0 : i32
      %dma_wait3A_3841 = arith.constant 0 : i32
      %dma_wait3A_3842 = tpu.memref_slice %arg9[%dma_wait3A_3838, %dma_wait3A_3840, %dma_wait3A_3841] : memref<5x128x128xf32, #tpu.memory_space<vmem>> -> memref<1x128x128xf32, #tpu.memory_space<vmem>>
      %dma_wait3A_3843 = tpu.memref_squeeze %dma_wait3A_3842 : memref<1x128x128xf32, #tpu.memory_space<vmem>> -> memref<128x128xf32, #tpu.memory_space<vmem>>
      %dma_wait3A_3844 = arith.constant 0 : i32
      %dma_wait3A_3845 = tpu.memref_slice %arg5[%multiple_of3A_3837, %dma_wait3A_3844] : memref<204800x128xf32, #tpu.memory_space<hbm>> -> memref<128x128xf32, #tpu.memory_space<hbm>>
      %dma_wait3A_3846 = tpu.memref_slice %arg12[%dma_wait3A_3839] : memref<5x!tpu.dma_semaphore, #tpu.memory_space<semaphore_mem>> -> memref<1x!tpu.dma_semaphore, #tpu.memory_space<semaphore_mem>>
      %dma_wait3A_3847 = tpu.memref_squeeze %dma_wait3A_3846 : memref<1x!tpu.dma_semaphore, #tpu.memory_space<semaphore_mem>> -> memref<!tpu.dma_semaphore, #tpu.memory_space<semaphore_mem>>
      %dma_wait3A_3848 = arith.constant 0 : i32
      %dma_wait3A_3849 = tpu.memref_slice %arg5[%multiple_of3A_3837, %dma_wait3A_3848] : memref<204800x128xf32, #tpu.memory_space<hbm>> -> memref<128x128xf32, #tpu.memory_space<hbm>>
      %dma_wait3A_3850 = arith.constant 0 : i32
      %dma_wait3A_3851 = arith.constant 0 : i32
      %dma_wait3A_3852 = tpu.memref_slice %arg9[%dma_wait3A_3838, %dma_wait3A_3850, %dma_wait3A_3851] : memref<5x128x128xf32, #tpu.memory_space<vmem>> -> memref<1x128x128xf32, #tpu.memory_space<vmem>>
      %dma_wait3A_3853 = tpu.memref_squeeze %dma_wait3A_3852 : memref<1x128x128xf32, #tpu.memory_space<vmem>> -> memref<128x128xf32, #tpu.memory_space<vmem>>
      tpu.wait_dma2 semaphore(%dma_wait3A_3847 : memref<!tpu.dma_semaphore, #tpu.memory_space<semaphore_mem>>) src(%dma_wait3A_3853 : memref<128x128xf32, #tpu.memory_space<vmem>>) dst(%dma_wait3A_3849 : memref<128x128xf32, #tpu.memory_space<hbm>>)
      %dma_start3A_3854 = arith.constant 4 : i32
      %dma_start3A_3855 = arith.constant 4 : i32
      %dma_start3A_3856 = arith.constant 4 : i32
      %dma_start3A_3857 = arith.constant 0 : i32
      %dma_start3A_3858 = arith.constant 0 : i32
      %dma_start3A_3859 = tpu.memref_slice %arg9[%dma_start3A_3855, %dma_start3A_3857, %dma_start3A_3858] : memref<5x128x128xf32, #tpu.memory_space<vmem>> -> memref<1x128x128xf32, #tpu.memory_space<vmem>>
      %dma_start3A_3860 = tpu.memref_squeeze %dma_start3A_3859 : memref<1x128x128xf32, #tpu.memory_space<vmem>> -> memref<128x128xf32, #tpu.memory_space<vmem>>
      %dma_start3A_3861 = arith.constant 0 : i32
      %dma_start3A_3862 = tpu.memref_slice %arg8[%dma_start3A_3854, %dma_start3A_3861] : memref<5x128xi32, #tpu.memory_space<vmem>> -> memref<1x128xi32, #tpu.memory_space<vmem>>
      %dma_start3A_3863 = tpu.memref_squeeze %dma_start3A_3862 : memref<1x128xi32, #tpu.memory_space<vmem>> -> memref<128xi32, #tpu.memory_space<vmem>>
      %dma_start3A_3864 = arith.constant 0 : i32
      %dma_start3A_3865 = arith.constant 0 : i32
      %dma_start3A_3866 = tpu.memref_slice %arg4[%dma_start3A_3864, %dma_start3A_3865] : memref<48000x128xf32, #tpu.memory_space<hbm>> -> memref<48000x128xf32, #tpu.memory_space<hbm>>
      %dma_start3A_3867 = tpu.memref_slice %arg11[%dma_start3A_3856] : memref<5x!tpu.dma_semaphore, #tpu.memory_space<semaphore_mem>> -> memref<1x!tpu.dma_semaphore, #tpu.memory_space<semaphore_mem>>
      %dma_start3A_3868 = tpu.memref_squeeze %dma_start3A_3867 : memref<1x!tpu.dma_semaphore, #tpu.memory_space<semaphore_mem>> -> memref<!tpu.dma_semaphore, #tpu.memory_space<semaphore_mem>>
      tpu.enqueue_indirect_dma source(%dma_start3A_3866 : memref<48000x128xf32, #tpu.memory_space<hbm>>) target(%dma_start3A_3860 : memref<128x128xf32, #tpu.memory_space<vmem>>) offsets(%dma_start3A_3863 : memref<128xi32, #tpu.memory_space<vmem>>) semaphore(%dma_start3A_3868 : memref<!tpu.dma_semaphore, #tpu.memory_space<semaphore_mem>>)
    }
    %scan3A_1635 = arith.constant 9 : i32
    %dma_wait3A_1636 = arith.constant 0 : i32
    %dma_wait3A_1637 = arith.constant 0 : i32
    %dma_wait3A_1638 = arith.constant 0 : i32
    %dma_wait3A_1639 = arith.constant 0 : i32
    %dma_wait3A_1640 = arith.constant 0 : i32
    %dma_wait3A_1641 = tpu.memref_slice %arg9[%dma_wait3A_1637, %dma_wait3A_1639, %dma_wait3A_1640] : memref<5x128x128xf32, #tpu.memory_space<vmem>> -> memref<1x128x128xf32, #tpu.memory_space<vmem>>
    %dma_wait3A_1642 = tpu.memref_squeeze %dma_wait3A_1641 : memref<1x128x128xf32, #tpu.memory_space<vmem>> -> memref<128x128xf32, #tpu.memory_space<vmem>>
    %dma_wait3A_1643 = arith.constant 0 : i32
    %dma_wait3A_1644 = tpu.memref_slice %arg8[%dma_wait3A_1636, %dma_wait3A_1643] : memref<5x128xi32, #tpu.memory_space<vmem>> -> memref<1x128xi32, #tpu.memory_space<vmem>>
    %dma_wait3A_1645 = tpu.memref_squeeze %dma_wait3A_1644 : memref<1x128xi32, #tpu.memory_space<vmem>> -> memref<128xi32, #tpu.memory_space<vmem>>
    %dma_wait3A_1646 = arith.constant 0 : i32
    %dma_wait3A_1647 = arith.constant 0 : i32
    %dma_wait3A_1648 = tpu.memref_slice %arg4[%dma_wait3A_1646, %dma_wait3A_1647] : memref<48000x128xf32, #tpu.memory_space<hbm>> -> memref<48000x128xf32, #tpu.memory_space<hbm>>
    %dma_wait3A_1649 = tpu.memref_slice %arg11[%dma_wait3A_1638] : memref<5x!tpu.dma_semaphore, #tpu.memory_space<semaphore_mem>> -> memref<1x!tpu.dma_semaphore, #tpu.memory_space<semaphore_mem>>
    %dma_wait3A_1650 = tpu.memref_squeeze %dma_wait3A_1649 : memref<1x!tpu.dma_semaphore, #tpu.memory_space<semaphore_mem>> -> memref<!tpu.dma_semaphore, #tpu.memory_space<semaphore_mem>>
    tpu.wait_indirect_dma semaphore(%dma_wait3A_1650 : memref<!tpu.dma_semaphore, #tpu.memory_space<semaphore_mem>>) src(%dma_wait3A_1648 : memref<48000x128xf32, #tpu.memory_space<hbm>>) dst(%dma_wait3A_1642 : memref<128x128xf32, #tpu.memory_space<vmem>>)
    %add3A_1651 = arith.constant 5760 : i32
    %add3A_1652 = arith.addi %mul3A_2, %add3A_1651 : i32
    %multiple_of3A_1653 = tpu.assume_multiple %add3A_1652, 8 : i32
    %dma_start3A_1654 = arith.constant 0 : i32
    %dma_start3A_1655 = arith.constant 0 : i32
    %dma_start3A_1656 = arith.constant 0 : i32
    %dma_start3A_1657 = arith.constant 0 : i32
    %dma_start3A_1658 = tpu.memref_slice %arg9[%dma_start3A_1654, %dma_start3A_1656, %dma_start3A_1657] : memref<5x128x128xf32, #tpu.memory_space<vmem>> -> memref<1x128x128xf32, #tpu.memory_space<vmem>>
    %dma_start3A_1659 = tpu.memref_squeeze %dma_start3A_1658 : memref<1x128x128xf32, #tpu.memory_space<vmem>> -> memref<128x128xf32, #tpu.memory_space<vmem>>
    %dma_start3A_1660 = arith.constant 0 : i32
    %dma_start3A_1661 = tpu.memref_slice %arg5[%multiple_of3A_1653, %dma_start3A_1660] : memref<204800x128xf32, #tpu.memory_space<hbm>> -> memref<128x128xf32, #tpu.memory_space<hbm>>
    %dma_start3A_1662 = tpu.memref_slice %arg12[%dma_start3A_1655] : memref<5x!tpu.dma_semaphore, #tpu.memory_space<semaphore_mem>> -> memref<1x!tpu.dma_semaphore, #tpu.memory_space<semaphore_mem>>
    %dma_start3A_1663 = tpu.memref_squeeze %dma_start3A_1662 : memref<1x!tpu.dma_semaphore, #tpu.memory_space<semaphore_mem>> -> memref<!tpu.dma_semaphore, #tpu.memory_space<semaphore_mem>>
    %dma_start3A_1664 = arith.constant 0 : i32
    %dma_start3A_1665 = tpu.memref_slice %arg5[%multiple_of3A_1653, %dma_start3A_1664] : memref<204800x128xf32, #tpu.memory_space<hbm>> -> memref<128x128xf32, #tpu.memory_space<hbm>>
    %dma_start3A_1666 = arith.constant 0 : i32
    %dma_start3A_1667 = arith.constant 0 : i32
    %dma_start3A_1668 = tpu.memref_slice %arg9[%dma_start3A_1654, %dma_start3A_1666, %dma_start3A_1667] : memref<5x128x128xf32, #tpu.memory_space<vmem>> -> memref<1x128x128xf32, #tpu.memory_space<vmem>>
    %dma_start3A_1669 = tpu.memref_squeeze %dma_start3A_1668 : memref<1x128x128xf32, #tpu.memory_space<vmem>> -> memref<128x128xf32, #tpu.memory_space<vmem>>
    tpu.enqueue_dma source(%dma_start3A_1669 : memref<128x128xf32, #tpu.memory_space<vmem>>) target(%dma_start3A_1665 : memref<128x128xf32, #tpu.memory_space<hbm>>) target_semaphore(%dma_start3A_1663 : memref<!tpu.dma_semaphore, #tpu.memory_space<semaphore_mem>>)
    %dma_wait3A_1670 = arith.constant 1 : i32
    %dma_wait3A_1671 = arith.constant 1 : i32
    %dma_wait3A_1672 = arith.constant 1 : i32
    %dma_wait3A_1673 = arith.constant 0 : i32
    %dma_wait3A_1674 = arith.constant 0 : i32
    %dma_wait3A_1675 = tpu.memref_slice %arg9[%dma_wait3A_1671, %dma_wait3A_1673, %dma_wait3A_1674] : memref<5x128x128xf32, #tpu.memory_space<vmem>> -> memref<1x128x128xf32, #tpu.memory_space<vmem>>
    %dma_wait3A_1676 = tpu.memref_squeeze %dma_wait3A_1675 : memref<1x128x128xf32, #tpu.memory_space<vmem>> -> memref<128x128xf32, #tpu.memory_space<vmem>>
    %dma_wait3A_1677 = arith.constant 0 : i32
    %dma_wait3A_1678 = tpu.memref_slice %arg8[%dma_wait3A_1670, %dma_wait3A_1677] : memref<5x128xi32, #tpu.memory_space<vmem>> -> memref<1x128xi32, #tpu.memory_space<vmem>>
    %dma_wait3A_1679 = tpu.memref_squeeze %dma_wait3A_1678 : memref<1x128xi32, #tpu.memory_space<vmem>> -> memref<128xi32, #tpu.memory_space<vmem>>
    %dma_wait3A_1680 = arith.constant 0 : i32
    %dma_wait3A_1681 = arith.constant 0 : i32
    %dma_wait3A_1682 = tpu.memref_slice %arg4[%dma_wait3A_1680, %dma_wait3A_1681] : memref<48000x128xf32, #tpu.memory_space<hbm>> -> memref<48000x128xf32, #tpu.memory_space<hbm>>
    %dma_wait3A_1683 = tpu.memref_slice %arg11[%dma_wait3A_1672] : memref<5x!tpu.dma_semaphore, #tpu.memory_space<semaphore_mem>> -> memref<1x!tpu.dma_semaphore, #tpu.memory_space<semaphore_mem>>
    %dma_wait3A_1684 = tpu.memref_squeeze %dma_wait3A_1683 : memref<1x!tpu.dma_semaphore, #tpu.memory_space<semaphore_mem>> -> memref<!tpu.dma_semaphore, #tpu.memory_space<semaphore_mem>>
    tpu.wait_indirect_dma semaphore(%dma_wait3A_1684 : memref<!tpu.dma_semaphore, #tpu.memory_space<semaphore_mem>>) src(%dma_wait3A_1682 : memref<48000x128xf32, #tpu.memory_space<hbm>>) dst(%dma_wait3A_1676 : memref<128x128xf32, #tpu.memory_space<vmem>>)
    %add3A_1685 = arith.constant 5888 : i32
    %add3A_1686 = arith.addi %mul3A_2, %add3A_1685 : i32
    %multiple_of3A_1687 = tpu.assume_multiple %add3A_1686, 8 : i32
    %dma_start3A_1688 = arith.constant 1 : i32
    %dma_start3A_1689 = arith.constant 1 : i32
    %dma_start3A_1690 = arith.constant 0 : i32
    %dma_start3A_1691 = arith.constant 0 : i32
    %dma_start3A_1692 = tpu.memref_slice %arg9[%dma_start3A_1688, %dma_start3A_1690, %dma_start3A_1691] : memref<5x128x128xf32, #tpu.memory_space<vmem>> -> memref<1x128x128xf32, #tpu.memory_space<vmem>>
    %dma_start3A_1693 = tpu.memref_squeeze %dma_start3A_1692 : memref<1x128x128xf32, #tpu.memory_space<vmem>> -> memref<128x128xf32, #tpu.memory_space<vmem>>
    %dma_start3A_1694 = arith.constant 0 : i32
    %dma_start3A_1695 = tpu.memref_slice %arg5[%multiple_of3A_1687, %dma_start3A_1694] : memref<204800x128xf32, #tpu.memory_space<hbm>> -> memref<128x128xf32, #tpu.memory_space<hbm>>
    %dma_start3A_1696 = tpu.memref_slice %arg12[%dma_start3A_1689] : memref<5x!tpu.dma_semaphore, #tpu.memory_space<semaphore_mem>> -> memref<1x!tpu.dma_semaphore, #tpu.memory_space<semaphore_mem>>
    %dma_start3A_1697 = tpu.memref_squeeze %dma_start3A_1696 : memref<1x!tpu.dma_semaphore, #tpu.memory_space<semaphore_mem>> -> memref<!tpu.dma_semaphore, #tpu.memory_space<semaphore_mem>>
    %dma_start3A_1698 = arith.constant 0 : i32
    %dma_start3A_1699 = tpu.memref_slice %arg5[%multiple_of3A_1687, %dma_start3A_1698] : memref<204800x128xf32, #tpu.memory_space<hbm>> -> memref<128x128xf32, #tpu.memory_space<hbm>>
    %dma_start3A_1700 = arith.constant 0 : i32
    %dma_start3A_1701 = arith.constant 0 : i32
    %dma_start3A_1702 = tpu.memref_slice %arg9[%dma_start3A_1688, %dma_start3A_1700, %dma_start3A_1701] : memref<5x128x128xf32, #tpu.memory_space<vmem>> -> memref<1x128x128xf32, #tpu.memory_space<vmem>>
    %dma_start3A_1703 = tpu.memref_squeeze %dma_start3A_1702 : memref<1x128x128xf32, #tpu.memory_space<vmem>> -> memref<128x128xf32, #tpu.memory_space<vmem>>
    tpu.enqueue_dma source(%dma_start3A_1703 : memref<128x128xf32, #tpu.memory_space<vmem>>) target(%dma_start3A_1699 : memref<128x128xf32, #tpu.memory_space<hbm>>) target_semaphore(%dma_start3A_1697 : memref<!tpu.dma_semaphore, #tpu.memory_space<semaphore_mem>>)
    %dma_wait3A_1704 = arith.constant 2 : i32
    %dma_wait3A_1705 = arith.constant 2 : i32
    %dma_wait3A_1706 = arith.constant 2 : i32
    %dma_wait3A_1707 = arith.constant 0 : i32
    %dma_wait3A_1708 = arith.constant 0 : i32
    %dma_wait3A_1709 = tpu.memref_slice %arg9[%dma_wait3A_1705, %dma_wait3A_1707, %dma_wait3A_1708] : memref<5x128x128xf32, #tpu.memory_space<vmem>> -> memref<1x128x128xf32, #tpu.memory_space<vmem>>
    %dma_wait3A_1710 = tpu.memref_squeeze %dma_wait3A_1709 : memref<1x128x128xf32, #tpu.memory_space<vmem>> -> memref<128x128xf32, #tpu.memory_space<vmem>>
    %dma_wait3A_1711 = arith.constant 0 : i32
    %dma_wait3A_1712 = tpu.memref_slice %arg8[%dma_wait3A_1704, %dma_wait3A_1711] : memref<5x128xi32, #tpu.memory_space<vmem>> -> memref<1x128xi32, #tpu.memory_space<vmem>>
    %dma_wait3A_1713 = tpu.memref_squeeze %dma_wait3A_1712 : memref<1x128xi32, #tpu.memory_space<vmem>> -> memref<128xi32, #tpu.memory_space<vmem>>
    %dma_wait3A_1714 = arith.constant 0 : i32
    %dma_wait3A_1715 = arith.constant 0 : i32
    %dma_wait3A_1716 = tpu.memref_slice %arg4[%dma_wait3A_1714, %dma_wait3A_1715] : memref<48000x128xf32, #tpu.memory_space<hbm>> -> memref<48000x128xf32, #tpu.memory_space<hbm>>
    %dma_wait3A_1717 = tpu.memref_slice %arg11[%dma_wait3A_1706] : memref<5x!tpu.dma_semaphore, #tpu.memory_space<semaphore_mem>> -> memref<1x!tpu.dma_semaphore, #tpu.memory_space<semaphore_mem>>
    %dma_wait3A_1718 = tpu.memref_squeeze %dma_wait3A_1717 : memref<1x!tpu.dma_semaphore, #tpu.memory_space<semaphore_mem>> -> memref<!tpu.dma_semaphore, #tpu.memory_space<semaphore_mem>>
    tpu.wait_indirect_dma semaphore(%dma_wait3A_1718 : memref<!tpu.dma_semaphore, #tpu.memory_space<semaphore_mem>>) src(%dma_wait3A_1716 : memref<48000x128xf32, #tpu.memory_space<hbm>>) dst(%dma_wait3A_1710 : memref<128x128xf32, #tpu.memory_space<vmem>>)
    %add3A_1719 = arith.constant 6016 : i32
    %add3A_1720 = arith.addi %mul3A_2, %add3A_1719 : i32
    %multiple_of3A_1721 = tpu.assume_multiple %add3A_1720, 8 : i32
    %dma_start3A_1722 = arith.constant 2 : i32
    %dma_start3A_1723 = arith.constant 2 : i32
    %dma_start3A_1724 = arith.constant 0 : i32
    %dma_start3A_1725 = arith.constant 0 : i32
    %dma_start3A_1726 = tpu.memref_slice %arg9[%dma_start3A_1722, %dma_start3A_1724, %dma_start3A_1725] : memref<5x128x128xf32, #tpu.memory_space<vmem>> -> memref<1x128x128xf32, #tpu.memory_space<vmem>>
    %dma_start3A_1727 = tpu.memref_squeeze %dma_start3A_1726 : memref<1x128x128xf32, #tpu.memory_space<vmem>> -> memref<128x128xf32, #tpu.memory_space<vmem>>
    %dma_start3A_1728 = arith.constant 0 : i32
    %dma_start3A_1729 = tpu.memref_slice %arg5[%multiple_of3A_1721, %dma_start3A_1728] : memref<204800x128xf32, #tpu.memory_space<hbm>> -> memref<128x128xf32, #tpu.memory_space<hbm>>
    %dma_start3A_1730 = tpu.memref_slice %arg12[%dma_start3A_1723] : memref<5x!tpu.dma_semaphore, #tpu.memory_space<semaphore_mem>> -> memref<1x!tpu.dma_semaphore, #tpu.memory_space<semaphore_mem>>
    %dma_start3A_1731 = tpu.memref_squeeze %dma_start3A_1730 : memref<1x!tpu.dma_semaphore, #tpu.memory_space<semaphore_mem>> -> memref<!tpu.dma_semaphore, #tpu.memory_space<semaphore_mem>>
    %dma_start3A_1732 = arith.constant 0 : i32
    %dma_start3A_1733 = tpu.memref_slice %arg5[%multiple_of3A_1721, %dma_start3A_1732] : memref<204800x128xf32, #tpu.memory_space<hbm>> -> memref<128x128xf32, #tpu.memory_space<hbm>>
    %dma_start3A_1734 = arith.constant 0 : i32
    %dma_start3A_1735 = arith.constant 0 : i32
    %dma_start3A_1736 = tpu.memref_slice %arg9[%dma_start3A_1722, %dma_start3A_1734, %dma_start3A_1735] : memref<5x128x128xf32, #tpu.memory_space<vmem>> -> memref<1x128x128xf32, #tpu.memory_space<vmem>>
    %dma_start3A_1737 = tpu.memref_squeeze %dma_start3A_1736 : memref<1x128x128xf32, #tpu.memory_space<vmem>> -> memref<128x128xf32, #tpu.memory_space<vmem>>
    tpu.enqueue_dma source(%dma_start3A_1737 : memref<128x128xf32, #tpu.memory_space<vmem>>) target(%dma_start3A_1733 : memref<128x128xf32, #tpu.memory_space<hbm>>) target_semaphore(%dma_start3A_1731 : memref<!tpu.dma_semaphore, #tpu.memory_space<semaphore_mem>>)
    %dma_wait3A_1738 = arith.constant 3 : i32
    %dma_wait3A_1739 = arith.constant 3 : i32
    %dma_wait3A_1740 = arith.constant 3 : i32
    %dma_wait3A_1741 = arith.constant 0 : i32
    %dma_wait3A_1742 = arith.constant 0 : i32
    %dma_wait3A_1743 = tpu.memref_slice %arg9[%dma_wait3A_1739, %dma_wait3A_1741, %dma_wait3A_1742] : memref<5x128x128xf32, #tpu.memory_space<vmem>> -> memref<1x128x128xf32, #tpu.memory_space<vmem>>
    %dma_wait3A_1744 = tpu.memref_squeeze %dma_wait3A_1743 : memref<1x128x128xf32, #tpu.memory_space<vmem>> -> memref<128x128xf32, #tpu.memory_space<vmem>>
    %dma_wait3A_1745 = arith.constant 0 : i32
    %dma_wait3A_1746 = tpu.memref_slice %arg8[%dma_wait3A_1738, %dma_wait3A_1745] : memref<5x128xi32, #tpu.memory_space<vmem>> -> memref<1x128xi32, #tpu.memory_space<vmem>>
    %dma_wait3A_1747 = tpu.memref_squeeze %dma_wait3A_1746 : memref<1x128xi32, #tpu.memory_space<vmem>> -> memref<128xi32, #tpu.memory_space<vmem>>
    %dma_wait3A_1748 = arith.constant 0 : i32
    %dma_wait3A_1749 = arith.constant 0 : i32
    %dma_wait3A_1750 = tpu.memref_slice %arg4[%dma_wait3A_1748, %dma_wait3A_1749] : memref<48000x128xf32, #tpu.memory_space<hbm>> -> memref<48000x128xf32, #tpu.memory_space<hbm>>
    %dma_wait3A_1751 = tpu.memref_slice %arg11[%dma_wait3A_1740] : memref<5x!tpu.dma_semaphore, #tpu.memory_space<semaphore_mem>> -> memref<1x!tpu.dma_semaphore, #tpu.memory_space<semaphore_mem>>
    %dma_wait3A_1752 = tpu.memref_squeeze %dma_wait3A_1751 : memref<1x!tpu.dma_semaphore, #tpu.memory_space<semaphore_mem>> -> memref<!tpu.dma_semaphore, #tpu.memory_space<semaphore_mem>>
    tpu.wait_indirect_dma semaphore(%dma_wait3A_1752 : memref<!tpu.dma_semaphore, #tpu.memory_space<semaphore_mem>>) src(%dma_wait3A_1750 : memref<48000x128xf32, #tpu.memory_space<hbm>>) dst(%dma_wait3A_1744 : memref<128x128xf32, #tpu.memory_space<vmem>>)
    %add3A_1753 = arith.constant 6144 : i32
    %add3A_1754 = arith.addi %mul3A_2, %add3A_1753 : i32
    %multiple_of3A_1755 = tpu.assume_multiple %add3A_1754, 8 : i32
    %dma_start3A_1756 = arith.constant 3 : i32
    %dma_start3A_1757 = arith.constant 3 : i32
    %dma_start3A_1758 = arith.constant 0 : i32
    %dma_start3A_1759 = arith.constant 0 : i32
    %dma_start3A_1760 = tpu.memref_slice %arg9[%dma_start3A_1756, %dma_start3A_1758, %dma_start3A_1759] : memref<5x128x128xf32, #tpu.memory_space<vmem>> -> memref<1x128x128xf32, #tpu.memory_space<vmem>>
    %dma_start3A_1761 = tpu.memref_squeeze %dma_start3A_1760 : memref<1x128x128xf32, #tpu.memory_space<vmem>> -> memref<128x128xf32, #tpu.memory_space<vmem>>
    %dma_start3A_1762 = arith.constant 0 : i32
    %dma_start3A_1763 = tpu.memref_slice %arg5[%multiple_of3A_1755, %dma_start3A_1762] : memref<204800x128xf32, #tpu.memory_space<hbm>> -> memref<128x128xf32, #tpu.memory_space<hbm>>
    %dma_start3A_1764 = tpu.memref_slice %arg12[%dma_start3A_1757] : memref<5x!tpu.dma_semaphore, #tpu.memory_space<semaphore_mem>> -> memref<1x!tpu.dma_semaphore, #tpu.memory_space<semaphore_mem>>
    %dma_start3A_1765 = tpu.memref_squeeze %dma_start3A_1764 : memref<1x!tpu.dma_semaphore, #tpu.memory_space<semaphore_mem>> -> memref<!tpu.dma_semaphore, #tpu.memory_space<semaphore_mem>>
    %dma_start3A_1766 = arith.constant 0 : i32
    %dma_start3A_1767 = tpu.memref_slice %arg5[%multiple_of3A_1755, %dma_start3A_1766] : memref<204800x128xf32, #tpu.memory_space<hbm>> -> memref<128x128xf32, #tpu.memory_space<hbm>>
    %dma_start3A_1768 = arith.constant 0 : i32
    %dma_start3A_1769 = arith.constant 0 : i32
    %dma_start3A_1770 = tpu.memref_slice %arg9[%dma_start3A_1756, %dma_start3A_1768, %dma_start3A_1769] : memref<5x128x128xf32, #tpu.memory_space<vmem>> -> memref<1x128x128xf32, #tpu.memory_space<vmem>>
    %dma_start3A_1771 = tpu.memref_squeeze %dma_start3A_1770 : memref<1x128x128xf32, #tpu.memory_space<vmem>> -> memref<128x128xf32, #tpu.memory_space<vmem>>
    tpu.enqueue_dma source(%dma_start3A_1771 : memref<128x128xf32, #tpu.memory_space<vmem>>) target(%dma_start3A_1767 : memref<128x128xf32, #tpu.memory_space<hbm>>) target_semaphore(%dma_start3A_1765 : memref<!tpu.dma_semaphore, #tpu.memory_space<semaphore_mem>>)
    %dma_wait3A_1772 = arith.constant 4 : i32
    %dma_wait3A_1773 = arith.constant 4 : i32
    %dma_wait3A_1774 = arith.constant 4 : i32
    %dma_wait3A_1775 = arith.constant 0 : i32
    %dma_wait3A_1776 = arith.constant 0 : i32
    %dma_wait3A_1777 = tpu.memref_slice %arg9[%dma_wait3A_1773, %dma_wait3A_1775, %dma_wait3A_1776] : memref<5x128x128xf32, #tpu.memory_space<vmem>> -> memref<1x128x128xf32, #tpu.memory_space<vmem>>
    %dma_wait3A_1778 = tpu.memref_squeeze %dma_wait3A_1777 : memref<1x128x128xf32, #tpu.memory_space<vmem>> -> memref<128x128xf32, #tpu.memory_space<vmem>>
    %dma_wait3A_1779 = arith.constant 0 : i32
    %dma_wait3A_1780 = tpu.memref_slice %arg8[%dma_wait3A_1772, %dma_wait3A_1779] : memref<5x128xi32, #tpu.memory_space<vmem>> -> memref<1x128xi32, #tpu.memory_space<vmem>>
    %dma_wait3A_1781 = tpu.memref_squeeze %dma_wait3A_1780 : memref<1x128xi32, #tpu.memory_space<vmem>> -> memref<128xi32, #tpu.memory_space<vmem>>
    %dma_wait3A_1782 = arith.constant 0 : i32
    %dma_wait3A_1783 = arith.constant 0 : i32
    %dma_wait3A_1784 = tpu.memref_slice %arg4[%dma_wait3A_1782, %dma_wait3A_1783] : memref<48000x128xf32, #tpu.memory_space<hbm>> -> memref<48000x128xf32, #tpu.memory_space<hbm>>
    %dma_wait3A_1785 = tpu.memref_slice %arg11[%dma_wait3A_1774] : memref<5x!tpu.dma_semaphore, #tpu.memory_space<semaphore_mem>> -> memref<1x!tpu.dma_semaphore, #tpu.memory_space<semaphore_mem>>
    %dma_wait3A_1786 = tpu.memref_squeeze %dma_wait3A_1785 : memref<1x!tpu.dma_semaphore, #tpu.memory_space<semaphore_mem>> -> memref<!tpu.dma_semaphore, #tpu.memory_space<semaphore_mem>>
    tpu.wait_indirect_dma semaphore(%dma_wait3A_1786 : memref<!tpu.dma_semaphore, #tpu.memory_space<semaphore_mem>>) src(%dma_wait3A_1784 : memref<48000x128xf32, #tpu.memory_space<hbm>>) dst(%dma_wait3A_1778 : memref<128x128xf32, #tpu.memory_space<vmem>>)
    %add3A_1787 = arith.constant 6272 : i32
    %add3A_1788 = arith.addi %mul3A_2, %add3A_1787 : i32
    %multiple_of3A_1789 = tpu.assume_multiple %add3A_1788, 8 : i32
    %dma_start3A_1790 = arith.constant 4 : i32
    %dma_start3A_1791 = arith.constant 4 : i32
    %dma_start3A_1792 = arith.constant 0 : i32
    %dma_start3A_1793 = arith.constant 0 : i32
    %dma_start3A_1794 = tpu.memref_slice %arg9[%dma_start3A_1790, %dma_start3A_1792, %dma_start3A_1793] : memref<5x128x128xf32, #tpu.memory_space<vmem>> -> memref<1x128x128xf32, #tpu.memory_space<vmem>>
    %dma_start3A_1795 = tpu.memref_squeeze %dma_start3A_1794 : memref<1x128x128xf32, #tpu.memory_space<vmem>> -> memref<128x128xf32, #tpu.memory_space<vmem>>
    %dma_start3A_1796 = arith.constant 0 : i32
    %dma_start3A_1797 = tpu.memref_slice %arg5[%multiple_of3A_1789, %dma_start3A_1796] : memref<204800x128xf32, #tpu.memory_space<hbm>> -> memref<128x128xf32, #tpu.memory_space<hbm>>
    %dma_start3A_1798 = tpu.memref_slice %arg12[%dma_start3A_1791] : memref<5x!tpu.dma_semaphore, #tpu.memory_space<semaphore_mem>> -> memref<1x!tpu.dma_semaphore, #tpu.memory_space<semaphore_mem>>
    %dma_start3A_1799 = tpu.memref_squeeze %dma_start3A_1798 : memref<1x!tpu.dma_semaphore, #tpu.memory_space<semaphore_mem>> -> memref<!tpu.dma_semaphore, #tpu.memory_space<semaphore_mem>>
    %dma_start3A_1800 = arith.constant 0 : i32
    %dma_start3A_1801 = tpu.memref_slice %arg5[%multiple_of3A_1789, %dma_start3A_1800] : memref<204800x128xf32, #tpu.memory_space<hbm>> -> memref<128x128xf32, #tpu.memory_space<hbm>>
    %dma_start3A_1802 = arith.constant 0 : i32
    %dma_start3A_1803 = arith.constant 0 : i32
    %dma_start3A_1804 = tpu.memref_slice %arg9[%dma_start3A_1790, %dma_start3A_1802, %dma_start3A_1803] : memref<5x128x128xf32, #tpu.memory_space<vmem>> -> memref<1x128x128xf32, #tpu.memory_space<vmem>>
    %dma_start3A_1805 = tpu.memref_squeeze %dma_start3A_1804 : memref<1x128x128xf32, #tpu.memory_space<vmem>> -> memref<128x128xf32, #tpu.memory_space<vmem>>
    tpu.enqueue_dma source(%dma_start3A_1805 : memref<128x128xf32, #tpu.memory_space<vmem>>) target(%dma_start3A_1801 : memref<128x128xf32, #tpu.memory_space<hbm>>) target_semaphore(%dma_start3A_1799 : memref<!tpu.dma_semaphore, #tpu.memory_space<semaphore_mem>>)
    %add3A_1806 = arith.constant 5760 : i32
    %add3A_1807 = arith.addi %mul3A_2, %add3A_1806 : i32
    %multiple_of3A_1808 = tpu.assume_multiple %add3A_1807, 8 : i32
    %dma_wait3A_1809 = arith.constant 0 : i32
    %dma_wait3A_1810 = arith.constant 0 : i32
    %dma_wait3A_1811 = arith.constant 0 : i32
    %dma_wait3A_1812 = arith.constant 0 : i32
    %dma_wait3A_1813 = tpu.memref_slice %arg9[%dma_wait3A_1809, %dma_wait3A_1811, %dma_wait3A_1812] : memref<5x128x128xf32, #tpu.memory_space<vmem>> -> memref<1x128x128xf32, #tpu.memory_space<vmem>>
    %dma_wait3A_1814 = tpu.memref_squeeze %dma_wait3A_1813 : memref<1x128x128xf32, #tpu.memory_space<vmem>> -> memref<128x128xf32, #tpu.memory_space<vmem>>
    %dma_wait3A_1815 = arith.constant 0 : i32
    %dma_wait3A_1816 = tpu.memref_slice %arg5[%multiple_of3A_1808, %dma_wait3A_1815] : memref<204800x128xf32, #tpu.memory_space<hbm>> -> memref<128x128xf32, #tpu.memory_space<hbm>>
    %dma_wait3A_1817 = tpu.memref_slice %arg12[%dma_wait3A_1810] : memref<5x!tpu.dma_semaphore, #tpu.memory_space<semaphore_mem>> -> memref<1x!tpu.dma_semaphore, #tpu.memory_space<semaphore_mem>>
    %dma_wait3A_1818 = tpu.memref_squeeze %dma_wait3A_1817 : memref<1x!tpu.dma_semaphore, #tpu.memory_space<semaphore_mem>> -> memref<!tpu.dma_semaphore, #tpu.memory_space<semaphore_mem>>
    %dma_wait3A_1819 = arith.constant 0 : i32
    %dma_wait3A_1820 = tpu.memref_slice %arg5[%multiple_of3A_1808, %dma_wait3A_1819] : memref<204800x128xf32, #tpu.memory_space<hbm>> -> memref<128x128xf32, #tpu.memory_space<hbm>>
    %dma_wait3A_1821 = arith.constant 0 : i32
    %dma_wait3A_1822 = arith.constant 0 : i32
    %dma_wait3A_1823 = tpu.memref_slice %arg9[%dma_wait3A_1809, %dma_wait3A_1821, %dma_wait3A_1822] : memref<5x128x128xf32, #tpu.memory_space<vmem>> -> memref<1x128x128xf32, #tpu.memory_space<vmem>>
    %dma_wait3A_1824 = tpu.memref_squeeze %dma_wait3A_1823 : memref<1x128x128xf32, #tpu.memory_space<vmem>> -> memref<128x128xf32, #tpu.memory_space<vmem>>
    tpu.wait_dma2 semaphore(%dma_wait3A_1818 : memref<!tpu.dma_semaphore, #tpu.memory_space<semaphore_mem>>) src(%dma_wait3A_1824 : memref<128x128xf32, #tpu.memory_space<vmem>>) dst(%dma_wait3A_1820 : memref<128x128xf32, #tpu.memory_space<hbm>>)
    %add3A_1825 = arith.constant 5888 : i32
    %add3A_1826 = arith.addi %mul3A_2, %add3A_1825 : i32
    %multiple_of3A_1827 = tpu.assume_multiple %add3A_1826, 8 : i32
    %dma_wait3A_1828 = arith.constant 1 : i32
    %dma_wait3A_1829 = arith.constant 1 : i32
    %dma_wait3A_1830 = arith.constant 0 : i32
    %dma_wait3A_1831 = arith.constant 0 : i32
    %dma_wait3A_1832 = tpu.memref_slice %arg9[%dma_wait3A_1828, %dma_wait3A_1830, %dma_wait3A_1831] : memref<5x128x128xf32, #tpu.memory_space<vmem>> -> memref<1x128x128xf32, #tpu.memory_space<vmem>>
    %dma_wait3A_1833 = tpu.memref_squeeze %dma_wait3A_1832 : memref<1x128x128xf32, #tpu.memory_space<vmem>> -> memref<128x128xf32, #tpu.memory_space<vmem>>
    %dma_wait3A_1834 = arith.constant 0 : i32
    %dma_wait3A_1835 = tpu.memref_slice %arg5[%multiple_of3A_1827, %dma_wait3A_1834] : memref<204800x128xf32, #tpu.memory_space<hbm>> -> memref<128x128xf32, #tpu.memory_space<hbm>>
    %dma_wait3A_1836 = tpu.memref_slice %arg12[%dma_wait3A_1829] : memref<5x!tpu.dma_semaphore, #tpu.memory_space<semaphore_mem>> -> memref<1x!tpu.dma_semaphore, #tpu.memory_space<semaphore_mem>>
    %dma_wait3A_1837 = tpu.memref_squeeze %dma_wait3A_1836 : memref<1x!tpu.dma_semaphore, #tpu.memory_space<semaphore_mem>> -> memref<!tpu.dma_semaphore, #tpu.memory_space<semaphore_mem>>
    %dma_wait3A_1838 = arith.constant 0 : i32
    %dma_wait3A_1839 = tpu.memref_slice %arg5[%multiple_of3A_1827, %dma_wait3A_1838] : memref<204800x128xf32, #tpu.memory_space<hbm>> -> memref<128x128xf32, #tpu.memory_space<hbm>>
    %dma_wait3A_1840 = arith.constant 0 : i32
    %dma_wait3A_1841 = arith.constant 0 : i32
    %dma_wait3A_1842 = tpu.memref_slice %arg9[%dma_wait3A_1828, %dma_wait3A_1840, %dma_wait3A_1841] : memref<5x128x128xf32, #tpu.memory_space<vmem>> -> memref<1x128x128xf32, #tpu.memory_space<vmem>>
    %dma_wait3A_1843 = tpu.memref_squeeze %dma_wait3A_1842 : memref<1x128x128xf32, #tpu.memory_space<vmem>> -> memref<128x128xf32, #tpu.memory_space<vmem>>
    tpu.wait_dma2 semaphore(%dma_wait3A_1837 : memref<!tpu.dma_semaphore, #tpu.memory_space<semaphore_mem>>) src(%dma_wait3A_1843 : memref<128x128xf32, #tpu.memory_space<vmem>>) dst(%dma_wait3A_1839 : memref<128x128xf32, #tpu.memory_space<hbm>>)
    %add3A_1844 = arith.constant 6016 : i32
    %add3A_1845 = arith.addi %mul3A_2, %add3A_1844 : i32
    %multiple_of3A_1846 = tpu.assume_multiple %add3A_1845, 8 : i32
    %dma_wait3A_1847 = arith.constant 2 : i32
    %dma_wait3A_1848 = arith.constant 2 : i32
    %dma_wait3A_1849 = arith.constant 0 : i32
    %dma_wait3A_1850 = arith.constant 0 : i32
    %dma_wait3A_1851 = tpu.memref_slice %arg9[%dma_wait3A_1847, %dma_wait3A_1849, %dma_wait3A_1850] : memref<5x128x128xf32, #tpu.memory_space<vmem>> -> memref<1x128x128xf32, #tpu.memory_space<vmem>>
    %dma_wait3A_1852 = tpu.memref_squeeze %dma_wait3A_1851 : memref<1x128x128xf32, #tpu.memory_space<vmem>> -> memref<128x128xf32, #tpu.memory_space<vmem>>
    %dma_wait3A_1853 = arith.constant 0 : i32
    %dma_wait3A_1854 = tpu.memref_slice %arg5[%multiple_of3A_1846, %dma_wait3A_1853] : memref<204800x128xf32, #tpu.memory_space<hbm>> -> memref<128x128xf32, #tpu.memory_space<hbm>>
    %dma_wait3A_1855 = tpu.memref_slice %arg12[%dma_wait3A_1848] : memref<5x!tpu.dma_semaphore, #tpu.memory_space<semaphore_mem>> -> memref<1x!tpu.dma_semaphore, #tpu.memory_space<semaphore_mem>>
    %dma_wait3A_1856 = tpu.memref_squeeze %dma_wait3A_1855 : memref<1x!tpu.dma_semaphore, #tpu.memory_space<semaphore_mem>> -> memref<!tpu.dma_semaphore, #tpu.memory_space<semaphore_mem>>
    %dma_wait3A_1857 = arith.constant 0 : i32
    %dma_wait3A_1858 = tpu.memref_slice %arg5[%multiple_of3A_1846, %dma_wait3A_1857] : memref<204800x128xf32, #tpu.memory_space<hbm>> -> memref<128x128xf32, #tpu.memory_space<hbm>>
    %dma_wait3A_1859 = arith.constant 0 : i32
    %dma_wait3A_1860 = arith.constant 0 : i32
    %dma_wait3A_1861 = tpu.memref_slice %arg9[%dma_wait3A_1847, %dma_wait3A_1859, %dma_wait3A_1860] : memref<5x128x128xf32, #tpu.memory_space<vmem>> -> memref<1x128x128xf32, #tpu.memory_space<vmem>>
    %dma_wait3A_1862 = tpu.memref_squeeze %dma_wait3A_1861 : memref<1x128x128xf32, #tpu.memory_space<vmem>> -> memref<128x128xf32, #tpu.memory_space<vmem>>
    tpu.wait_dma2 semaphore(%dma_wait3A_1856 : memref<!tpu.dma_semaphore, #tpu.memory_space<semaphore_mem>>) src(%dma_wait3A_1862 : memref<128x128xf32, #tpu.memory_space<vmem>>) dst(%dma_wait3A_1858 : memref<128x128xf32, #tpu.memory_space<hbm>>)
    %add3A_1863 = arith.constant 6144 : i32
    %add3A_1864 = arith.addi %mul3A_2, %add3A_1863 : i32
    %multiple_of3A_1865 = tpu.assume_multiple %add3A_1864, 8 : i32
    %dma_wait3A_1866 = arith.constant 3 : i32
    %dma_wait3A_1867 = arith.constant 3 : i32
    %dma_wait3A_1868 = arith.constant 0 : i32
    %dma_wait3A_1869 = arith.constant 0 : i32
    %dma_wait3A_1870 = tpu.memref_slice %arg9[%dma_wait3A_1866, %dma_wait3A_1868, %dma_wait3A_1869] : memref<5x128x128xf32, #tpu.memory_space<vmem>> -> memref<1x128x128xf32, #tpu.memory_space<vmem>>
    %dma_wait3A_1871 = tpu.memref_squeeze %dma_wait3A_1870 : memref<1x128x128xf32, #tpu.memory_space<vmem>> -> memref<128x128xf32, #tpu.memory_space<vmem>>
    %dma_wait3A_1872 = arith.constant 0 : i32
    %dma_wait3A_1873 = tpu.memref_slice %arg5[%multiple_of3A_1865, %dma_wait3A_1872] : memref<204800x128xf32, #tpu.memory_space<hbm>> -> memref<128x128xf32, #tpu.memory_space<hbm>>
    %dma_wait3A_1874 = tpu.memref_slice %arg12[%dma_wait3A_1867] : memref<5x!tpu.dma_semaphore, #tpu.memory_space<semaphore_mem>> -> memref<1x!tpu.dma_semaphore, #tpu.memory_space<semaphore_mem>>
    %dma_wait3A_1875 = tpu.memref_squeeze %dma_wait3A_1874 : memref<1x!tpu.dma_semaphore, #tpu.memory_space<semaphore_mem>> -> memref<!tpu.dma_semaphore, #tpu.memory_space<semaphore_mem>>
    %dma_wait3A_1876 = arith.constant 0 : i32
    %dma_wait3A_1877 = tpu.memref_slice %arg5[%multiple_of3A_1865, %dma_wait3A_1876] : memref<204800x128xf32, #tpu.memory_space<hbm>> -> memref<128x128xf32, #tpu.memory_space<hbm>>
    %dma_wait3A_1878 = arith.constant 0 : i32
    %dma_wait3A_1879 = arith.constant 0 : i32
    %dma_wait3A_1880 = tpu.memref_slice %arg9[%dma_wait3A_1866, %dma_wait3A_1878, %dma_wait3A_1879] : memref<5x128x128xf32, #tpu.memory_space<vmem>> -> memref<1x128x128xf32, #tpu.memory_space<vmem>>
    %dma_wait3A_1881 = tpu.memref_squeeze %dma_wait3A_1880 : memref<1x128x128xf32, #tpu.memory_space<vmem>> -> memref<128x128xf32, #tpu.memory_space<vmem>>
    tpu.wait_dma2 semaphore(%dma_wait3A_1875 : memref<!tpu.dma_semaphore, #tpu.memory_space<semaphore_mem>>) src(%dma_wait3A_1881 : memref<128x128xf32, #tpu.memory_space<vmem>>) dst(%dma_wait3A_1877 : memref<128x128xf32, #tpu.memory_space<hbm>>)
    %add3A_1882 = arith.constant 6272 : i32
    %add3A_1883 = arith.addi %mul3A_2, %add3A_1882 : i32
    %multiple_of3A_1884 = tpu.assume_multiple %add3A_1883, 8 : i32
    %dma_wait3A_1885 = arith.constant 4 : i32
    %dma_wait3A_1886 = arith.constant 4 : i32
    %dma_wait3A_1887 = arith.constant 0 : i32
    %dma_wait3A_1888 = arith.constant 0 : i32
    %dma_wait3A_1889 = tpu.memref_slice %arg9[%dma_wait3A_1885, %dma_wait3A_1887, %dma_wait3A_1888] : memref<5x128x128xf32, #tpu.memory_space<vmem>> -> memref<1x128x128xf32, #tpu.memory_space<vmem>>
    %dma_wait3A_1890 = tpu.memref_squeeze %dma_wait3A_1889 : memref<1x128x128xf32, #tpu.memory_space<vmem>> -> memref<128x128xf32, #tpu.memory_space<vmem>>
    %dma_wait3A_1891 = arith.constant 0 : i32
    %dma_wait3A_1892 = tpu.memref_slice %arg5[%multiple_of3A_1884, %dma_wait3A_1891] : memref<204800x128xf32, #tpu.memory_space<hbm>> -> memref<128x128xf32, #tpu.memory_space<hbm>>
    %dma_wait3A_1893 = tpu.memref_slice %arg12[%dma_wait3A_1886] : memref<5x!tpu.dma_semaphore, #tpu.memory_space<semaphore_mem>> -> memref<1x!tpu.dma_semaphore, #tpu.memory_space<semaphore_mem>>
    %dma_wait3A_1894 = tpu.memref_squeeze %dma_wait3A_1893 : memref<1x!tpu.dma_semaphore, #tpu.memory_space<semaphore_mem>> -> memref<!tpu.dma_semaphore, #tpu.memory_space<semaphore_mem>>
    %dma_wait3A_1895 = arith.constant 0 : i32
    %dma_wait3A_1896 = tpu.memref_slice %arg5[%multiple_of3A_1884, %dma_wait3A_1895] : memref<204800x128xf32, #tpu.memory_space<hbm>> -> memref<128x128xf32, #tpu.memory_space<hbm>>
    %dma_wait3A_1897 = arith.constant 0 : i32
    %dma_wait3A_1898 = arith.constant 0 : i32
    %dma_wait3A_1899 = tpu.memref_slice %arg9[%dma_wait3A_1885, %dma_wait3A_1897, %dma_wait3A_1898] : memref<5x128x128xf32, #tpu.memory_space<vmem>> -> memref<1x128x128xf32, #tpu.memory_space<vmem>>
    %dma_wait3A_1900 = tpu.memref_squeeze %dma_wait3A_1899 : memref<1x128x128xf32, #tpu.memory_space<vmem>> -> memref<128x128xf32, #tpu.memory_space<vmem>>
    tpu.wait_dma2 semaphore(%dma_wait3A_1894 : memref<!tpu.dma_semaphore, #tpu.memory_space<semaphore_mem>>) src(%dma_wait3A_1900 : memref<128x128xf32, #tpu.memory_space<vmem>>) dst(%dma_wait3A_1896 : memref<128x128xf32, #tpu.memory_space<hbm>>)
    return
  }
}

module attributes {stable_mosaic.version = 14 : i64} {
  func.func @body(%arg0: i32, %arg1: memref<40x128xf32, #tpu.memory_space<vmem>>, %arg2: memref<30x128xf32, #tpu.memory_space<vmem>>, %arg3: memref<8x128xf32, #tpu.memory_space<vmem>>, %arg4: memref<1x128xf32, #tpu.memory_space<vmem>>, %arg5: memref<1x128xf32, #tpu.memory_space<vmem>>, %arg6: memref<40x30x8x128xf32, #tpu.memory_space<vmem>>) attributes {dimension_semantics = [#tpu.dimension_semantics<arbitrary>], iteration_bounds = array<i64: 5>, scalar_prefetch = 0 : i64, scratch_operands = 0 : i64, tpu.core_type = #tpu.core_type<tc>, window_params = [{transform_indices = @transform_0, window_bounds = array<i64: 40, 128>}, {pipeline_mode = #tpu.pipeline_mode<synchronous>, transform_indices = @transform_1, window_bounds = array<i64: 30, 128>}, {pipeline_mode = #tpu.pipeline_mode<synchronous>, transform_indices = @transform_2, window_bounds = array<i64: 8, 128>}, {pipeline_mode = #tpu.pipeline_mode<synchronous>, transform_indices = @transform_3, window_bounds = array<i64: 1, 128>}, {pipeline_mode = #tpu.pipeline_mode<synchronous>, transform_indices = @transform_4, window_bounds = array<i64: 1, 128>}, {transform_indices = @transform_5, window_bounds = array<i64: 40, 30, 8, 128>}]} {
    %get3A = arith.constant 0 : index
    %get3A_0 = arith.constant 0 : index
    %get3A_1 = vector.load %arg2[%get3A, %get3A_0] : memref<30x128xf32, #tpu.memory_space<vmem>>, vector<30x128xf32>
    %broadcast_in_dim3A = vector.shape_cast %get3A_1 : vector<30x128xf32> to vector<1x30x1x128xf32>
    %get3A_2 = arith.constant 0 : index
    %get3A_3 = arith.constant 0 : index
    %get3A_4 = vector.load %arg3[%get3A_2, %get3A_3] : memref<8x128xf32, #tpu.memory_space<vmem>>, vector<8x128xf32>
    %broadcast_in_dim3A_5 = vector.shape_cast %get3A_4 : vector<8x128xf32> to vector<1x1x8x128xf32>
    %get3A_6 = arith.constant 0 : index
    %get3A_7 = arith.constant 0 : index
    %get3A_8 = vector.load %arg1[%get3A_6, %get3A_7] : memref<40x128xf32, #tpu.memory_space<vmem>>, vector<40x128xf32>
    %broadcast_in_dim3A_9 = vector.shape_cast %get3A_8 : vector<40x128xf32> to vector<40x1x1x128xf32>
    %add3A = vector.broadcast %broadcast_in_dim3A : vector<1x30x1x128xf32> to vector<1x30x8x128xf32>
    %add3A_10 = vector.broadcast %broadcast_in_dim3A_5 : vector<1x1x8x128xf32> to vector<1x30x8x128xf32>
    %add3A_11 = arith.addf %add3A, %add3A_10 : vector<1x30x8x128xf32>
    %add3A_12 = vector.broadcast %add3A_11 : vector<1x30x8x128xf32> to vector<40x30x8x128xf32>
    %add3A_13 = vector.broadcast %broadcast_in_dim3A_9 : vector<40x1x1x128xf32> to vector<40x30x8x128xf32>
    %add3A_14 = arith.addf %add3A_12, %add3A_13 : vector<40x30x8x128xf32>
    %reduce_sum3A = arith.constant dense<0.000000e+00> : vector<40x30x8xf32>
    %reduce_sum3A_15 = vector.multi_reduction <add>, %add3A_14, %reduce_sum3A [3] : vector<40x30x8x128xf32> to vector<40x30x8xf32>
    %broadcast_in_dim3A_16 = vector.shape_cast %reduce_sum3A_15 : vector<40x30x8xf32> to vector<40x30x8x1xf32>
    %div3A = arith.constant 1.280000e+02 : f32
    %div3A_17 = vector.broadcast %div3A : f32 to vector<40x30x8x1xf32>
    %div3A_18 = arith.divf %broadcast_in_dim3A_16, %div3A_17 : vector<40x30x8x1xf32>
    %sub3A = vector.broadcast %div3A_18 : vector<40x30x8x1xf32> to vector<40x30x8x128xf32>
    %sub3A_19 = arith.subf %add3A_14, %sub3A : vector<40x30x8x128xf32>
    %integer_pow3A = arith.mulf %sub3A_19, %sub3A_19 : vector<40x30x8x128xf32>
    %reduce_sum3A_20 = arith.constant dense<0.000000e+00> : vector<40x30x8xf32>
    %reduce_sum3A_21 = vector.multi_reduction <add>, %integer_pow3A, %reduce_sum3A_20 [3] : vector<40x30x8x128xf32> to vector<40x30x8xf32>
    %broadcast_in_dim3A_22 = vector.shape_cast %reduce_sum3A_21 : vector<40x30x8xf32> to vector<40x30x8x1xf32>
    %div3A_23 = arith.constant 1.280000e+02 : f32
    %div3A_24 = vector.broadcast %div3A_23 : f32 to vector<40x30x8x1xf32>
    %div3A_25 = arith.divf %broadcast_in_dim3A_22, %div3A_24 : vector<40x30x8x1xf32>
    %sub3A_26 = vector.broadcast %div3A_18 : vector<40x30x8x1xf32> to vector<40x30x8x128xf32>
    %sub3A_27 = arith.subf %add3A_14, %sub3A_26 : vector<40x30x8x128xf32>
    %add3A_28 = arith.constant 9.99999974E-6 : f32
    %add3A_29 = vector.broadcast %add3A_28 : f32 to vector<40x30x8x1xf32>
    %add3A_30 = arith.addf %div3A_25, %add3A_29 : vector<40x30x8x1xf32>
    %rsqrt3A = math.rsqrt %add3A_30 : vector<40x30x8x1xf32>
    %mul3A = vector.broadcast %rsqrt3A : vector<40x30x8x1xf32> to vector<40x30x8x128xf32>
    %mul3A_31 = arith.mulf %sub3A_27, %mul3A : vector<40x30x8x128xf32>
    %get3A_32 = arith.constant 0 : index
    %get3A_33 = arith.constant 0 : index
    %get3A_34 = vector.load %arg4[%get3A_32, %get3A_33] : memref<1x128xf32, #tpu.memory_space<vmem>>, vector<1x128xf32>
    %broadcast_in_dim3A_35 = vector.shape_cast %get3A_34 : vector<1x128xf32> to vector<1x1x1x128xf32>
    %mul3A_36 = vector.broadcast %broadcast_in_dim3A_35 : vector<1x1x1x128xf32> to vector<40x30x8x128xf32>
    %mul3A_37 = arith.mulf %mul3A_31, %mul3A_36 : vector<40x30x8x128xf32>
    %get3A_38 = arith.constant 0 : index
    %get3A_39 = arith.constant 0 : index
    %get3A_40 = vector.load %arg5[%get3A_38, %get3A_39] : memref<1x128xf32, #tpu.memory_space<vmem>>, vector<1x128xf32>
    %broadcast_in_dim3A_41 = vector.shape_cast %get3A_40 : vector<1x128xf32> to vector<1x1x1x128xf32>
    %add3A_42 = vector.broadcast %broadcast_in_dim3A_41 : vector<1x1x1x128xf32> to vector<40x30x8x128xf32>
    %add3A_43 = arith.addf %mul3A_37, %add3A_42 : vector<40x30x8x128xf32>
    %swap3A = arith.constant 0 : index
    %swap3A_44 = arith.constant 0 : index
    %swap3A_45 = arith.constant 0 : index
    %swap3A_46 = arith.constant 0 : index
    %swap3A_47 = vector.load %arg6[%swap3A, %swap3A_44, %swap3A_45, %swap3A_46] : memref<40x30x8x128xf32, #tpu.memory_space<vmem>>, vector<40x30x8x128xf32>
    tpu.vector_store %arg6[%swap3A, %swap3A_44, %swap3A_45, %swap3A_46], %add3A_43 {strides = array<i32>} : memref<40x30x8x128xf32, #tpu.memory_space<vmem>>, vector<40x30x8x128xf32>,
    return
  }
  func.func @transform_0(%arg0: i32) -> (i32, i32) {
    %c0_i32 = arith.constant 0 : i32
    %c0_i32_0 = arith.constant 0 : i32
    return %arg0, %c0_i32 : i32, i32
  }
  func.func @transform_1(%arg0: i32) -> (i32, i32) {
    %c0_i32 = arith.constant 0 : i32
    %c0_i32_0 = arith.constant 0 : i32
    %c0_i32_1 = arith.constant 0 : i32
    return %c0_i32, %c0_i32_0 : i32, i32
  }
  func.func @transform_2(%arg0: i32) -> (i32, i32) {
    %c0_i32 = arith.constant 0 : i32
    %c0_i32_0 = arith.constant 0 : i32
    %c0_i32_1 = arith.constant 0 : i32
    return %c0_i32, %c0_i32_0 : i32, i32
  }
  func.func @transform_3(%arg0: i32) -> (i32, i32) {
    %c0_i32 = arith.constant 0 : i32
    %c0_i32_0 = arith.constant 0 : i32
    %c0_i32_1 = arith.constant 0 : i32
    return %c0_i32, %c0_i32_0 : i32, i32
  }
  func.func @transform_4(%arg0: i32) -> (i32, i32) {
    %c0_i32 = arith.constant 0 : i32
    %c0_i32_0 = arith.constant 0 : i32
    %c0_i32_1 = arith.constant 0 : i32
    return %c0_i32, %c0_i32_0 : i32, i32
  }
  func.func @transform_5(%arg0: i32) -> (i32, i32, i32, i32) {
    %c0_i32 = arith.constant 0 : i32
    %c0_i32_0 = arith.constant 0 : i32
    %c0_i32_1 = arith.constant 0 : i32
    %c0_i32_2 = arith.constant 0 : i32
    return %arg0, %c0_i32, %c0_i32_0, %c0_i32_1 : i32, i32, i32, i32
  }
}

</mosaic_0001>

<sc_bundles>
// kernel: kernel.4.cloned.1.call-start
scs
__scs_entry_jumppad:
0x0: {  	(pc) =	sbr.rel $0x88, $3  }
0x1: {  	(tag) =	ssettag $0x0;
	lr =	simm.s32 $0x1  }
0x2: {  	[smem:$0x3F9A] =	sst lr;
	_ =	strace $0xD0000000  }
0x3: {  	_ = 	snop  }
0x4: {  	_ = 	snop  }
0x5: {  	_ = 	snop  }
0x6: {  	_ = 	snop  }
0x7: {  	_ = 	snop  }
__scs_overlays_trampoline_lowered:
0x8: {  	[smem:$0x3FA9] =	sst s0  }
0x9: {  	[smem:$0x3FAA] =	sst s1  }
0xa: {  	[smem:$0x3FAB] =	sst s2  }
0xb: {  	[smem:$0x3FAC] =	sst s3  }
0xc: {  	[smem:$0x3FAD] =	sst s4  }
0xd: {  	[smem:$0x3FAE] =	sst s5  }
0xe: {  	[smem:$0x3FAF] =	sst s6  }
0xf: {  	[smem:$0x3FB0] =	sst s7  }
0x10: {  	[smem:$0x3FB1] =	sst s8  }
0x11: {  	[smem:$0x3FB2] =	sst s9;
	s0 =	simm.s32 @!p0 $0x0  }
0x12: {  	s1 =	sld [smem:$0x3F98];
	s0 =	simm.s32 @p0 $0x1  }
0x13: {  	[smem:$0x3FB3] =	sst s0;
	s0 =	simm.s32 @!p1 $0x0  }
0x14: {  	s2 =	sld [smem:$0x3F97];
	s0 =	simm.s32 @p1 $0x1  }
0x15: {  	[smem:$0x3FB4] =	sst s0;
	s0 =	simm.s32 @!p2 $0x0  }
0x16: {  	s3 =	sld [smem:$0x3FDB];
	s0 =	simm.s32 @p2 $0x1  }
0x17: {  	s4 =	simm.s32 $0x1BF5;
	[smem:$0x3FB6] =	sst s0  }
0x18: {  	s0 =	sld [smem:$0x3F99];
	_ =	swait.ge [sflag:s4], $0x0  }
0x19: {  	s7 =	sld [smem:$0x3F9A]  }
0x1a: {  	s8 =	sadd.s32 $0xFFFFE003, lr  }
0x1b: {  	s9 =	sadd.s32 $0xFFFFFEF7, lr;
	s5 =	simm.s32 $0xFFFFFFFF;
	p2 =	slt.u32 s8, $0xFFFFF086  }
0x1c: {  	p1 =	slt.u32 s9, $0xF7A;
	s5 =	simm.s32 @!p2 $0x0  }
0x1d: {  	s5 =	simm.s32 @p1 $0x1;
	p0 =	seq.s32 s7, s2  }
0x1e: {  	s7 =	smul.u32 @!p0 $0xF7A, s2;
	p2 =	seq.s32 @!p0 s5, $0x0  }
0x1f: {  	s9 =	smul.u32 $0xF7A, s1;
	s8 =	simm.s32 @!p0 $0x1BF5;
	p2 =	por !p2, p0  }
0x20: {  	[sflag:s8] =	ssyncset.s32 @!p0 $0xFFFFF086;
	s6 =	sadd.s32 @!p0 s3, s7;
	s7 =	simm.s32 @!p0 $0x108  }
0x21: {  	s3 =	sadd.s32 s3, s9;
	s6 =	sadd.s32 @!p0 $0x88, s6;
	s7 =	simm.s32 @p2 $0x1082  }
0x22: {  	[simem:s7], [sflag:s8] =	dma.local @!p0 [hbm:s6], $0xF7A  }
0x23: {  	s9 =	sor.u32 $0xD0000000, s2;
	s6 =	simm.s32 $0x108;
	_ =	swait.ge @!p0 [sflag:s8], $0x0  }
0x24: {  	s3 =	sadd.s32 $0x88, s3;
	s6 =	simm.s32 @!p1 $0x1082;
	[sflag:s4] =	ssyncset.s32 $0xFFFFF086  }
0x25: {  	[simem:s6], [sflag:s4] =	dma.local [hbm:s3], $0xF7A  }
0x26: {  	[smem:$0x3F9A] =	sst s1;
	(tag) =	ssettag s2;
	_ =	strace s9  }
0x27: {  	s1 =	sld [smem:$0x3FAA]  }
0x28: {  	s2 =	sld [smem:$0x3FAB]  }
0x29: {  	s4 =	sld [smem:$0x3FAD]  }
0x2a: {  	p0 =	seq.s32 s5, $0x0;
	s5 =	sld [smem:$0x3FAE]  }
0x2b: {  	s6 =	sld [smem:$0x3FAF]  }
0x2c: {  	s7 =	sld [smem:$0x3FB0]  }
0x2d: {  	s3 =	simm.s32 $0x108;
	s8 =	sld [smem:$0x3FB1]  }
0x2e: {  	s3 =	simm.s32 @!p0 $0x1082;
	s9 =	sld [smem:$0x3FB2]  }
0x2f: {  	lr =	sadd.s32 s0, s3;
	s0 =	sld [smem:$0x3FA9]  }
0x30: {  	s3 =	sld [smem:$0x3FAC]  }
0x31: {  	[smem:$0x3FB5] =	sst s10  }
0x32: {  	s10 =	sld [smem:$0x3FB3];
	_ =	sdelay $0x3  }
0x33: {  	p0 =	seq.s32 s10, $0x1;
	s10 =	sld [smem:$0x3FB5];
	_ =	sdelay $0x3  }
0x34: {  	[smem:$0x3FB5] =	sst s10  }
0x35: {  	s10 =	sld [smem:$0x3FB4];
	_ =	sdelay $0x3  }
0x36: {  	p1 =	seq.s32 s10, $0x1;
	s10 =	sld [smem:$0x3FB5];
	_ =	sdelay $0x3  }
0x37: {  	[smem:$0x3FB5] =	sst s10  }
0x38: {  	s10 =	sld [smem:$0x3FB6]  }
0x39: {  	_ = 	snop;
	(pc) =	sbr.ind lr, $3  }
0x3a: {  	_ = 	snop  }
0x3b: {  	_ = 	snop  }
0x3c: {  	p2 =	seq.s32 s10, $0x1;
	s10 =	sld [smem:$0x3FB5]  }
0x3d: {  	_ =	shalt  }
0x3e: {  	_ =	shalt  }
0x3f: {  	_ =	shalt  }
0x40: {  	_ =	shalt  }
0x41: {  	_ =	shalt  }
0x42: {  	_ =	shalt  }
0x43: {  	_ =	shalt  }
0x44: {  	_ =	shalt  }
0x45: {  	_ =	shalt  }
0x46: {  	_ =	shalt  }
0x47: {  	_ =	shalt  }
0x48: {  	_ =	shalt  }
0x49: {  	_ =	shalt  }
0x4a: {  	_ =	shalt  }
0x4b: {  	_ =	shalt  }
0x4c: {  	_ =	shalt  }
0x4d: {  	_ =	shalt  }
0x4e: {  	_ =	shalt  }
0x4f: {  	_ =	shalt  }
0x50: {  	_ =	shalt  }
0x51: {  	_ =	shalt  }
0x52: {  	_ =	shalt  }
0x53: {  	_ =	shalt  }
0x54: {  	_ =	shalt  }
0x55: {  	_ =	shalt  }
0x56: {  	_ =	shalt  }
0x57: {  	_ =	shalt  }
0x58: {  	_ =	shalt  }
0x59: {  	_ =	shalt  }
0x5a: {  	_ =	shalt  }
0x5b: {  	_ =	shalt  }
0x5c: {  	_ =	shalt  }
0x5d: {  	_ =	shalt  }
0x5e: {  	_ =	shalt  }
0x5f: {  	_ =	shalt  }
0x60: {  	_ =	shalt  }
0x61: {  	_ =	shalt  }
0x62: {  	_ =	shalt  }
0x63: {  	_ =	shalt  }
0x64: {  	_ =	shalt  }
0x65: {  	_ =	shalt  }
0x66: {  	_ =	shalt  }
0x67: {  	_ =	shalt  }
0x68: {  	_ =	shalt  }
0x69: {  	_ =	shalt  }
0x6a: {  	_ =	shalt  }
0x6b: {  	_ =	shalt  }
0x6c: {  	_ =	shalt  }
0x6d: {  	_ =	shalt  }
0x6e: {  	_ =	shalt  }
0x6f: {  	_ =	shalt  }
0x70: {  	_ =	shalt  }
0x71: {  	_ =	shalt  }
0x72: {  	_ =	shalt  }
0x73: {  	_ =	shalt  }
0x74: {  	_ =	shalt  }
0x75: {  	_ =	shalt  }
0x76: {  	_ =	shalt  }
0x77: {  	_ =	shalt  }
0x78: {  	_ =	shalt  }
0x79: {  	_ =	shalt  }
0x7a: {  	_ =	shalt  }
0x7b: {  	_ =	shalt  }
0x7c: {  	_ =	shalt  }
0x7d: {  	_ =	shalt  }
0x7e: {  	_ =	shalt  }
0x7f: {  	_ =	shalt  }
0x80: {  	_ =	shalt  }
0x81: {  	_ =	shalt  }
0x82: {  	_ =	shalt  }
0x83: {  	_ =	shalt  }
0x84: {  	_ =	shalt  }
0x85: {  	_ =	shalt  }
0x86: {  	_ =	shalt  }
0x87: {  	_ =	shalt  }
.Lfunc_end0:
.L_simem_size_0:
called_computation_lowered:
.L_overlay_start_0:
0x88: {  	s2 =	sld [smem:$0x3FD9]  }
0x89: {  	s3 =	sld [smem:$0x3FFE];
	_ =	sdelay $0x1  }
0x8a: {  	s1 =	srdreg.scid  }
0x8b: {  	s0 =	sand.u32 $0x1, s1  }
0x8c: {  	s17 =	sshll.u32 s0, $0xA;
	s2 =	sadd.s32 s3, s2  }
0x8d: {  	s2 =	sadd.s32 s2, s17  }
0x8e: {  	[smem:$0x3FC1] =	sst s2  }
0x8f: {  	_ = 	snop  }
0x90: {  	s2 =	sld [smem:$0x3FD0];
	(tm) =	ssettm $0x1  }
0x91: {  	s18 =	sld [smem:$0x3FFB];
	_ =	sdelay $0x3  }
0x92: {  	_ =	strace s18  }
0x93: {  	s3 =	sld [smem:$0x3FFC];
	_ =	sdelay $0x3  }
0x94: {  	_ =	strace s3  }
0x95: {  	s3 =	sld [smem:$0x3FFD];
	_ =	sdelay $0x3  }
0x96: {  	_ =	strace s3  }
0x97: {  	_ =	strace $0x8FFFFFFF  }
0x98: {  	s19 =	sld [smem:$0x3FDB];
	_ =	sdelay $0x1  }
0x99: {  	s4 =	simm.s32 $_scs_section_size  }
0x9a: {  	s5 =	simm.s32 $_size__tile_overlayer_lowered;
	s6 =	simm.s32 $_tile_overlayer_lowered  }
0x9b: {  	s22 =	simm.s32 $0x1BFF;
	s21 =	sshll.u32 s6, $0x1;
	s3 =	sadd.s32 s4, s19  }
0x9c: {  	s7 =	simm.s32 $0x0;
	s20 =	sshll.u32 s5, $0x1;
	s5 =	sadd.s32 s21, s3  }
0x9d: {  	[timem:s7], [sflag:s22] =	dma.local [hbm:s5], s20  }
0x9e: {  	_ =	swait.ge [sflag:s22], s20  }
0x9f: {  	s4 =	ssub.s32 $0x0, s20;
	[sflag:s22] =	ssyncset.done $0x0  }
0xa0: {  	[sflag:s22] =	ssyncadd.s32 s4;
	_ =	sdelay $0x1  }
0xa1: {  	s23 =	simm.s32 $0x1B8B  }
0xa2: {  	_ =	swait.ge [sflag:s23], $0x1  }
0xa3: {  	[sflag:s23] =	ssyncset.done $0x0  }
0xa4: {  	s25 =	simm.s32 $0x1B8E;
	s24 =	sld [smem:$0x3FFE];
	[sflag:s23] =	ssyncadd.s32 $0xFFFFFFFF  }
0xa5: {  	s26 =	simm.s32 $execute0_lowered;
	[smem:$0x3FD2] =	sst s25  }
0xa6: {  	s5 =	sshll.u32 s26, $0x1;
	_ =	strace $0x80000046;
	[dreg:$0x1] =	wrdreg $0xFFFFFFFF  }
0xa7: {  	s28 =	simm.s32 $_size_execute0_lowered;
	s3 =	sadd.s32 s3, s5;
	[dreg:$0x0] =	wrdreg $0x0  }
0xa8: {  	s5 =	sshll.u32 s28, $0x1;
	[dreg:$0x2] =	wrdreg s3  }
0xa9: {  	[dreg:$0x3] =	wrdreg s5  }
0xaa: {  	[dreg:$0x4] =	wrdreg $0xC0  }
0xab: {  	_ =	task [dreg:s7], $0x5FFFF  }
0xac: {  	[dreg:$0x1] =	wrdreg $0xFFFFFFFF  }
0xad: {  	[dreg:$0x0] =	wrdreg $0x60  }
0xae: {  	[dreg:$0x2] =	wrdreg s24  }
0xaf: {  	[dreg:$0x3] =	wrdreg s2  }
0xb0: {  	[dreg:$0x4] =	wrdreg $0x9  }
0xb1: {  	_ =	task.clear_ibuf [dreg:s7], $0x5FFFF;
	_ =	strace $0x90000046  }
0xb2: {  	s29 =	simm.s32 $0x9;
	_ =	strace $0x80000048  }
0xb3: {  	_ =	swait.ge [sflag:s29], $0x1  }
0xb4: {  	[sflag:s29] =	ssyncadd.s32 $0xFFFFFFFF  }
0xb5: {  	_ =	strace $0x90000048  }
0xb6: {  	_ =	sfence  }
0xb7: {  	s30 =	sld [smem:$0x0];
	_ =	sdelay $0x2  }
0xb8: {  	s31 =	sshll.u32 s1, $0xD;
	s1 =	sshrl.u32 s1, $0x2  }
0xb9: {  	s3 =	sand.u32 $0x4000, s31;
	s1 =	sadd.s32 s1, s30  }
0xba: {  	s0 =	sor.u32 s3, s0;
	s1 =	sshll.u32 s1, $0x11  }
0xbb: {  	s0 =	sor.u32 s1, s0  }
0xbc: {  	s0 =	sadd.s32 $0x8F2B, s0  }
0xbd: {  	[sflag:s0] =	ssyncadd.remote.s32 $0x1  }
0xbe: {  	_ =	sfence.sel $0xFFFF  }
0xbf: {  	[dreg:$0x0] =	wrdreg $0xFFFFFFFF;
	(pc) =	sbr.abs _section_cstart, $3  }
0xc0: {  	[dreg:$0x1] =	wrdreg $0xFFFFFFFF  }
0xc1: {  	_ =	task.clear_ibuf [dreg:s7], $0x2FFFF;
	_ =	strace $0x9FFFFFFF  }
0xc2: {  	(tm) =	ssettm $0x7FFFFFFF  }
0xc3: {  	_ =	shalt  }
tec
execute0_lowered:
.L_overlay_start_1:
0x0: {  	(tag) =	ssettag $0x1  }
0x1: {  	s0 =	srdreg.scid;
	s4 =	stileid.u32  }
0x2: {  	s0 =	sand.u32 $0x1, s0;
	s1 =	sshll.u32 s4, $0x1  }
0x3: {  	s6 =	sor.u32 s0, s1  }
0x4: {  	s1 =	smul.u32 $0x1900, s6  }
0x5: {  	v0 =	vlaneseq.u32  }
0x6: {  	v1 =	vor.u32 s1, v0;
	s2 =	sor.u32 $0x10, s1  }
0x7: {  	s26 =	sor.u32 $0x20, s1;
	s5 =	sor.u32 $0x40, s1;
	v2 =	vmulhi.u32 $0x51EB851F, v1;
	v3 =	vor.u32 s2, v0  }
0x8: {  	s8 =	sor.u32 $0x60, s1;
	v5 =	vor.u32 s26, v0;
	v8 =	vor.u32 s5, v0;
	v4 =	vmulhi.u32 $0x51EB851F, v3  }
0x9: {  	s11 =	sor.u32 $0xA0, s1;
	v10 =	vor.u32 s8, v0;
	v6 =	vmulhi.u32 $0x51EB851F, v5;
	v2 =	vshrl.u32 v2, $0x6  }
0xa: {  	s13 =	sor.u32 $0xC0, s1;
	s14 =	sor.u32 $0xD0, s1;
	v14 =	vor.u32 s11, v0;
	v9 =	vmulhi.u32 $0x51EB851F, v8;
	v2 =	vmul.u32 $0xC8, v2  }
0xb: {  	s15 =	sor.u32 $0xE0, s1;
	v16 =	vor.u32 s13, v0;
	v18 =	vor.u32 s14, v0;
	v11 =	vmulhi.u32 $0x51EB851F, v10  }
0xc: {  	s3 =	sor.u32 $0x30, s1;
	v19 =	vor.u32 s15, v0;
	v15 =	vmulhi.u32 $0x51EB851F, v14;
	v1 =	vsub.s32 v1, v2  }
0xd: {  	v2 =	vshrl.u32 v4, $0x6;
	v4 =	vshrl.u32 v6, $0x6;
	v6 =	vor.u32 s3, v0  }
0xe: {  	s19 =	sadd.s32 $0x130, s1;
	s22 =	sadd.s32 $0x160, s1;
	v2 =	vmul.u32 $0xC8, v2;
	v4 =	vmul.u32 $0xC8, v4;
	v7 =	vmulhi.u32 $0x51EB851F, v6  }
0xf: {  	v24 =	vor.u32 s19, v0;
	v29 =	vor.u32 s22, v0;
	v17 =	vmulhi.u32 $0x51EB851F, v16  }
0x10: {  	s7 =	sor.u32 $0x50, s1;
	v2 =	vsub.s32 v3, v2;
	v3 =	vsub.s32 v5, v4;
	v4 =	vshrl.u32 v7, $0x6  }
0x11: {  	v5 =	vshrl.u32 v9, $0x6;
	v7 =	vor.u32 s7, v0;
	s7 =	sor.u32 $0x80, s1;
	v4 =	vmul.u32 $0xC8, v4  }
0x12: {  	s22 =	sadd.s32 $0x1F0, s1;
	v5 =	vmul.u32 $0xC8, v5;
	v9 =	vmulhi.u32 $0x51EB851F, v7;
	v12 =	vor.u32 s7, v0  }
0x13: {  	v36 =	vor.u32 s22, v0;
	v13 =	vmulhi.u32 $0x51EB851F, v12;
	v4 =	vsub.s32 v6, v4  }
0x14: {  	s9 =	sor.u32 $0x70, s1;
	v5 =	vsub.s32 v8, v5;
	v6 =	vshrl.u32 v9, $0x6;
	v8 =	vshrl.u32 v11, $0x6  }
0x15: {  	s25 =	sadd.s32 $0x1C0, s1;
	s22 =	sadd.s32 $0x240, s1;
	v9 =	vor.u32 s9, v0;
	v6 =	vmul.u32 $0xC8, v6;
	v8 =	vmul.u32 $0xC8, v8  }
0x16: {  	v34 =	vor.u32 s25, v0;
	v41 =	vor.u32 s22, v0;
	v11 =	vmulhi.u32 $0x51EB851F, v9  }
0x17: {  	s10 =	sor.u32 $0x90, s1;
	v57 =	vmulhi.u32 $0x51EB851F, v41;
	v6 =	vsub.s32 v7, v6;
	v7 =	vsub.s32 v10, v8  }
0x18: {  	v8 =	vshrl.u32 v11, $0x6;
	v10 =	vshrl.u32 v13, $0x6;
	v11 =	vor.u32 s10, v0  }
0x19: {  	v8 =	vmul.u32 $0xC8, v8;
	v10 =	vmul.u32 $0xC8, v10;
	v13 =	vmulhi.u32 $0x51EB851F, v11  }
0x1a: {  	v50 =	vmulhi.u32 $0x51EB851F, v36;
	v59 =	vshrl.u32 v57, $0x6;
	v1 =	vmul.u32 $0xF0, v1  }
0x1b: {  	s12 =	sor.u32 $0xB0, s1;
	v8 =	vsub.s32 v9, v8;
	v9 =	vsub.s32 v12, v10;
	v10 =	vshrl.u32 v13, $0x6  }
0x1c: {  	v12 =	vshrl.u32 v15, $0x6;
	v13 =	vor.u32 s12, v0;
	s12 =	sadd.s32 $0x1B0, s1;
	v10 =	vmul.u32 $0xC8, v10  }
0x1d: {  	s3 =	sadd.s32 $0x190, s1;
	v12 =	vmul.u32 $0xC8, v12;
	v15 =	vmulhi.u32 $0x51EB851F, v13;
	v32 =	vor.u32 s12, v0  }
0x1e: {  	v30 =	vor.u32 s3, v0;
	v2 =	vmul.u32 $0xF0, v2;
	v33 =	vmulhi.u32 $0x51EB851F, v32  }
0x1f: {  	v10 =	vsub.s32 v11, v10;
	v11 =	vsub.s32 v14, v12;
	v12 =	vmulhi.u32 $0x51EB851F, v18  }
0x20: {  	v14 =	vshrl.u32 v15, $0x6;
	v15 =	vshrl.u32 v17, $0x6;
	v17 =	vmulhi.u32 $0x51EB851F, v19  }
0x21: {  	s16 =	sor.u32 $0xF0, s1;
	v14 =	vmul.u32 $0xC8, v14;
	v15 =	vmul.u32 $0xC8, v15;
	v12 =	vshrl.u32 v12, $0x6  }
0x22: {  	s10 =	sadd.s32 $0x100, s1;
	v20 =	vmul.u32 $0xC8, v12;
	v12 =	vshrl.u32 v17, $0x6;
	v17 =	vor.u32 s16, v0  }
0x23: {  	v23 =	vor.u32 s10, v0;
	v21 =	vmul.u32 $0xC8, v12;
	v22 =	vmulhi.u32 $0x51EB851F, v17  }
0x24: {  	v12 =	vsub.s32 v13, v14;
	v13 =	vsub.s32 v16, v15;
	v16 =	vmulhi.u32 $0x51EB851F, v23  }
0x25: {  	s17 =	sadd.s32 $0x110, s1;
	v14 =	vsub.s32 v18, v20;
	v15 =	vsub.s32 v19, v21;
	v18 =	vshrl.u32 v22, $0x6  }
0x26: {  	s18 =	sadd.s32 $0x120, s1;
	v16 =	vshrl.u32 v16, $0x6;
	v19 =	vor.u32 s17, v0;
	v18 =	vmul.u32 $0xC8, v18  }
0x27: {  	v22 =	vor.u32 s18, v0;
	v20 =	vmul.u32 $0xC8, v16;
	v21 =	vmulhi.u32 $0x51EB851F, v19  }
0x28: {  	s20 =	sadd.s32 $0x140, s1;
	v3 =	vmul.u32 $0xF0, v3;
	v16 =	vsub.s32 v17, v18;
	v18 =	vmulhi.u32 $0x51EB851F, v22  }
0x29: {  	v17 =	vsub.s32 v23, v20;
	v20 =	vmulhi.u32 $0x51EB851F, v24;
	v23 =	vor.u32 s20, v0  }
0x2a: {  	v21 =	vshrl.u32 v21, $0x6;
	v25 =	vmulhi.u32 $0x51EB851F, v23;
	v18 =	vshrl.u32 v18, $0x6  }
0x2b: {  	s21 =	sadd.s32 $0x150, s1;
	v21 =	vmul.u32 $0xC8, v21;
	v26 =	vmul.u32 $0xC8, v18;
	v18 =	vshrl.u32 v20, $0x6  }
0x2c: {  	v20 =	vmul.u32 $0xC8, v18;
	v18 =	vshrl.u32 v25, $0x6;
	v25 =	vor.u32 s21, v0  }
0x2d: {  	v4 =	vmul.u32 $0xF0, v4;
	v27 =	vmul.u32 $0xC8, v18;
	v28 =	vmulhi.u32 $0x51EB851F, v25  }
0x2e: {  	s28 =	simm.s32 $0x7;
	s29 =	simm.s32 $0xC;
	s6 =	smul.u32 $0xC8000, s6;
	v18 =	vsub.s32 v19, v21;
	v19 =	vsub.s32 v22, v26;
	v22 =	vmulhi.u32 $0x51EB851F, v29  }
0x2f: {  	s30 =	simm.s32 $0x8;
	s31 =	simm.s32 $0xD;
	s23 =	sadd.s32 $0x170, s1;
	v20 =	vsub.s32 v24, v20;
	v21 =	vsub.s32 v23, v27;
	v23 =	vshrl.u32 v28, $0x6  }
0x30: {  	s24 =	sadd.s32 $0x1A0, s1;
	s6 =	sshrl.u32 s6, $0x3;
	s11 =	sadd.s32 $0x180, s1;
	v24 =	vor.u32 s23, v0;
	v22 =	vshrl.u32 v22, $0x6;
	v23 =	vmul.u32 $0xC8, v23  }
0x31: {  	s5 =	rddreg [dreg:$0x0];
	s2 =	simm.s32 $0x0;
	s8 =	ssub.s32 $0x2, s0;
	v27 =	vmulhi.u32 $0x51EB851F, v24;
	v28 =	vor.u32 s11, v0;
	v26 =	vmul.u32 $0xC8, v22  }
0x32: {  	s14 =	sshrl.u32 s1, $0x3;
	[smem:$0x7FF] =	sst s2;
	s15 =	sadd.s32 $0x7200, s5;
	v5 =	vmul.u32 $0xF0, v5;
	v22 =	vsub.s32 v25, v23;
	v25 =	vmulhi.u32 $0x51EB851F, v28  }
0x33: {  	s13 =	sshrl.u32 s8, $0x1;
	s19 =	sshrl.u32 s11, $0x3;
	s3 =	sadd.s32 $0xE00, s5;
	v23 =	vsub.s32 v29, v26;
	v26 =	vmulhi.u32 $0x51EB851F, v30;
	v29 =	vor.u32 s24, v0  }
0x34: {  	s8 =	ssub.s32 s8, s13;
	s26 =	sadd.s32 s3, s14;
	s9 =	rddreg [dreg:$0x1];
	v6 =	vmul.u32 $0xF0, v6;
	v31 =	vmulhi.u32 $0x51EB851F, v29;
	v25 =	vshrl.u32 v25, $0x6  }
0x35: {  	s14 =	sadd.s32 s15, s14;
	_ =	strace $0x80000047;
	[dreg:$0xc] =	wrdreg s26;
	v27 =	vshrl.u32 v27, $0x6;
	v26 =	vshrl.u32 v26, $0x6;
	v25 =	vmul.u32 $0xC8, v25  }
0x36: {  	s5 =	sadd.s32 $0xD600, s5;
	s7 =	sshrl.u32 s7, $0x3;
	[dreg:$0xd] =	wrdreg s14;
	v27 =	vmul.u32 $0xC8, v27;
	v26 =	vmul.u32 $0xC8, v26;
	v31 =	vshrl.u32 v31, $0x6  }
0x37: {  	[dreg:$0xb] =	wrdreg s15;
	s16 =	sadd.s32 s3, s7;
	s18 =	sadd.s32 $0x1D0, s1;
	v31 =	vmul.u32 $0xC8, v31;
	v25 =	vsub.s32 v28, v25;
	v28 =	vmulhi.u32 $0x51EB851F, v34  }
0x38: {  	s10 =	sshrl.u32 s10, $0x3;
	s7 =	sadd.s32 s15, s7;
	[dreg:$0xe] =	wrdreg s16;
	v24 =	vsub.s32 v24, v27;
	v26 =	vsub.s32 v30, v26;
	v30 =	vor.u32 s18, v0  }
0x39: {  	s26 =	smul.u32 $0x1900, s0;
	[dreg:$0xf] =	wrdreg s7;
	s17 =	sadd.s32 s3, s10;
	v27 =	vsub.s32 v29, v31;
	v29 =	vshrl.u32 v33, $0x6;
	v28 =	vshrl.u32 v28, $0x6  }
0x3a: {  	s0 =	smul.u32 $0x19000, s0;
	s10 =	sadd.s32 s15, s10;
	[dreg:$0x10] =	wrdreg s17;
	v48 =	vmulhi.u32 $0x51EB851F, v30;
	v29 =	vmul.u32 $0xC8, v29;
	v31 =	vmul.u32 $0xC8, v28  }
0x3b: {  	s6 =	sadd.s32 s9, s6;
	v7 =	vmul.u32 $0xF0, v7;
	v8 =	vmul.u32 $0xF0, v8;
	v9 =	vmul.u32 $0xF0, v9;
	s7 =	simm.s32 $0x400;
	[dreg:$0x11] =	wrdreg s10  }
0x3c: {  	s10 =	sadd.s32 s15, s19;
	s17 =	sadd.s32 $0x210, s1;
	s21 =	sadd.s32 $0x200, s1;
	v28 =	vsub.s32 v32, v29;
	v29 =	vsub.s32 v34, v31;
	v31 =	vshrl.u32 v48, $0x6  }
0x3d: {  	v10 =	vmul.u32 $0xF0, v10;
	[dreg:$0x13] =	wrdreg s10;
	s20 =	sadd.s32 $0x1E0, s1;
	s25 =	sshrl.u32 s21, $0x3;
	v51 =	vor.u32 s21, v0;
	v31 =	vmul.u32 $0xC8, v31  }
0x3e: {  	s10 =	simm.s32 $0x500;
	v35 =	vor.u32 s20, v0;
	s14 =	sadd.s32 s3, s25;
	s16 =	sadd.s32 s15, s25;
	v37 =	vmulhi.u32 $0x51EB851F, v51;
	v33 =	vshrl.u32 v50, $0x6  }
0x3f: {  	v49 =	vmulhi.u32 $0x51EB851F, v35;
	s25 =	sadd.s32 $0x260, s1;
	[dreg:$0x14] =	wrdreg s14;
	s18 =	sadd.s32 $0x220, s1;
	v30 =	vsub.s32 v30, v31;
	v31 =	vmul.u32 $0xC8, v33  }
0x40: {  	s23 =	smul.u32 $0x3200, s4;
	[dreg:$0x15] =	wrdreg s16;
	s14 =	sadd.s32 $0x16800, s6;
	v60 =	vor.u32 s25, v0;
	v53 =	vshrl.u32 v37, $0x6;
	v55 =	vor.u32 s18, v0  }
0x41: {  	s20 =	sadd.s32 $0x230, s1;
	s25 =	smax.u32 s8, $0x1;
	[dreg:$0x16] =	wrdreg s14;
	v38 =	vmulhi.u32 $0x51EB851F, v55;
	v36 =	vsub.s32 v36, v31;
	v31 =	vmul.u32 $0xC8, v53  }
0x42: {  	v11 =	vmul.u32 $0xF0, v11;
	v12 =	vmul.u32 $0xF0, v12;
	v13 =	vmul.u32 $0xF0, v13;
	s8 =	simm.s32 $0x100;
	s16 =	sadd.s32 s26, s23;
	[dreg:$0x1b] =	wrdreg s25  }
0x43: {  	s25 =	simm.s32 $0x80;
	s14 =	simm.s32 $0xC00;
	s24 =	sadd.s32 s3, s19;
	v32 =	vshrl.u32 v49, $0x6;
	v34 =	vsub.s32 v51, v31;
	v31 =	vshrl.u32 v38, $0x6  }
0x44: {  	v52 =	vor.u32 s17, v0;
	s12 =	sadd.s32 $0x480, s16;
	[dreg:$0x12] =	wrdreg s24;
	s24 =	sadd.s32 $0x250, s1;
	v32 =	vmul.u32 $0xC8, v32;
	v31 =	vmul.u32 $0xC8, v31  }
0x45: {  	v54 =	vmulhi.u32 $0x51EB851F, v52;
	v39 =	vor.u32 s20, v0;
	s23 =	sadd.s32 $0x400, s16;
	s13 =	sadd.s32 $0x380, s16;
	s19 =	smul.u32 $0x32000, s4;
	v58 =	vor.u32 s24, v0  }
0x46: {  	s12 =	sshrl.u32 s12, $0x3;
	s11 =	sshrl.u32 s23, $0x3;
	s23 =	sadd.s32 $0x18000, s6;
	v32 =	vsub.s32 v35, v32;
	v35 =	vsub.s32 v55, v31;
	v31 =	vmulhi.u32 $0x51EB851F, v58  }
0x47: {  	v14 =	vmul.u32 $0xF0, v14;
	v15 =	vmul.u32 $0xF0, v15;
	v40 =	vmulhi.u32 $0x51EB851F, v39;
	s4 =	smov.u32 s3;
	s21 =	sadd.s32 s12, s15;
	[dreg:$0x19] =	wrdreg s23  }
0x48: {  	v16 =	vmul.u32 $0xF0, v16;
	v17 =	vmul.u32 $0xF0, v17;
	s12 =	sadd.s32 s12, s3;
	s26 =	sadd.s32 s11, s15;
	[dreg:$0x3] =	wrdreg s21;
	v31 =	vshrl.u32 v31, $0x6  }
0x49: {  	v56 =	vshrl.u32 v40, $0x6;
	v37 =	vshrl.u32 v54, $0x6;
	s11 =	sadd.s32 s11, s3;
	s23 =	simm.s32 $0x180;
	[dreg:$0x4] =	wrdreg s12;
	v31 =	vmul.u32 $0xC8, v31  }
0x4a: {  	v18 =	vmul.u32 $0xF0, v18;
	v19 =	vmul.u32 $0xF0, v19;
	v37 =	vmul.u32 $0xC8, v37;
	s9 =	sadd.s32 s19, s9;
	[dreg:$0x5] =	wrdreg s26;
	s12 =	sshrl.u32 s13, $0x3  }
0x4b: {  	v20 =	vmul.u32 $0xF0, v20;
	[dreg:$0x6] =	wrdreg s11;
	s19 =	sadd.s32 $0x17000, s6;
	s21 =	sadd.s32 $0x17800, s6;
	v40 =	vsub.s32 v58, v31;
	v31 =	vmulhi.u32 $0x51EB851F, v60  }
0x4c: {  	v21 =	vmul.u32 $0xF0, v21;
	v37 =	vsub.s32 v52, v37;
	v22 =	vmul.u32 $0xF0, v22;
	s24 =	sadd.s32 $0x18800, s6;
	s13 =	simm.s32 $0x580;
	s6 =	simm.s32 $0x1  }
0x4d: {  	v23 =	vmul.u32 $0xF0, v23;
	s11 =	simm.s32 $0x10C00;
	[dreg:$0x17] =	wrdreg s19;
	s1 =	sadd.s32 $0x270, s1;
	v33 =	vmul.u32 $0xC8, v56;
	v31 =	vshrl.u32 v31, $0x6  }
0x4e: {  	s17 =	sadd.s32 s12, s15;
	s0 =	sadd.s32 s0, s9;
	[dreg:$0x18] =	wrdreg s21;
	v24 =	vmul.u32 $0xF0, v24;
	v42 =	vor.u32 s1, v0;
	v31 =	vmul.u32 $0xC8, v31  }
0x4f: {  	s20 =	sadd.s32 s12, s4;
	[dreg:$0x1a] =	wrdreg s24;
	s12 =	simm.s32 $0x3;
	v25 =	vmul.u32 $0xF0, v25;
	v26 =	vmul.u32 $0xF0, v26;
	v39 =	vsub.s32 v39, v33  }
0x50: {  	s21 =	simm.s32 $0x8C00;
	s19 =	simm.s32 $0x5;
	[dreg:$0x7] =	wrdreg s17;
	v33 =	vmul.u32 $0xC8, v59;
	v43 =	vsub.s32 v60, v31;
	v31 =	vmulhi.u32 $0x51EB851F, v42  }
0x51: {  	s24 =	simm.s32 $0x6;
	[dreg:$0x8] =	wrdreg s20;
	s0 =	sadd.s32 $0x2000, s0;
	v27 =	vmul.u32 $0xF0, v27;
	v28 =	vmul.u32 $0xF0, v28;
	v29 =	vmul.u32 $0xF0, v29  }
0x52: {  	s20 =	simm.s32 $0x480;
	s17 =	simm.s32 $0x200;
	s18 =	sadd.s32 $0x300, s16;
	v30 =	vmul.u32 $0xF0, v30;
	v41 =	vsub.s32 v41, v33;
	v61 =	vshrl.u32 v31, $0x6  }
0x53: {  	[dreg:$0x1c] =	wrdreg s0;
	s0 =	simm.s32 $0x0;
	s9 =	sshrl.u32 s18, $0x3;
	v33 =	vmul.u32 $0xF0, v34;
	v34 =	vmul.u32 $0xF0, v37;
	v62 =	vmul.u32 $0xC8, v61  }
0x54: {  	s18 =	simm.s32 $0x4C00;
	s22 =	sadd.s32 s9, s15;
	s26 =	sadd.s32 s9, s4;
	v37 =	vmul.u32 $0xF0, v41;
	v35 =	vmul.u32 $0xF0, v35;
	v38 =	vmul.u32 $0xF0, v40  }
0x55: {  	s9 =	simm.s32 $0x2;
	s15 =	simm.s32 $0x4;
	[dreg:$0x9] =	wrdreg s22;
	v31 =	vmul.u32 $0xF0, v32;
	v32 =	vmul.u32 $0xF0, v36;
	v63 =	vsub.s32 v42, v62  }
0x56: {  	[dreg:$0xa] =	wrdreg s26;
	s22 =	simm.s32 $0xCC00;
	s26 =	simm.s32 $0xB;
	v36 =	vmul.u32 $0xF0, v39;
	v39 =	vmul.u32 $0xF0, v43;
	v40 =	vmul.u32 $0xF0, v63  }
.LBB2_1:
0x57: {  	[dreg:$0x1d] =	wrdreg s0  }
0x58: {  	s3 =	rddreg [dreg:$0xc]  }
0x59: {  	[tilespmem:s2], [sflag:$0x1] =	stream.linear.gather [hbm4b:s3+s2], $0x80, $0x38;
	[tilespmem:$0x14C00] =	vst v63  }
0x5a: {  	s1 =	rddreg [dreg:$0xd]  }
0x5b: {  	[tilespmem:s7], [sflag:$0x1] =	stream.linear.gather [hbm4b:s1+s2], $0x80, $0x38;
	[tilespmem:$0x14C00] =	vst v63  }
0x5c: {  	s0 =	rddreg [dreg:$0xe]  }
0x5d: {  	[tilespmem:s25], [sflag:$0x2] =	stream.linear.gather [hbm4b:s0+s2], $0x80, $0x38;
	[tilespmem:$0x14C00] =	vst v63  }
0x5e: {  	s1 =	rddreg [dreg:$0xf]  }
0x5f: {  	[tilespmem:s20], [sflag:$0x2] =	stream.linear.gather [hbm4b:s1+s2], $0x80, $0x38;
	[tilespmem:$0x14C00] =	vst v63  }
0x60: {  	s7 =	rddreg [dreg:$0x10]  }
0x61: {  	[tilespmem:s8], [sflag:$0x3] =	stream.linear.gather [hbm4b:s7+s2], $0x80, $0x38;
	[tilespmem:$0x14C00] =	vst v63  }
0x62: {  	s20 =	rddreg [dreg:$0x11]  }
0x63: {  	[tilespmem:s10], [sflag:$0x3] =	stream.linear.gather [hbm4b:s20+s2], $0x80, $0x38;
	[tilespmem:$0x14C00] =	vst v63  }
0x64: {  	s0 =	rddreg [dreg:$0x12]  }
0x65: {  	[tilespmem:s23], [sflag:$0x4] =	stream.linear.gather [hbm4b:s0+s2], $0x80, $0x38;
	[tilespmem:$0x14C00] =	vst v63  }
0x66: {  	s1 =	rddreg [dreg:$0x13]  }
0x67: {  	[tilespmem:s13], [sflag:$0x4] =	stream.linear.gather [hbm4b:s1+s2], $0x80, $0x38;
	[tilespmem:$0x14C00] =	vst v63  }
0x68: {  	s7 =	rddreg [dreg:$0x14]  }
0x69: {  	[tilespmem:s17], [sflag:$0x5] =	stream.linear.gather [hbm4b:s7+s2], $0x80, $0x38;
	[tilespmem:$0x14C00] =	vst v63  }
0x6a: {  	s8 =	rddreg [dreg:$0x15];
	s10 =	simm.s32 $0x600  }
0x6b: {  	[tilespmem:s10], [sflag:$0x5] =	stream.linear.gather [hbm4b:s8+s2], $0x80, $0x38;
	[tilespmem:$0x14C00] =	vst v63  }
0x6c: {  	_ =	swait.ge [sflag:s6], $0x80  }
0x6d: {  	[sflag:s6] =	ssyncset.done $0x0  }
0x6e: {  	[sflag:s6] =	ssyncadd.s32 $0xFFFFFF80  }
0x6f: {  	_ =	swait.ge [sflag:s6], $0x80  }
0x70: {  	[sflag:s6] =	ssyncset.done $0x0  }
0x71: {  	[sflag:s6] =	ssyncadd.s32 $0xFFFFFF80  }
0x72: {  	v41 =	vld [tilespmem:$0x0]  }
0x73: {  	v42 =	vld [tilespmem:$0x400]  }
0x74: {  	v43 =	vld [tilespmem:$0x10]  }
0x75: {  	v44 =	vld [tilespmem:$0x410]  }
0x76: {  	v45 =	vld [tilespmem:$0x20]  }
0x77: {  	v46 =	vld [tilespmem:$0x420]  }
0x78: {  	v47 =	vld [tilespmem:$0x30]  }
0x79: {  	v48 =	vld [tilespmem:$0x430]  }
0x7a: {  	v49 =	vld [tilespmem:$0x40]  }
0x7b: {  	v50 =	vld [tilespmem:$0x440]  }
0x7c: {  	v51 =	vld [tilespmem:$0x50]  }
0x7d: {  	v52 =	vld [tilespmem:$0x450];
	v41 =	vshll.u32 v41, $0x3  }
0x7e: {  	v53 =	vld [tilespmem:$0x60];
	v43 =	vshll.u32 v43, $0x3;
	v55 =	vshll.u32 v45, $0x3;
	v41 =	vadd.s32 v1, v41  }
0x7f: {  	v45 =	vld [tilespmem:$0x70];
	v58 =	vshll.u32 v47, $0x3;
	v54 =	vadd.s32 v2, v43;
	v41 =	vadd.s32 v42, v41  }
0x80: {  	v59 =	vld [tilespmem:$0x460];
	v62 =	vshll.u32 v49, $0x3;
	v57 =	vadd.s32 v3, v55;
	v56 =	vadd.s32 v44, v54;
	[tilespmem:$0x800] =	vst v41  }
0x81: {  	v63 =	vld [tilespmem:$0x470];
	v49 =	vshll.u32 v51, $0x3;
	v61 =	vadd.s32 v4, v58;
	v60 =	vadd.s32 v46, v57;
	[tilespmem:$0x810] =	vst v56  }
0x82: {  	v51 =	vadd.s32 v6, v49;
	v47 =	vadd.s32 v48, v61;
	[tilespmem:$0x820] =	vst v60  }
0x83: {  	v48 =	vadd.s32 v5, v62;
	v54 =	vshll.u32 v53, $0x3;
	v55 =	vadd.s32 v52, v51;
	[tilespmem:$0x830] =	vst v47  }
0x84: {  	v50 =	vadd.s32 v50, v48;
	v56 =	vadd.s32 v7, v54;
	[tilespmem:$0x850] =	vst v55;
	v57 =	vshll.u32 v45, $0x3  }
0x85: {  	[tilespmem:$0x840] =	vst v50;
	v58 =	vadd.s32 v59, v56;
	v59 =	vadd.s32 v8, v57  }
0x86: {  	[tilespmem:$0x860] =	vst v58;
	v60 =	vadd.s32 v63, v59  }
0x87: {  	s13 =	simm.s32 $0x800;
	[tilespmem:$0x870] =	vst v60  }
0x88: {  	[tilespmem:s14], [sflag:$0x6] =	stream.indirect.gather [hbm4b:s5+s25], $0x80, s13, s25, $0xb8;
	[tilespmem:$0x14C00] =	vst v63  }
0x89: {  	_ =	swait.ge [sflag:s9], $0x80  }
0x8a: {  	[sflag:s9] =	ssyncset.done $0x0  }
0x8b: {  	[sflag:s9] =	ssyncadd.s32 $0xFFFFFF80  }
0x8c: {  	_ =	swait.ge [sflag:s9], $0x80  }
0x8d: {  	[sflag:s9] =	ssyncset.done $0x0  }
0x8e: {  	[sflag:s9] =	ssyncadd.s32 $0xFFFFFF80  }
0x8f: {  	v61 =	vld [tilespmem:$0x80]  }
0x90: {  	v62 =	vld [tilespmem:$0x480]  }
0x91: {  	v63 =	vld [tilespmem:$0x90]  }
0x92: {  	v56 =	vld [tilespmem:$0x490]  }
0x93: {  	v57 =	vld [tilespmem:$0xA0]  }
0x94: {  	v58 =	vld [tilespmem:$0x4A0]  }
0x95: {  	v59 =	vld [tilespmem:$0xB0]  }
0x96: {  	v48 =	vld [tilespmem:$0x4B0]  }
0x97: {  	v60 =	vld [tilespmem:$0xC0]  }
0x98: {  	v50 =	vld [tilespmem:$0x4C0]  }
0x99: {  	v51 =	vld [tilespmem:$0xD0]  }
0x9a: {  	v52 =	vld [tilespmem:$0x4D0];
	v41 =	vshll.u32 v61, $0x3  }
0x9b: {  	v53 =	vld [tilespmem:$0xE0];
	v43 =	vshll.u32 v63, $0x3;
	v55 =	vshll.u32 v59, $0x3;
	v41 =	vadd.s32 v9, v41  }
0x9c: {  	v45 =	vld [tilespmem:$0xF0];
	v61 =	vadd.s32 v10, v43;
	v41 =	vadd.s32 v62, v41;
	v62 =	vshll.u32 v57, $0x3  }
0x9d: {  	v59 =	vshll.u32 v60, $0x3;
	v63 =	vadd.s32 v56, v61;
	v56 =	vld [tilespmem:$0x4E0];
	[tilespmem:$0x880] =	vst v41;
	v54 =	vadd.s32 v11, v62  }
0x9e: {  	v60 =	vld [tilespmem:$0x4F0];
	[tilespmem:$0x890] =	vst v63;
	v62 =	vadd.s32 v13, v59;
	v57 =	vadd.s32 v58, v54  }
0x9f: {  	v63 =	vshll.u32 v51, $0x3;
	v58 =	vadd.s32 v12, v55;
	v47 =	vadd.s32 v50, v62;
	[tilespmem:$0x8A0] =	vst v57  }
0xa0: {  	v49 =	vshll.u32 v53, $0x3;
	v61 =	vadd.s32 v48, v58;
	v48 =	vadd.s32 v14, v63;
	[tilespmem:$0x8C0] =	vst v47  }
0xa1: {  	v51 =	vadd.s32 v15, v49;
	[tilespmem:$0x8B0] =	vst v61;
	v50 =	vadd.s32 v52, v48;
	v52 =	vshll.u32 v45, $0x3  }
0xa2: {  	[tilespmem:$0x8D0] =	vst v50;
	v53 =	vadd.s32 v56, v51;
	v54 =	vadd.s32 v16, v52  }
0xa3: {  	[tilespmem:$0x8E0] =	vst v53;
	v55 =	vadd.s32 v60, v54  }
0xa4: {  	s17 =	simm.s32 $0x880;
	[tilespmem:$0x8F0] =	vst v55  }
0xa5: {  	[tilespmem:s18], [sflag:$0x7] =	stream.indirect.gather [hbm4b:s5+s25], $0x80, s17, s25, $0xb8;
	[tilespmem:$0x14C00] =	vst v63  }
0xa6: {  	_ =	swait.ge [sflag:s12], $0x80  }
0xa7: {  	[sflag:s12] =	ssyncset.done $0x0  }
0xa8: {  	[sflag:s12] =	ssyncadd.s32 $0xFFFFFF80  }
0xa9: {  	_ =	swait.ge [sflag:s12], $0x80  }
0xaa: {  	[sflag:s12] =	ssyncset.done $0x0  }
0xab: {  	[sflag:s12] =	ssyncadd.s32 $0xFFFFFF80  }
0xac: {  	v56 =	vld [tilespmem:$0x100]  }
0xad: {  	v57 =	vld [tilespmem:$0x500]  }
0xae: {  	v58 =	vld [tilespmem:$0x110]  }
0xaf: {  	v59 =	vld [tilespmem:$0x510]  }
0xb0: {  	v60 =	vld [tilespmem:$0x120]  }
0xb1: {  	v61 =	vld [tilespmem:$0x520]  }
0xb2: {  	v62 =	vld [tilespmem:$0x130]  }
0xb3: {  	v48 =	vld [tilespmem:$0x530]  }
0xb4: {  	v51 =	vld [tilespmem:$0x150]  }
0xb5: {  	v63 =	vld [tilespmem:$0x140]  }
0xb6: {  	v52 =	vld [tilespmem:$0x550]  }
0xb7: {  	v50 =	vld [tilespmem:$0x540];
	v41 =	vshll.u32 v56, $0x3  }
0xb8: {  	v53 =	vld [tilespmem:$0x160];
	v43 =	vshll.u32 v58, $0x3;
	v55 =	vshll.u32 v60, $0x3;
	v41 =	vadd.s32 v17, v41  }
0xb9: {  	v45 =	vld [tilespmem:$0x170];
	v49 =	vshll.u32 v51, $0x3;
	v54 =	vadd.s32 v18, v43;
	v41 =	vadd.s32 v57, v41  }
0xba: {  	v58 =	vshll.u32 v62, $0x3;
	v51 =	vadd.s32 v22, v49;
	v56 =	vadd.s32 v59, v54;
	v59 =	vld [tilespmem:$0x560];
	[tilespmem:$0x900] =	vst v41  }
0xbb: {  	v62 =	vshll.u32 v63, $0x3;
	v63 =	vld [tilespmem:$0x570];
	v57 =	vadd.s32 v19, v55;
	v55 =	vadd.s32 v52, v51;
	[tilespmem:$0x910] =	vst v56  }
0xbc: {  	v60 =	vadd.s32 v61, v57;
	v61 =	vadd.s32 v20, v58;
	[tilespmem:$0x950] =	vst v55  }
0xbd: {  	v54 =	vshll.u32 v53, $0x3;
	[tilespmem:$0x920] =	vst v60;
	v47 =	vadd.s32 v48, v61;
	v48 =	vadd.s32 v21, v62  }
0xbe: {  	v56 =	vadd.s32 v23, v54;
	v57 =	vshll.u32 v45, $0x3;
	[tilespmem:$0x930] =	vst v47;
	v50 =	vadd.s32 v50, v48  }
0xbf: {  	[tilespmem:$0x940] =	vst v50;
	v58 =	vadd.s32 v59, v56;
	v59 =	vadd.s32 v24, v57  }
0xc0: {  	[tilespmem:$0x960] =	vst v58;
	v60 =	vadd.s32 v63, v59  }
0xc1: {  	s20 =	simm.s32 $0x900;
	[tilespmem:$0x970] =	vst v60  }
0xc2: {  	[tilespmem:s21], [sflag:$0x8] =	stream.indirect.gather [hbm4b:s5+s25], $0x80, s20, s25, $0xb8;
	[tilespmem:$0x14C00] =	vst v63  }
0xc3: {  	_ =	swait.ge [sflag:s15], $0x80  }
0xc4: {  	[sflag:s15] =	ssyncset.done $0x0  }
0xc5: {  	[sflag:s15] =	ssyncadd.s32 $0xFFFFFF80  }
0xc6: {  	_ =	swait.ge [sflag:s15], $0x80  }
0xc7: {  	[sflag:s15] =	ssyncset.done $0x0  }
0xc8: {  	[sflag:s15] =	ssyncadd.s32 $0xFFFFFF80  }
0xc9: {  	v61 =	vld [tilespmem:$0x180]  }
0xca: {  	v62 =	vld [tilespmem:$0x580]  }
0xcb: {  	v63 =	vld [tilespmem:$0x190]  }
0xcc: {  	v56 =	vld [tilespmem:$0x590]  }
0xcd: {  	v57 =	vld [tilespmem:$0x1A0]  }
0xce: {  	v58 =	vld [tilespmem:$0x5A0]  }
0xcf: {  	v59 =	vld [tilespmem:$0x1B0]  }
0xd0: {  	v48 =	vld [tilespmem:$0x5B0]  }
0xd1: {  	v60 =	vld [tilespmem:$0x1C0]  }
0xd2: {  	v50 =	vld [tilespmem:$0x5C0]  }
0xd3: {  	v51 =	vld [tilespmem:$0x1D0]  }
0xd4: {  	v52 =	vld [tilespmem:$0x5D0];
	v41 =	vshll.u32 v61, $0x3  }
0xd5: {  	v53 =	vld [tilespmem:$0x1E0];
	v43 =	vshll.u32 v63, $0x3;
	v55 =	vshll.u32 v59, $0x3;
	v41 =	vadd.s32 v25, v41  }
0xd6: {  	v45 =	vld [tilespmem:$0x1F0];
	v61 =	vadd.s32 v26, v43;
	v41 =	vadd.s32 v62, v41;
	v62 =	vshll.u32 v57, $0x3  }
0xd7: {  	v59 =	vshll.u32 v60, $0x3;
	v63 =	vadd.s32 v56, v61;
	v56 =	vld [tilespmem:$0x5E0];
	[tilespmem:$0x980] =	vst v41;
	v54 =	vadd.s32 v27, v62  }
0xd8: {  	v60 =	vld [tilespmem:$0x5F0];
	[tilespmem:$0x990] =	vst v63;
	v62 =	vadd.s32 v29, v59;
	v57 =	vadd.s32 v58, v54  }
0xd9: {  	v63 =	vshll.u32 v51, $0x3;
	v58 =	vadd.s32 v28, v55;
	v47 =	vadd.s32 v50, v62;
	[tilespmem:$0x9A0] =	vst v57  }
0xda: {  	v49 =	vshll.u32 v53, $0x3;
	v61 =	vadd.s32 v48, v58;
	v48 =	vadd.s32 v30, v63;
	[tilespmem:$0x9C0] =	vst v47  }
0xdb: {  	v51 =	vadd.s32 v31, v49;
	[tilespmem:$0x9B0] =	vst v61;
	v50 =	vadd.s32 v52, v48;
	v52 =	vshll.u32 v45, $0x3  }
0xdc: {  	[tilespmem:$0x9D0] =	vst v50;
	v53 =	vadd.s32 v56, v51;
	v54 =	vadd.s32 v32, v52  }
0xdd: {  	[tilespmem:$0x9E0] =	vst v53;
	v55 =	vadd.s32 v60, v54  }
0xde: {  	s21 =	simm.s32 $0x980;
	[tilespmem:$0x9F0] =	vst v55  }
0xdf: {  	[tilespmem:s22], [sflag:$0x9] =	stream.indirect.gather [hbm4b:s5+s25], $0x80, s21, s25, $0xb8;
	[tilespmem:$0x14C00] =	vst v63  }
0xe0: {  	_ =	swait.ge [sflag:s19], $0x80  }
0xe1: {  	[sflag:s19] =	ssyncset.done $0x0  }
0xe2: {  	[sflag:s19] =	ssyncadd.s32 $0xFFFFFF80  }
0xe3: {  	_ =	swait.ge [sflag:s19], $0x80  }
0xe4: {  	[sflag:s19] =	ssyncset.done $0x0  }
0xe5: {  	[sflag:s19] =	ssyncadd.s32 $0xFFFFFF80  }
0xe6: {  	v56 =	vld [tilespmem:$0x200]  }
0xe7: {  	v57 =	vld [tilespmem:$0x600]  }
0xe8: {  	v58 =	vld [tilespmem:$0x210]  }
0xe9: {  	v59 =	vld [tilespmem:$0x610]  }
0xea: {  	v60 =	vld [tilespmem:$0x220]  }
0xeb: {  	v61 =	vld [tilespmem:$0x620]  }
0xec: {  	v62 =	vld [tilespmem:$0x230]  }
0xed: {  	v48 =	vld [tilespmem:$0x630]  }
0xee: {  	v51 =	vld [tilespmem:$0x250]  }
0xef: {  	v63 =	vld [tilespmem:$0x240]  }
0xf0: {  	v50 =	vld [tilespmem:$0x640]  }
0xf1: {  	v52 =	vld [tilespmem:$0x650];
	v41 =	vshll.u32 v56, $0x3  }
0xf2: {  	v53 =	vld [tilespmem:$0x260];
	v43 =	vshll.u32 v58, $0x3;
	v56 =	vshll.u32 v60, $0x3;
	v41 =	vadd.s32 v33, v41  }
0xf3: {  	v45 =	vld [tilespmem:$0x270];
	v54 =	vshll.u32 v51, $0x3;
	v55 =	vadd.s32 v34, v43;
	v41 =	vadd.s32 v57, v41  }
0xf4: {  	v44 =	vld [tilespmem:$0x660];
	v58 =	vadd.s32 v35, v56;
	v56 =	vadd.s32 v38, v54;
	v57 =	vadd.s32 v59, v55;
	[tilespmem:$0xA00] =	vst v41  }
0xf5: {  	v59 =	vshll.u32 v62, $0x3;
	v60 =	vadd.s32 v61, v58;
	v62 =	vshll.u32 v63, $0x3;
	v63 =	vld [tilespmem:$0x670];
	[tilespmem:$0xA10] =	vst v57  }
0xf6: {  	v58 =	vadd.s32 v52, v56;
	v61 =	vadd.s32 v36, v59;
	[tilespmem:$0xA20] =	vst v60  }
0xf7: {  	v49 =	vadd.s32 v37, v62;
	v57 =	vshll.u32 v53, $0x3;
	[tilespmem:$0xA50] =	vst v58;
	v48 =	vadd.s32 v48, v61  }
0xf8: {  	v60 =	vshll.u32 v45, $0x3;
	v55 =	vadd.s32 v50, v49;
	v59 =	vadd.s32 v39, v57;
	[tilespmem:$0xA30] =	vst v48  }
0xf9: {  	s23 =	simm.s32 $0xA00;
	v62 =	vadd.s32 v40, v60;
	[tilespmem:$0xA40] =	vst v55;
	v61 =	vadd.s32 v44, v59  }
0xfa: {  	s0 =	simm.s32 $0xE;
	s1 =	simm.s32 $0x9;
	s7 =	simm.s32 $0x0;
	[tilespmem:$0xA60] =	vst v61;
	v63 =	vadd.s32 v63, v62  }
0xfb: {  	s8 =	simm.s32 $0xA;
	s13 =	simm.s32 $0x0;
	s10 =	rddreg [dreg:$0x1c];
	[tilespmem:$0xA70] =	vst v63  }
0xfc: {  	[tilespmem:s11], [sflag:$0xA] =	stream.indirect.gather [hbm4b:s5+s25], $0x80, s23, s25, $0xb8;
	[tilespmem:$0x14C00] =	vst v63  }
.LBB2_2:
0xfd: {  	s17 =	sadd.s32 s13, s16  }
0xfe: {  	s20 =	sadd.s32 $0x280, s17  }
0xff: {  	s3 =	sshrl.u32 s20, $0x3  }
0x100: {  	s23 =	rddreg [dreg:$0xb];
	s22 =	sadd.s32 s4, s3  }
0x101: {  	[tilespmem:s2], [sflag:$0x1] =	stream.linear.gather [hbm4b:s22+s2], $0x80, $0x38;
	[tilespmem:$0x14C00] =	vst v63  }
0x102: {  	s14 =	simm.s32 $0x400;
	s3 =	sadd.s32 s23, s3  }
0x103: {  	[tilespmem:s14], [sflag:$0x1] =	stream.linear.gather [hbm4b:s3+s2], $0x80, $0x38;
	[tilespmem:$0x14C00] =	vst v63  }
0x104: {  	_ =	swait.ge [sflag:s24], $0x4000  }
0x105: {  	s11 =	smov.u32 s16;
	s16 =	smov.u32 s4;
	[sflag:s24] =	ssyncset.done $0x0  }
0x106: {  	s18 =	sadd.s32 $0xFFFFE000, s10;
	s4 =	simm.s32 $0xC00;
	[sflag:s24] =	ssyncadd.s32 $0xFFFFC000  }
0x107: {  	[hbm4b:s18+s2] =	stream.linear.scatter [tilespmem:s4], [sflag:$0xB], $0x4000, $0x38;
	[tilespmem:$0x14C00] =	vst v63  }
0x108: {  	_ =	swait.ge [sflag:s6], $0x80  }
0x109: {  	[sflag:s6] =	ssyncset.done $0x0  }
0x10a: {  	s21 =	sadd.s32 $0x290, s17;
	v41 =	vor.u32 s20, v0;
	[sflag:s6] =	ssyncadd.s32 $0xFFFFFF80  }
0x10b: {  	v43 =	vor.u32 s21, v0;
	v42 =	vmulhi.u32 $0x51EB851F, v41;
	s23 =	sadd.s32 $0x2B0, s17;
	_ =	swait.ge [sflag:s6], $0x80  }
0x10c: {  	v45 =	vmulhi.u32 $0x51EB851F, v43;
	s22 =	sadd.s32 $0x2A0, s17;
	v50 =	vor.u32 s23, v0;
	[sflag:s6] =	ssyncset.done $0x0  }
0x10d: {  	v47 =	vor.u32 s22, v0;
	v52 =	vmulhi.u32 $0x51EB851F, v50;
	[sflag:s6] =	ssyncadd.s32 $0xFFFFFF80  }
0x10e: {  	v42 =	vshrl.u32 v42, $0x6;
	v49 =	vmulhi.u32 $0x51EB851F, v47;
	v44 =	vld [tilespmem:$0x0]  }
0x10f: {  	v45 =	vshrl.u32 v45, $0x6;
	v42 =	vmul.u32 $0xC8, v42;
	v46 =	vld [tilespmem:$0x400]  }
0x110: {  	v45 =	vmul.u32 $0xC8, v45;
	s14 =	sadd.s32 $0x2C0, s17;
	v52 =	vshrl.u32 v52, $0x6;
	v49 =	vshrl.u32 v49, $0x6;
	v48 =	vld [tilespmem:$0x10]  }
0x111: {  	v58 =	vor.u32 s14, v0;
	v41 =	vsub.s32 v41, v42;
	v49 =	vmul.u32 $0xC8, v49;
	v51 =	vld [tilespmem:$0x20]  }
0x112: {  	v43 =	vsub.s32 v43, v45;
	v54 =	vmul.u32 $0xC8, v52;
	v62 =	vmulhi.u32 $0x51EB851F, v58;
	v63 =	vld [tilespmem:$0x30]  }
0x113: {  	s22 =	sadd.s32 $0x2F0, s17;
	v41 =	vmul.u32 $0xF0, v41;
	v43 =	vmul.u32 $0xF0, v43;
	v47 =	vsub.s32 v47, v49;
	v59 =	vld [tilespmem:$0x410]  }
0x114: {  	s18 =	sadd.s32 $0x2D0, s17;
	v49 =	vsub.s32 v50, v54;
	v54 =	vor.u32 s22, v0;
	v55 =	vmul.u32 $0xF0, v47  }
0x115: {  	v61 =	vmul.u32 $0xF0, v49;
	v47 =	vor.u32 s18, v0;
	v60 =	vld [tilespmem:$0x420];
	v44 =	vshll.u32 v44, $0x3  }
0x116: {  	v48 =	vshll.u32 v48, $0x3;
	v56 =	vshll.u32 v51, $0x3;
	v41 =	vadd.s32 v41, v44  }
0x117: {  	v57 =	vld [tilespmem:$0x430];
	v43 =	vadd.s32 v43, v48;
	v44 =	vshll.u32 v63, $0x3;
	v41 =	vadd.s32 v46, v41  }
0x118: {  	s21 =	sadd.s32 $0x2E0, s17;
	v46 =	vadd.s32 v55, v56;
	v42 =	vadd.s32 v59, v43;
	v44 =	vadd.s32 v61, v44  }
0x119: {  	v63 =	vld [tilespmem:$0x40];
	v59 =	vshrl.u32 v62, $0x6;
	v61 =	vmulhi.u32 $0x51EB851F, v47;
	v62 =	vor.u32 s21, v0  }
0x11a: {  	v50 =	vld [tilespmem:$0x450];
	v55 =	vmulhi.u32 $0x51EB851F, v54;
	v43 =	vadd.s32 v60, v46;
	v46 =	vmul.u32 $0xC8, v59  }
0x11b: {  	v60 =	vld [tilespmem:$0x440];
	v53 =	vmulhi.u32 $0x51EB851F, v62  }
0x11c: {  	v48 =	vld [tilespmem:$0x50];
	v44 =	vadd.s32 v57, v44;
	v51 =	vshrl.u32 v61, $0x6;
	v46 =	vsub.s32 v58, v46  }
0x11d: {  	v56 =	vld [tilespmem:$0x60];
	v51 =	vmul.u32 $0xC8, v51;
	v53 =	vshrl.u32 v53, $0x6;
	v46 =	vmul.u32 $0xF0, v46  }
0x11e: {  	v57 =	vld [tilespmem:$0x70];
	v55 =	vshrl.u32 v55, $0x6;
	v45 =	vshll.u32 v63, $0x3;
	v53 =	vmul.u32 $0xC8, v53  }
0x11f: {  	[tilespmem:$0x800] =	vst v41;
	v58 =	vld [tilespmem:$0x460];
	v59 =	vmul.u32 $0xC8, v55;
	v51 =	vsub.s32 v47, v51;
	v63 =	vadd.s32 v46, v45  }
0x120: {  	[tilespmem:$0x810] =	vst v42;
	v61 =	vsub.s32 v62, v53;
	v62 =	vld [tilespmem:$0x470];
	v41 =	vadd.s32 v60, v63;
	v60 =	vmul.u32 $0xF0, v51  }
0x121: {  	[tilespmem:$0x820] =	vst v43;
	v47 =	vsub.s32 v54, v59;
	v63 =	vshll.u32 v48, $0x3;
	v45 =	vmul.u32 $0xF0, v61  }
0x122: {  	[tilespmem:$0x830] =	vst v44;
	v48 =	vshll.u32 v56, $0x3;
	v51 =	vmul.u32 $0xF0, v47;
	v42 =	vadd.s32 v60, v63  }
0x123: {  	v54 =	vshll.u32 v57, $0x3;
	[tilespmem:$0x840] =	vst v41;
	v53 =	vadd.s32 v45, v48;
	v52 =	vadd.s32 v50, v42  }
0x124: {  	v56 =	vadd.s32 v51, v54;
	v55 =	vadd.s32 v58, v53;
	[tilespmem:$0x850] =	vst v52  }
0x125: {  	[tilespmem:$0x860] =	vst v55;
	v57 =	vadd.s32 v62, v56  }
0x126: {  	[tilespmem:$0x870] =	vst v57  }
0x127: {  	_ =	swait.ge [sflag:s26], $0x4000  }
0x128: {  	[sflag:s26] =	ssyncset.done $0x0  }
0x129: {  	s18 =	simm.s32 $0x800;
	s23 =	rddreg [dreg:$0xa];
	[sflag:s26] =	ssyncadd.s32 $0xFFFFC000  }
0x12a: {  	[tilespmem:s4], [sflag:$0x6] =	stream.indirect.gather [hbm4b:s5+s25], $0x80, s18, s25, $0xb8;
	[tilespmem:$0x14C00] =	vst v63  }
0x12b: {  	s3 =	sadd.s32 s7, s23;
	s18 =	rddreg [dreg:$0x9]  }
0x12c: {  	[tilespmem:s25], [sflag:$0x2] =	stream.linear.gather [hbm4b:s3+s2], $0x80, $0x38;
	[tilespmem:$0x14C00] =	vst v63  }
0x12d: {  	s20 =	simm.s32 $0x480;
	s21 =	sadd.s32 s7, s18  }
0x12e: {  	[tilespmem:s20], [sflag:$0x2] =	stream.linear.gather [hbm4b:s21+s2], $0x80, $0x38;
	[tilespmem:$0x14C00] =	vst v63  }
0x12f: {  	_ =	swait.ge [sflag:s28], $0x4000  }
0x130: {  	[sflag:s28] =	ssyncset.done $0x0  }
0x131: {  	s22 =	sadd.s32 $0xFFFFE800, s10;
	s4 =	simm.s32 $0x4C00;
	[sflag:s28] =	ssyncadd.s32 $0xFFFFC000  }
0x132: {  	[hbm4b:s22+s2] =	stream.linear.scatter [tilespmem:s4], [sflag:$0xC], $0x4000, $0x38;
	[tilespmem:$0x14C00] =	vst v63  }
0x133: {  	_ =	swait.ge [sflag:s9], $0x80  }
0x134: {  	s23 =	sadd.s32 $0x300, s17;
	[sflag:s9] =	ssyncset.done $0x0  }
0x135: {  	v58 =	vor.u32 s23, v0;
	s18 =	sadd.s32 $0x310, s17;
	[sflag:s9] =	ssyncadd.s32 $0xFFFFFF80  }
0x136: {  	v59 =	vmulhi.u32 $0x51EB851F, v58;
	v60 =	vor.u32 s18, v0;
	s21 =	sadd.s32 $0x320, s17;
	_ =	swait.ge [sflag:s9], $0x80  }
0x137: {  	v55 =	vmulhi.u32 $0x51EB851F, v60;
	v56 =	vor.u32 s21, v0;
	[sflag:s9] =	ssyncset.done $0x0  }
0x138: {  	v42 =	vshrl.u32 v59, $0x6;
	v61 =	vmulhi.u32 $0x51EB851F, v56;
	s22 =	sadd.s32 $0x330, s17;
	[sflag:s9] =	ssyncadd.s32 $0xFFFFFF80  }
0x139: {  	v42 =	vmul.u32 $0xC8, v42;
	v62 =	vor.u32 s22, v0;
	v63 =	vld [tilespmem:$0x80]  }
0x13a: {  	v45 =	vshrl.u32 v55, $0x6;
	v49 =	vshrl.u32 v61, $0x6;
	v59 =	vmulhi.u32 $0x51EB851F, v62;
	v57 =	vld [tilespmem:$0x90]  }
0x13b: {  	v41 =	vsub.s32 v58, v42;
	v45 =	vmul.u32 $0xC8, v45;
	v49 =	vmul.u32 $0xC8, v49;
	v58 =	vld [tilespmem:$0xA0]  }
0x13c: {  	v52 =	vshrl.u32 v59, $0x6;
	v46 =	vld [tilespmem:$0x480]  }
0x13d: {  	v43 =	vsub.s32 v60, v45;
	v47 =	vsub.s32 v56, v49;
	v54 =	vmul.u32 $0xC8, v52;
	v42 =	vld [tilespmem:$0x490]  }
0x13e: {  	s18 =	sadd.s32 $0x350, s17;
	v41 =	vmul.u32 $0xF0, v41;
	v43 =	vmul.u32 $0xF0, v43;
	s22 =	sadd.s32 $0x370, s17;
	v55 =	vmul.u32 $0xF0, v47;
	v60 =	vld [tilespmem:$0x4A0]  }
0x13f: {  	v47 =	vor.u32 s18, v0;
	v49 =	vsub.s32 v62, v54;
	v54 =	vor.u32 s22, v0  }
0x140: {  	s23 =	sadd.s32 $0x340, s17;
	v44 =	vshll.u32 v63, $0x3;
	v63 =	vld [tilespmem:$0xB0];
	v48 =	vshll.u32 v57, $0x3;
	v56 =	vshll.u32 v58, $0x3  }
0x141: {  	v58 =	vor.u32 s23, v0;
	v41 =	vadd.s32 v41, v44;
	v43 =	vadd.s32 v43, v48  }
0x142: {  	v62 =	vmulhi.u32 $0x51EB851F, v58;
	v41 =	vadd.s32 v46, v41;
	v46 =	vadd.s32 v55, v56  }
0x143: {  	v57 =	vld [tilespmem:$0x4B0];
	v42 =	vadd.s32 v42, v43;
	v43 =	vadd.s32 v60, v46;
	v60 =	vmulhi.u32 $0x51EB851F, v47  }
0x144: {  	s21 =	sadd.s32 $0x360, s17;
	v50 =	vld [tilespmem:$0x4D0];
	v59 =	vshrl.u32 v62, $0x6;
	v62 =	vmulhi.u32 $0x51EB851F, v54  }
0x145: {  	v52 =	vor.u32 s21, v0;
	v61 =	vmul.u32 $0xF0, v49;
	v44 =	vshll.u32 v63, $0x3;
	v63 =	vld [tilespmem:$0xC0]  }
0x146: {  	v49 =	vld [tilespmem:$0x4C0];
	v46 =	vmul.u32 $0xC8, v59;
	v51 =	vshrl.u32 v60, $0x6;
	v55 =	vshrl.u32 v62, $0x6  }
0x147: {  	v48 =	vld [tilespmem:$0xD0];
	v44 =	vadd.s32 v61, v44;
	v61 =	vmulhi.u32 $0x51EB851F, v52;
	v51 =	vmul.u32 $0xC8, v51  }
0x148: {  	v46 =	vsub.s32 v58, v46;
	v59 =	vmul.u32 $0xC8, v55;
	v44 =	vadd.s32 v57, v44;
	v57 =	vld [tilespmem:$0xF0]  }
0x149: {  	v56 =	vld [tilespmem:$0xE0];
	v46 =	vmul.u32 $0xF0, v46;
	v53 =	vshrl.u32 v61, $0x6;
	v51 =	vsub.s32 v47, v51  }
0x14a: {  	[tilespmem:$0x880] =	vst v41;
	v62 =	vld [tilespmem:$0x4F0];
	v47 =	vsub.s32 v54, v59;
	v53 =	vmul.u32 $0xC8, v53;
	v45 =	vshll.u32 v63, $0x3  }
0x14b: {  	[tilespmem:$0x890] =	vst v42;
	v58 =	vld [tilespmem:$0x4E0];
	v60 =	vmul.u32 $0xF0, v51;
	v51 =	vmul.u32 $0xF0, v47;
	v63 =	vadd.s32 v46, v45  }
0x14c: {  	[tilespmem:$0x8A0] =	vst v43;
	v61 =	vsub.s32 v52, v53;
	v41 =	vadd.s32 v49, v63;
	v63 =	vshll.u32 v48, $0x3  }
0x14d: {  	[tilespmem:$0x8B0] =	vst v44;
	v45 =	vmul.u32 $0xF0, v61;
	v54 =	vshll.u32 v57, $0x3;
	v42 =	vadd.s32 v60, v63  }
0x14e: {  	v48 =	vshll.u32 v56, $0x3;
	[tilespmem:$0x8C0] =	vst v41;
	v56 =	vadd.s32 v51, v54;
	v52 =	vadd.s32 v50, v42  }
0x14f: {  	v53 =	vadd.s32 v45, v48;
	v57 =	vadd.s32 v62, v56;
	[tilespmem:$0x8D0] =	vst v52  }
0x150: {  	v55 =	vadd.s32 v58, v53;
	[tilespmem:$0x8F0] =	vst v57  }
0x151: {  	[tilespmem:$0x8E0] =	vst v55  }
0x152: {  	_ =	swait.ge [sflag:s29], $0x4000  }
0x153: {  	[sflag:s29] =	ssyncset.done $0x0  }
0x154: {  	s21 =	simm.s32 $0x880;
	s23 =	rddreg [dreg:$0x8];
	[sflag:s29] =	ssyncadd.s32 $0xFFFFC000  }
0x155: {  	[tilespmem:s4], [sflag:$0x7] =	stream.indirect.gather [hbm4b:s5+s25], $0x80, s21, s25, $0xb8;
	[tilespmem:$0x14C00] =	vst v63  }
0x156: {  	s22 =	rddreg [dreg:$0x7];
	s3 =	sadd.s32 s7, s23;
	s23 =	simm.s32 $0x100  }
0x157: {  	[tilespmem:s23], [sflag:$0x3] =	stream.linear.gather [hbm4b:s3+s2], $0x80, $0x38;
	[tilespmem:$0x14C00] =	vst v63  }
0x158: {  	s21 =	sadd.s32 s7, s22;
	s22 =	simm.s32 $0x500  }
0x159: {  	[tilespmem:s22], [sflag:$0x3] =	stream.linear.gather [hbm4b:s21+s2], $0x80, $0x38;
	[tilespmem:$0x14C00] =	vst v63  }
0x15a: {  	_ =	swait.ge [sflag:s30], $0x4000  }
0x15b: {  	[sflag:s30] =	ssyncset.done $0x0  }
0x15c: {  	s4 =	simm.s32 $0x8C00;
	s23 =	sadd.s32 $0xFFFFF000, s10;
	[sflag:s30] =	ssyncadd.s32 $0xFFFFC000  }
0x15d: {  	[hbm4b:s23+s2] =	stream.linear.scatter [tilespmem:s4], [sflag:$0xD], $0x4000, $0x38;
	[tilespmem:$0x14C00] =	vst v63  }
0x15e: {  	_ =	swait.ge [sflag:s12], $0x80  }
0x15f: {  	s21 =	sadd.s32 $0x380, s17;
	[sflag:s12] =	ssyncset.done $0x0  }
0x160: {  	s22 =	sadd.s32 $0x390, s17;
	v58 =	vor.u32 s21, v0;
	[sflag:s12] =	ssyncadd.s32 $0xFFFFFF80  }
0x161: {  	v60 =	vor.u32 s22, v0;
	s21 =	sadd.s32 $0x3B0, s17;
	v59 =	vmulhi.u32 $0x51EB851F, v58;
	_ =	swait.ge [sflag:s12], $0x80  }
0x162: {  	v55 =	vmulhi.u32 $0x51EB851F, v60;
	v62 =	vor.u32 s21, v0;
	s23 =	sadd.s32 $0x3A0, s17;
	[sflag:s12] =	ssyncset.done $0x0  }
0x163: {  	v42 =	vshrl.u32 v59, $0x6;
	v59 =	vmulhi.u32 $0x51EB851F, v62;
	v56 =	vor.u32 s23, v0;
	[sflag:s12] =	ssyncadd.s32 $0xFFFFFF80  }
0x164: {  	v45 =	vshrl.u32 v55, $0x6;
	v42 =	vmul.u32 $0xC8, v42;
	v61 =	vmulhi.u32 $0x51EB851F, v56;
	v63 =	vld [tilespmem:$0x100]  }
0x165: {  	v45 =	vmul.u32 $0xC8, v45;
	v57 =	vld [tilespmem:$0x110]  }
0x166: {  	v52 =	vshrl.u32 v59, $0x6;
	v41 =	vsub.s32 v58, v42;
	v49 =	vshrl.u32 v61, $0x6;
	v58 =	vld [tilespmem:$0x120]  }
0x167: {  	v54 =	vmul.u32 $0xC8, v52;
	v49 =	vmul.u32 $0xC8, v49;
	v46 =	vld [tilespmem:$0x500]  }
0x168: {  	v43 =	vsub.s32 v60, v45;
	v41 =	vmul.u32 $0xF0, v41;
	v42 =	vld [tilespmem:$0x510]  }
0x169: {  	v43 =	vmul.u32 $0xF0, v43;
	v60 =	vld [tilespmem:$0x520];
	v47 =	vsub.s32 v56, v49;
	v49 =	vsub.s32 v62, v54  }
0x16a: {  	s23 =	sadd.s32 $0x3D0, s17;
	v55 =	vmul.u32 $0xF0, v47;
	v61 =	vmul.u32 $0xF0, v49;
	v44 =	vshll.u32 v63, $0x3;
	v63 =	vld [tilespmem:$0x130]  }
0x16b: {  	s22 =	sadd.s32 $0x3C0, s17;
	v47 =	vor.u32 s23, v0;
	v48 =	vshll.u32 v57, $0x3;
	v56 =	vshll.u32 v58, $0x3  }
0x16c: {  	v58 =	vor.u32 s22, v0;
	v41 =	vadd.s32 v41, v44;
	v43 =	vadd.s32 v43, v48  }
0x16d: {  	s22 =	sadd.s32 $0x3F0, s17;
	v62 =	vmulhi.u32 $0x51EB851F, v58;
	v41 =	vadd.s32 v46, v41;
	v46 =	vadd.s32 v55, v56  }
0x16e: {  	v57 =	vld [tilespmem:$0x530];
	v54 =	vor.u32 s22, v0;
	v42 =	vadd.s32 v42, v43;
	v43 =	vadd.s32 v60, v46  }
0x16f: {  	s21 =	sadd.s32 $0x3E0, s17;
	v59 =	vshrl.u32 v62, $0x6;
	v60 =	vmulhi.u32 $0x51EB851F, v47;
	v44 =	vshll.u32 v63, $0x3;
	v63 =	vld [tilespmem:$0x140]  }
0x170: {  	v52 =	vor.u32 s21, v0;
	v50 =	vld [tilespmem:$0x550];
	v62 =	vmulhi.u32 $0x51EB851F, v54;
	v46 =	vmul.u32 $0xC8, v59  }
0x171: {  	v49 =	vld [tilespmem:$0x540];
	v44 =	vadd.s32 v61, v44;
	v61 =	vmulhi.u32 $0x51EB851F, v52  }
0x172: {  	v48 =	vld [tilespmem:$0x150];
	v51 =	vshrl.u32 v60, $0x6;
	v55 =	vshrl.u32 v62, $0x6;
	v46 =	vsub.s32 v58, v46  }
0x173: {  	v56 =	vld [tilespmem:$0x160];
	v51 =	vmul.u32 $0xC8, v51;
	v46 =	vmul.u32 $0xF0, v46;
	v53 =	vshrl.u32 v61, $0x6  }
0x174: {  	v44 =	vadd.s32 v57, v44;
	v57 =	vld [tilespmem:$0x170];
	v53 =	vmul.u32 $0xC8, v53;
	v45 =	vshll.u32 v63, $0x3  }
0x175: {  	[tilespmem:$0x900] =	vst v41;
	v59 =	vld [tilespmem:$0x560];
	v60 =	vmul.u32 $0xC8, v55;
	v58 =	vsub.s32 v47, v51;
	v63 =	vadd.s32 v46, v45  }
0x176: {  	[tilespmem:$0x910] =	vst v42;
	v61 =	vmul.u32 $0xF0, v58;
	v62 =	vsub.s32 v52, v53;
	v41 =	vadd.s32 v49, v63;
	v63 =	vld [tilespmem:$0x570]  }
0x177: {  	[tilespmem:$0x920] =	vst v43;
	v48 =	vshll.u32 v48, $0x3;
	v47 =	vsub.s32 v54, v60;
	v45 =	vmul.u32 $0xF0, v62  }
0x178: {  	[tilespmem:$0x930] =	vst v44;
	v51 =	vshll.u32 v56, $0x3;
	v42 =	vadd.s32 v61, v48;
	v52 =	vmul.u32 $0xF0, v47  }
0x179: {  	v53 =	vadd.s32 v50, v42;
	v55 =	vshll.u32 v57, $0x3;
	[tilespmem:$0x940] =	vst v41;
	v54 =	vadd.s32 v45, v51  }
0x17a: {  	[tilespmem:$0x950] =	vst v53;
	v57 =	vadd.s32 v52, v55;
	v56 =	vadd.s32 v59, v54  }
0x17b: {  	[tilespmem:$0x960] =	vst v56;
	v58 =	vadd.s32 v63, v57  }
0x17c: {  	[tilespmem:$0x970] =	vst v58  }
0x17d: {  	_ =	swait.ge [sflag:s31], $0x4000  }
0x17e: {  	[sflag:s31] =	ssyncset.done $0x0  }
0x17f: {  	s22 =	simm.s32 $0x900;
	s23 =	rddreg [dreg:$0x6];
	[sflag:s31] =	ssyncadd.s32 $0xFFFFC000  }
0x180: {  	[tilespmem:s4], [sflag:$0x8] =	stream.indirect.gather [hbm4b:s5+s25], $0x80, s22, s25, $0xb8;
	[tilespmem:$0x14C00] =	vst v63  }
0x181: {  	s3 =	sadd.s32 s7, s23;
	s23 =	simm.s32 $0x180;
	s4 =	rddreg [dreg:$0x5]  }
0x182: {  	[tilespmem:s23], [sflag:$0x4] =	stream.linear.gather [hbm4b:s3+s2], $0x80, $0x38;
	[tilespmem:$0x14C00] =	vst v63  }
0x183: {  	s22 =	simm.s32 $0x580;
	s4 =	sadd.s32 s7, s4  }
0x184: {  	[tilespmem:s22], [sflag:$0x4] =	stream.linear.gather [hbm4b:s4+s2], $0x80, $0x38;
	[tilespmem:$0x14C00] =	vst v63  }
0x185: {  	_ =	swait.ge [sflag:s1], $0x4000  }
0x186: {  	[sflag:s1] =	ssyncset.done $0x0  }
0x187: {  	s23 =	sadd.s32 $0xFFFFF800, s10;
	s4 =	simm.s32 $0xCC00;
	[sflag:s1] =	ssyncadd.s32 $0xFFFFC000  }
0x188: {  	[hbm4b:s23+s2] =	stream.linear.scatter [tilespmem:s4], [sflag:$0xE], $0x4000, $0x38;
	[tilespmem:$0x14C00] =	vst v63  }
0x189: {  	s22 =	sadd.s32 $0x400, s17;
	_ =	swait.ge [sflag:s15], $0x80  }
0x18a: {  	v59 =	vor.u32 s22, v0;
	s22 =	sadd.s32 $0x420, s17;
	[sflag:s15] =	ssyncset.done $0x0  }
0x18b: {  	v62 =	vmulhi.u32 $0x51EB851F, v59;
	v61 =	vor.u32 s22, v0;
	[sflag:s15] =	ssyncadd.s32 $0xFFFFFF80  }
0x18c: {  	v56 =	vmulhi.u32 $0x51EB851F, v61;
	s23 =	sadd.s32 $0x410, s17;
	_ =	swait.ge [sflag:s15], $0x80  }
0x18d: {  	v42 =	vshrl.u32 v62, $0x6;
	v43 =	vor.u32 s23, v0;
	[sflag:s15] =	ssyncset.done $0x0  }
0x18e: {  	v42 =	vmul.u32 $0xC8, v42;
	s23 =	sadd.s32 $0x430, s17;
	v49 =	vshrl.u32 v56, $0x6;
	v60 =	vmulhi.u32 $0x51EB851F, v43;
	[sflag:s15] =	ssyncadd.s32 $0xFFFFFF80  }
0x18f: {  	v57 =	vor.u32 s23, v0;
	v49 =	vmul.u32 $0xC8, v49;
	v63 =	vld [tilespmem:$0x180]  }
0x190: {  	v41 =	vsub.s32 v59, v42;
	v59 =	vmulhi.u32 $0x51EB851F, v57;
	v45 =	vshrl.u32 v60, $0x6;
	v46 =	vld [tilespmem:$0x580]  }
0x191: {  	v47 =	vsub.s32 v61, v49;
	v45 =	vmul.u32 $0xC8, v45;
	v62 =	vld [tilespmem:$0x190]  }
0x192: {  	s23 =	sadd.s32 $0x450, s17;
	v52 =	vshrl.u32 v59, $0x6;
	v54 =	vmul.u32 $0xF0, v47;
	v58 =	vld [tilespmem:$0x1A0]  }
0x193: {  	v47 =	vor.u32 s23, v0;
	v53 =	vmul.u32 $0xC8, v52;
	v42 =	vld [tilespmem:$0x590];
	v43 =	vsub.s32 v43, v45  }
0x194: {  	s22 =	sadd.s32 $0x440, s17;
	v41 =	vmul.u32 $0xF0, v41;
	v59 =	vmulhi.u32 $0x51EB851F, v47;
	v60 =	vld [tilespmem:$0x5A0];
	v43 =	vmul.u32 $0xF0, v43  }
0x195: {  	v49 =	vsub.s32 v57, v53;
	v57 =	vor.u32 s22, v0;
	v44 =	vshll.u32 v63, $0x3;
	v63 =	vld [tilespmem:$0x1B0]  }
0x196: {  	v51 =	vshrl.u32 v59, $0x6;
	v61 =	vmul.u32 $0xF0, v49;
	v48 =	vshll.u32 v62, $0x3  }
0x197: {  	v55 =	vshll.u32 v58, $0x3;
	v62 =	vmulhi.u32 $0x51EB851F, v57;
	v41 =	vadd.s32 v41, v44  }
0x198: {  	s23 =	sadd.s32 $0x470, s17;
	v56 =	vld [tilespmem:$0x5B0];
	v43 =	vadd.s32 v43, v48;
	v41 =	vadd.s32 v46, v41;
	v46 =	vadd.s32 v54, v55  }
0x199: {  	v50 =	vld [tilespmem:$0x5D0];
	v42 =	vadd.s32 v42, v43;
	v58 =	vshrl.u32 v62, $0x6;
	v54 =	vor.u32 s23, v0  }
0x19a: {  	s22 =	sadd.s32 $0x460, s17;
	v43 =	vadd.s32 v60, v46;
	v46 =	vmul.u32 $0xC8, v58;
	v44 =	vshll.u32 v63, $0x3;
	v63 =	vld [tilespmem:$0x1C0]  }
0x19b: {  	v51 =	vmul.u32 $0xC8, v51;
	v48 =	vld [tilespmem:$0x1D0];
	v60 =	vor.u32 s22, v0;
	v62 =	vmulhi.u32 $0x51EB851F, v54  }
0x19c: {  	v49 =	vld [tilespmem:$0x5C0];
	v46 =	vsub.s32 v57, v46;
	v44 =	vadd.s32 v61, v44;
	v61 =	vmulhi.u32 $0x51EB851F, v60  }
0x19d: {  	v51 =	vsub.s32 v47, v51;
	v57 =	vld [tilespmem:$0x1F0];
	v55 =	vshrl.u32 v62, $0x6;
	v46 =	vmul.u32 $0xF0, v46  }
0x19e: {  	v58 =	vmul.u32 $0xC8, v55;
	v44 =	vadd.s32 v56, v44;
	v56 =	vld [tilespmem:$0x1E0];
	v53 =	vshrl.u32 v61, $0x6  }
0x19f: {  	v59 =	vmul.u32 $0xF0, v51;
	[tilespmem:$0x980] =	vst v41;
	v61 =	vld [tilespmem:$0x5F0];
	v53 =	vmul.u32 $0xC8, v53;
	v45 =	vshll.u32 v63, $0x3  }
0x1a0: {  	[tilespmem:$0x990] =	vst v42;
	v62 =	vshll.u32 v48, $0x3;
	v47 =	vsub.s32 v54, v58;
	v63 =	vadd.s32 v46, v45;
	v46 =	vld [tilespmem:$0x5E0]  }
0x1a1: {  	[tilespmem:$0x9A0] =	vst v43;
	v42 =	vadd.s32 v59, v62;
	v48 =	vmul.u32 $0xF0, v47;
	v60 =	vsub.s32 v60, v53  }
0x1a2: {  	[tilespmem:$0x9B0] =	vst v44;
	v50 =	vadd.s32 v50, v42;
	v52 =	vshll.u32 v57, $0x3;
	v45 =	vmul.u32 $0xF0, v60  }
0x1a3: {  	[tilespmem:$0x9D0] =	vst v50;
	v54 =	vadd.s32 v48, v52;
	v41 =	vadd.s32 v49, v63;
	v63 =	vshll.u32 v56, $0x3  }
0x1a4: {  	[tilespmem:$0x9C0] =	vst v41;
	v55 =	vadd.s32 v61, v54;
	v51 =	vadd.s32 v45, v63  }
0x1a5: {  	[tilespmem:$0x9F0] =	vst v55;
	v53 =	vadd.s32 v46, v51  }
0x1a6: {  	[tilespmem:$0x9E0] =	vst v53  }
0x1a7: {  	_ =	swait.ge [sflag:s0], $0x4000  }
0x1a8: {  	[sflag:s0] =	ssyncset.done $0x0  }
0x1a9: {  	s23 =	simm.s32 $0x980;
	s3 =	rddreg [dreg:$0x4];
	[sflag:s0] =	ssyncadd.s32 $0xFFFFC000  }
0x1aa: {  	[tilespmem:s4], [sflag:$0x9] =	stream.indirect.gather [hbm4b:s5+s25], $0x80, s23, s25, $0xb8;
	[tilespmem:$0x14C00] =	vst v63  }
0x1ab: {  	s3 =	sadd.s32 s7, s3;
	s4 =	rddreg [dreg:$0x3];
	s23 =	simm.s32 $0x200  }
0x1ac: {  	[tilespmem:s23], [sflag:$0x5] =	stream.linear.gather [hbm4b:s3+s2], $0x80, $0x38;
	[tilespmem:$0x14C00] =	vst v63  }
0x1ad: {  	s4 =	sadd.s32 s7, s4;
	s23 =	simm.s32 $0x600  }
0x1ae: {  	[tilespmem:s23], [sflag:$0x5] =	stream.linear.gather [hbm4b:s4+s2], $0x80, $0x38;
	[tilespmem:$0x14C00] =	vst v63  }
0x1af: {  	_ =	swait.ge [sflag:s8], $0x4000  }
0x1b0: {  	s3 =	sadd.s32 $0x4B0, s17;
	s4 =	sadd.s32 $0x480, s17;
	[sflag:s8] =	ssyncset.done $0x0  }
0x1b1: {  	v47 =	vor.u32 s3, v0;
	s23 =	simm.s32 $0x10C00;
	v56 =	vor.u32 s4, v0;
	s4 =	sadd.s32 $0x490, s17;
	[sflag:s8] =	ssyncadd.s32 $0xFFFFC000  }
0x1b2: {  	v63 =	vmulhi.u32 $0x51EB851F, v47;
	[hbm4b:s10+s2] =	stream.linear.scatter [tilespmem:s23], [sflag:$0xF], $0x4000, $0x38;
	[tilespmem:$0x14C00] =	vst v63  }
0x1b3: {  	v57 =	vmulhi.u32 $0x51EB851F, v56;
	v58 =	vor.u32 s4, v0;
	_ =	swait.ge [sflag:s19], $0x80  }
0x1b4: {  	v60 =	vmulhi.u32 $0x51EB851F, v58;
	[sflag:s19] =	ssyncset.done $0x0  }
0x1b5: {  	[sflag:s19] =	ssyncadd.s32 $0xFFFFFF80  }
0x1b6: {  	s4 =	sadd.s32 $0x4A0, s17;
	v55 =	vshrl.u32 v63, $0x6;
	v42 =	vshrl.u32 v57, $0x6;
	v45 =	vshrl.u32 v60, $0x6;
	_ =	swait.ge [sflag:s19], $0x80  }
0x1b7: {  	v46 =	vor.u32 s4, v0;
	s4 =	sadd.s32 $0x4C0, s17;
	v42 =	vmul.u32 $0xC8, v42;
	v61 =	vmul.u32 $0xC8, v45;
	[sflag:s19] =	ssyncset.done $0x0  }
0x1b8: {  	v55 =	vmul.u32 $0xC8, v55;
	v48 =	vor.u32 s4, v0;
	v62 =	vmulhi.u32 $0x51EB851F, v46;
	[sflag:s19] =	ssyncadd.s32 $0xFFFFFF80  }
0x1b9: {  	v41 =	vsub.s32 v56, v42;
	v42 =	vsub.s32 v58, v61;
	v58 =	vmulhi.u32 $0x51EB851F, v48;
	v59 =	vld [tilespmem:$0x200]  }
0x1ba: {  	v45 =	vshrl.u32 v62, $0x6;
	v51 =	vld [tilespmem:$0x210]  }
0x1bb: {  	s3 =	sadd.s32 $0x4D0, s17;
	v57 =	vsub.s32 v47, v55;
	v45 =	vmul.u32 $0xC8, v45;
	v47 =	vshrl.u32 v58, $0x6;
	v43 =	vld [tilespmem:$0x220]  }
0x1bc: {  	v49 =	vor.u32 s3, v0;
	s4 =	sadd.s32 $0x4E0, s17;
	s17 =	sadd.s32 $0x4F0, s17;
	v60 =	vld [tilespmem:$0x230];
	v47 =	vmul.u32 $0xC8, v47  }
0x1bd: {  	v50 =	vor.u32 s4, v0;
	v53 =	vor.u32 s17, v0;
	v62 =	vsub.s32 v46, v45;
	v45 =	vld [tilespmem:$0x250]  }
0x1be: {  	v41 =	vmul.u32 $0xF0, v41;
	v42 =	vmul.u32 $0xF0, v42;
	v54 =	vld [tilespmem:$0x610];
	v47 =	vsub.s32 v48, v47  }
0x1bf: {  	v46 =	vmul.u32 $0xF0, v57;
	v63 =	vld [tilespmem:$0x630];
	v47 =	vmul.u32 $0xF0, v47;
	v44 =	vshll.u32 v59, $0x3  }
0x1c0: {  	v61 =	vshll.u32 v51, $0x3;
	v51 =	vld [tilespmem:$0x620];
	v43 =	vshll.u32 v43, $0x3;
	v41 =	vadd.s32 v41, v44  }
0x1c1: {  	v52 =	vld [tilespmem:$0x600];
	v42 =	vadd.s32 v42, v61;
	v44 =	vmul.u32 $0xF0, v62;
	v61 =	vmulhi.u32 $0x51EB851F, v49  }
0x1c2: {  	v59 =	vshll.u32 v60, $0x3;
	v60 =	vld [tilespmem:$0x240];
	v45 =	vshll.u32 v45, $0x3;
	v62 =	vmulhi.u32 $0x51EB851F, v50  }
0x1c3: {  	v56 =	vld [tilespmem:$0x260];
	v42 =	vadd.s32 v54, v42;
	v43 =	vadd.s32 v44, v43;
	v44 =	vadd.s32 v46, v59  }
0x1c4: {  	v46 =	vld [tilespmem:$0x640];
	v54 =	vshrl.u32 v61, $0x6;
	v44 =	vadd.s32 v63, v44;
	v63 =	vmulhi.u32 $0x51EB851F, v53  }
0x1c5: {  	v57 =	vld [tilespmem:$0x270];
	v54 =	vmul.u32 $0xC8, v54;
	v43 =	vadd.s32 v51, v43;
	v51 =	vshrl.u32 v62, $0x6  }
0x1c6: {  	v48 =	vld [tilespmem:$0x650];
	v41 =	vadd.s32 v52, v41;
	v51 =	vmul.u32 $0xC8, v51;
	v55 =	vshrl.u32 v63, $0x6  }
0x1c7: {  	[tilespmem:$0xA00] =	vst v41;
	v61 =	vld [tilespmem:$0x660];
	v52 =	vshll.u32 v60, $0x3;
	v60 =	vsub.s32 v49, v54;
	v62 =	vmul.u32 $0xC8, v55  }
0x1c8: {  	[tilespmem:$0xA10] =	vst v42;
	v59 =	vadd.s32 v47, v52;
	v54 =	vld [tilespmem:$0x670];
	v63 =	vmul.u32 $0xF0, v60;
	v51 =	vsub.s32 v50, v51  }
0x1c9: {  	[tilespmem:$0xA30] =	vst v44;
	v41 =	vadd.s32 v46, v59;
	v55 =	vsub.s32 v53, v62;
	v46 =	vmul.u32 $0xF0, v51  }
0x1ca: {  	v56 =	vshll.u32 v56, $0x3;
	[tilespmem:$0xA20] =	vst v43;
	v42 =	vadd.s32 v63, v45;
	v43 =	vmul.u32 $0xF0, v55  }
0x1cb: {  	v60 =	vshll.u32 v57, $0x3;
	[tilespmem:$0xA40] =	vst v41;
	v58 =	vadd.s32 v48, v42;
	v59 =	vadd.s32 v46, v56  }
0x1cc: {  	p0 =	sne.s32 s13, $0x1400;
	s13 =	sadd.s32 $0x280, s13;
	[tilespmem:$0xA50] =	vst v58;
	v61 =	vadd.s32 v61, v59;
	v62 =	vadd.s32 v43, v60  }
0x1cd: {  	s14 =	simm.s32 $0xC00;
	s18 =	simm.s32 $0x4C00;
	s4 =	smov.u32 s16;
	[tilespmem:$0xA60] =	vst v61;
	v63 =	vadd.s32 v54, v62  }
.Ltmp0:
0x1ce: {  	s16 =	smov.u32 s11;
	s11 =	simm.s32 $0xF;
	[tilespmem:$0xA70] =	vst v63;
	(pc) =	sbr.rel @p0 .LBB2_2-.Ltmp0, $4  }
0x1cf: {  	s21 =	simm.s32 $0x8C00;
	s22 =	simm.s32 $0xCC00;
	_ =	swait.ge [sflag:s11], $0x4000  }
0x1d0: {  	s7 =	sadd.s32 $0x50, s7;
	s10 =	sadd.s32 $0x2800, s10;
	[sflag:s11] =	ssyncset.done $0x0  }
0x1d1: {  	s17 =	simm.s32 $0xA00;
	[sflag:s11] =	ssyncadd.s32 $0xFFFFC000;
	s11 =	simm.s32 $0x10C00  }
0x1d2: {  	[tilespmem:s23], [sflag:$0xA] =	stream.indirect.gather [hbm4b:s5+s25], $0x80, s17, s25, $0xb8;
	[tilespmem:$0x14C00] =	vst v63  }
0x1d3: {  	_ =	swait.ge [sflag:s24], $0x4000  }
0x1d4: {  	[sflag:s24] =	ssyncset.done $0x0  }
0x1d5: {  	s3 =	rddreg [dreg:$0x16];
	[sflag:s24] =	ssyncadd.s32 $0xFFFFC000  }
0x1d6: {  	[hbm4b:s3+s2] =	stream.linear.scatter [tilespmem:s14], [sflag:$0xB], $0x4000, $0x38;
	[tilespmem:$0x14C00] =	vst v63  }
0x1d7: {  	_ =	swait.ge [sflag:s28], $0x4000  }
0x1d8: {  	[sflag:s28] =	ssyncset.done $0x0  }
0x1d9: {  	s17 =	rddreg [dreg:$0x17];
	[sflag:s28] =	ssyncadd.s32 $0xFFFFC000  }
0x1da: {  	[hbm4b:s17+s2] =	stream.linear.scatter [tilespmem:s18], [sflag:$0xC], $0x4000, $0x38;
	[tilespmem:$0x14C00] =	vst v63  }
0x1db: {  	_ =	swait.ge [sflag:s30], $0x4000  }
0x1dc: {  	[sflag:s30] =	ssyncset.done $0x0  }
0x1dd: {  	s23 =	rddreg [dreg:$0x18];
	[sflag:s30] =	ssyncadd.s32 $0xFFFFC000  }
0x1de: {  	[hbm4b:s23+s2] =	stream.linear.scatter [tilespmem:s21], [sflag:$0xD], $0x4000, $0x38;
	[tilespmem:$0x14C00] =	vst v63  }
0x1df: {  	_ =	swait.ge [sflag:s1], $0x4000  }
0x1e0: {  	[sflag:s1] =	ssyncset.done $0x0  }
0x1e1: {  	s7 =	rddreg [dreg:$0x19];
	[sflag:s1] =	ssyncadd.s32 $0xFFFFC000  }
0x1e2: {  	[hbm4b:s7+s2] =	stream.linear.scatter [tilespmem:s22], [sflag:$0xE], $0x4000, $0x38;
	[tilespmem:$0x14C00] =	vst v63  }
0x1e3: {  	_ =	swait.ge [sflag:s8], $0x4000  }
0x1e4: {  	[sflag:s8] =	ssyncset.done $0x0  }
0x1e5: {  	s10 =	rddreg [dreg:$0x1a];
	[sflag:s8] =	ssyncadd.s32 $0xFFFFC000  }
0x1e6: {  	[hbm4b:s10+s2] =	stream.linear.scatter [tilespmem:s11], [sflag:$0xF], $0x4000, $0x38;
	[tilespmem:$0x14C00] =	vst v63  }
0x1e7: {  	_ =	swait.ge [sflag:s26], $0x4000  }
0x1e8: {  	[sflag:s26] =	ssyncset.done $0x0  }
0x1e9: {  	[sflag:s26] =	ssyncadd.s32 $0xFFFFC000  }
0x1ea: {  	_ =	swait.ge [sflag:s29], $0x4000  }
0x1eb: {  	[sflag:s29] =	ssyncset.done $0x0  }
0x1ec: {  	[sflag:s29] =	ssyncadd.s32 $0xFFFFC000  }
0x1ed: {  	_ =	swait.ge [sflag:s31], $0x4000  }
0x1ee: {  	[sflag:s31] =	ssyncset.done $0x0  }
0x1ef: {  	[sflag:s31] =	ssyncadd.s32 $0xFFFFC000  }
0x1f0: {  	_ =	swait.ge [sflag:s0], $0x4000  }
0x1f1: {  	[sflag:s0] =	ssyncset.done $0x0  }
0x1f2: {  	s13 =	simm.s32 $0xF;
	[sflag:s0] =	ssyncadd.s32 $0xFFFFC000  }
0x1f3: {  	_ =	swait.ge [sflag:s13], $0x4000  }
0x1f4: {  	s17 =	rddreg [dreg:$0x1d]  }
0x1f5: {  	s23 =	rddreg [dreg:$0x1b];
	s0 =	sadd.s32 $0x1, s17  }
0x1f6: {  	p0 =	sne.s32 s0, s23  }
.Ltmp1:
0x1f7: {  	_ = 	snop;
	(pc) =	sbr.rel @p0 .LBB2_1-.Ltmp1, $4  }
0x1f8: {  	_ = 	snop  }
0x1f9: {  	s7 =	simm.s32 $0x400;
	[sflag:s13] =	ssyncset.done $0x0  }
0x1fa: {  	s8 =	simm.s32 $0x100;
	s10 =	simm.s32 $0x500;
	[sflag:s13] =	ssyncadd.s32 $0xFFFFC000  }
0x1fb: {  	s13 =	simm.s32 $0x580;
	s17 =	simm.s32 $0x200;
	s23 =	simm.s32 $0x180  }
0x1fc: {  	_ =	sfence.sel $0x180000  }
0x1fd: {  	[bflag:$0x0] =	sbarrier.arrive $0xFFFF  }
0x1fe: {  	_ =	strace $0x90000047  }
0x1ff: {  	s0 =	stileid.u32;
	[bflag:$0x2] =	sbarrier.arrive $0xFFFF  }
0x200: {  	p0 =	sne.s32 s0, $0x0;
	s0 =	rddreg [dreg:$0x2]  }
0x201: {  	s0 =	sadd.s32 @!p0 $0x100000, s0  }
0x202: {  	[sflag:s0] =	ssyncadd.tile.s32 @!p0 $0x1;
	_ =	shalt  }
.Lfunc_end2:
_tile_overlayer_lowered:
.L_overlay_start_2:
0x203: {  	(tag) =	ssettag $0x2  }
0x204: {  	s0 =	rddreg [dreg:$0x0];
	s2 =	stileid.u32  }
0x205: {  	s1 =	rddreg [dreg:$0x1];
	p0 =	sne.s32 s2, $0x0  }
0x206: {  	s3 =	rddreg [dreg:$0x2];
	[bflag:$0x3] =	sbarrier.arrive $0xFFFF;
	s2 =	simm.s32 @!p0 $0x1C10  }
0x207: {  	[timem:s3], [sflag:s2] =	dma.local @!p0 [hbm:s0], s1  }
0x208: {  	s0 =	simm.s32 @!p0 $0x10  }
0x209: {  	_ =	swait.ge @!p0 [sflag:s0], s1  }
0x20a: {  	s1 =	ssub.s32 @!p0 $0x0, s1;
	[sflag:s0] =	ssyncset.done @!p0 $0x0  }
0x20b: {  	[sflag:s0] =	ssyncadd.s32 @!p0 s1  }
0x20c: {  	[bflag:$0x3] =	sbarrier.arrive $0xFFFF  }
0x20d: {  	_ =	shalt  }

</sc_bundles>
